<compile_context>
chip_gen: v7x
topology: tpu7x:2x2x1
jax: 0.10.2.dev20260603
libtpu: 0.0.44.dev20260713+nightly
codegen_flags: <defaults>
</compile_context>

<pallas_src>
import functools
import jax
import jax.numpy as jnp
from jax import lax
from jax.experimental import pallas as pl
from jax.experimental.pallas import tpu as pltpu
from jax.experimental.pallas import tpu_sc as plsc

_N = 10000
_E = 320000
_D_IN = 128
_D_HID = 128
_D_OUT = 64

_NC = 2
_NS = 16
_NW = _NC * _NS
_CH = 128
_NCHUNK0 = 120
_NCHUNK1 = 40
_NCHUNK = max(_NCHUNK0, _NCHUNK1)
_EPW = _NCHUNK * _CH
_E0 = _NS * _NCHUNK0 * _CH
_E1 = _NS * _NCHUNK1 * _CH
_E_PAD = _E0 + _E1
_NP = 10112
_RPT = _NP // _NS
_NPD = 10240
_DPT = _NPD // _NS


def _deg_body(dst3, ones_hbm, zeros_hbm, deg_out, idx_v, ones_v, acc, sem):
    c = lax.axis_index("c")
    s = lax.axis_index("s")
    wid = c * _NS + s
    pltpu.sync_copy(zeros_hbm.at[pl.ds(s * _DPT, _DPT)], acc.at[pl.ds(s * _DPT, _DPT)])
    pltpu.sync_copy(ones_hbm, ones_v)
    pltpu.sync_copy(dst3.at[wid], idx_v)
    plsc.subcore_barrier()

    def chunk(k, carry):
        pltpu.sync_copy(ones_v, acc.at[idx_v.at[k]], add=True)
        return carry

    @pl.when(c == 0)
    def _():
        lax.fori_loop(0, _NCHUNK0, chunk, 0)

    @pl.when(c == 1)
    def _():
        lax.fori_loop(0, _NCHUNK1, chunk, 0)

    plsc.subcore_barrier()
    pltpu.sync_copy(acc.at[pl.ds(s * _DPT, _DPT)], deg_out.at[c, pl.ds(s * _DPT, _DPT)])


@functools.cache
def _deg_kernel():
    return pl.kernel(
        _deg_body,
        out_type=jax.ShapeDtypeStruct((_NC, _NPD), jnp.float32),
        mesh=plsc.VectorSubcoreMesh(
            core_axis_name="c", subcore_axis_name="s", num_cores=_NC, num_subcores=_NS
        ),
        scratch_types=[
            pltpu.VMEM((_NCHUNK, _CH), jnp.int32),
            pltpu.VMEM((_CH,), jnp.float32),
            pltpu.VMEM_SHARED((_NPD,), jnp.float32),
            pltpu.SemaphoreType.DMA,
        ],
    )


_W = 10
_NWIN0 = _NCHUNK0 // _W
_NWIN1 = _NCHUNK1 // _W


def _prop_body(g, src3, dst3, zeros_hbm, part, src_win, dst_win,
               rows0, rows1, gs0, gs1, ss0, ss1, acc):
    rows = (rows0, rows1)
    gsem = (gs0, gs1)
    ssem = (ss0, ss1)
    c = lax.axis_index("c")
    s = lax.axis_index("s")
    wid = c * _NS + s
    pltpu.sync_copy(zeros_hbm.at[pl.ds(s * _RPT, _RPT)], acc.at[pl.ds(s * _RPT, _RPT)])
    plsc.subcore_barrier()

    def g_desc(b, w):
        return pltpu.make_async_copy(g.at[src_win.at[w]], rows[b], gsem[b])

    def s_desc(b, w):
        return pltpu.make_async_copy(rows[b], acc.at[dst_win.at[w]], ssem[b])

    def window(i, carry):
        pltpu.sync_copy(src3.at[wid, pl.ds(i * _W, _W)], src_win)
        pltpu.sync_copy(dst3.at[wid, pl.ds(i * _W, _W)], dst_win)
        g_desc(0, 0).start()
        for w in range(_W):
            b = w % 2
            if w >= 1:
                s_desc(1 - b, w - 1).wait()
            if w + 1 < _W:
                g_desc(1 - b, w + 1).start()
            g_desc(b, w).wait()
            s_desc(b, w).start(add=True)
        s_desc((_W - 1) % 2, _W - 1).wait()
        return carry

    @pl.when(c == 0)
    def _():
        lax.fori_loop(0, _NWIN0, window, 0)

    @pl.when(c == 1)
    def _():
        lax.fori_loop(0, _NWIN1, window, 0)

    plsc.subcore_barrier()
    pltpu.sync_copy(acc.at[pl.ds(s * _RPT, _RPT)], part.at[c, pl.ds(s * _RPT, _RPT)])


@functools.cache
def _make_prop_kernel(d):
    return pl.kernel(
        _prop_body,
        out_type=jax.ShapeDtypeStruct((_NC, _NP, d), jnp.float32),
        mesh=plsc.VectorSubcoreMesh(
            core_axis_name="c", subcore_axis_name="s", num_cores=_NC, num_subcores=_NS
        ),
        scratch_types=[
            pltpu.VMEM((_W, _CH), jnp.int32),
            pltpu.VMEM((_W, _CH), jnp.int32),
            pltpu.VMEM((_CH, d), jnp.float32),
            pltpu.VMEM((_CH, d), jnp.float32),
            pltpu.SemaphoreType.DMA,
            pltpu.SemaphoreType.DMA,
            pltpu.SemaphoreType.DMA,
            pltpu.SemaphoreType.DMA,
            pltpu.VMEM_SHARED((_NP, d), jnp.float32),
        ],
        compiler_params=pltpu.CompilerParams(use_tc_tiling_on_sc=False),
    )


_BR = 2000


def _dinv_body(da_ref, db_ref, out_ref):
    out_ref[...] = lax.rsqrt(1.0 + da_ref[...] + db_ref[...])


def _tc1_body(dinv_ref, x_ref, w_ref, out_ref):
    out_ref[...] = dinv_ref[...] * jnp.dot(
        x_ref[...], w_ref[...], preferred_element_type=jnp.float32
    )


def _tc_mid_body(dinv_ref, sa_ref, sb_ref, gp_ref, w_ref, out_ref):
    dinv = dinv_ref[...]
    h = jnp.tanh(dinv * (sa_ref[...] + sb_ref[...] + gp_ref[...]))
    out_ref[...] = dinv * jnp.dot(h, w_ref[...], preferred_element_type=jnp.float32)


def _tc_fin_body(dinv_ref, sa_ref, sb_ref, gp_ref, probs_ref, h_ref):
    h = dinv_ref[...] * (sa_ref[...] + sb_ref[...] + gp_ref[...])
    h_ref[...] = h
    m = jnp.max(h, axis=1, keepdims=True)
    e = jnp.exp(h - m)
    probs_ref[...] = e / jnp.sum(e, axis=1, keepdims=True)


def _row_spec(d):
    return pl.BlockSpec((_BR, d), lambda i: (i, 0))


def _full_spec(shape):
    return pl.BlockSpec(shape, lambda i: (0, 0))


def _tc1(dinv, x, w):
    return pl.pallas_call(
        _tc1_body,
        grid=(_N // _BR,),
        in_specs=[_row_spec(1), _row_spec(_D_IN), _full_spec(w.shape)],
        out_specs=_row_spec(_D_HID),
        out_shape=jax.ShapeDtypeStruct((_N, _D_HID), jnp.float32),
    )(dinv, x, w)


def _tc_mid(dinv, sa, sb, gp, w):
    d_out = w.shape[1]
    return pl.pallas_call(
        _tc_mid_body,
        grid=(_N // _BR,),
        in_specs=[
            _row_spec(1),
            _row_spec(_D_HID),
            _row_spec(_D_HID),
            _row_spec(_D_HID),
            _full_spec(w.shape),
        ],
        out_specs=_row_spec(d_out),
        out_shape=jax.ShapeDtypeStruct((_N, d_out), jnp.float32),
    )(dinv, sa, sb, gp, w)


def _tc_fin(dinv, sa, sb, gp):
    return pl.pallas_call(
        _tc_fin_body,
        grid=(_N // _BR,),
        in_specs=[
            _row_spec(1),
            _row_spec(_D_OUT),
            _row_spec(_D_OUT),
            _row_spec(_D_OUT),
        ],
        out_specs=(_row_spec(_D_OUT), _row_spec(_D_OUT)),
        out_shape=(
            jax.ShapeDtypeStruct((_N, _D_OUT), jnp.float32),
            jax.ShapeDtypeStruct((_N, _D_OUT), jnp.float32),
        ),
    )(dinv, sa, sb, gp)


def _dinv_tc(dega, degb):
    return pl.pallas_call(
        _dinv_body,
        out_shape=jax.ShapeDtypeStruct((8, _NPD // 8), jnp.float32),
    )(dega.reshape(8, _NPD // 8), degb.reshape(8, _NPD // 8))


@jax.jit
def kernel(x, edge_index, W1, W2, W3):
    src = edge_index[0]
    dst = edge_index[1]

    def slabs(e, fill):
        ep = jnp.concatenate([e, jnp.full((_E_PAD - _E,), fill, jnp.int32)])
        c0 = jnp.pad(
            ep[:_E0].reshape(_NS, _NCHUNK0 * _CH),
            ((0, 0), (0, _EPW - _NCHUNK0 * _CH)),
            constant_values=fill,
        )
        c1 = jnp.pad(
            ep[_E0:].reshape(_NS, _NCHUNK1 * _CH),
            ((0, 0), (0, _EPW - _NCHUNK1 * _CH)),
            constant_values=fill,
        )
        return jnp.concatenate([c0, c1], axis=0).reshape(_NW, _NCHUNK, _CH)

    src3 = slabs(src, 0)
    dst3 = slabs(dst, _N)

    ones_ch = jnp.ones((_CH,), jnp.float32)
    zeros_deg = jnp.zeros((_NPD,), jnp.float32)
    zeros_128 = jnp.zeros((_NP, _D_HID), jnp.float32)
    zeros_64 = jnp.zeros((_NP, _D_OUT), jnp.float32)

    deg = _deg_kernel()(dst3, ones_ch, zeros_deg)
    dinv = _dinv_tc(deg[0], deg[1]).reshape(-1)[:_N].reshape(_N, 1)

    g1 = _tc1(dinv, x, W1)
    p1 = _make_prop_kernel(_D_HID)(g1, src3, dst3, zeros_128)
    g2 = _tc_mid(dinv, p1[0, :_N], p1[1, :_N], g1, W2)
    p2 = _make_prop_kernel(_D_HID)(g2, src3, dst3, zeros_128)
    g3 = _tc_mid(dinv, p2[0, :_N], p2[1, :_N], g2, W3)
    p3 = _make_prop_kernel(_D_OUT)(g3, src3, dst3, zeros_64)
    probs, h = _tc_fin(dinv, p3[0, :_N], p3[1, :_N], g3)
    return (probs, h)

# --- scband reference (transcript-rebuilt; emitter-appended) ---
"""Pipeline reference for scband-gcn-89781996355918 (READ-ONLY COPY).

The authoritative reference and input builder live on the scoring server;
editing this copy changes nothing except your own understanding.
"""

import jax, jax.numpy as jnp
import numpy as np

N = 10000
E = 320000
D_IN = 128
D_HID = 128
D_OUT = 64


def setup_inputs(seed: int = 0) -> dict:
    key = jax.random.key(seed)
    k1, k2, k3, k4, k5 = jax.random.split(key, 5)
    x = jax.random.normal(k1, (N, D_IN), dtype=jnp.float32)
    edge_index = jax.random.randint(k2, (2, E), 0, N, dtype=jnp.int32)
    W1 = jax.random.normal(k3, (D_IN, D_HID), dtype=jnp.float32) / np.sqrt(D_IN)
    W2 = jax.random.normal(k4, (D_HID, D_HID), dtype=jnp.float32) / np.sqrt(D_HID)
    W3 = jax.random.normal(k5, (D_HID, D_OUT), dtype=jnp.float32) / np.sqrt(D_HID)
    return {"x": x, "edge_index": edge_index, "W1": W1, "W2": W2, "W3": W3}


def _gcn_conv(h, W, src, dst, n_nodes):
    # GCNConv with symmetric normalization and self-loops (PyG defaults), bias=False
    h = h @ W
    loop = jnp.arange(n_nodes, dtype=src.dtype)
    src_full = jnp.concatenate([src, loop])
    dst_full = jnp.concatenate([dst, loop])
    deg = jnp.zeros((n_nodes,), dtype=h.dtype).at[dst_full].add(1.0)
    dinv = jnp.where(deg > 0, 1.0 / jnp.sqrt(deg), 0.0)
    norm = dinv[src_full] * dinv[dst_full]
    msgs = norm[:, None] * h[src_full]
    out = jnp.zeros((n_nodes, h.shape[1]), dtype=h.dtype).at[dst_full].add(msgs)
    return out


def reference(x, edge_index, W1, W2, W3):
    src = edge_index[0]
    dst = edge_index[1]
    # dropout=False, so F.dropout is identity
    h = _gcn_conv(x, W1, src, dst, N)
    h = jnp.tanh(h)
    h = _gcn_conv(h, W2, src, dst, N)
    h = jnp.tanh(h)
    h = _gcn_conv(h, W3, src, dst, N)
    probs = jax.nn.softmax(h, axis=1)
    return (probs, h)

if __name__ == "__main__":
    import jax
    _d = setup_inputs()
    print(jax.jit(kernel)(*tuple(_d.values())))

</pallas_src>

<mosaic_0001>
#map = affine_map<(d0, d1) -> (0, 0)>
#map1 = affine_map<(d0, d1) -> (0, 0, 0)>
module attributes {stable_mosaic.version = 14 : i64} {
  func.func @_prop_body(%arg0: i32, %arg1: i32, %arg2: memref<10000x128xf32, #tpu.memory_space<hbm>>, %arg3: memref<32x120x128xi32, #tpu.memory_space<hbm>>, %arg4: memref<32x120x128xi32, #tpu.memory_space<hbm>>, %arg5: memref<10112x128xf32, #tpu.memory_space<hbm>>, %arg6: memref<2x10112x128xf32, #tpu.memory_space<hbm>>, %arg7: memref<10x128xi32, #tpu.memory_space<vmem>>, %arg8: memref<10x128xi32, #tpu.memory_space<vmem>>, %arg9: memref<128x128xf32, #tpu.memory_space<vmem>>, %arg10: memref<128x128xf32, #tpu.memory_space<vmem>>, %arg11: memref<!tpu.dma_semaphore, #tpu.memory_space<semaphore_mem>>, %arg12: memref<!tpu.dma_semaphore, #tpu.memory_space<semaphore_mem>>, %arg13: memref<!tpu.dma_semaphore, #tpu.memory_space<semaphore_mem>>, %arg14: memref<!tpu.dma_semaphore, #tpu.memory_space<semaphore_mem>>, %arg15: memref<10112x128xf32, #tpu.memory_space<vmem_shared>>) attributes {dimension_semantics = [#tpu.dimension_semantics<core_parallel>, #tpu.dimension_semantics<subcore_parallel>], iteration_bounds = array<i64: 2, 16>, scalar_prefetch = 0 : i64, scratch_operands = 9 : i64, tpu.core_type = #tpu.core_type<sc_vector_subcore>, window_params = [{transform_indices = #map}, {transform_indices = #map1}, {transform_indices = #map1}, {transform_indices = #map}, {transform_indices = #map1}]} {
    %mul3A = arith.constant 16 : i32
    %mul3A_0 = arith.muli %arg0, %mul3A : i32
    %add3A = arith.addi %mul3A_0, %arg1 : i32
    %mul3A_1 = arith.constant 632 : i32
    %mul3A_2 = arith.muli %arg1, %mul3A_1 : i32
    %mul3A_3 = arith.constant 632 : i32
    %mul3A_4 = arith.muli %arg1, %mul3A_3 : i32
    "tpu.region"() ({
      %run_scoped3A = tpu.sem_alloc : memref<!tpu.dma_semaphore, #tpu.memory_space<semaphore_mem>>
      %dma_start3A = arith.constant 0 : i32
      %dma_start3A_17 = tpu.memref_slice %arg15[%mul3A_4, %dma_start3A] : memref<10112x128xf32, #tpu.memory_space<vmem_shared>> -> memref<632x128xf32, #tpu.memory_space<vmem_shared>>
      %dma_start3A_18 = arith.constant 0 : i32
      %dma_start3A_19 = tpu.memref_slice %arg5[%mul3A_2, %dma_start3A_18] : memref<10112x128xf32, #tpu.memory_space<hbm>> -> memref<632x128xf32, #tpu.memory_space<hbm>>
      tpu.enqueue_dma source(%dma_start3A_19 : memref<632x128xf32, #tpu.memory_space<hbm>>) target(%dma_start3A_17 : memref<632x128xf32, #tpu.memory_space<vmem_shared>>) target_semaphore(%run_scoped3A : memref<!tpu.dma_semaphore, #tpu.memory_space<semaphore_mem>>)
      %dma_wait3A = arith.constant 0 : i32
      %dma_wait3A_20 = tpu.memref_slice %arg15[%mul3A_4, %dma_wait3A] : memref<10112x128xf32, #tpu.memory_space<vmem_shared>> -> memref<632x128xf32, #tpu.memory_space<vmem_shared>>
      %dma_wait3A_21 = arith.constant 0 : i32
      %dma_wait3A_22 = tpu.memref_slice %arg5[%mul3A_2, %dma_wait3A_21] : memref<10112x128xf32, #tpu.memory_space<hbm>> -> memref<632x128xf32, #tpu.memory_space<hbm>>
      tpu.wait_dma2 semaphore(%run_scoped3A : memref<!tpu.dma_semaphore, #tpu.memory_space<semaphore_mem>>) src(%dma_wait3A_22 : memref<632x128xf32, #tpu.memory_space<hbm>>) dst(%dma_wait3A_20 : memref<632x128xf32, #tpu.memory_space<vmem_shared>>)
      tpu.yield
    }) : () -> ()
    %barrier3A = arith.constant 0 : index
    tpu.barrier barrier_id(%barrier3A)
    %eq3A = arith.constant 0 : i32
    %eq3A_5 = arith.cmpi eq, %arg0, %eq3A : i32
    %convert_element_type3A = arith.extui %eq3A_5 : i1 to i32
    %cond3A = arith.constant 0 : i32
    %cond3A_6 = arith.cmpi ne, %convert_element_type3A, %cond3A : i32
    scf.if %cond3A_6 {
      %scan3A = arith.constant 0 : i32
      %scan3A_17 = arith.constant 0 : i32
      %scan3A_18 = arith.constant 12 : i32
      %scan3A_19 = arith.addi %scan3A_17, %scan3A_18 : i32
      %scan3A_20 = arith.constant 1 : i32
      scf.for %scan3A_22 = %scan3A_17 to %scan3A_19 step %scan3A_20  : i32 {
        %mul3A_23 = arith.constant 10 : i32
        %mul3A_24 = arith.muli %scan3A_22, %mul3A_23 : i32
        "tpu.region"() ({
          %run_scoped3A = tpu.sem_alloc : memref<!tpu.dma_semaphore, #tpu.memory_space<semaphore_mem>>
          %dma_start3A_305 = arith.constant 0 : i32
          %dma_start3A_306 = tpu.memref_slice %arg3[%add3A, %mul3A_24, %dma_start3A_305] : memref<32x120x128xi32, #tpu.memory_space<hbm>> -> memref<1x10x128xi32, #tpu.memory_space<hbm>>
          %dma_start3A_307 = tpu.memref_squeeze %dma_start3A_306 : memref<1x10x128xi32, #tpu.memory_space<hbm>> -> memref<10x128xi32, #tpu.memory_space<hbm>>
          %dma_start3A_308 = arith.constant 0 : i32
          %dma_start3A_309 = tpu.memref_slice %arg3[%add3A, %mul3A_24, %dma_start3A_308] : memref<32x120x128xi32, #tpu.memory_space<hbm>> -> memref<1x10x128xi32, #tpu.memory_space<hbm>>
          %dma_start3A_310 = tpu.memref_squeeze %dma_start3A_309 : memref<1x10x128xi32, #tpu.memory_space<hbm>> -> memref<10x128xi32, #tpu.memory_space<hbm>>
          tpu.enqueue_dma source(%dma_start3A_310 : memref<10x128xi32, #tpu.memory_space<hbm>>) target(%arg7 : memref<10x128xi32, #tpu.memory_space<vmem>>) target_semaphore(%run_scoped3A : memref<!tpu.dma_semaphore, #tpu.memory_space<semaphore_mem>>)
          %dma_wait3A_311 = arith.constant 0 : i32
          %dma_wait3A_312 = tpu.memref_slice %arg3[%add3A, %mul3A_24, %dma_wait3A_311] : memref<32x120x128xi32, #tpu.memory_space<hbm>> -> memref<1x10x128xi32, #tpu.memory_space<hbm>>
          %dma_wait3A_313 = tpu.memref_squeeze %dma_wait3A_312 : memref<1x10x128xi32, #tpu.memory_space<hbm>> -> memref<10x128xi32, #tpu.memory_space<hbm>>
          %dma_wait3A_314 = arith.constant 0 : i32
          %dma_wait3A_315 = tpu.memref_slice %arg3[%add3A, %mul3A_24, %dma_wait3A_314] : memref<32x120x128xi32, #tpu.memory_space<hbm>> -> memref<1x10x128xi32, #tpu.memory_space<hbm>>
          %dma_wait3A_316 = tpu.memref_squeeze %dma_wait3A_315 : memref<1x10x128xi32, #tpu.memory_space<hbm>> -> memref<10x128xi32, #tpu.memory_space<hbm>>
          tpu.wait_dma2 semaphore(%run_scoped3A : memref<!tpu.dma_semaphore, #tpu.memory_space<semaphore_mem>>) src(%dma_wait3A_316 : memref<10x128xi32, #tpu.memory_space<hbm>>) dst(%arg7 : memref<10x128xi32, #tpu.memory_space<vmem>>)
          tpu.yield
        }) : () -> ()
        %mul3A_25 = arith.constant 10 : i32
        %mul3A_26 = arith.muli %scan3A_22, %mul3A_25 : i32
        "tpu.region"() ({
          %run_scoped3A = tpu.sem_alloc : memref<!tpu.dma_semaphore, #tpu.memory_space<semaphore_mem>>
          %dma_start3A_305 = arith.constant 0 : i32
          %dma_start3A_306 = tpu.memref_slice %arg4[%add3A, %mul3A_26, %dma_start3A_305] : memref<32x120x128xi32, #tpu.memory_space<hbm>> -> memref<1x10x128xi32, #tpu.memory_space<hbm>>
          %dma_start3A_307 = tpu.memref_squeeze %dma_start3A_306 : memref<1x10x128xi32, #tpu.memory_space<hbm>> -> memref<10x128xi32, #tpu.memory_space<hbm>>
          %dma_start3A_308 = arith.constant 0 : i32
          %dma_start3A_309 = tpu.memref_slice %arg4[%add3A, %mul3A_26, %dma_start3A_308] : memref<32x120x128xi32, #tpu.memory_space<hbm>> -> memref<1x10x128xi32, #tpu.memory_space<hbm>>
          %dma_start3A_310 = tpu.memref_squeeze %dma_start3A_309 : memref<1x10x128xi32, #tpu.memory_space<hbm>> -> memref<10x128xi32, #tpu.memory_space<hbm>>
          tpu.enqueue_dma source(%dma_start3A_310 : memref<10x128xi32, #tpu.memory_space<hbm>>) target(%arg8 : memref<10x128xi32, #tpu.memory_space<vmem>>) target_semaphore(%run_scoped3A : memref<!tpu.dma_semaphore, #tpu.memory_space<semaphore_mem>>)
          %dma_wait3A_311 = arith.constant 0 : i32
          %dma_wait3A_312 = tpu.memref_slice %arg4[%add3A, %mul3A_26, %dma_wait3A_311] : memref<32x120x128xi32, #tpu.memory_space<hbm>> -> memref<1x10x128xi32, #tpu.memory_space<hbm>>
          %dma_wait3A_313 = tpu.memref_squeeze %dma_wait3A_312 : memref<1x10x128xi32, #tpu.memory_space<hbm>> -> memref<10x128xi32, #tpu.memory_space<hbm>>
          %dma_wait3A_314 = arith.constant 0 : i32
          %dma_wait3A_315 = tpu.memref_slice %arg4[%add3A, %mul3A_26, %dma_wait3A_314] : memref<32x120x128xi32, #tpu.memory_space<hbm>> -> memref<1x10x128xi32, #tpu.memory_space<hbm>>
          %dma_wait3A_316 = tpu.memref_squeeze %dma_wait3A_315 : memref<1x10x128xi32, #tpu.memory_space<hbm>> -> memref<10x128xi32, #tpu.memory_space<hbm>>
          tpu.wait_dma2 semaphore(%run_scoped3A : memref<!tpu.dma_semaphore, #tpu.memory_space<semaphore_mem>>) src(%dma_wait3A_316 : memref<10x128xi32, #tpu.memory_space<hbm>>) dst(%arg8 : memref<10x128xi32, #tpu.memory_space<vmem>>)
          tpu.yield
        }) : () -> ()
        %dma_start3A = arith.constant 0 : i32
        %dma_start3A_27 = arith.constant 0 : i32
        %dma_start3A_28 = tpu.memref_slice %arg7[%dma_start3A, %dma_start3A_27] : memref<10x128xi32, #tpu.memory_space<vmem>> -> memref<1x128xi32, #tpu.memory_space<vmem>>
        %dma_start3A_29 = tpu.memref_squeeze %dma_start3A_28 : memref<1x128xi32, #tpu.memory_space<vmem>> -> memref<128xi32, #tpu.memory_space<vmem>>
        %dma_start3A_30 = arith.constant 0 : i32
        %dma_start3A_31 = arith.constant 0 : i32
        %dma_start3A_32 = tpu.memref_slice %arg2[%dma_start3A_30, %dma_start3A_31] : memref<10000x128xf32, #tpu.memory_space<hbm>> -> memref<10000x128xf32, #tpu.memory_space<hbm>>
        tpu.enqueue_indirect_dma source(%dma_start3A_32 : memref<10000x128xf32, #tpu.memory_space<hbm>>) target(%arg9 : memref<128x128xf32, #tpu.memory_space<vmem>>) offsets(%dma_start3A_29 : memref<128xi32, #tpu.memory_space<vmem>>) semaphore(%arg11 : memref<!tpu.dma_semaphore, #tpu.memory_space<semaphore_mem>>)
        %dma_start3A_33 = arith.constant 1 : i32
        %dma_start3A_34 = arith.constant 0 : i32
        %dma_start3A_35 = tpu.memref_slice %arg7[%dma_start3A_33, %dma_start3A_34] : memref<10x128xi32, #tpu.memory_space<vmem>> -> memref<1x128xi32, #tpu.memory_space<vmem>>
        %dma_start3A_36 = tpu.memref_squeeze %dma_start3A_35 : memref<1x128xi32, #tpu.memory_space<vmem>> -> memref<128xi32, #tpu.memory_space<vmem>>
        %dma_start3A_37 = arith.constant 0 : i32
        %dma_start3A_38 = arith.constant 0 : i32
        %dma_start3A_39 = tpu.memref_slice %arg2[%dma_start3A_37, %dma_start3A_38] : memref<10000x128xf32, #tpu.memory_space<hbm>> -> memref<10000x128xf32, #tpu.memory_space<hbm>>
        tpu.enqueue_indirect_dma source(%dma_start3A_39 : memref<10000x128xf32, #tpu.memory_space<hbm>>) target(%arg10 : memref<128x128xf32, #tpu.memory_space<vmem>>) offsets(%dma_start3A_36 : memref<128xi32, #tpu.memory_space<vmem>>) semaphore(%arg12 : memref<!tpu.dma_semaphore, #tpu.memory_space<semaphore_mem>>)
        %dma_wait3A = arith.constant 0 : i32
        %dma_wait3A_40 = arith.constant 0 : i32
        %dma_wait3A_41 = tpu.memref_slice %arg7[%dma_wait3A, %dma_wait3A_40] : memref<10x128xi32, #tpu.memory_space<vmem>> -> memref<1x128xi32, #tpu.memory_space<vmem>>
        %dma_wait3A_42 = tpu.memref_squeeze %dma_wait3A_41 : memref<1x128xi32, #tpu.memory_space<vmem>> -> memref<128xi32, #tpu.memory_space<vmem>>
        %dma_wait3A_43 = arith.constant 0 : i32
        %dma_wait3A_44 = arith.constant 0 : i32
        %dma_wait3A_45 = tpu.memref_slice %arg2[%dma_wait3A_43, %dma_wait3A_44] : memref<10000x128xf32, #tpu.memory_space<hbm>> -> memref<10000x128xf32, #tpu.memory_space<hbm>>
        tpu.wait_indirect_dma semaphore(%arg11 : memref<!tpu.dma_semaphore, #tpu.memory_space<semaphore_mem>>) src(%dma_wait3A_45 : memref<10000x128xf32, #tpu.memory_space<hbm>>) dst(%arg9 : memref<128x128xf32, #tpu.memory_space<vmem>>)
        %dma_start3A_46 = arith.constant 0 : i32
        %dma_start3A_47 = arith.constant 0 : i32
        %dma_start3A_48 = tpu.memref_slice %arg8[%dma_start3A_46, %dma_start3A_47] : memref<10x128xi32, #tpu.memory_space<vmem>> -> memref<1x128xi32, #tpu.memory_space<vmem>>
        %dma_start3A_49 = tpu.memref_squeeze %dma_start3A_48 : memref<1x128xi32, #tpu.memory_space<vmem>> -> memref<128xi32, #tpu.memory_space<vmem>>
        %dma_start3A_50 = arith.constant 0 : i32
        %dma_start3A_51 = arith.constant 0 : i32
        %dma_start3A_52 = tpu.memref_slice %arg15[%dma_start3A_50, %dma_start3A_51] : memref<10112x128xf32, #tpu.memory_space<vmem_shared>> -> memref<10112x128xf32, #tpu.memory_space<vmem_shared>>
        tpu.enqueue_indirect_dma source(%arg9 : memref<128x128xf32, #tpu.memory_space<vmem>>) target(%dma_start3A_52 : memref<10112x128xf32, #tpu.memory_space<vmem_shared>>) offsets(%dma_start3A_49 : memref<128xi32, #tpu.memory_space<vmem>>) semaphore(%arg13 : memref<!tpu.dma_semaphore, #tpu.memory_space<semaphore_mem>>) {add = true}
        %dma_wait3A_53 = arith.constant 0 : i32
        %dma_wait3A_54 = arith.constant 0 : i32
        %dma_wait3A_55 = tpu.memref_slice %arg8[%dma_wait3A_53, %dma_wait3A_54] : memref<10x128xi32, #tpu.memory_space<vmem>> -> memref<1x128xi32, #tpu.memory_space<vmem>>
        %dma_wait3A_56 = tpu.memref_squeeze %dma_wait3A_55 : memref<1x128xi32, #tpu.memory_space<vmem>> -> memref<128xi32, #tpu.memory_space<vmem>>
        %dma_wait3A_57 = arith.constant 0 : i32
        %dma_wait3A_58 = arith.constant 0 : i32
        %dma_wait3A_59 = tpu.memref_slice %arg15[%dma_wait3A_57, %dma_wait3A_58] : memref<10112x128xf32, #tpu.memory_space<vmem_shared>> -> memref<10112x128xf32, #tpu.memory_space<vmem_shared>>
        tpu.wait_indirect_dma semaphore(%arg13 : memref<!tpu.dma_semaphore, #tpu.memory_space<semaphore_mem>>) src(%arg9 : memref<128x128xf32, #tpu.memory_space<vmem>>) dst(%dma_wait3A_59 : memref<10112x128xf32, #tpu.memory_space<vmem_shared>>)
        %dma_start3A_60 = arith.constant 2 : i32
        %dma_start3A_61 = arith.constant 0 : i32
        %dma_start3A_62 = tpu.memref_slice %arg7[%dma_start3A_60, %dma_start3A_61] : memref<10x128xi32, #tpu.memory_space<vmem>> -> memref<1x128xi32, #tpu.memory_space<vmem>>
        %dma_start3A_63 = tpu.memref_squeeze %dma_start3A_62 : memref<1x128xi32, #tpu.memory_space<vmem>> -> memref<128xi32, #tpu.memory_space<vmem>>
        %dma_start3A_64 = arith.constant 0 : i32
        %dma_start3A_65 = arith.constant 0 : i32
        %dma_start3A_66 = tpu.memref_slice %arg2[%dma_start3A_64, %dma_start3A_65] : memref<10000x128xf32, #tpu.memory_space<hbm>> -> memref<10000x128xf32, #tpu.memory_space<hbm>>
        tpu.enqueue_indirect_dma source(%dma_start3A_66 : memref<10000x128xf32, #tpu.memory_space<hbm>>) target(%arg9 : memref<128x128xf32, #tpu.memory_space<vmem>>) offsets(%dma_start3A_63 : memref<128xi32, #tpu.memory_space<vmem>>) semaphore(%arg11 : memref<!tpu.dma_semaphore, #tpu.memory_space<semaphore_mem>>)
        %dma_wait3A_67 = arith.constant 1 : i32
        %dma_wait3A_68 = arith.constant 0 : i32
        %dma_wait3A_69 = tpu.memref_slice %arg7[%dma_wait3A_67, %dma_wait3A_68] : memref<10x128xi32, #tpu.memory_space<vmem>> -> memref<1x128xi32, #tpu.memory_space<vmem>>
        %dma_wait3A_70 = tpu.memref_squeeze %dma_wait3A_69 : memref<1x128xi32, #tpu.memory_space<vmem>> -> memref<128xi32, #tpu.memory_space<vmem>>
        %dma_wait3A_71 = arith.constant 0 : i32
        %dma_wait3A_72 = arith.constant 0 : i32
        %dma_wait3A_73 = tpu.memref_slice %arg2[%dma_wait3A_71, %dma_wait3A_72] : memref<10000x128xf32, #tpu.memory_space<hbm>> -> memref<10000x128xf32, #tpu.memory_space<hbm>>
        tpu.wait_indirect_dma semaphore(%arg12 : memref<!tpu.dma_semaphore, #tpu.memory_space<semaphore_mem>>) src(%dma_wait3A_73 : memref<10000x128xf32, #tpu.memory_space<hbm>>) dst(%arg10 : memref<128x128xf32, #tpu.memory_space<vmem>>)
        %dma_start3A_74 = arith.constant 1 : i32
        %dma_start3A_75 = arith.constant 0 : i32
        %dma_start3A_76 = tpu.memref_slice %arg8[%dma_start3A_74, %dma_start3A_75] : memref<10x128xi32, #tpu.memory_space<vmem>> -> memref<1x128xi32, #tpu.memory_space<vmem>>
        %dma_start3A_77 = tpu.memref_squeeze %dma_start3A_76 : memref<1x128xi32, #tpu.memory_space<vmem>> -> memref<128xi32, #tpu.memory_space<vmem>>
        %dma_start3A_78 = arith.constant 0 : i32
        %dma_start3A_79 = arith.constant 0 : i32
        %dma_start3A_80 = tpu.memref_slice %arg15[%dma_start3A_78, %dma_start3A_79] : memref<10112x128xf32, #tpu.memory_space<vmem_shared>> -> memref<10112x128xf32, #tpu.memory_space<vmem_shared>>
        tpu.enqueue_indirect_dma source(%arg10 : memref<128x128xf32, #tpu.memory_space<vmem>>) target(%dma_start3A_80 : memref<10112x128xf32, #tpu.memory_space<vmem_shared>>) offsets(%dma_start3A_77 : memref<128xi32, #tpu.memory_space<vmem>>) semaphore(%arg14 : memref<!tpu.dma_semaphore, #tpu.memory_space<semaphore_mem>>) {add = true}
        %dma_wait3A_81 = arith.constant 1 : i32
        %dma_wait3A_82 = arith.constant 0 : i32
        %dma_wait3A_83 = tpu.memref_slice %arg8[%dma_wait3A_81, %dma_wait3A_82] : memref<10x128xi32, #tpu.memory_space<vmem>> -> memref<1x128xi32, #tpu.memory_space<vmem>>
        %dma_wait3A_84 = tpu.memref_squeeze %dma_wait3A_83 : memref<1x128xi32, #tpu.memory_space<vmem>> -> memref<128xi32, #tpu.memory_space<vmem>>
        %dma_wait3A_85 = arith.constant 0 : i32
        %dma_wait3A_86 = arith.constant 0 : i32
        %dma_wait3A_87 = tpu.memref_slice %arg15[%dma_wait3A_85, %dma_wait3A_86] : memref<10112x128xf32, #tpu.memory_space<vmem_shared>> -> memref<10112x128xf32, #tpu.memory_space<vmem_shared>>
        tpu.wait_indirect_dma semaphore(%arg14 : memref<!tpu.dma_semaphore, #tpu.memory_space<semaphore_mem>>) src(%arg10 : memref<128x128xf32, #tpu.memory_space<vmem>>) dst(%dma_wait3A_87 : memref<10112x128xf32, #tpu.memory_space<vmem_shared>>)
        %dma_start3A_88 = arith.constant 3 : i32
        %dma_start3A_89 = arith.constant 0 : i32
        %dma_start3A_90 = tpu.memref_slice %arg7[%dma_start3A_88, %dma_start3A_89] : memref<10x128xi32, #tpu.memory_space<vmem>> -> memref<1x128xi32, #tpu.memory_space<vmem>>
        %dma_start3A_91 = tpu.memref_squeeze %dma_start3A_90 : memref<1x128xi32, #tpu.memory_space<vmem>> -> memref<128xi32, #tpu.memory_space<vmem>>
        %dma_start3A_92 = arith.constant 0 : i32
        %dma_start3A_93 = arith.constant 0 : i32
        %dma_start3A_94 = tpu.memref_slice %arg2[%dma_start3A_92, %dma_start3A_93] : memref<10000x128xf32, #tpu.memory_space<hbm>> -> memref<10000x128xf32, #tpu.memory_space<hbm>>
        tpu.enqueue_indirect_dma source(%dma_start3A_94 : memref<10000x128xf32, #tpu.memory_space<hbm>>) target(%arg10 : memref<128x128xf32, #tpu.memory_space<vmem>>) offsets(%dma_start3A_91 : memref<128xi32, #tpu.memory_space<vmem>>) semaphore(%arg12 : memref<!tpu.dma_semaphore, #tpu.memory_space<semaphore_mem>>)
        %dma_wait3A_95 = arith.constant 2 : i32
        %dma_wait3A_96 = arith.constant 0 : i32
        %dma_wait3A_97 = tpu.memref_slice %arg7[%dma_wait3A_95, %dma_wait3A_96] : memref<10x128xi32, #tpu.memory_space<vmem>> -> memref<1x128xi32, #tpu.memory_space<vmem>>
        %dma_wait3A_98 = tpu.memref_squeeze %dma_wait3A_97 : memref<1x128xi32, #tpu.memory_space<vmem>> -> memref<128xi32, #tpu.memory_space<vmem>>
        %dma_wait3A_99 = arith.constant 0 : i32
        %dma_wait3A_100 = arith.constant 0 : i32
        %dma_wait3A_101 = tpu.memref_slice %arg2[%dma_wait3A_99, %dma_wait3A_100] : memref<10000x128xf32, #tpu.memory_space<hbm>> -> memref<10000x128xf32, #tpu.memory_space<hbm>>
        tpu.wait_indirect_dma semaphore(%arg11 : memref<!tpu.dma_semaphore, #tpu.memory_space<semaphore_mem>>) src(%dma_wait3A_101 : memref<10000x128xf32, #tpu.memory_space<hbm>>) dst(%arg9 : memref<128x128xf32, #tpu.memory_space<vmem>>)
        %dma_start3A_102 = arith.constant 2 : i32
        %dma_start3A_103 = arith.constant 0 : i32
        %dma_start3A_104 = tpu.memref_slice %arg8[%dma_start3A_102, %dma_start3A_103] : memref<10x128xi32, #tpu.memory_space<vmem>> -> memref<1x128xi32, #tpu.memory_space<vmem>>
        %dma_start3A_105 = tpu.memref_squeeze %dma_start3A_104 : memref<1x128xi32, #tpu.memory_space<vmem>> -> memref<128xi32, #tpu.memory_space<vmem>>
        %dma_start3A_106 = arith.constant 0 : i32
        %dma_start3A_107 = arith.constant 0 : i32
        %dma_start3A_108 = tpu.memref_slice %arg15[%dma_start3A_106, %dma_start3A_107] : memref<10112x128xf32, #tpu.memory_space<vmem_shared>> -> memref<10112x128xf32, #tpu.memory_space<vmem_shared>>
        tpu.enqueue_indirect_dma source(%arg9 : memref<128x128xf32, #tpu.memory_space<vmem>>) target(%dma_start3A_108 : memref<10112x128xf32, #tpu.memory_space<vmem_shared>>) offsets(%dma_start3A_105 : memref<128xi32, #tpu.memory_space<vmem>>) semaphore(%arg13 : memref<!tpu.dma_semaphore, #tpu.memory_space<semaphore_mem>>) {add = true}
        %dma_wait3A_109 = arith.constant 2 : i32
        %dma_wait3A_110 = arith.constant 0 : i32
        %dma_wait3A_111 = tpu.memref_slice %arg8[%dma_wait3A_109, %dma_wait3A_110] : memref<10x128xi32, #tpu.memory_space<vmem>> -> memref<1x128xi32, #tpu.memory_space<vmem>>
        %dma_wait3A_112 = tpu.memref_squeeze %dma_wait3A_111 : memref<1x128xi32, #tpu.memory_space<vmem>> -> memref<128xi32, #tpu.memory_space<vmem>>
        %dma_wait3A_113 = arith.constant 0 : i32
        %dma_wait3A_114 = arith.constant 0 : i32
        %dma_wait3A_115 = tpu.memref_slice %arg15[%dma_wait3A_113, %dma_wait3A_114] : memref<10112x128xf32, #tpu.memory_space<vmem_shared>> -> memref<10112x128xf32, #tpu.memory_space<vmem_shared>>
        tpu.wait_indirect_dma semaphore(%arg13 : memref<!tpu.dma_semaphore, #tpu.memory_space<semaphore_mem>>) src(%arg9 : memref<128x128xf32, #tpu.memory_space<vmem>>) dst(%dma_wait3A_115 : memref<10112x128xf32, #tpu.memory_space<vmem_shared>>)
        %dma_start3A_116 = arith.constant 4 : i32
        %dma_start3A_117 = arith.constant 0 : i32
        %dma_start3A_118 = tpu.memref_slice %arg7[%dma_start3A_116, %dma_start3A_117] : memref<10x128xi32, #tpu.memory_space<vmem>> -> memref<1x128xi32, #tpu.memory_space<vmem>>
        %dma_start3A_119 = tpu.memref_squeeze %dma_start3A_118 : memref<1x128xi32, #tpu.memory_space<vmem>> -> memref<128xi32, #tpu.memory_space<vmem>>
        %dma_start3A_120 = arith.constant 0 : i32
        %dma_start3A_121 = arith.constant 0 : i32
        %dma_start3A_122 = tpu.memref_slice %arg2[%dma_start3A_120, %dma_start3A_121] : memref<10000x128xf32, #tpu.memory_space<hbm>> -> memref<10000x128xf32, #tpu.memory_space<hbm>>
        tpu.enqueue_indirect_dma source(%dma_start3A_122 : memref<10000x128xf32, #tpu.memory_space<hbm>>) target(%arg9 : memref<128x128xf32, #tpu.memory_space<vmem>>) offsets(%dma_start3A_119 : memref<128xi32, #tpu.memory_space<vmem>>) semaphore(%arg11 : memref<!tpu.dma_semaphore, #tpu.memory_space<semaphore_mem>>)
        %dma_wait3A_123 = arith.constant 3 : i32
        %dma_wait3A_124 = arith.constant 0 : i32
        %dma_wait3A_125 = tpu.memref_slice %arg7[%dma_wait3A_123, %dma_wait3A_124] : memref<10x128xi32, #tpu.memory_space<vmem>> -> memref<1x128xi32, #tpu.memory_space<vmem>>
        %dma_wait3A_126 = tpu.memref_squeeze %dma_wait3A_125 : memref<1x128xi32, #tpu.memory_space<vmem>> -> memref<128xi32, #tpu.memory_space<vmem>>
        %dma_wait3A_127 = arith.constant 0 : i32
        %dma_wait3A_128 = arith.constant 0 : i32
        %dma_wait3A_129 = tpu.memref_slice %arg2[%dma_wait3A_127, %dma_wait3A_128] : memref<10000x128xf32, #tpu.memory_space<hbm>> -> memref<10000x128xf32, #tpu.memory_space<hbm>>
        tpu.wait_indirect_dma semaphore(%arg12 : memref<!tpu.dma_semaphore, #tpu.memory_space<semaphore_mem>>) src(%dma_wait3A_129 : memref<10000x128xf32, #tpu.memory_space<hbm>>) dst(%arg10 : memref<128x128xf32, #tpu.memory_space<vmem>>)
        %dma_start3A_130 = arith.constant 3 : i32
        %dma_start3A_131 = arith.constant 0 : i32
        %dma_start3A_132 = tpu.memref_slice %arg8[%dma_start3A_130, %dma_start3A_131] : memref<10x128xi32, #tpu.memory_space<vmem>> -> memref<1x128xi32, #tpu.memory_space<vmem>>
        %dma_start3A_133 = tpu.memref_squeeze %dma_start3A_132 : memref<1x128xi32, #tpu.memory_space<vmem>> -> memref<128xi32, #tpu.memory_space<vmem>>
        %dma_start3A_134 = arith.constant 0 : i32
        %dma_start3A_135 = arith.constant 0 : i32
        %dma_start3A_136 = tpu.memref_slice %arg15[%dma_start3A_134, %dma_start3A_135] : memref<10112x128xf32, #tpu.memory_space<vmem_shared>> -> memref<10112x128xf32, #tpu.memory_space<vmem_shared>>
        tpu.enqueue_indirect_dma source(%arg10 : memref<128x128xf32, #tpu.memory_space<vmem>>) target(%dma_start3A_136 : memref<10112x128xf32, #tpu.memory_space<vmem_shared>>) offsets(%dma_start3A_133 : memref<128xi32, #tpu.memory_space<vmem>>) semaphore(%arg14 : memref<!tpu.dma_semaphore, #tpu.memory_space<semaphore_mem>>) {add = true}
        %dma_wait3A_137 = arith.constant 3 : i32
        %dma_wait3A_138 = arith.constant 0 : i32
        %dma_wait3A_139 = tpu.memref_slice %arg8[%dma_wait3A_137, %dma_wait3A_138] : memref<10x128xi32, #tpu.memory_space<vmem>> -> memref<1x128xi32, #tpu.memory_space<vmem>>
        %dma_wait3A_140 = tpu.memref_squeeze %dma_wait3A_139 : memref<1x128xi32, #tpu.memory_space<vmem>> -> memref<128xi32, #tpu.memory_space<vmem>>
        %dma_wait3A_141 = arith.constant 0 : i32
        %dma_wait3A_142 = arith.constant 0 : i32
        %dma_wait3A_143 = tpu.memref_slice %arg15[%dma_wait3A_141, %dma_wait3A_142] : memref<10112x128xf32, #tpu.memory_space<vmem_shared>> -> memref<10112x128xf32, #tpu.memory_space<vmem_shared>>
        tpu.wait_indirect_dma semaphore(%arg14 : memref<!tpu.dma_semaphore, #tpu.memory_space<semaphore_mem>>) src(%arg10 : memref<128x128xf32, #tpu.memory_space<vmem>>) dst(%dma_wait3A_143 : memref<10112x128xf32, #tpu.memory_space<vmem_shared>>)
        %dma_start3A_144 = arith.constant 5 : i32
        %dma_start3A_145 = arith.constant 0 : i32
        %dma_start3A_146 = tpu.memref_slice %arg7[%dma_start3A_144, %dma_start3A_145] : memref<10x128xi32, #tpu.memory_space<vmem>> -> memref<1x128xi32, #tpu.memory_space<vmem>>
        %dma_start3A_147 = tpu.memref_squeeze %dma_start3A_146 : memref<1x128xi32, #tpu.memory_space<vmem>> -> memref<128xi32, #tpu.memory_space<vmem>>
        %dma_start3A_148 = arith.constant 0 : i32
        %dma_start3A_149 = arith.constant 0 : i32
        %dma_start3A_150 = tpu.memref_slice %arg2[%dma_start3A_148, %dma_start3A_149] : memref<10000x128xf32, #tpu.memory_space<hbm>> -> memref<10000x128xf32, #tpu.memory_space<hbm>>
        tpu.enqueue_indirect_dma source(%dma_start3A_150 : memref<10000x128xf32, #tpu.memory_space<hbm>>) target(%arg10 : memref<128x128xf32, #tpu.memory_space<vmem>>) offsets(%dma_start3A_147 : memref<128xi32, #tpu.memory_space<vmem>>) semaphore(%arg12 : memref<!tpu.dma_semaphore, #tpu.memory_space<semaphore_mem>>)
        %dma_wait3A_151 = arith.constant 4 : i32
        %dma_wait3A_152 = arith.constant 0 : i32
        %dma_wait3A_153 = tpu.memref_slice %arg7[%dma_wait3A_151, %dma_wait3A_152] : memref<10x128xi32, #tpu.memory_space<vmem>> -> memref<1x128xi32, #tpu.memory_space<vmem>>
        %dma_wait3A_154 = tpu.memref_squeeze %dma_wait3A_153 : memref<1x128xi32, #tpu.memory_space<vmem>> -> memref<128xi32, #tpu.memory_space<vmem>>
        %dma_wait3A_155 = arith.constant 0 : i32
        %dma_wait3A_156 = arith.constant 0 : i32
        %dma_wait3A_157 = tpu.memref_slice %arg2[%dma_wait3A_155, %dma_wait3A_156] : memref<10000x128xf32, #tpu.memory_space<hbm>> -> memref<10000x128xf32, #tpu.memory_space<hbm>>
        tpu.wait_indirect_dma semaphore(%arg11 : memref<!tpu.dma_semaphore, #tpu.memory_space<semaphore_mem>>) src(%dma_wait3A_157 : memref<10000x128xf32, #tpu.memory_space<hbm>>) dst(%arg9 : memref<128x128xf32, #tpu.memory_space<vmem>>)
        %dma_start3A_158 = arith.constant 4 : i32
        %dma_start3A_159 = arith.constant 0 : i32
        %dma_start3A_160 = tpu.memref_slice %arg8[%dma_start3A_158, %dma_start3A_159] : memref<10x128xi32, #tpu.memory_space<vmem>> -> memref<1x128xi32, #tpu.memory_space<vmem>>
        %dma_start3A_161 = tpu.memref_squeeze %dma_start3A_160 : memref<1x128xi32, #tpu.memory_space<vmem>> -> memref<128xi32, #tpu.memory_space<vmem>>
        %dma_start3A_162 = arith.constant 0 : i32
        %dma_start3A_163 = arith.constant 0 : i32
        %dma_start3A_164 = tpu.memref_slice %arg15[%dma_start3A_162, %dma_start3A_163] : memref<10112x128xf32, #tpu.memory_space<vmem_shared>> -> memref<10112x128xf32, #tpu.memory_space<vmem_shared>>
        tpu.enqueue_indirect_dma source(%arg9 : memref<128x128xf32, #tpu.memory_space<vmem>>) target(%dma_start3A_164 : memref<10112x128xf32, #tpu.memory_space<vmem_shared>>) offsets(%dma_start3A_161 : memref<128xi32, #tpu.memory_space<vmem>>) semaphore(%arg13 : memref<!tpu.dma_semaphore, #tpu.memory_space<semaphore_mem>>) {add = true}
        %dma_wait3A_165 = arith.constant 4 : i32
        %dma_wait3A_166 = arith.constant 0 : i32
        %dma_wait3A_167 = tpu.memref_slice %arg8[%dma_wait3A_165, %dma_wait3A_166] : memref<10x128xi32, #tpu.memory_space<vmem>> -> memref<1x128xi32, #tpu.memory_space<vmem>>
        %dma_wait3A_168 = tpu.memref_squeeze %dma_wait3A_167 : memref<1x128xi32, #tpu.memory_space<vmem>> -> memref<128xi32, #tpu.memory_space<vmem>>
        %dma_wait3A_169 = arith.constant 0 : i32
        %dma_wait3A_170 = arith.constant 0 : i32
        %dma_wait3A_171 = tpu.memref_slice %arg15[%dma_wait3A_169, %dma_wait3A_170] : memref<10112x128xf32, #tpu.memory_space<vmem_shared>> -> memref<10112x128xf32, #tpu.memory_space<vmem_shared>>
        tpu.wait_indirect_dma semaphore(%arg13 : memref<!tpu.dma_semaphore, #tpu.memory_space<semaphore_mem>>) src(%arg9 : memref<128x128xf32, #tpu.memory_space<vmem>>) dst(%dma_wait3A_171 : memref<10112x128xf32, #tpu.memory_space<vmem_shared>>)
        %dma_start3A_172 = arith.constant 6 : i32
        %dma_start3A_173 = arith.constant 0 : i32
        %dma_start3A_174 = tpu.memref_slice %arg7[%dma_start3A_172, %dma_start3A_173] : memref<10x128xi32, #tpu.memory_space<vmem>> -> memref<1x128xi32, #tpu.memory_space<vmem>>
        %dma_start3A_175 = tpu.memref_squeeze %dma_start3A_174 : memref<1x128xi32, #tpu.memory_space<vmem>> -> memref<128xi32, #tpu.memory_space<vmem>>
        %dma_start3A_176 = arith.constant 0 : i32
        %dma_start3A_177 = arith.constant 0 : i32
        %dma_start3A_178 = tpu.memref_slice %arg2[%dma_start3A_176, %dma_start3A_177] : memref<10000x128xf32, #tpu.memory_space<hbm>> -> memref<10000x128xf32, #tpu.memory_space<hbm>>
        tpu.enqueue_indirect_dma source(%dma_start3A_178 : memref<10000x128xf32, #tpu.memory_space<hbm>>) target(%arg9 : memref<128x128xf32, #tpu.memory_space<vmem>>) offsets(%dma_start3A_175 : memref<128xi32, #tpu.memory_space<vmem>>) semaphore(%arg11 : memref<!tpu.dma_semaphore, #tpu.memory_space<semaphore_mem>>)
        %dma_wait3A_179 = arith.constant 5 : i32
        %dma_wait3A_180 = arith.constant 0 : i32
        %dma_wait3A_181 = tpu.memref_slice %arg7[%dma_wait3A_179, %dma_wait3A_180] : memref<10x128xi32, #tpu.memory_space<vmem>> -> memref<1x128xi32, #tpu.memory_space<vmem>>
        %dma_wait3A_182 = tpu.memref_squeeze %dma_wait3A_181 : memref<1x128xi32, #tpu.memory_space<vmem>> -> memref<128xi32, #tpu.memory_space<vmem>>
        %dma_wait3A_183 = arith.constant 0 : i32
        %dma_wait3A_184 = arith.constant 0 : i32
        %dma_wait3A_185 = tpu.memref_slice %arg2[%dma_wait3A_183, %dma_wait3A_184] : memref<10000x128xf32, #tpu.memory_space<hbm>> -> memref<10000x128xf32, #tpu.memory_space<hbm>>
        tpu.wait_indirect_dma semaphore(%arg12 : memref<!tpu.dma_semaphore, #tpu.memory_space<semaphore_mem>>) src(%dma_wait3A_185 : memref<10000x128xf32, #tpu.memory_space<hbm>>) dst(%arg10 : memref<128x128xf32, #tpu.memory_space<vmem>>)
        %dma_start3A_186 = arith.constant 5 : i32
        %dma_start3A_187 = arith.constant 0 : i32
        %dma_start3A_188 = tpu.memref_slice %arg8[%dma_start3A_186, %dma_start3A_187] : memref<10x128xi32, #tpu.memory_space<vmem>> -> memref<1x128xi32, #tpu.memory_space<vmem>>
        %dma_start3A_189 = tpu.memref_squeeze %dma_start3A_188 : memref<1x128xi32, #tpu.memory_space<vmem>> -> memref<128xi32, #tpu.memory_space<vmem>>
        %dma_start3A_190 = arith.constant 0 : i32
        %dma_start3A_191 = arith.constant 0 : i32
        %dma_start3A_192 = tpu.memref_slice %arg15[%dma_start3A_190, %dma_start3A_191] : memref<10112x128xf32, #tpu.memory_space<vmem_shared>> -> memref<10112x128xf32, #tpu.memory_space<vmem_shared>>
        tpu.enqueue_indirect_dma source(%arg10 : memref<128x128xf32, #tpu.memory_space<vmem>>) target(%dma_start3A_192 : memref<10112x128xf32, #tpu.memory_space<vmem_shared>>) offsets(%dma_start3A_189 : memref<128xi32, #tpu.memory_space<vmem>>) semaphore(%arg14 : memref<!tpu.dma_semaphore, #tpu.memory_space<semaphore_mem>>) {add = true}
        %dma_wait3A_193 = arith.constant 5 : i32
        %dma_wait3A_194 = arith.constant 0 : i32
        %dma_wait3A_195 = tpu.memref_slice %arg8[%dma_wait3A_193, %dma_wait3A_194] : memref<10x128xi32, #tpu.memory_space<vmem>> -> memref<1x128xi32, #tpu.memory_space<vmem>>
        %dma_wait3A_196 = tpu.memref_squeeze %dma_wait3A_195 : memref<1x128xi32, #tpu.memory_space<vmem>> -> memref<128xi32, #tpu.memory_space<vmem>>
        %dma_wait3A_197 = arith.constant 0 : i32
        %dma_wait3A_198 = arith.constant 0 : i32
        %dma_wait3A_199 = tpu.memref_slice %arg15[%dma_wait3A_197, %dma_wait3A_198] : memref<10112x128xf32, #tpu.memory_space<vmem_shared>> -> memref<10112x128xf32, #tpu.memory_space<vmem_shared>>
        tpu.wait_indirect_dma semaphore(%arg14 : memref<!tpu.dma_semaphore, #tpu.memory_space<semaphore_mem>>) src(%arg10 : memref<128x128xf32, #tpu.memory_space<vmem>>) dst(%dma_wait3A_199 : memref<10112x128xf32, #tpu.memory_space<vmem_shared>>)
        %dma_start3A_200 = arith.constant 7 : i32
        %dma_start3A_201 = arith.constant 0 : i32
        %dma_start3A_202 = tpu.memref_slice %arg7[%dma_start3A_200, %dma_start3A_201] : memref<10x128xi32, #tpu.memory_space<vmem>> -> memref<1x128xi32, #tpu.memory_space<vmem>>
        %dma_start3A_203 = tpu.memref_squeeze %dma_start3A_202 : memref<1x128xi32, #tpu.memory_space<vmem>> -> memref<128xi32, #tpu.memory_space<vmem>>
        %dma_start3A_204 = arith.constant 0 : i32
        %dma_start3A_205 = arith.constant 0 : i32
        %dma_start3A_206 = tpu.memref_slice %arg2[%dma_start3A_204, %dma_start3A_205] : memref<10000x128xf32, #tpu.memory_space<hbm>> -> memref<10000x128xf32, #tpu.memory_space<hbm>>
        tpu.enqueue_indirect_dma source(%dma_start3A_206 : memref<10000x128xf32, #tpu.memory_space<hbm>>) target(%arg10 : memref<128x128xf32, #tpu.memory_space<vmem>>) offsets(%dma_start3A_203 : memref<128xi32, #tpu.memory_space<vmem>>) semaphore(%arg12 : memref<!tpu.dma_semaphore, #tpu.memory_space<semaphore_mem>>)
        %dma_wait3A_207 = arith.constant 6 : i32
        %dma_wait3A_208 = arith.constant 0 : i32
        %dma_wait3A_209 = tpu.memref_slice %arg7[%dma_wait3A_207, %dma_wait3A_208] : memref<10x128xi32, #tpu.memory_space<vmem>> -> memref<1x128xi32, #tpu.memory_space<vmem>>
        %dma_wait3A_210 = tpu.memref_squeeze %dma_wait3A_209 : memref<1x128xi32, #tpu.memory_space<vmem>> -> memref<128xi32, #tpu.memory_space<vmem>>
        %dma_wait3A_211 = arith.constant 0 : i32
        %dma_wait3A_212 = arith.constant 0 : i32
        %dma_wait3A_213 = tpu.memref_slice %arg2[%dma_wait3A_211, %dma_wait3A_212] : memref<10000x128xf32, #tpu.memory_space<hbm>> -> memref<10000x128xf32, #tpu.memory_space<hbm>>
        tpu.wait_indirect_dma semaphore(%arg11 : memref<!tpu.dma_semaphore, #tpu.memory_space<semaphore_mem>>) src(%dma_wait3A_213 : memref<10000x128xf32, #tpu.memory_space<hbm>>) dst(%arg9 : memref<128x128xf32, #tpu.memory_space<vmem>>)
        %dma_start3A_214 = arith.constant 6 : i32
        %dma_start3A_215 = arith.constant 0 : i32
        %dma_start3A_216 = tpu.memref_slice %arg8[%dma_start3A_214, %dma_start3A_215] : memref<10x128xi32, #tpu.memory_space<vmem>> -> memref<1x128xi32, #tpu.memory_space<vmem>>
        %dma_start3A_217 = tpu.memref_squeeze %dma_start3A_216 : memref<1x128xi32, #tpu.memory_space<vmem>> -> memref<128xi32, #tpu.memory_space<vmem>>
        %dma_start3A_218 = arith.constant 0 : i32
        %dma_start3A_219 = arith.constant 0 : i32
        %dma_start3A_220 = tpu.memref_slice %arg15[%dma_start3A_218, %dma_start3A_219] : memref<10112x128xf32, #tpu.memory_space<vmem_shared>> -> memref<10112x128xf32, #tpu.memory_space<vmem_shared>>
        tpu.enqueue_indirect_dma source(%arg9 : memref<128x128xf32, #tpu.memory_space<vmem>>) target(%dma_start3A_220 : memref<10112x128xf32, #tpu.memory_space<vmem_shared>>) offsets(%dma_start3A_217 : memref<128xi32, #tpu.memory_space<vmem>>) semaphore(%arg13 : memref<!tpu.dma_semaphore, #tpu.memory_space<semaphore_mem>>) {add = true}
        %dma_wait3A_221 = arith.constant 6 : i32
        %dma_wait3A_222 = arith.constant 0 : i32
        %dma_wait3A_223 = tpu.memref_slice %arg8[%dma_wait3A_221, %dma_wait3A_222] : memref<10x128xi32, #tpu.memory_space<vmem>> -> memref<1x128xi32, #tpu.memory_space<vmem>>
        %dma_wait3A_224 = tpu.memref_squeeze %dma_wait3A_223 : memref<1x128xi32, #tpu.memory_space<vmem>> -> memref<128xi32, #tpu.memory_space<vmem>>
        %dma_wait3A_225 = arith.constant 0 : i32
        %dma_wait3A_226 = arith.constant 0 : i32
        %dma_wait3A_227 = tpu.memref_slice %arg15[%dma_wait3A_225, %dma_wait3A_226] : memref<10112x128xf32, #tpu.memory_space<vmem_shared>> -> memref<10112x128xf32, #tpu.memory_space<vmem_shared>>
        tpu.wait_indirect_dma semaphore(%arg13 : memref<!tpu.dma_semaphore, #tpu.memory_space<semaphore_mem>>) src(%arg9 : memref<128x128xf32, #tpu.memory_space<vmem>>) dst(%dma_wait3A_227 : memref<10112x128xf32, #tpu.memory_space<vmem_shared>>)
        %dma_start3A_228 = arith.constant 8 : i32
        %dma_start3A_229 = arith.constant 0 : i32
        %dma_start3A_230 = tpu.memref_slice %arg7[%dma_start3A_228, %dma_start3A_229] : memref<10x128xi32, #tpu.memory_space<vmem>> -> memref<1x128xi32, #tpu.memory_space<vmem>>
        %dma_start3A_231 = tpu.memref_squeeze %dma_start3A_230 : memref<1x128xi32, #tpu.memory_space<vmem>> -> memref<128xi32, #tpu.memory_space<vmem>>
        %dma_start3A_232 = arith.constant 0 : i32
        %dma_start3A_233 = arith.constant 0 : i32
        %dma_start3A_234 = tpu.memref_slice %arg2[%dma_start3A_232, %dma_start3A_233] : memref<10000x128xf32, #tpu.memory_space<hbm>> -> memref<10000x128xf32, #tpu.memory_space<hbm>>
        tpu.enqueue_indirect_dma source(%dma_start3A_234 : memref<10000x128xf32, #tpu.memory_space<hbm>>) target(%arg9 : memref<128x128xf32, #tpu.memory_space<vmem>>) offsets(%dma_start3A_231 : memref<128xi32, #tpu.memory_space<vmem>>) semaphore(%arg11 : memref<!tpu.dma_semaphore, #tpu.memory_space<semaphore_mem>>)
        %dma_wait3A_235 = arith.constant 7 : i32
        %dma_wait3A_236 = arith.constant 0 : i32
        %dma_wait3A_237 = tpu.memref_slice %arg7[%dma_wait3A_235, %dma_wait3A_236] : memref<10x128xi32, #tpu.memory_space<vmem>> -> memref<1x128xi32, #tpu.memory_space<vmem>>
        %dma_wait3A_238 = tpu.memref_squeeze %dma_wait3A_237 : memref<1x128xi32, #tpu.memory_space<vmem>> -> memref<128xi32, #tpu.memory_space<vmem>>
        %dma_wait3A_239 = arith.constant 0 : i32
        %dma_wait3A_240 = arith.constant 0 : i32
        %dma_wait3A_241 = tpu.memref_slice %arg2[%dma_wait3A_239, %dma_wait3A_240] : memref<10000x128xf32, #tpu.memory_space<hbm>> -> memref<10000x128xf32, #tpu.memory_space<hbm>>
        tpu.wait_indirect_dma semaphore(%arg12 : memref<!tpu.dma_semaphore, #tpu.memory_space<semaphore_mem>>) src(%dma_wait3A_241 : memref<10000x128xf32, #tpu.memory_space<hbm>>) dst(%arg10 : memref<128x128xf32, #tpu.memory_space<vmem>>)
        %dma_start3A_242 = arith.constant 7 : i32
        %dma_start3A_243 = arith.constant 0 : i32
        %dma_start3A_244 = tpu.memref_slice %arg8[%dma_start3A_242, %dma_start3A_243] : memref<10x128xi32, #tpu.memory_space<vmem>> -> memref<1x128xi32, #tpu.memory_space<vmem>>
        %dma_start3A_245 = tpu.memref_squeeze %dma_start3A_244 : memref<1x128xi32, #tpu.memory_space<vmem>> -> memref<128xi32, #tpu.memory_space<vmem>>
        %dma_start3A_246 = arith.constant 0 : i32
        %dma_start3A_247 = arith.constant 0 : i32
        %dma_start3A_248 = tpu.memref_slice %arg15[%dma_start3A_246, %dma_start3A_247] : memref<10112x128xf32, #tpu.memory_space<vmem_shared>> -> memref<10112x128xf32, #tpu.memory_space<vmem_shared>>
        tpu.enqueue_indirect_dma source(%arg10 : memref<128x128xf32, #tpu.memory_space<vmem>>) target(%dma_start3A_248 : memref<10112x128xf32, #tpu.memory_space<vmem_shared>>) offsets(%dma_start3A_245 : memref<128xi32, #tpu.memory_space<vmem>>) semaphore(%arg14 : memref<!tpu.dma_semaphore, #tpu.memory_space<semaphore_mem>>) {add = true}
        %dma_wait3A_249 = arith.constant 7 : i32
        %dma_wait3A_250 = arith.constant 0 : i32
        %dma_wait3A_251 = tpu.memref_slice %arg8[%dma_wait3A_249, %dma_wait3A_250] : memref<10x128xi32, #tpu.memory_space<vmem>> -> memref<1x128xi32, #tpu.memory_space<vmem>>
        %dma_wait3A_252 = tpu.memref_squeeze %dma_wait3A_251 : memref<1x128xi32, #tpu.memory_space<vmem>> -> memref<128xi32, #tpu.memory_space<vmem>>
        %dma_wait3A_253 = arith.constant 0 : i32
        %dma_wait3A_254 = arith.constant 0 : i32
        %dma_wait3A_255 = tpu.memref_slice %arg15[%dma_wait3A_253, %dma_wait3A_254] : memref<10112x128xf32, #tpu.memory_space<vmem_shared>> -> memref<10112x128xf32, #tpu.memory_space<vmem_shared>>
        tpu.wait_indirect_dma semaphore(%arg14 : memref<!tpu.dma_semaphore, #tpu.memory_space<semaphore_mem>>) src(%arg10 : memref<128x128xf32, #tpu.memory_space<vmem>>) dst(%dma_wait3A_255 : memref<10112x128xf32, #tpu.memory_space<vmem_shared>>)
        %dma_start3A_256 = arith.constant 9 : i32
        %dma_start3A_257 = arith.constant 0 : i32
        %dma_start3A_258 = tpu.memref_slice %arg7[%dma_start3A_256, %dma_start3A_257] : memref<10x128xi32, #tpu.memory_space<vmem>> -> memref<1x128xi32, #tpu.memory_space<vmem>>
        %dma_start3A_259 = tpu.memref_squeeze %dma_start3A_258 : memref<1x128xi32, #tpu.memory_space<vmem>> -> memref<128xi32, #tpu.memory_space<vmem>>
        %dma_start3A_260 = arith.constant 0 : i32
        %dma_start3A_261 = arith.constant 0 : i32
        %dma_start3A_262 = tpu.memref_slice %arg2[%dma_start3A_260, %dma_start3A_261] : memref<10000x128xf32, #tpu.memory_space<hbm>> -> memref<10000x128xf32, #tpu.memory_space<hbm>>
        tpu.enqueue_indirect_dma source(%dma_start3A_262 : memref<10000x128xf32, #tpu.memory_space<hbm>>) target(%arg10 : memref<128x128xf32, #tpu.memory_space<vmem>>) offsets(%dma_start3A_259 : memref<128xi32, #tpu.memory_space<vmem>>) semaphore(%arg12 : memref<!tpu.dma_semaphore, #tpu.memory_space<semaphore_mem>>)
        %dma_wait3A_263 = arith.constant 8 : i32
        %dma_wait3A_264 = arith.constant 0 : i32
        %dma_wait3A_265 = tpu.memref_slice %arg7[%dma_wait3A_263, %dma_wait3A_264] : memref<10x128xi32, #tpu.memory_space<vmem>> -> memref<1x128xi32, #tpu.memory_space<vmem>>
        %dma_wait3A_266 = tpu.memref_squeeze %dma_wait3A_265 : memref<1x128xi32, #tpu.memory_space<vmem>> -> memref<128xi32, #tpu.memory_space<vmem>>
        %dma_wait3A_267 = arith.constant 0 : i32
        %dma_wait3A_268 = arith.constant 0 : i32
        %dma_wait3A_269 = tpu.memref_slice %arg2[%dma_wait3A_267, %dma_wait3A_268] : memref<10000x128xf32, #tpu.memory_space<hbm>> -> memref<10000x128xf32, #tpu.memory_space<hbm>>
        tpu.wait_indirect_dma semaphore(%arg11 : memref<!tpu.dma_semaphore, #tpu.memory_space<semaphore_mem>>) src(%dma_wait3A_269 : memref<10000x128xf32, #tpu.memory_space<hbm>>) dst(%arg9 : memref<128x128xf32, #tpu.memory_space<vmem>>)
        %dma_start3A_270 = arith.constant 8 : i32
        %dma_start3A_271 = arith.constant 0 : i32
        %dma_start3A_272 = tpu.memref_slice %arg8[%dma_start3A_270, %dma_start3A_271] : memref<10x128xi32, #tpu.memory_space<vmem>> -> memref<1x128xi32, #tpu.memory_space<vmem>>
        %dma_start3A_273 = tpu.memref_squeeze %dma_start3A_272 : memref<1x128xi32, #tpu.memory_space<vmem>> -> memref<128xi32, #tpu.memory_space<vmem>>
        %dma_start3A_274 = arith.constant 0 : i32
        %dma_start3A_275 = arith.constant 0 : i32
        %dma_start3A_276 = tpu.memref_slice %arg15[%dma_start3A_274, %dma_start3A_275] : memref<10112x128xf32, #tpu.memory_space<vmem_shared>> -> memref<10112x128xf32, #tpu.memory_space<vmem_shared>>
        tpu.enqueue_indirect_dma source(%arg9 : memref<128x128xf32, #tpu.memory_space<vmem>>) target(%dma_start3A_276 : memref<10112x128xf32, #tpu.memory_space<vmem_shared>>) offsets(%dma_start3A_273 : memref<128xi32, #tpu.memory_space<vmem>>) semaphore(%arg13 : memref<!tpu.dma_semaphore, #tpu.memory_space<semaphore_mem>>) {add = true}
        %dma_wait3A_277 = arith.constant 8 : i32
        %dma_wait3A_278 = arith.constant 0 : i32
        %dma_wait3A_279 = tpu.memref_slice %arg8[%dma_wait3A_277, %dma_wait3A_278] : memref<10x128xi32, #tpu.memory_space<vmem>> -> memref<1x128xi32, #tpu.memory_space<vmem>>
        %dma_wait3A_280 = tpu.memref_squeeze %dma_wait3A_279 : memref<1x128xi32, #tpu.memory_space<vmem>> -> memref<128xi32, #tpu.memory_space<vmem>>
        %dma_wait3A_281 = arith.constant 0 : i32
        %dma_wait3A_282 = arith.constant 0 : i32
        %dma_wait3A_283 = tpu.memref_slice %arg15[%dma_wait3A_281, %dma_wait3A_282] : memref<10112x128xf32, #tpu.memory_space<vmem_shared>> -> memref<10112x128xf32, #tpu.memory_space<vmem_shared>>
        tpu.wait_indirect_dma semaphore(%arg13 : memref<!tpu.dma_semaphore, #tpu.memory_space<semaphore_mem>>) src(%arg9 : memref<128x128xf32, #tpu.memory_space<vmem>>) dst(%dma_wait3A_283 : memref<10112x128xf32, #tpu.memory_space<vmem_shared>>)
        %dma_wait3A_284 = arith.constant 9 : i32
        %dma_wait3A_285 = arith.constant 0 : i32
        %dma_wait3A_286 = tpu.memref_slice %arg7[%dma_wait3A_284, %dma_wait3A_285] : memref<10x128xi32, #tpu.memory_space<vmem>> -> memref<1x128xi32, #tpu.memory_space<vmem>>
        %dma_wait3A_287 = tpu.memref_squeeze %dma_wait3A_286 : memref<1x128xi32, #tpu.memory_space<vmem>> -> memref<128xi32, #tpu.memory_space<vmem>>
        %dma_wait3A_288 = arith.constant 0 : i32
        %dma_wait3A_289 = arith.constant 0 : i32
        %dma_wait3A_290 = tpu.memref_slice %arg2[%dma_wait3A_288, %dma_wait3A_289] : memref<10000x128xf32, #tpu.memory_space<hbm>> -> memref<10000x128xf32, #tpu.memory_space<hbm>>
        tpu.wait_indirect_dma semaphore(%arg12 : memref<!tpu.dma_semaphore, #tpu.memory_space<semaphore_mem>>) src(%dma_wait3A_290 : memref<10000x128xf32, #tpu.memory_space<hbm>>) dst(%arg10 : memref<128x128xf32, #tpu.memory_space<vmem>>)
        %dma_start3A_291 = arith.constant 9 : i32
        %dma_start3A_292 = arith.constant 0 : i32
        %dma_start3A_293 = tpu.memref_slice %arg8[%dma_start3A_291, %dma_start3A_292] : memref<10x128xi32, #tpu.memory_space<vmem>> -> memref<1x128xi32, #tpu.memory_space<vmem>>
        %dma_start3A_294 = tpu.memref_squeeze %dma_start3A_293 : memref<1x128xi32, #tpu.memory_space<vmem>> -> memref<128xi32, #tpu.memory_space<vmem>>
        %dma_start3A_295 = arith.constant 0 : i32
        %dma_start3A_296 = arith.constant 0 : i32
        %dma_start3A_297 = tpu.memref_slice %arg15[%dma_start3A_295, %dma_start3A_296] : memref<10112x128xf32, #tpu.memory_space<vmem_shared>> -> memref<10112x128xf32, #tpu.memory_space<vmem_shared>>
        tpu.enqueue_indirect_dma source(%arg10 : memref<128x128xf32, #tpu.memory_space<vmem>>) target(%dma_start3A_297 : memref<10112x128xf32, #tpu.memory_space<vmem_shared>>) offsets(%dma_start3A_294 : memref<128xi32, #tpu.memory_space<vmem>>) semaphore(%arg14 : memref<!tpu.dma_semaphore, #tpu.memory_space<semaphore_mem>>) {add = true}
        %dma_wait3A_298 = arith.constant 9 : i32
        %dma_wait3A_299 = arith.constant 0 : i32
        %dma_wait3A_300 = tpu.memref_slice %arg8[%dma_wait3A_298, %dma_wait3A_299] : memref<10x128xi32, #tpu.memory_space<vmem>> -> memref<1x128xi32, #tpu.memory_space<vmem>>
        %dma_wait3A_301 = tpu.memref_squeeze %dma_wait3A_300 : memref<1x128xi32, #tpu.memory_space<vmem>> -> memref<128xi32, #tpu.memory_space<vmem>>
        %dma_wait3A_302 = arith.constant 0 : i32
        %dma_wait3A_303 = arith.constant 0 : i32
        %dma_wait3A_304 = tpu.memref_slice %arg15[%dma_wait3A_302, %dma_wait3A_303] : memref<10112x128xf32, #tpu.memory_space<vmem_shared>> -> memref<10112x128xf32, #tpu.memory_space<vmem_shared>>
        tpu.wait_indirect_dma semaphore(%arg14 : memref<!tpu.dma_semaphore, #tpu.memory_space<semaphore_mem>>) src(%arg10 : memref<128x128xf32, #tpu.memory_space<vmem>>) dst(%dma_wait3A_304 : memref<10112x128xf32, #tpu.memory_space<vmem_shared>>)
      }
      %scan3A_21 = arith.constant 12 : i32
    } else {
    }
    %eq3A_7 = arith.constant 1 : i32
    %eq3A_8 = arith.cmpi eq, %arg0, %eq3A_7 : i32
    %convert_element_type3A_9 = arith.extui %eq3A_8 : i1 to i32
    %cond3A_10 = arith.constant 0 : i32
    %cond3A_11 = arith.cmpi ne, %convert_element_type3A_9, %cond3A_10 : i32
    scf.if %cond3A_11 {
      %scan3A = arith.constant 0 : i32
      %scan3A_17 = arith.constant 0 : i32
      %scan3A_18 = arith.constant 4 : i32
      %scan3A_19 = arith.addi %scan3A_17, %scan3A_18 : i32
      %scan3A_20 = arith.constant 1 : i32
      scf.for %scan3A_22 = %scan3A_17 to %scan3A_19 step %scan3A_20  : i32 {
        %mul3A_23 = arith.constant 10 : i32
        %mul3A_24 = arith.muli %scan3A_22, %mul3A_23 : i32
        "tpu.region"() ({
          %run_scoped3A = tpu.sem_alloc : memref<!tpu.dma_semaphore, #tpu.memory_space<semaphore_mem>>
          %dma_start3A_305 = arith.constant 0 : i32
          %dma_start3A_306 = tpu.memref_slice %arg3[%add3A, %mul3A_24, %dma_start3A_305] : memref<32x120x128xi32, #tpu.memory_space<hbm>> -> memref<1x10x128xi32, #tpu.memory_space<hbm>>
          %dma_start3A_307 = tpu.memref_squeeze %dma_start3A_306 : memref<1x10x128xi32, #tpu.memory_space<hbm>> -> memref<10x128xi32, #tpu.memory_space<hbm>>
          %dma_start3A_308 = arith.constant 0 : i32
          %dma_start3A_309 = tpu.memref_slice %arg3[%add3A, %mul3A_24, %dma_start3A_308] : memref<32x120x128xi32, #tpu.memory_space<hbm>> -> memref<1x10x128xi32, #tpu.memory_space<hbm>>
          %dma_start3A_310 = tpu.memref_squeeze %dma_start3A_309 : memref<1x10x128xi32, #tpu.memory_space<hbm>> -> memref<10x128xi32, #tpu.memory_space<hbm>>
          tpu.enqueue_dma source(%dma_start3A_310 : memref<10x128xi32, #tpu.memory_space<hbm>>) target(%arg7 : memref<10x128xi32, #tpu.memory_space<vmem>>) target_semaphore(%run_scoped3A : memref<!tpu.dma_semaphore, #tpu.memory_space<semaphore_mem>>)
          %dma_wait3A_311 = arith.constant 0 : i32
          %dma_wait3A_312 = tpu.memref_slice %arg3[%add3A, %mul3A_24, %dma_wait3A_311] : memref<32x120x128xi32, #tpu.memory_space<hbm>> -> memref<1x10x128xi32, #tpu.memory_space<hbm>>
          %dma_wait3A_313 = tpu.memref_squeeze %dma_wait3A_312 : memref<1x10x128xi32, #tpu.memory_space<hbm>> -> memref<10x128xi32, #tpu.memory_space<hbm>>
          %dma_wait3A_314 = arith.constant 0 : i32
          %dma_wait3A_315 = tpu.memref_slice %arg3[%add3A, %mul3A_24, %dma_wait3A_314] : memref<32x120x128xi32, #tpu.memory_space<hbm>> -> memref<1x10x128xi32, #tpu.memory_space<hbm>>
          %dma_wait3A_316 = tpu.memref_squeeze %dma_wait3A_315 : memref<1x10x128xi32, #tpu.memory_space<hbm>> -> memref<10x128xi32, #tpu.memory_space<hbm>>
          tpu.wait_dma2 semaphore(%run_scoped3A : memref<!tpu.dma_semaphore, #tpu.memory_space<semaphore_mem>>) src(%dma_wait3A_316 : memref<10x128xi32, #tpu.memory_space<hbm>>) dst(%arg7 : memref<10x128xi32, #tpu.memory_space<vmem>>)
          tpu.yield
        }) : () -> ()
        %mul3A_25 = arith.constant 10 : i32
        %mul3A_26 = arith.muli %scan3A_22, %mul3A_25 : i32
        "tpu.region"() ({
          %run_scoped3A = tpu.sem_alloc : memref<!tpu.dma_semaphore, #tpu.memory_space<semaphore_mem>>
          %dma_start3A_305 = arith.constant 0 : i32
          %dma_start3A_306 = tpu.memref_slice %arg4[%add3A, %mul3A_26, %dma_start3A_305] : memref<32x120x128xi32, #tpu.memory_space<hbm>> -> memref<1x10x128xi32, #tpu.memory_space<hbm>>
          %dma_start3A_307 = tpu.memref_squeeze %dma_start3A_306 : memref<1x10x128xi32, #tpu.memory_space<hbm>> -> memref<10x128xi32, #tpu.memory_space<hbm>>
          %dma_start3A_308 = arith.constant 0 : i32
          %dma_start3A_309 = tpu.memref_slice %arg4[%add3A, %mul3A_26, %dma_start3A_308] : memref<32x120x128xi32, #tpu.memory_space<hbm>> -> memref<1x10x128xi32, #tpu.memory_space<hbm>>
          %dma_start3A_310 = tpu.memref_squeeze %dma_start3A_309 : memref<1x10x128xi32, #tpu.memory_space<hbm>> -> memref<10x128xi32, #tpu.memory_space<hbm>>
          tpu.enqueue_dma source(%dma_start3A_310 : memref<10x128xi32, #tpu.memory_space<hbm>>) target(%arg8 : memref<10x128xi32, #tpu.memory_space<vmem>>) target_semaphore(%run_scoped3A : memref<!tpu.dma_semaphore, #tpu.memory_space<semaphore_mem>>)
          %dma_wait3A_311 = arith.constant 0 : i32
          %dma_wait3A_312 = tpu.memref_slice %arg4[%add3A, %mul3A_26, %dma_wait3A_311] : memref<32x120x128xi32, #tpu.memory_space<hbm>> -> memref<1x10x128xi32, #tpu.memory_space<hbm>>
          %dma_wait3A_313 = tpu.memref_squeeze %dma_wait3A_312 : memref<1x10x128xi32, #tpu.memory_space<hbm>> -> memref<10x128xi32, #tpu.memory_space<hbm>>
          %dma_wait3A_314 = arith.constant 0 : i32
          %dma_wait3A_315 = tpu.memref_slice %arg4[%add3A, %mul3A_26, %dma_wait3A_314] : memref<32x120x128xi32, #tpu.memory_space<hbm>> -> memref<1x10x128xi32, #tpu.memory_space<hbm>>
          %dma_wait3A_316 = tpu.memref_squeeze %dma_wait3A_315 : memref<1x10x128xi32, #tpu.memory_space<hbm>> -> memref<10x128xi32, #tpu.memory_space<hbm>>
          tpu.wait_dma2 semaphore(%run_scoped3A : memref<!tpu.dma_semaphore, #tpu.memory_space<semaphore_mem>>) src(%dma_wait3A_316 : memref<10x128xi32, #tpu.memory_space<hbm>>) dst(%arg8 : memref<10x128xi32, #tpu.memory_space<vmem>>)
          tpu.yield
        }) : () -> ()
        %dma_start3A = arith.constant 0 : i32
        %dma_start3A_27 = arith.constant 0 : i32
        %dma_start3A_28 = tpu.memref_slice %arg7[%dma_start3A, %dma_start3A_27] : memref<10x128xi32, #tpu.memory_space<vmem>> -> memref<1x128xi32, #tpu.memory_space<vmem>>
        %dma_start3A_29 = tpu.memref_squeeze %dma_start3A_28 : memref<1x128xi32, #tpu.memory_space<vmem>> -> memref<128xi32, #tpu.memory_space<vmem>>
        %dma_start3A_30 = arith.constant 0 : i32
        %dma_start3A_31 = arith.constant 0 : i32
        %dma_start3A_32 = tpu.memref_slice %arg2[%dma_start3A_30, %dma_start3A_31] : memref<10000x128xf32, #tpu.memory_space<hbm>> -> memref<10000x128xf32, #tpu.memory_space<hbm>>
        tpu.enqueue_indirect_dma source(%dma_start3A_32 : memref<10000x128xf32, #tpu.memory_space<hbm>>) target(%arg9 : memref<128x128xf32, #tpu.memory_space<vmem>>) offsets(%dma_start3A_29 : memref<128xi32, #tpu.memory_space<vmem>>) semaphore(%arg11 : memref<!tpu.dma_semaphore, #tpu.memory_space<semaphore_mem>>)
        %dma_start3A_33 = arith.constant 1 : i32
        %dma_start3A_34 = arith.constant 0 : i32
        %dma_start3A_35 = tpu.memref_slice %arg7[%dma_start3A_33, %dma_start3A_34] : memref<10x128xi32, #tpu.memory_space<vmem>> -> memref<1x128xi32, #tpu.memory_space<vmem>>
        %dma_start3A_36 = tpu.memref_squeeze %dma_start3A_35 : memref<1x128xi32, #tpu.memory_space<vmem>> -> memref<128xi32, #tpu.memory_space<vmem>>
        %dma_start3A_37 = arith.constant 0 : i32
        %dma_start3A_38 = arith.constant 0 : i32
        %dma_start3A_39 = tpu.memref_slice %arg2[%dma_start3A_37, %dma_start3A_38] : memref<10000x128xf32, #tpu.memory_space<hbm>> -> memref<10000x128xf32, #tpu.memory_space<hbm>>
        tpu.enqueue_indirect_dma source(%dma_start3A_39 : memref<10000x128xf32, #tpu.memory_space<hbm>>) target(%arg10 : memref<128x128xf32, #tpu.memory_space<vmem>>) offsets(%dma_start3A_36 : memref<128xi32, #tpu.memory_space<vmem>>) semaphore(%arg12 : memref<!tpu.dma_semaphore, #tpu.memory_space<semaphore_mem>>)
        %dma_wait3A = arith.constant 0 : i32
        %dma_wait3A_40 = arith.constant 0 : i32
        %dma_wait3A_41 = tpu.memref_slice %arg7[%dma_wait3A, %dma_wait3A_40] : memref<10x128xi32, #tpu.memory_space<vmem>> -> memref<1x128xi32, #tpu.memory_space<vmem>>
        %dma_wait3A_42 = tpu.memref_squeeze %dma_wait3A_41 : memref<1x128xi32, #tpu.memory_space<vmem>> -> memref<128xi32, #tpu.memory_space<vmem>>
        %dma_wait3A_43 = arith.constant 0 : i32
        %dma_wait3A_44 = arith.constant 0 : i32
        %dma_wait3A_45 = tpu.memref_slice %arg2[%dma_wait3A_43, %dma_wait3A_44] : memref<10000x128xf32, #tpu.memory_space<hbm>> -> memref<10000x128xf32, #tpu.memory_space<hbm>>
        tpu.wait_indirect_dma semaphore(%arg11 : memref<!tpu.dma_semaphore, #tpu.memory_space<semaphore_mem>>) src(%dma_wait3A_45 : memref<10000x128xf32, #tpu.memory_space<hbm>>) dst(%arg9 : memref<128x128xf32, #tpu.memory_space<vmem>>)
        %dma_start3A_46 = arith.constant 0 : i32
        %dma_start3A_47 = arith.constant 0 : i32
        %dma_start3A_48 = tpu.memref_slice %arg8[%dma_start3A_46, %dma_start3A_47] : memref<10x128xi32, #tpu.memory_space<vmem>> -> memref<1x128xi32, #tpu.memory_space<vmem>>
        %dma_start3A_49 = tpu.memref_squeeze %dma_start3A_48 : memref<1x128xi32, #tpu.memory_space<vmem>> -> memref<128xi32, #tpu.memory_space<vmem>>
        %dma_start3A_50 = arith.constant 0 : i32
        %dma_start3A_51 = arith.constant 0 : i32
        %dma_start3A_52 = tpu.memref_slice %arg15[%dma_start3A_50, %dma_start3A_51] : memref<10112x128xf32, #tpu.memory_space<vmem_shared>> -> memref<10112x128xf32, #tpu.memory_space<vmem_shared>>
        tpu.enqueue_indirect_dma source(%arg9 : memref<128x128xf32, #tpu.memory_space<vmem>>) target(%dma_start3A_52 : memref<10112x128xf32, #tpu.memory_space<vmem_shared>>) offsets(%dma_start3A_49 : memref<128xi32, #tpu.memory_space<vmem>>) semaphore(%arg13 : memref<!tpu.dma_semaphore, #tpu.memory_space<semaphore_mem>>) {add = true}
        %dma_wait3A_53 = arith.constant 0 : i32
        %dma_wait3A_54 = arith.constant 0 : i32
        %dma_wait3A_55 = tpu.memref_slice %arg8[%dma_wait3A_53, %dma_wait3A_54] : memref<10x128xi32, #tpu.memory_space<vmem>> -> memref<1x128xi32, #tpu.memory_space<vmem>>
        %dma_wait3A_56 = tpu.memref_squeeze %dma_wait3A_55 : memref<1x128xi32, #tpu.memory_space<vmem>> -> memref<128xi32, #tpu.memory_space<vmem>>
        %dma_wait3A_57 = arith.constant 0 : i32
        %dma_wait3A_58 = arith.constant 0 : i32
        %dma_wait3A_59 = tpu.memref_slice %arg15[%dma_wait3A_57, %dma_wait3A_58] : memref<10112x128xf32, #tpu.memory_space<vmem_shared>> -> memref<10112x128xf32, #tpu.memory_space<vmem_shared>>
        tpu.wait_indirect_dma semaphore(%arg13 : memref<!tpu.dma_semaphore, #tpu.memory_space<semaphore_mem>>) src(%arg9 : memref<128x128xf32, #tpu.memory_space<vmem>>) dst(%dma_wait3A_59 : memref<10112x128xf32, #tpu.memory_space<vmem_shared>>)
        %dma_start3A_60 = arith.constant 2 : i32
        %dma_start3A_61 = arith.constant 0 : i32
        %dma_start3A_62 = tpu.memref_slice %arg7[%dma_start3A_60, %dma_start3A_61] : memref<10x128xi32, #tpu.memory_space<vmem>> -> memref<1x128xi32, #tpu.memory_space<vmem>>
        %dma_start3A_63 = tpu.memref_squeeze %dma_start3A_62 : memref<1x128xi32, #tpu.memory_space<vmem>> -> memref<128xi32, #tpu.memory_space<vmem>>
        %dma_start3A_64 = arith.constant 0 : i32
        %dma_start3A_65 = arith.constant 0 : i32
        %dma_start3A_66 = tpu.memref_slice %arg2[%dma_start3A_64, %dma_start3A_65] : memref<10000x128xf32, #tpu.memory_space<hbm>> -> memref<10000x128xf32, #tpu.memory_space<hbm>>
        tpu.enqueue_indirect_dma source(%dma_start3A_66 : memref<10000x128xf32, #tpu.memory_space<hbm>>) target(%arg9 : memref<128x128xf32, #tpu.memory_space<vmem>>) offsets(%dma_start3A_63 : memref<128xi32, #tpu.memory_space<vmem>>) semaphore(%arg11 : memref<!tpu.dma_semaphore, #tpu.memory_space<semaphore_mem>>)
        %dma_wait3A_67 = arith.constant 1 : i32
        %dma_wait3A_68 = arith.constant 0 : i32
        %dma_wait3A_69 = tpu.memref_slice %arg7[%dma_wait3A_67, %dma_wait3A_68] : memref<10x128xi32, #tpu.memory_space<vmem>> -> memref<1x128xi32, #tpu.memory_space<vmem>>
        %dma_wait3A_70 = tpu.memref_squeeze %dma_wait3A_69 : memref<1x128xi32, #tpu.memory_space<vmem>> -> memref<128xi32, #tpu.memory_space<vmem>>
        %dma_wait3A_71 = arith.constant 0 : i32
        %dma_wait3A_72 = arith.constant 0 : i32
        %dma_wait3A_73 = tpu.memref_slice %arg2[%dma_wait3A_71, %dma_wait3A_72] : memref<10000x128xf32, #tpu.memory_space<hbm>> -> memref<10000x128xf32, #tpu.memory_space<hbm>>
        tpu.wait_indirect_dma semaphore(%arg12 : memref<!tpu.dma_semaphore, #tpu.memory_space<semaphore_mem>>) src(%dma_wait3A_73 : memref<10000x128xf32, #tpu.memory_space<hbm>>) dst(%arg10 : memref<128x128xf32, #tpu.memory_space<vmem>>)
        %dma_start3A_74 = arith.constant 1 : i32
        %dma_start3A_75 = arith.constant 0 : i32
        %dma_start3A_76 = tpu.memref_slice %arg8[%dma_start3A_74, %dma_start3A_75] : memref<10x128xi32, #tpu.memory_space<vmem>> -> memref<1x128xi32, #tpu.memory_space<vmem>>
        %dma_start3A_77 = tpu.memref_squeeze %dma_start3A_76 : memref<1x128xi32, #tpu.memory_space<vmem>> -> memref<128xi32, #tpu.memory_space<vmem>>
        %dma_start3A_78 = arith.constant 0 : i32
        %dma_start3A_79 = arith.constant 0 : i32
        %dma_start3A_80 = tpu.memref_slice %arg15[%dma_start3A_78, %dma_start3A_79] : memref<10112x128xf32, #tpu.memory_space<vmem_shared>> -> memref<10112x128xf32, #tpu.memory_space<vmem_shared>>
        tpu.enqueue_indirect_dma source(%arg10 : memref<128x128xf32, #tpu.memory_space<vmem>>) target(%dma_start3A_80 : memref<10112x128xf32, #tpu.memory_space<vmem_shared>>) offsets(%dma_start3A_77 : memref<128xi32, #tpu.memory_space<vmem>>) semaphore(%arg14 : memref<!tpu.dma_semaphore, #tpu.memory_space<semaphore_mem>>) {add = true}
        %dma_wait3A_81 = arith.constant 1 : i32
        %dma_wait3A_82 = arith.constant 0 : i32
        %dma_wait3A_83 = tpu.memref_slice %arg8[%dma_wait3A_81, %dma_wait3A_82] : memref<10x128xi32, #tpu.memory_space<vmem>> -> memref<1x128xi32, #tpu.memory_space<vmem>>
        %dma_wait3A_84 = tpu.memref_squeeze %dma_wait3A_83 : memref<1x128xi32, #tpu.memory_space<vmem>> -> memref<128xi32, #tpu.memory_space<vmem>>
        %dma_wait3A_85 = arith.constant 0 : i32
        %dma_wait3A_86 = arith.constant 0 : i32
        %dma_wait3A_87 = tpu.memref_slice %arg15[%dma_wait3A_85, %dma_wait3A_86] : memref<10112x128xf32, #tpu.memory_space<vmem_shared>> -> memref<10112x128xf32, #tpu.memory_space<vmem_shared>>
        tpu.wait_indirect_dma semaphore(%arg14 : memref<!tpu.dma_semaphore, #tpu.memory_space<semaphore_mem>>) src(%arg10 : memref<128x128xf32, #tpu.memory_space<vmem>>) dst(%dma_wait3A_87 : memref<10112x128xf32, #tpu.memory_space<vmem_shared>>)
        %dma_start3A_88 = arith.constant 3 : i32
        %dma_start3A_89 = arith.constant 0 : i32
        %dma_start3A_90 = tpu.memref_slice %arg7[%dma_start3A_88, %dma_start3A_89] : memref<10x128xi32, #tpu.memory_space<vmem>> -> memref<1x128xi32, #tpu.memory_space<vmem>>
        %dma_start3A_91 = tpu.memref_squeeze %dma_start3A_90 : memref<1x128xi32, #tpu.memory_space<vmem>> -> memref<128xi32, #tpu.memory_space<vmem>>
        %dma_start3A_92 = arith.constant 0 : i32
        %dma_start3A_93 = arith.constant 0 : i32
        %dma_start3A_94 = tpu.memref_slice %arg2[%dma_start3A_92, %dma_start3A_93] : memref<10000x128xf32, #tpu.memory_space<hbm>> -> memref<10000x128xf32, #tpu.memory_space<hbm>>
        tpu.enqueue_indirect_dma source(%dma_start3A_94 : memref<10000x128xf32, #tpu.memory_space<hbm>>) target(%arg10 : memref<128x128xf32, #tpu.memory_space<vmem>>) offsets(%dma_start3A_91 : memref<128xi32, #tpu.memory_space<vmem>>) semaphore(%arg12 : memref<!tpu.dma_semaphore, #tpu.memory_space<semaphore_mem>>)
        %dma_wait3A_95 = arith.constant 2 : i32
        %dma_wait3A_96 = arith.constant 0 : i32
        %dma_wait3A_97 = tpu.memref_slice %arg7[%dma_wait3A_95, %dma_wait3A_96] : memref<10x128xi32, #tpu.memory_space<vmem>> -> memref<1x128xi32, #tpu.memory_space<vmem>>
        %dma_wait3A_98 = tpu.memref_squeeze %dma_wait3A_97 : memref<1x128xi32, #tpu.memory_space<vmem>> -> memref<128xi32, #tpu.memory_space<vmem>>
        %dma_wait3A_99 = arith.constant 0 : i32
        %dma_wait3A_100 = arith.constant 0 : i32
        %dma_wait3A_101 = tpu.memref_slice %arg2[%dma_wait3A_99, %dma_wait3A_100] : memref<10000x128xf32, #tpu.memory_space<hbm>> -> memref<10000x128xf32, #tpu.memory_space<hbm>>
        tpu.wait_indirect_dma semaphore(%arg11 : memref<!tpu.dma_semaphore, #tpu.memory_space<semaphore_mem>>) src(%dma_wait3A_101 : memref<10000x128xf32, #tpu.memory_space<hbm>>) dst(%arg9 : memref<128x128xf32, #tpu.memory_space<vmem>>)
        %dma_start3A_102 = arith.constant 2 : i32
        %dma_start3A_103 = arith.constant 0 : i32
        %dma_start3A_104 = tpu.memref_slice %arg8[%dma_start3A_102, %dma_start3A_103] : memref<10x128xi32, #tpu.memory_space<vmem>> -> memref<1x128xi32, #tpu.memory_space<vmem>>
        %dma_start3A_105 = tpu.memref_squeeze %dma_start3A_104 : memref<1x128xi32, #tpu.memory_space<vmem>> -> memref<128xi32, #tpu.memory_space<vmem>>
        %dma_start3A_106 = arith.constant 0 : i32
        %dma_start3A_107 = arith.constant 0 : i32
        %dma_start3A_108 = tpu.memref_slice %arg15[%dma_start3A_106, %dma_start3A_107] : memref<10112x128xf32, #tpu.memory_space<vmem_shared>> -> memref<10112x128xf32, #tpu.memory_space<vmem_shared>>
        tpu.enqueue_indirect_dma source(%arg9 : memref<128x128xf32, #tpu.memory_space<vmem>>) target(%dma_start3A_108 : memref<10112x128xf32, #tpu.memory_space<vmem_shared>>) offsets(%dma_start3A_105 : memref<128xi32, #tpu.memory_space<vmem>>) semaphore(%arg13 : memref<!tpu.dma_semaphore, #tpu.memory_space<semaphore_mem>>) {add = true}
        %dma_wait3A_109 = arith.constant 2 : i32
        %dma_wait3A_110 = arith.constant 0 : i32
        %dma_wait3A_111 = tpu.memref_slice %arg8[%dma_wait3A_109, %dma_wait3A_110] : memref<10x128xi32, #tpu.memory_space<vmem>> -> memref<1x128xi32, #tpu.memory_space<vmem>>
        %dma_wait3A_112 = tpu.memref_squeeze %dma_wait3A_111 : memref<1x128xi32, #tpu.memory_space<vmem>> -> memref<128xi32, #tpu.memory_space<vmem>>
        %dma_wait3A_113 = arith.constant 0 : i32
        %dma_wait3A_114 = arith.constant 0 : i32
        %dma_wait3A_115 = tpu.memref_slice %arg15[%dma_wait3A_113, %dma_wait3A_114] : memref<10112x128xf32, #tpu.memory_space<vmem_shared>> -> memref<10112x128xf32, #tpu.memory_space<vmem_shared>>
        tpu.wait_indirect_dma semaphore(%arg13 : memref<!tpu.dma_semaphore, #tpu.memory_space<semaphore_mem>>) src(%arg9 : memref<128x128xf32, #tpu.memory_space<vmem>>) dst(%dma_wait3A_115 : memref<10112x128xf32, #tpu.memory_space<vmem_shared>>)
        %dma_start3A_116 = arith.constant 4 : i32
        %dma_start3A_117 = arith.constant 0 : i32
        %dma_start3A_118 = tpu.memref_slice %arg7[%dma_start3A_116, %dma_start3A_117] : memref<10x128xi32, #tpu.memory_space<vmem>> -> memref<1x128xi32, #tpu.memory_space<vmem>>
        %dma_start3A_119 = tpu.memref_squeeze %dma_start3A_118 : memref<1x128xi32, #tpu.memory_space<vmem>> -> memref<128xi32, #tpu.memory_space<vmem>>
        %dma_start3A_120 = arith.constant 0 : i32
        %dma_start3A_121 = arith.constant 0 : i32
        %dma_start3A_122 = tpu.memref_slice %arg2[%dma_start3A_120, %dma_start3A_121] : memref<10000x128xf32, #tpu.memory_space<hbm>> -> memref<10000x128xf32, #tpu.memory_space<hbm>>
        tpu.enqueue_indirect_dma source(%dma_start3A_122 : memref<10000x128xf32, #tpu.memory_space<hbm>>) target(%arg9 : memref<128x128xf32, #tpu.memory_space<vmem>>) offsets(%dma_start3A_119 : memref<128xi32, #tpu.memory_space<vmem>>) semaphore(%arg11 : memref<!tpu.dma_semaphore, #tpu.memory_space<semaphore_mem>>)
        %dma_wait3A_123 = arith.constant 3 : i32
        %dma_wait3A_124 = arith.constant 0 : i32
        %dma_wait3A_125 = tpu.memref_slice %arg7[%dma_wait3A_123, %dma_wait3A_124] : memref<10x128xi32, #tpu.memory_space<vmem>> -> memref<1x128xi32, #tpu.memory_space<vmem>>
        %dma_wait3A_126 = tpu.memref_squeeze %dma_wait3A_125 : memref<1x128xi32, #tpu.memory_space<vmem>> -> memref<128xi32, #tpu.memory_space<vmem>>
        %dma_wait3A_127 = arith.constant 0 : i32
        %dma_wait3A_128 = arith.constant 0 : i32
        %dma_wait3A_129 = tpu.memref_slice %arg2[%dma_wait3A_127, %dma_wait3A_128] : memref<10000x128xf32, #tpu.memory_space<hbm>> -> memref<10000x128xf32, #tpu.memory_space<hbm>>
        tpu.wait_indirect_dma semaphore(%arg12 : memref<!tpu.dma_semaphore, #tpu.memory_space<semaphore_mem>>) src(%dma_wait3A_129 : memref<10000x128xf32, #tpu.memory_space<hbm>>) dst(%arg10 : memref<128x128xf32, #tpu.memory_space<vmem>>)
        %dma_start3A_130 = arith.constant 3 : i32
        %dma_start3A_131 = arith.constant 0 : i32
        %dma_start3A_132 = tpu.memref_slice %arg8[%dma_start3A_130, %dma_start3A_131] : memref<10x128xi32, #tpu.memory_space<vmem>> -> memref<1x128xi32, #tpu.memory_space<vmem>>
        %dma_start3A_133 = tpu.memref_squeeze %dma_start3A_132 : memref<1x128xi32, #tpu.memory_space<vmem>> -> memref<128xi32, #tpu.memory_space<vmem>>
        %dma_start3A_134 = arith.constant 0 : i32
        %dma_start3A_135 = arith.constant 0 : i32
        %dma_start3A_136 = tpu.memref_slice %arg15[%dma_start3A_134, %dma_start3A_135] : memref<10112x128xf32, #tpu.memory_space<vmem_shared>> -> memref<10112x128xf32, #tpu.memory_space<vmem_shared>>
        tpu.enqueue_indirect_dma source(%arg10 : memref<128x128xf32, #tpu.memory_space<vmem>>) target(%dma_start3A_136 : memref<10112x128xf32, #tpu.memory_space<vmem_shared>>) offsets(%dma_start3A_133 : memref<128xi32, #tpu.memory_space<vmem>>) semaphore(%arg14 : memref<!tpu.dma_semaphore, #tpu.memory_space<semaphore_mem>>) {add = true}
        %dma_wait3A_137 = arith.constant 3 : i32
        %dma_wait3A_138 = arith.constant 0 : i32
        %dma_wait3A_139 = tpu.memref_slice %arg8[%dma_wait3A_137, %dma_wait3A_138] : memref<10x128xi32, #tpu.memory_space<vmem>> -> memref<1x128xi32, #tpu.memory_space<vmem>>
        %dma_wait3A_140 = tpu.memref_squeeze %dma_wait3A_139 : memref<1x128xi32, #tpu.memory_space<vmem>> -> memref<128xi32, #tpu.memory_space<vmem>>
        %dma_wait3A_141 = arith.constant 0 : i32
        %dma_wait3A_142 = arith.constant 0 : i32
        %dma_wait3A_143 = tpu.memref_slice %arg15[%dma_wait3A_141, %dma_wait3A_142] : memref<10112x128xf32, #tpu.memory_space<vmem_shared>> -> memref<10112x128xf32, #tpu.memory_space<vmem_shared>>
        tpu.wait_indirect_dma semaphore(%arg14 : memref<!tpu.dma_semaphore, #tpu.memory_space<semaphore_mem>>) src(%arg10 : memref<128x128xf32, #tpu.memory_space<vmem>>) dst(%dma_wait3A_143 : memref<10112x128xf32, #tpu.memory_space<vmem_shared>>)
        %dma_start3A_144 = arith.constant 5 : i32
        %dma_start3A_145 = arith.constant 0 : i32
        %dma_start3A_146 = tpu.memref_slice %arg7[%dma_start3A_144, %dma_start3A_145] : memref<10x128xi32, #tpu.memory_space<vmem>> -> memref<1x128xi32, #tpu.memory_space<vmem>>
        %dma_start3A_147 = tpu.memref_squeeze %dma_start3A_146 : memref<1x128xi32, #tpu.memory_space<vmem>> -> memref<128xi32, #tpu.memory_space<vmem>>
        %dma_start3A_148 = arith.constant 0 : i32
        %dma_start3A_149 = arith.constant 0 : i32
        %dma_start3A_150 = tpu.memref_slice %arg2[%dma_start3A_148, %dma_start3A_149] : memref<10000x128xf32, #tpu.memory_space<hbm>> -> memref<10000x128xf32, #tpu.memory_space<hbm>>
        tpu.enqueue_indirect_dma source(%dma_start3A_150 : memref<10000x128xf32, #tpu.memory_space<hbm>>) target(%arg10 : memref<128x128xf32, #tpu.memory_space<vmem>>) offsets(%dma_start3A_147 : memref<128xi32, #tpu.memory_space<vmem>>) semaphore(%arg12 : memref<!tpu.dma_semaphore, #tpu.memory_space<semaphore_mem>>)
        %dma_wait3A_151 = arith.constant 4 : i32
        %dma_wait3A_152 = arith.constant 0 : i32
        %dma_wait3A_153 = tpu.memref_slice %arg7[%dma_wait3A_151, %dma_wait3A_152] : memref<10x128xi32, #tpu.memory_space<vmem>> -> memref<1x128xi32, #tpu.memory_space<vmem>>
        %dma_wait3A_154 = tpu.memref_squeeze %dma_wait3A_153 : memref<1x128xi32, #tpu.memory_space<vmem>> -> memref<128xi32, #tpu.memory_space<vmem>>
        %dma_wait3A_155 = arith.constant 0 : i32
        %dma_wait3A_156 = arith.constant 0 : i32
        %dma_wait3A_157 = tpu.memref_slice %arg2[%dma_wait3A_155, %dma_wait3A_156] : memref<10000x128xf32, #tpu.memory_space<hbm>> -> memref<10000x128xf32, #tpu.memory_space<hbm>>
        tpu.wait_indirect_dma semaphore(%arg11 : memref<!tpu.dma_semaphore, #tpu.memory_space<semaphore_mem>>) src(%dma_wait3A_157 : memref<10000x128xf32, #tpu.memory_space<hbm>>) dst(%arg9 : memref<128x128xf32, #tpu.memory_space<vmem>>)
        %dma_start3A_158 = arith.constant 4 : i32
        %dma_start3A_159 = arith.constant 0 : i32
        %dma_start3A_160 = tpu.memref_slice %arg8[%dma_start3A_158, %dma_start3A_159] : memref<10x128xi32, #tpu.memory_space<vmem>> -> memref<1x128xi32, #tpu.memory_space<vmem>>
        %dma_start3A_161 = tpu.memref_squeeze %dma_start3A_160 : memref<1x128xi32, #tpu.memory_space<vmem>> -> memref<128xi32, #tpu.memory_space<vmem>>
        %dma_start3A_162 = arith.constant 0 : i32
        %dma_start3A_163 = arith.constant 0 : i32
        %dma_start3A_164 = tpu.memref_slice %arg15[%dma_start3A_162, %dma_start3A_163] : memref<10112x128xf32, #tpu.memory_space<vmem_shared>> -> memref<10112x128xf32, #tpu.memory_space<vmem_shared>>
        tpu.enqueue_indirect_dma source(%arg9 : memref<128x128xf32, #tpu.memory_space<vmem>>) target(%dma_start3A_164 : memref<10112x128xf32, #tpu.memory_space<vmem_shared>>) offsets(%dma_start3A_161 : memref<128xi32, #tpu.memory_space<vmem>>) semaphore(%arg13 : memref<!tpu.dma_semaphore, #tpu.memory_space<semaphore_mem>>) {add = true}
        %dma_wait3A_165 = arith.constant 4 : i32
        %dma_wait3A_166 = arith.constant 0 : i32
        %dma_wait3A_167 = tpu.memref_slice %arg8[%dma_wait3A_165, %dma_wait3A_166] : memref<10x128xi32, #tpu.memory_space<vmem>> -> memref<1x128xi32, #tpu.memory_space<vmem>>
        %dma_wait3A_168 = tpu.memref_squeeze %dma_wait3A_167 : memref<1x128xi32, #tpu.memory_space<vmem>> -> memref<128xi32, #tpu.memory_space<vmem>>
        %dma_wait3A_169 = arith.constant 0 : i32
        %dma_wait3A_170 = arith.constant 0 : i32
        %dma_wait3A_171 = tpu.memref_slice %arg15[%dma_wait3A_169, %dma_wait3A_170] : memref<10112x128xf32, #tpu.memory_space<vmem_shared>> -> memref<10112x128xf32, #tpu.memory_space<vmem_shared>>
        tpu.wait_indirect_dma semaphore(%arg13 : memref<!tpu.dma_semaphore, #tpu.memory_space<semaphore_mem>>) src(%arg9 : memref<128x128xf32, #tpu.memory_space<vmem>>) dst(%dma_wait3A_171 : memref<10112x128xf32, #tpu.memory_space<vmem_shared>>)
        %dma_start3A_172 = arith.constant 6 : i32
        %dma_start3A_173 = arith.constant 0 : i32
        %dma_start3A_174 = tpu.memref_slice %arg7[%dma_start3A_172, %dma_start3A_173] : memref<10x128xi32, #tpu.memory_space<vmem>> -> memref<1x128xi32, #tpu.memory_space<vmem>>
        %dma_start3A_175 = tpu.memref_squeeze %dma_start3A_174 : memref<1x128xi32, #tpu.memory_space<vmem>> -> memref<128xi32, #tpu.memory_space<vmem>>
        %dma_start3A_176 = arith.constant 0 : i32
        %dma_start3A_177 = arith.constant 0 : i32
        %dma_start3A_178 = tpu.memref_slice %arg2[%dma_start3A_176, %dma_start3A_177] : memref<10000x128xf32, #tpu.memory_space<hbm>> -> memref<10000x128xf32, #tpu.memory_space<hbm>>
        tpu.enqueue_indirect_dma source(%dma_start3A_178 : memref<10000x128xf32, #tpu.memory_space<hbm>>) target(%arg9 : memref<128x128xf32, #tpu.memory_space<vmem>>) offsets(%dma_start3A_175 : memref<128xi32, #tpu.memory_space<vmem>>) semaphore(%arg11 : memref<!tpu.dma_semaphore, #tpu.memory_space<semaphore_mem>>)
        %dma_wait3A_179 = arith.constant 5 : i32
        %dma_wait3A_180 = arith.constant 0 : i32
        %dma_wait3A_181 = tpu.memref_slice %arg7[%dma_wait3A_179, %dma_wait3A_180] : memref<10x128xi32, #tpu.memory_space<vmem>> -> memref<1x128xi32, #tpu.memory_space<vmem>>
        %dma_wait3A_182 = tpu.memref_squeeze %dma_wait3A_181 : memref<1x128xi32, #tpu.memory_space<vmem>> -> memref<128xi32, #tpu.memory_space<vmem>>
        %dma_wait3A_183 = arith.constant 0 : i32
        %dma_wait3A_184 = arith.constant 0 : i32
        %dma_wait3A_185 = tpu.memref_slice %arg2[%dma_wait3A_183, %dma_wait3A_184] : memref<10000x128xf32, #tpu.memory_space<hbm>> -> memref<10000x128xf32, #tpu.memory_space<hbm>>
        tpu.wait_indirect_dma semaphore(%arg12 : memref<!tpu.dma_semaphore, #tpu.memory_space<semaphore_mem>>) src(%dma_wait3A_185 : memref<10000x128xf32, #tpu.memory_space<hbm>>) dst(%arg10 : memref<128x128xf32, #tpu.memory_space<vmem>>)
        %dma_start3A_186 = arith.constant 5 : i32
        %dma_start3A_187 = arith.constant 0 : i32
        %dma_start3A_188 = tpu.memref_slice %arg8[%dma_start3A_186, %dma_start3A_187] : memref<10x128xi32, #tpu.memory_space<vmem>> -> memref<1x128xi32, #tpu.memory_space<vmem>>
        %dma_start3A_189 = tpu.memref_squeeze %dma_start3A_188 : memref<1x128xi32, #tpu.memory_space<vmem>> -> memref<128xi32, #tpu.memory_space<vmem>>
        %dma_start3A_190 = arith.constant 0 : i32
        %dma_start3A_191 = arith.constant 0 : i32
        %dma_start3A_192 = tpu.memref_slice %arg15[%dma_start3A_190, %dma_start3A_191] : memref<10112x128xf32, #tpu.memory_space<vmem_shared>> -> memref<10112x128xf32, #tpu.memory_space<vmem_shared>>
        tpu.enqueue_indirect_dma source(%arg10 : memref<128x128xf32, #tpu.memory_space<vmem>>) target(%dma_start3A_192 : memref<10112x128xf32, #tpu.memory_space<vmem_shared>>) offsets(%dma_start3A_189 : memref<128xi32, #tpu.memory_space<vmem>>) semaphore(%arg14 : memref<!tpu.dma_semaphore, #tpu.memory_space<semaphore_mem>>) {add = true}
        %dma_wait3A_193 = arith.constant 5 : i32
        %dma_wait3A_194 = arith.constant 0 : i32
        %dma_wait3A_195 = tpu.memref_slice %arg8[%dma_wait3A_193, %dma_wait3A_194] : memref<10x128xi32, #tpu.memory_space<vmem>> -> memref<1x128xi32, #tpu.memory_space<vmem>>
        %dma_wait3A_196 = tpu.memref_squeeze %dma_wait3A_195 : memref<1x128xi32, #tpu.memory_space<vmem>> -> memref<128xi32, #tpu.memory_space<vmem>>
        %dma_wait3A_197 = arith.constant 0 : i32
        %dma_wait3A_198 = arith.constant 0 : i32
        %dma_wait3A_199 = tpu.memref_slice %arg15[%dma_wait3A_197, %dma_wait3A_198] : memref<10112x128xf32, #tpu.memory_space<vmem_shared>> -> memref<10112x128xf32, #tpu.memory_space<vmem_shared>>
        tpu.wait_indirect_dma semaphore(%arg14 : memref<!tpu.dma_semaphore, #tpu.memory_space<semaphore_mem>>) src(%arg10 : memref<128x128xf32, #tpu.memory_space<vmem>>) dst(%dma_wait3A_199 : memref<10112x128xf32, #tpu.memory_space<vmem_shared>>)
        %dma_start3A_200 = arith.constant 7 : i32
        %dma_start3A_201 = arith.constant 0 : i32
        %dma_start3A_202 = tpu.memref_slice %arg7[%dma_start3A_200, %dma_start3A_201] : memref<10x128xi32, #tpu.memory_space<vmem>> -> memref<1x128xi32, #tpu.memory_space<vmem>>
        %dma_start3A_203 = tpu.memref_squeeze %dma_start3A_202 : memref<1x128xi32, #tpu.memory_space<vmem>> -> memref<128xi32, #tpu.memory_space<vmem>>
        %dma_start3A_204 = arith.constant 0 : i32
        %dma_start3A_205 = arith.constant 0 : i32
        %dma_start3A_206 = tpu.memref_slice %arg2[%dma_start3A_204, %dma_start3A_205] : memref<10000x128xf32, #tpu.memory_space<hbm>> -> memref<10000x128xf32, #tpu.memory_space<hbm>>
        tpu.enqueue_indirect_dma source(%dma_start3A_206 : memref<10000x128xf32, #tpu.memory_space<hbm>>) target(%arg10 : memref<128x128xf32, #tpu.memory_space<vmem>>) offsets(%dma_start3A_203 : memref<128xi32, #tpu.memory_space<vmem>>) semaphore(%arg12 : memref<!tpu.dma_semaphore, #tpu.memory_space<semaphore_mem>>)
        %dma_wait3A_207 = arith.constant 6 : i32
        %dma_wait3A_208 = arith.constant 0 : i32
        %dma_wait3A_209 = tpu.memref_slice %arg7[%dma_wait3A_207, %dma_wait3A_208] : memref<10x128xi32, #tpu.memory_space<vmem>> -> memref<1x128xi32, #tpu.memory_space<vmem>>
        %dma_wait3A_210 = tpu.memref_squeeze %dma_wait3A_209 : memref<1x128xi32, #tpu.memory_space<vmem>> -> memref<128xi32, #tpu.memory_space<vmem>>
        %dma_wait3A_211 = arith.constant 0 : i32
        %dma_wait3A_212 = arith.constant 0 : i32
        %dma_wait3A_213 = tpu.memref_slice %arg2[%dma_wait3A_211, %dma_wait3A_212] : memref<10000x128xf32, #tpu.memory_space<hbm>> -> memref<10000x128xf32, #tpu.memory_space<hbm>>
        tpu.wait_indirect_dma semaphore(%arg11 : memref<!tpu.dma_semaphore, #tpu.memory_space<semaphore_mem>>) src(%dma_wait3A_213 : memref<10000x128xf32, #tpu.memory_space<hbm>>) dst(%arg9 : memref<128x128xf32, #tpu.memory_space<vmem>>)
        %dma_start3A_214 = arith.constant 6 : i32
        %dma_start3A_215 = arith.constant 0 : i32
        %dma_start3A_216 = tpu.memref_slice %arg8[%dma_start3A_214, %dma_start3A_215] : memref<10x128xi32, #tpu.memory_space<vmem>> -> memref<1x128xi32, #tpu.memory_space<vmem>>
        %dma_start3A_217 = tpu.memref_squeeze %dma_start3A_216 : memref<1x128xi32, #tpu.memory_space<vmem>> -> memref<128xi32, #tpu.memory_space<vmem>>
        %dma_start3A_218 = arith.constant 0 : i32
        %dma_start3A_219 = arith.constant 0 : i32
        %dma_start3A_220 = tpu.memref_slice %arg15[%dma_start3A_218, %dma_start3A_219] : memref<10112x128xf32, #tpu.memory_space<vmem_shared>> -> memref<10112x128xf32, #tpu.memory_space<vmem_shared>>
        tpu.enqueue_indirect_dma source(%arg9 : memref<128x128xf32, #tpu.memory_space<vmem>>) target(%dma_start3A_220 : memref<10112x128xf32, #tpu.memory_space<vmem_shared>>) offsets(%dma_start3A_217 : memref<128xi32, #tpu.memory_space<vmem>>) semaphore(%arg13 : memref<!tpu.dma_semaphore, #tpu.memory_space<semaphore_mem>>) {add = true}
        %dma_wait3A_221 = arith.constant 6 : i32
        %dma_wait3A_222 = arith.constant 0 : i32
        %dma_wait3A_223 = tpu.memref_slice %arg8[%dma_wait3A_221, %dma_wait3A_222] : memref<10x128xi32, #tpu.memory_space<vmem>> -> memref<1x128xi32, #tpu.memory_space<vmem>>
        %dma_wait3A_224 = tpu.memref_squeeze %dma_wait3A_223 : memref<1x128xi32, #tpu.memory_space<vmem>> -> memref<128xi32, #tpu.memory_space<vmem>>
        %dma_wait3A_225 = arith.constant 0 : i32
        %dma_wait3A_226 = arith.constant 0 : i32
        %dma_wait3A_227 = tpu.memref_slice %arg15[%dma_wait3A_225, %dma_wait3A_226] : memref<10112x128xf32, #tpu.memory_space<vmem_shared>> -> memref<10112x128xf32, #tpu.memory_space<vmem_shared>>
        tpu.wait_indirect_dma semaphore(%arg13 : memref<!tpu.dma_semaphore, #tpu.memory_space<semaphore_mem>>) src(%arg9 : memref<128x128xf32, #tpu.memory_space<vmem>>) dst(%dma_wait3A_227 : memref<10112x128xf32, #tpu.memory_space<vmem_shared>>)
        %dma_start3A_228 = arith.constant 8 : i32
        %dma_start3A_229 = arith.constant 0 : i32
        %dma_start3A_230 = tpu.memref_slice %arg7[%dma_start3A_228, %dma_start3A_229] : memref<10x128xi32, #tpu.memory_space<vmem>> -> memref<1x128xi32, #tpu.memory_space<vmem>>
        %dma_start3A_231 = tpu.memref_squeeze %dma_start3A_230 : memref<1x128xi32, #tpu.memory_space<vmem>> -> memref<128xi32, #tpu.memory_space<vmem>>
        %dma_start3A_232 = arith.constant 0 : i32
        %dma_start3A_233 = arith.constant 0 : i32
        %dma_start3A_234 = tpu.memref_slice %arg2[%dma_start3A_232, %dma_start3A_233] : memref<10000x128xf32, #tpu.memory_space<hbm>> -> memref<10000x128xf32, #tpu.memory_space<hbm>>
        tpu.enqueue_indirect_dma source(%dma_start3A_234 : memref<10000x128xf32, #tpu.memory_space<hbm>>) target(%arg9 : memref<128x128xf32, #tpu.memory_space<vmem>>) offsets(%dma_start3A_231 : memref<128xi32, #tpu.memory_space<vmem>>) semaphore(%arg11 : memref<!tpu.dma_semaphore, #tpu.memory_space<semaphore_mem>>)
        %dma_wait3A_235 = arith.constant 7 : i32
        %dma_wait3A_236 = arith.constant 0 : i32
        %dma_wait3A_237 = tpu.memref_slice %arg7[%dma_wait3A_235, %dma_wait3A_236] : memref<10x128xi32, #tpu.memory_space<vmem>> -> memref<1x128xi32, #tpu.memory_space<vmem>>
        %dma_wait3A_238 = tpu.memref_squeeze %dma_wait3A_237 : memref<1x128xi32, #tpu.memory_space<vmem>> -> memref<128xi32, #tpu.memory_space<vmem>>
        %dma_wait3A_239 = arith.constant 0 : i32
        %dma_wait3A_240 = arith.constant 0 : i32
        %dma_wait3A_241 = tpu.memref_slice %arg2[%dma_wait3A_239, %dma_wait3A_240] : memref<10000x128xf32, #tpu.memory_space<hbm>> -> memref<10000x128xf32, #tpu.memory_space<hbm>>
        tpu.wait_indirect_dma semaphore(%arg12 : memref<!tpu.dma_semaphore, #tpu.memory_space<semaphore_mem>>) src(%dma_wait3A_241 : memref<10000x128xf32, #tpu.memory_space<hbm>>) dst(%arg10 : memref<128x128xf32, #tpu.memory_space<vmem>>)
        %dma_start3A_242 = arith.constant 7 : i32
        %dma_start3A_243 = arith.constant 0 : i32
        %dma_start3A_244 = tpu.memref_slice %arg8[%dma_start3A_242, %dma_start3A_243] : memref<10x128xi32, #tpu.memory_space<vmem>> -> memref<1x128xi32, #tpu.memory_space<vmem>>
        %dma_start3A_245 = tpu.memref_squeeze %dma_start3A_244 : memref<1x128xi32, #tpu.memory_space<vmem>> -> memref<128xi32, #tpu.memory_space<vmem>>
        %dma_start3A_246 = arith.constant 0 : i32
        %dma_start3A_247 = arith.constant 0 : i32
        %dma_start3A_248 = tpu.memref_slice %arg15[%dma_start3A_246, %dma_start3A_247] : memref<10112x128xf32, #tpu.memory_space<vmem_shared>> -> memref<10112x128xf32, #tpu.memory_space<vmem_shared>>
        tpu.enqueue_indirect_dma source(%arg10 : memref<128x128xf32, #tpu.memory_space<vmem>>) target(%dma_start3A_248 : memref<10112x128xf32, #tpu.memory_space<vmem_shared>>) offsets(%dma_start3A_245 : memref<128xi32, #tpu.memory_space<vmem>>) semaphore(%arg14 : memref<!tpu.dma_semaphore, #tpu.memory_space<semaphore_mem>>) {add = true}
        %dma_wait3A_249 = arith.constant 7 : i32
        %dma_wait3A_250 = arith.constant 0 : i32
        %dma_wait3A_251 = tpu.memref_slice %arg8[%dma_wait3A_249, %dma_wait3A_250] : memref<10x128xi32, #tpu.memory_space<vmem>> -> memref<1x128xi32, #tpu.memory_space<vmem>>
        %dma_wait3A_252 = tpu.memref_squeeze %dma_wait3A_251 : memref<1x128xi32, #tpu.memory_space<vmem>> -> memref<128xi32, #tpu.memory_space<vmem>>
        %dma_wait3A_253 = arith.constant 0 : i32
        %dma_wait3A_254 = arith.constant 0 : i32
        %dma_wait3A_255 = tpu.memref_slice %arg15[%dma_wait3A_253, %dma_wait3A_254] : memref<10112x128xf32, #tpu.memory_space<vmem_shared>> -> memref<10112x128xf32, #tpu.memory_space<vmem_shared>>
        tpu.wait_indirect_dma semaphore(%arg14 : memref<!tpu.dma_semaphore, #tpu.memory_space<semaphore_mem>>) src(%arg10 : memref<128x128xf32, #tpu.memory_space<vmem>>) dst(%dma_wait3A_255 : memref<10112x128xf32, #tpu.memory_space<vmem_shared>>)
        %dma_start3A_256 = arith.constant 9 : i32
        %dma_start3A_257 = arith.constant 0 : i32
        %dma_start3A_258 = tpu.memref_slice %arg7[%dma_start3A_256, %dma_start3A_257] : memref<10x128xi32, #tpu.memory_space<vmem>> -> memref<1x128xi32, #tpu.memory_space<vmem>>
        %dma_start3A_259 = tpu.memref_squeeze %dma_start3A_258 : memref<1x128xi32, #tpu.memory_space<vmem>> -> memref<128xi32, #tpu.memory_space<vmem>>
        %dma_start3A_260 = arith.constant 0 : i32
        %dma_start3A_261 = arith.constant 0 : i32
        %dma_start3A_262 = tpu.memref_slice %arg2[%dma_start3A_260, %dma_start3A_261] : memref<10000x128xf32, #tpu.memory_space<hbm>> -> memref<10000x128xf32, #tpu.memory_space<hbm>>
        tpu.enqueue_indirect_dma source(%dma_start3A_262 : memref<10000x128xf32, #tpu.memory_space<hbm>>) target(%arg10 : memref<128x128xf32, #tpu.memory_space<vmem>>) offsets(%dma_start3A_259 : memref<128xi32, #tpu.memory_space<vmem>>) semaphore(%arg12 : memref<!tpu.dma_semaphore, #tpu.memory_space<semaphore_mem>>)
        %dma_wait3A_263 = arith.constant 8 : i32
        %dma_wait3A_264 = arith.constant 0 : i32
        %dma_wait3A_265 = tpu.memref_slice %arg7[%dma_wait3A_263, %dma_wait3A_264] : memref<10x128xi32, #tpu.memory_space<vmem>> -> memref<1x128xi32, #tpu.memory_space<vmem>>
        %dma_wait3A_266 = tpu.memref_squeeze %dma_wait3A_265 : memref<1x128xi32, #tpu.memory_space<vmem>> -> memref<128xi32, #tpu.memory_space<vmem>>
        %dma_wait3A_267 = arith.constant 0 : i32
        %dma_wait3A_268 = arith.constant 0 : i32
        %dma_wait3A_269 = tpu.memref_slice %arg2[%dma_wait3A_267, %dma_wait3A_268] : memref<10000x128xf32, #tpu.memory_space<hbm>> -> memref<10000x128xf32, #tpu.memory_space<hbm>>
        tpu.wait_indirect_dma semaphore(%arg11 : memref<!tpu.dma_semaphore, #tpu.memory_space<semaphore_mem>>) src(%dma_wait3A_269 : memref<10000x128xf32, #tpu.memory_space<hbm>>) dst(%arg9 : memref<128x128xf32, #tpu.memory_space<vmem>>)
        %dma_start3A_270 = arith.constant 8 : i32
        %dma_start3A_271 = arith.constant 0 : i32
        %dma_start3A_272 = tpu.memref_slice %arg8[%dma_start3A_270, %dma_start3A_271] : memref<10x128xi32, #tpu.memory_space<vmem>> -> memref<1x128xi32, #tpu.memory_space<vmem>>
        %dma_start3A_273 = tpu.memref_squeeze %dma_start3A_272 : memref<1x128xi32, #tpu.memory_space<vmem>> -> memref<128xi32, #tpu.memory_space<vmem>>
        %dma_start3A_274 = arith.constant 0 : i32
        %dma_start3A_275 = arith.constant 0 : i32
        %dma_start3A_276 = tpu.memref_slice %arg15[%dma_start3A_274, %dma_start3A_275] : memref<10112x128xf32, #tpu.memory_space<vmem_shared>> -> memref<10112x128xf32, #tpu.memory_space<vmem_shared>>
        tpu.enqueue_indirect_dma source(%arg9 : memref<128x128xf32, #tpu.memory_space<vmem>>) target(%dma_start3A_276 : memref<10112x128xf32, #tpu.memory_space<vmem_shared>>) offsets(%dma_start3A_273 : memref<128xi32, #tpu.memory_space<vmem>>) semaphore(%arg13 : memref<!tpu.dma_semaphore, #tpu.memory_space<semaphore_mem>>) {add = true}
        %dma_wait3A_277 = arith.constant 8 : i32
        %dma_wait3A_278 = arith.constant 0 : i32
        %dma_wait3A_279 = tpu.memref_slice %arg8[%dma_wait3A_277, %dma_wait3A_278] : memref<10x128xi32, #tpu.memory_space<vmem>> -> memref<1x128xi32, #tpu.memory_space<vmem>>
        %dma_wait3A_280 = tpu.memref_squeeze %dma_wait3A_279 : memref<1x128xi32, #tpu.memory_space<vmem>> -> memref<128xi32, #tpu.memory_space<vmem>>
        %dma_wait3A_281 = arith.constant 0 : i32
        %dma_wait3A_282 = arith.constant 0 : i32
        %dma_wait3A_283 = tpu.memref_slice %arg15[%dma_wait3A_281, %dma_wait3A_282] : memref<10112x128xf32, #tpu.memory_space<vmem_shared>> -> memref<10112x128xf32, #tpu.memory_space<vmem_shared>>
        tpu.wait_indirect_dma semaphore(%arg13 : memref<!tpu.dma_semaphore, #tpu.memory_space<semaphore_mem>>) src(%arg9 : memref<128x128xf32, #tpu.memory_space<vmem>>) dst(%dma_wait3A_283 : memref<10112x128xf32, #tpu.memory_space<vmem_shared>>)
        %dma_wait3A_284 = arith.constant 9 : i32
        %dma_wait3A_285 = arith.constant 0 : i32
        %dma_wait3A_286 = tpu.memref_slice %arg7[%dma_wait3A_284, %dma_wait3A_285] : memref<10x128xi32, #tpu.memory_space<vmem>> -> memref<1x128xi32, #tpu.memory_space<vmem>>
        %dma_wait3A_287 = tpu.memref_squeeze %dma_wait3A_286 : memref<1x128xi32, #tpu.memory_space<vmem>> -> memref<128xi32, #tpu.memory_space<vmem>>
        %dma_wait3A_288 = arith.constant 0 : i32
        %dma_wait3A_289 = arith.constant 0 : i32
        %dma_wait3A_290 = tpu.memref_slice %arg2[%dma_wait3A_288, %dma_wait3A_289] : memref<10000x128xf32, #tpu.memory_space<hbm>> -> memref<10000x128xf32, #tpu.memory_space<hbm>>
        tpu.wait_indirect_dma semaphore(%arg12 : memref<!tpu.dma_semaphore, #tpu.memory_space<semaphore_mem>>) src(%dma_wait3A_290 : memref<10000x128xf32, #tpu.memory_space<hbm>>) dst(%arg10 : memref<128x128xf32, #tpu.memory_space<vmem>>)
        %dma_start3A_291 = arith.constant 9 : i32
        %dma_start3A_292 = arith.constant 0 : i32
        %dma_start3A_293 = tpu.memref_slice %arg8[%dma_start3A_291, %dma_start3A_292] : memref<10x128xi32, #tpu.memory_space<vmem>> -> memref<1x128xi32, #tpu.memory_space<vmem>>
        %dma_start3A_294 = tpu.memref_squeeze %dma_start3A_293 : memref<1x128xi32, #tpu.memory_space<vmem>> -> memref<128xi32, #tpu.memory_space<vmem>>
        %dma_start3A_295 = arith.constant 0 : i32
        %dma_start3A_296 = arith.constant 0 : i32
        %dma_start3A_297 = tpu.memref_slice %arg15[%dma_start3A_295, %dma_start3A_296] : memref<10112x128xf32, #tpu.memory_space<vmem_shared>> -> memref<10112x128xf32, #tpu.memory_space<vmem_shared>>
        tpu.enqueue_indirect_dma source(%arg10 : memref<128x128xf32, #tpu.memory_space<vmem>>) target(%dma_start3A_297 : memref<10112x128xf32, #tpu.memory_space<vmem_shared>>) offsets(%dma_start3A_294 : memref<128xi32, #tpu.memory_space<vmem>>) semaphore(%arg14 : memref<!tpu.dma_semaphore, #tpu.memory_space<semaphore_mem>>) {add = true}
        %dma_wait3A_298 = arith.constant 9 : i32
        %dma_wait3A_299 = arith.constant 0 : i32
        %dma_wait3A_300 = tpu.memref_slice %arg8[%dma_wait3A_298, %dma_wait3A_299] : memref<10x128xi32, #tpu.memory_space<vmem>> -> memref<1x128xi32, #tpu.memory_space<vmem>>
        %dma_wait3A_301 = tpu.memref_squeeze %dma_wait3A_300 : memref<1x128xi32, #tpu.memory_space<vmem>> -> memref<128xi32, #tpu.memory_space<vmem>>
        %dma_wait3A_302 = arith.constant 0 : i32
        %dma_wait3A_303 = arith.constant 0 : i32
        %dma_wait3A_304 = tpu.memref_slice %arg15[%dma_wait3A_302, %dma_wait3A_303] : memref<10112x128xf32, #tpu.memory_space<vmem_shared>> -> memref<10112x128xf32, #tpu.memory_space<vmem_shared>>
        tpu.wait_indirect_dma semaphore(%arg14 : memref<!tpu.dma_semaphore, #tpu.memory_space<semaphore_mem>>) src(%arg10 : memref<128x128xf32, #tpu.memory_space<vmem>>) dst(%dma_wait3A_304 : memref<10112x128xf32, #tpu.memory_space<vmem_shared>>)
      }
      %scan3A_21 = arith.constant 4 : i32
    } else {
    }
    %barrier3A_12 = arith.constant 0 : index
    tpu.barrier barrier_id(%barrier3A_12)
    %mul3A_13 = arith.constant 632 : i32
    %mul3A_14 = arith.muli %arg1, %mul3A_13 : i32
    %mul3A_15 = arith.constant 632 : i32
    %mul3A_16 = arith.muli %arg1, %mul3A_15 : i32
    "tpu.region"() ({
      %run_scoped3A = tpu.sem_alloc : memref<!tpu.dma_semaphore, #tpu.memory_space<semaphore_mem>>
      %dma_start3A = arith.constant 0 : i32
      %dma_start3A_17 = tpu.memref_slice %arg6[%arg0, %mul3A_16, %dma_start3A] : memref<2x10112x128xf32, #tpu.memory_space<hbm>> -> memref<1x632x128xf32, #tpu.memory_space<hbm>>
      %dma_start3A_18 = tpu.memref_squeeze %dma_start3A_17 : memref<1x632x128xf32, #tpu.memory_space<hbm>> -> memref<632x128xf32, #tpu.memory_space<hbm>>
      %dma_start3A_19 = arith.constant 0 : i32
      %dma_start3A_20 = tpu.memref_slice %arg15[%mul3A_14, %dma_start3A_19] : memref<10112x128xf32, #tpu.memory_space<vmem_shared>> -> memref<632x128xf32, #tpu.memory_space<vmem_shared>>
      tpu.enqueue_dma source(%dma_start3A_20 : memref<632x128xf32, #tpu.memory_space<vmem_shared>>) target(%dma_start3A_18 : memref<632x128xf32, #tpu.memory_space<hbm>>) target_semaphore(%run_scoped3A : memref<!tpu.dma_semaphore, #tpu.memory_space<semaphore_mem>>)
      %dma_wait3A = arith.constant 0 : i32
      %dma_wait3A_21 = tpu.memref_slice %arg6[%arg0, %mul3A_16, %dma_wait3A] : memref<2x10112x128xf32, #tpu.memory_space<hbm>> -> memref<1x632x128xf32, #tpu.memory_space<hbm>>
      %dma_wait3A_22 = tpu.memref_squeeze %dma_wait3A_21 : memref<1x632x128xf32, #tpu.memory_space<hbm>> -> memref<632x128xf32, #tpu.memory_space<hbm>>
      %dma_wait3A_23 = arith.constant 0 : i32
      %dma_wait3A_24 = tpu.memref_slice %arg15[%mul3A_14, %dma_wait3A_23] : memref<10112x128xf32, #tpu.memory_space<vmem_shared>> -> memref<632x128xf32, #tpu.memory_space<vmem_shared>>
      tpu.wait_dma2 semaphore(%run_scoped3A : memref<!tpu.dma_semaphore, #tpu.memory_space<semaphore_mem>>) src(%dma_wait3A_24 : memref<632x128xf32, #tpu.memory_space<vmem_shared>>) dst(%dma_wait3A_22 : memref<632x128xf32, #tpu.memory_space<hbm>>)
      tpu.yield
    }) : () -> ()
    return
  }
}

#map = affine_map<(d0, d1) -> (0, 0)>
#map1 = affine_map<(d0, d1) -> (0, 0, 0)>
module attributes {stable_mosaic.version = 14 : i64} {
  func.func @_prop_body(%arg0: i32, %arg1: i32, %arg2: memref<10000x64xf32, #tpu.memory_space<hbm>>, %arg3: memref<32x120x128xi32, #tpu.memory_space<hbm>>, %arg4: memref<32x120x128xi32, #tpu.memory_space<hbm>>, %arg5: memref<10112x64xf32, #tpu.memory_space<hbm>>, %arg6: memref<2x10112x64xf32, #tpu.memory_space<hbm>>, %arg7: memref<10x128xi32, #tpu.memory_space<vmem>>, %arg8: memref<10x128xi32, #tpu.memory_space<vmem>>, %arg9: memref<128x64xf32, #tpu.memory_space<vmem>>, %arg10: memref<128x64xf32, #tpu.memory_space<vmem>>, %arg11: memref<!tpu.dma_semaphore, #tpu.memory_space<semaphore_mem>>, %arg12: memref<!tpu.dma_semaphore, #tpu.memory_space<semaphore_mem>>, %arg13: memref<!tpu.dma_semaphore, #tpu.memory_space<semaphore_mem>>, %arg14: memref<!tpu.dma_semaphore, #tpu.memory_space<semaphore_mem>>, %arg15: memref<10112x64xf32, #tpu.memory_space<vmem_shared>>) attributes {dimension_semantics = [#tpu.dimension_semantics<core_parallel>, #tpu.dimension_semantics<subcore_parallel>], iteration_bounds = array<i64: 2, 16>, scalar_prefetch = 0 : i64, scratch_operands = 9 : i64, tpu.core_type = #tpu.core_type<sc_vector_subcore>, window_params = [{transform_indices = #map}, {transform_indices = #map1}, {transform_indices = #map1}, {transform_indices = #map}, {transform_indices = #map1}]} {
    %mul3A = arith.constant 16 : i32
    %mul3A_0 = arith.muli %arg0, %mul3A : i32
    %add3A = arith.addi %mul3A_0, %arg1 : i32
    %mul3A_1 = arith.constant 632 : i32
    %mul3A_2 = arith.muli %arg1, %mul3A_1 : i32
    %mul3A_3 = arith.constant 632 : i32
    %mul3A_4 = arith.muli %arg1, %mul3A_3 : i32
    "tpu.region"() ({
      %run_scoped3A = tpu.sem_alloc : memref<!tpu.dma_semaphore, #tpu.memory_space<semaphore_mem>>
      %dma_start3A = arith.constant 0 : i32
      %dma_start3A_17 = tpu.memref_slice %arg15[%mul3A_4, %dma_start3A] : memref<10112x64xf32, #tpu.memory_space<vmem_shared>> -> memref<632x64xf32, #tpu.memory_space<vmem_shared>>
      %dma_start3A_18 = arith.constant 0 : i32
      %dma_start3A_19 = tpu.memref_slice %arg5[%mul3A_2, %dma_start3A_18] : memref<10112x64xf32, #tpu.memory_space<hbm>> -> memref<632x64xf32, #tpu.memory_space<hbm>>
      tpu.enqueue_dma source(%dma_start3A_19 : memref<632x64xf32, #tpu.memory_space<hbm>>) target(%dma_start3A_17 : memref<632x64xf32, #tpu.memory_space<vmem_shared>>) target_semaphore(%run_scoped3A : memref<!tpu.dma_semaphore, #tpu.memory_space<semaphore_mem>>)
      %dma_wait3A = arith.constant 0 : i32
      %dma_wait3A_20 = tpu.memref_slice %arg15[%mul3A_4, %dma_wait3A] : memref<10112x64xf32, #tpu.memory_space<vmem_shared>> -> memref<632x64xf32, #tpu.memory_space<vmem_shared>>
      %dma_wait3A_21 = arith.constant 0 : i32
      %dma_wait3A_22 = tpu.memref_slice %arg5[%mul3A_2, %dma_wait3A_21] : memref<10112x64xf32, #tpu.memory_space<hbm>> -> memref<632x64xf32, #tpu.memory_space<hbm>>
      tpu.wait_dma2 semaphore(%run_scoped3A : memref<!tpu.dma_semaphore, #tpu.memory_space<semaphore_mem>>) src(%dma_wait3A_22 : memref<632x64xf32, #tpu.memory_space<hbm>>) dst(%dma_wait3A_20 : memref<632x64xf32, #tpu.memory_space<vmem_shared>>)
      tpu.yield
    }) : () -> ()
    %barrier3A = arith.constant 0 : index
    tpu.barrier barrier_id(%barrier3A)
    %eq3A = arith.constant 0 : i32
    %eq3A_5 = arith.cmpi eq, %arg0, %eq3A : i32
    %convert_element_type3A = arith.extui %eq3A_5 : i1 to i32
    %cond3A = arith.constant 0 : i32
    %cond3A_6 = arith.cmpi ne, %convert_element_type3A, %cond3A : i32
    scf.if %cond3A_6 {
      %scan3A = arith.constant 0 : i32
      %scan3A_17 = arith.constant 0 : i32
      %scan3A_18 = arith.constant 12 : i32
      %scan3A_19 = arith.addi %scan3A_17, %scan3A_18 : i32
      %scan3A_20 = arith.constant 1 : i32
      scf.for %scan3A_22 = %scan3A_17 to %scan3A_19 step %scan3A_20  : i32 {
        %mul3A_23 = arith.constant 10 : i32
        %mul3A_24 = arith.muli %scan3A_22, %mul3A_23 : i32
        "tpu.region"() ({
          %run_scoped3A = tpu.sem_alloc : memref<!tpu.dma_semaphore, #tpu.memory_space<semaphore_mem>>
          %dma_start3A_305 = arith.constant 0 : i32
          %dma_start3A_306 = tpu.memref_slice %arg3[%add3A, %mul3A_24, %dma_start3A_305] : memref<32x120x128xi32, #tpu.memory_space<hbm>> -> memref<1x10x128xi32, #tpu.memory_space<hbm>>
          %dma_start3A_307 = tpu.memref_squeeze %dma_start3A_306 : memref<1x10x128xi32, #tpu.memory_space<hbm>> -> memref<10x128xi32, #tpu.memory_space<hbm>>
          %dma_start3A_308 = arith.constant 0 : i32
          %dma_start3A_309 = tpu.memref_slice %arg3[%add3A, %mul3A_24, %dma_start3A_308] : memref<32x120x128xi32, #tpu.memory_space<hbm>> -> memref<1x10x128xi32, #tpu.memory_space<hbm>>
          %dma_start3A_310 = tpu.memref_squeeze %dma_start3A_309 : memref<1x10x128xi32, #tpu.memory_space<hbm>> -> memref<10x128xi32, #tpu.memory_space<hbm>>
          tpu.enqueue_dma source(%dma_start3A_310 : memref<10x128xi32, #tpu.memory_space<hbm>>) target(%arg7 : memref<10x128xi32, #tpu.memory_space<vmem>>) target_semaphore(%run_scoped3A : memref<!tpu.dma_semaphore, #tpu.memory_space<semaphore_mem>>)
          %dma_wait3A_311 = arith.constant 0 : i32
          %dma_wait3A_312 = tpu.memref_slice %arg3[%add3A, %mul3A_24, %dma_wait3A_311] : memref<32x120x128xi32, #tpu.memory_space<hbm>> -> memref<1x10x128xi32, #tpu.memory_space<hbm>>
          %dma_wait3A_313 = tpu.memref_squeeze %dma_wait3A_312 : memref<1x10x128xi32, #tpu.memory_space<hbm>> -> memref<10x128xi32, #tpu.memory_space<hbm>>
          %dma_wait3A_314 = arith.constant 0 : i32
          %dma_wait3A_315 = tpu.memref_slice %arg3[%add3A, %mul3A_24, %dma_wait3A_314] : memref<32x120x128xi32, #tpu.memory_space<hbm>> -> memref<1x10x128xi32, #tpu.memory_space<hbm>>
          %dma_wait3A_316 = tpu.memref_squeeze %dma_wait3A_315 : memref<1x10x128xi32, #tpu.memory_space<hbm>> -> memref<10x128xi32, #tpu.memory_space<hbm>>
          tpu.wait_dma2 semaphore(%run_scoped3A : memref<!tpu.dma_semaphore, #tpu.memory_space<semaphore_mem>>) src(%dma_wait3A_316 : memref<10x128xi32, #tpu.memory_space<hbm>>) dst(%arg7 : memref<10x128xi32, #tpu.memory_space<vmem>>)
          tpu.yield
        }) : () -> ()
        %mul3A_25 = arith.constant 10 : i32
        %mul3A_26 = arith.muli %scan3A_22, %mul3A_25 : i32
        "tpu.region"() ({
          %run_scoped3A = tpu.sem_alloc : memref<!tpu.dma_semaphore, #tpu.memory_space<semaphore_mem>>
          %dma_start3A_305 = arith.constant 0 : i32
          %dma_start3A_306 = tpu.memref_slice %arg4[%add3A, %mul3A_26, %dma_start3A_305] : memref<32x120x128xi32, #tpu.memory_space<hbm>> -> memref<1x10x128xi32, #tpu.memory_space<hbm>>
          %dma_start3A_307 = tpu.memref_squeeze %dma_start3A_306 : memref<1x10x128xi32, #tpu.memory_space<hbm>> -> memref<10x128xi32, #tpu.memory_space<hbm>>
          %dma_start3A_308 = arith.constant 0 : i32
          %dma_start3A_309 = tpu.memref_slice %arg4[%add3A, %mul3A_26, %dma_start3A_308] : memref<32x120x128xi32, #tpu.memory_space<hbm>> -> memref<1x10x128xi32, #tpu.memory_space<hbm>>
          %dma_start3A_310 = tpu.memref_squeeze %dma_start3A_309 : memref<1x10x128xi32, #tpu.memory_space<hbm>> -> memref<10x128xi32, #tpu.memory_space<hbm>>
          tpu.enqueue_dma source(%dma_start3A_310 : memref<10x128xi32, #tpu.memory_space<hbm>>) target(%arg8 : memref<10x128xi32, #tpu.memory_space<vmem>>) target_semaphore(%run_scoped3A : memref<!tpu.dma_semaphore, #tpu.memory_space<semaphore_mem>>)
          %dma_wait3A_311 = arith.constant 0 : i32
          %dma_wait3A_312 = tpu.memref_slice %arg4[%add3A, %mul3A_26, %dma_wait3A_311] : memref<32x120x128xi32, #tpu.memory_space<hbm>> -> memref<1x10x128xi32, #tpu.memory_space<hbm>>
          %dma_wait3A_313 = tpu.memref_squeeze %dma_wait3A_312 : memref<1x10x128xi32, #tpu.memory_space<hbm>> -> memref<10x128xi32, #tpu.memory_space<hbm>>
          %dma_wait3A_314 = arith.constant 0 : i32
          %dma_wait3A_315 = tpu.memref_slice %arg4[%add3A, %mul3A_26, %dma_wait3A_314] : memref<32x120x128xi32, #tpu.memory_space<hbm>> -> memref<1x10x128xi32, #tpu.memory_space<hbm>>
          %dma_wait3A_316 = tpu.memref_squeeze %dma_wait3A_315 : memref<1x10x128xi32, #tpu.memory_space<hbm>> -> memref<10x128xi32, #tpu.memory_space<hbm>>
          tpu.wait_dma2 semaphore(%run_scoped3A : memref<!tpu.dma_semaphore, #tpu.memory_space<semaphore_mem>>) src(%dma_wait3A_316 : memref<10x128xi32, #tpu.memory_space<hbm>>) dst(%arg8 : memref<10x128xi32, #tpu.memory_space<vmem>>)
          tpu.yield
        }) : () -> ()
        %dma_start3A = arith.constant 0 : i32
        %dma_start3A_27 = arith.constant 0 : i32
        %dma_start3A_28 = tpu.memref_slice %arg7[%dma_start3A, %dma_start3A_27] : memref<10x128xi32, #tpu.memory_space<vmem>> -> memref<1x128xi32, #tpu.memory_space<vmem>>
        %dma_start3A_29 = tpu.memref_squeeze %dma_start3A_28 : memref<1x128xi32, #tpu.memory_space<vmem>> -> memref<128xi32, #tpu.memory_space<vmem>>
        %dma_start3A_30 = arith.constant 0 : i32
        %dma_start3A_31 = arith.constant 0 : i32
        %dma_start3A_32 = tpu.memref_slice %arg2[%dma_start3A_30, %dma_start3A_31] : memref<10000x64xf32, #tpu.memory_space<hbm>> -> memref<10000x64xf32, #tpu.memory_space<hbm>>
        tpu.enqueue_indirect_dma source(%dma_start3A_32 : memref<10000x64xf32, #tpu.memory_space<hbm>>) target(%arg9 : memref<128x64xf32, #tpu.memory_space<vmem>>) offsets(%dma_start3A_29 : memref<128xi32, #tpu.memory_space<vmem>>) semaphore(%arg11 : memref<!tpu.dma_semaphore, #tpu.memory_space<semaphore_mem>>)
        %dma_start3A_33 = arith.constant 1 : i32
        %dma_start3A_34 = arith.constant 0 : i32
        %dma_start3A_35 = tpu.memref_slice %arg7[%dma_start3A_33, %dma_start3A_34] : memref<10x128xi32, #tpu.memory_space<vmem>> -> memref<1x128xi32, #tpu.memory_space<vmem>>
        %dma_start3A_36 = tpu.memref_squeeze %dma_start3A_35 : memref<1x128xi32, #tpu.memory_space<vmem>> -> memref<128xi32, #tpu.memory_space<vmem>>
        %dma_start3A_37 = arith.constant 0 : i32
        %dma_start3A_38 = arith.constant 0 : i32
        %dma_start3A_39 = tpu.memref_slice %arg2[%dma_start3A_37, %dma_start3A_38] : memref<10000x64xf32, #tpu.memory_space<hbm>> -> memref<10000x64xf32, #tpu.memory_space<hbm>>
        tpu.enqueue_indirect_dma source(%dma_start3A_39 : memref<10000x64xf32, #tpu.memory_space<hbm>>) target(%arg10 : memref<128x64xf32, #tpu.memory_space<vmem>>) offsets(%dma_start3A_36 : memref<128xi32, #tpu.memory_space<vmem>>) semaphore(%arg12 : memref<!tpu.dma_semaphore, #tpu.memory_space<semaphore_mem>>)
        %dma_wait3A = arith.constant 0 : i32
        %dma_wait3A_40 = arith.constant 0 : i32
        %dma_wait3A_41 = tpu.memref_slice %arg7[%dma_wait3A, %dma_wait3A_40] : memref<10x128xi32, #tpu.memory_space<vmem>> -> memref<1x128xi32, #tpu.memory_space<vmem>>
        %dma_wait3A_42 = tpu.memref_squeeze %dma_wait3A_41 : memref<1x128xi32, #tpu.memory_space<vmem>> -> memref<128xi32, #tpu.memory_space<vmem>>
        %dma_wait3A_43 = arith.constant 0 : i32
        %dma_wait3A_44 = arith.constant 0 : i32
        %dma_wait3A_45 = tpu.memref_slice %arg2[%dma_wait3A_43, %dma_wait3A_44] : memref<10000x64xf32, #tpu.memory_space<hbm>> -> memref<10000x64xf32, #tpu.memory_space<hbm>>
        tpu.wait_indirect_dma semaphore(%arg11 : memref<!tpu.dma_semaphore, #tpu.memory_space<semaphore_mem>>) src(%dma_wait3A_45 : memref<10000x64xf32, #tpu.memory_space<hbm>>) dst(%arg9 : memref<128x64xf32, #tpu.memory_space<vmem>>)
        %dma_start3A_46 = arith.constant 0 : i32
        %dma_start3A_47 = arith.constant 0 : i32
        %dma_start3A_48 = tpu.memref_slice %arg8[%dma_start3A_46, %dma_start3A_47] : memref<10x128xi32, #tpu.memory_space<vmem>> -> memref<1x128xi32, #tpu.memory_space<vmem>>
        %dma_start3A_49 = tpu.memref_squeeze %dma_start3A_48 : memref<1x128xi32, #tpu.memory_space<vmem>> -> memref<128xi32, #tpu.memory_space<vmem>>
        %dma_start3A_50 = arith.constant 0 : i32
        %dma_start3A_51 = arith.constant 0 : i32
        %dma_start3A_52 = tpu.memref_slice %arg15[%dma_start3A_50, %dma_start3A_51] : memref<10112x64xf32, #tpu.memory_space<vmem_shared>> -> memref<10112x64xf32, #tpu.memory_space<vmem_shared>>
        tpu.enqueue_indirect_dma source(%arg9 : memref<128x64xf32, #tpu.memory_space<vmem>>) target(%dma_start3A_52 : memref<10112x64xf32, #tpu.memory_space<vmem_shared>>) offsets(%dma_start3A_49 : memref<128xi32, #tpu.memory_space<vmem>>) semaphore(%arg13 : memref<!tpu.dma_semaphore, #tpu.memory_space<semaphore_mem>>) {add = true}
        %dma_wait3A_53 = arith.constant 0 : i32
        %dma_wait3A_54 = arith.constant 0 : i32
        %dma_wait3A_55 = tpu.memref_slice %arg8[%dma_wait3A_53, %dma_wait3A_54] : memref<10x128xi32, #tpu.memory_space<vmem>> -> memref<1x128xi32, #tpu.memory_space<vmem>>
        %dma_wait3A_56 = tpu.memref_squeeze %dma_wait3A_55 : memref<1x128xi32, #tpu.memory_space<vmem>> -> memref<128xi32, #tpu.memory_space<vmem>>
        %dma_wait3A_57 = arith.constant 0 : i32
        %dma_wait3A_58 = arith.constant 0 : i32
        %dma_wait3A_59 = tpu.memref_slice %arg15[%dma_wait3A_57, %dma_wait3A_58] : memref<10112x64xf32, #tpu.memory_space<vmem_shared>> -> memref<10112x64xf32, #tpu.memory_space<vmem_shared>>
        tpu.wait_indirect_dma semaphore(%arg13 : memref<!tpu.dma_semaphore, #tpu.memory_space<semaphore_mem>>) src(%arg9 : memref<128x64xf32, #tpu.memory_space<vmem>>) dst(%dma_wait3A_59 : memref<10112x64xf32, #tpu.memory_space<vmem_shared>>)
        %dma_start3A_60 = arith.constant 2 : i32
        %dma_start3A_61 = arith.constant 0 : i32
        %dma_start3A_62 = tpu.memref_slice %arg7[%dma_start3A_60, %dma_start3A_61] : memref<10x128xi32, #tpu.memory_space<vmem>> -> memref<1x128xi32, #tpu.memory_space<vmem>>
        %dma_start3A_63 = tpu.memref_squeeze %dma_start3A_62 : memref<1x128xi32, #tpu.memory_space<vmem>> -> memref<128xi32, #tpu.memory_space<vmem>>
        %dma_start3A_64 = arith.constant 0 : i32
        %dma_start3A_65 = arith.constant 0 : i32
        %dma_start3A_66 = tpu.memref_slice %arg2[%dma_start3A_64, %dma_start3A_65] : memref<10000x64xf32, #tpu.memory_space<hbm>> -> memref<10000x64xf32, #tpu.memory_space<hbm>>
        tpu.enqueue_indirect_dma source(%dma_start3A_66 : memref<10000x64xf32, #tpu.memory_space<hbm>>) target(%arg9 : memref<128x64xf32, #tpu.memory_space<vmem>>) offsets(%dma_start3A_63 : memref<128xi32, #tpu.memory_space<vmem>>) semaphore(%arg11 : memref<!tpu.dma_semaphore, #tpu.memory_space<semaphore_mem>>)
        %dma_wait3A_67 = arith.constant 1 : i32
        %dma_wait3A_68 = arith.constant 0 : i32
        %dma_wait3A_69 = tpu.memref_slice %arg7[%dma_wait3A_67, %dma_wait3A_68] : memref<10x128xi32, #tpu.memory_space<vmem>> -> memref<1x128xi32, #tpu.memory_space<vmem>>
        %dma_wait3A_70 = tpu.memref_squeeze %dma_wait3A_69 : memref<1x128xi32, #tpu.memory_space<vmem>> -> memref<128xi32, #tpu.memory_space<vmem>>
        %dma_wait3A_71 = arith.constant 0 : i32
        %dma_wait3A_72 = arith.constant 0 : i32
        %dma_wait3A_73 = tpu.memref_slice %arg2[%dma_wait3A_71, %dma_wait3A_72] : memref<10000x64xf32, #tpu.memory_space<hbm>> -> memref<10000x64xf32, #tpu.memory_space<hbm>>
        tpu.wait_indirect_dma semaphore(%arg12 : memref<!tpu.dma_semaphore, #tpu.memory_space<semaphore_mem>>) src(%dma_wait3A_73 : memref<10000x64xf32, #tpu.memory_space<hbm>>) dst(%arg10 : memref<128x64xf32, #tpu.memory_space<vmem>>)
        %dma_start3A_74 = arith.constant 1 : i32
        %dma_start3A_75 = arith.constant 0 : i32
        %dma_start3A_76 = tpu.memref_slice %arg8[%dma_start3A_74, %dma_start3A_75] : memref<10x128xi32, #tpu.memory_space<vmem>> -> memref<1x128xi32, #tpu.memory_space<vmem>>
        %dma_start3A_77 = tpu.memref_squeeze %dma_start3A_76 : memref<1x128xi32, #tpu.memory_space<vmem>> -> memref<128xi32, #tpu.memory_space<vmem>>
        %dma_start3A_78 = arith.constant 0 : i32
        %dma_start3A_79 = arith.constant 0 : i32
        %dma_start3A_80 = tpu.memref_slice %arg15[%dma_start3A_78, %dma_start3A_79] : memref<10112x64xf32, #tpu.memory_space<vmem_shared>> -> memref<10112x64xf32, #tpu.memory_space<vmem_shared>>
        tpu.enqueue_indirect_dma source(%arg10 : memref<128x64xf32, #tpu.memory_space<vmem>>) target(%dma_start3A_80 : memref<10112x64xf32, #tpu.memory_space<vmem_shared>>) offsets(%dma_start3A_77 : memref<128xi32, #tpu.memory_space<vmem>>) semaphore(%arg14 : memref<!tpu.dma_semaphore, #tpu.memory_space<semaphore_mem>>) {add = true}
        %dma_wait3A_81 = arith.constant 1 : i32
        %dma_wait3A_82 = arith.constant 0 : i32
        %dma_wait3A_83 = tpu.memref_slice %arg8[%dma_wait3A_81, %dma_wait3A_82] : memref<10x128xi32, #tpu.memory_space<vmem>> -> memref<1x128xi32, #tpu.memory_space<vmem>>
        %dma_wait3A_84 = tpu.memref_squeeze %dma_wait3A_83 : memref<1x128xi32, #tpu.memory_space<vmem>> -> memref<128xi32, #tpu.memory_space<vmem>>
        %dma_wait3A_85 = arith.constant 0 : i32
        %dma_wait3A_86 = arith.constant 0 : i32
        %dma_wait3A_87 = tpu.memref_slice %arg15[%dma_wait3A_85, %dma_wait3A_86] : memref<10112x64xf32, #tpu.memory_space<vmem_shared>> -> memref<10112x64xf32, #tpu.memory_space<vmem_shared>>
        tpu.wait_indirect_dma semaphore(%arg14 : memref<!tpu.dma_semaphore, #tpu.memory_space<semaphore_mem>>) src(%arg10 : memref<128x64xf32, #tpu.memory_space<vmem>>) dst(%dma_wait3A_87 : memref<10112x64xf32, #tpu.memory_space<vmem_shared>>)
        %dma_start3A_88 = arith.constant 3 : i32
        %dma_start3A_89 = arith.constant 0 : i32
        %dma_start3A_90 = tpu.memref_slice %arg7[%dma_start3A_88, %dma_start3A_89] : memref<10x128xi32, #tpu.memory_space<vmem>> -> memref<1x128xi32, #tpu.memory_space<vmem>>
        %dma_start3A_91 = tpu.memref_squeeze %dma_start3A_90 : memref<1x128xi32, #tpu.memory_space<vmem>> -> memref<128xi32, #tpu.memory_space<vmem>>
        %dma_start3A_92 = arith.constant 0 : i32
        %dma_start3A_93 = arith.constant 0 : i32
        %dma_start3A_94 = tpu.memref_slice %arg2[%dma_start3A_92, %dma_start3A_93] : memref<10000x64xf32, #tpu.memory_space<hbm>> -> memref<10000x64xf32, #tpu.memory_space<hbm>>
        tpu.enqueue_indirect_dma source(%dma_start3A_94 : memref<10000x64xf32, #tpu.memory_space<hbm>>) target(%arg10 : memref<128x64xf32, #tpu.memory_space<vmem>>) offsets(%dma_start3A_91 : memref<128xi32, #tpu.memory_space<vmem>>) semaphore(%arg12 : memref<!tpu.dma_semaphore, #tpu.memory_space<semaphore_mem>>)
        %dma_wait3A_95 = arith.constant 2 : i32
        %dma_wait3A_96 = arith.constant 0 : i32
        %dma_wait3A_97 = tpu.memref_slice %arg7[%dma_wait3A_95, %dma_wait3A_96] : memref<10x128xi32, #tpu.memory_space<vmem>> -> memref<1x128xi32, #tpu.memory_space<vmem>>
        %dma_wait3A_98 = tpu.memref_squeeze %dma_wait3A_97 : memref<1x128xi32, #tpu.memory_space<vmem>> -> memref<128xi32, #tpu.memory_space<vmem>>
        %dma_wait3A_99 = arith.constant 0 : i32
        %dma_wait3A_100 = arith.constant 0 : i32
        %dma_wait3A_101 = tpu.memref_slice %arg2[%dma_wait3A_99, %dma_wait3A_100] : memref<10000x64xf32, #tpu.memory_space<hbm>> -> memref<10000x64xf32, #tpu.memory_space<hbm>>
        tpu.wait_indirect_dma semaphore(%arg11 : memref<!tpu.dma_semaphore, #tpu.memory_space<semaphore_mem>>) src(%dma_wait3A_101 : memref<10000x64xf32, #tpu.memory_space<hbm>>) dst(%arg9 : memref<128x64xf32, #tpu.memory_space<vmem>>)
        %dma_start3A_102 = arith.constant 2 : i32
        %dma_start3A_103 = arith.constant 0 : i32
        %dma_start3A_104 = tpu.memref_slice %arg8[%dma_start3A_102, %dma_start3A_103] : memref<10x128xi32, #tpu.memory_space<vmem>> -> memref<1x128xi32, #tpu.memory_space<vmem>>
        %dma_start3A_105 = tpu.memref_squeeze %dma_start3A_104 : memref<1x128xi32, #tpu.memory_space<vmem>> -> memref<128xi32, #tpu.memory_space<vmem>>
        %dma_start3A_106 = arith.constant 0 : i32
        %dma_start3A_107 = arith.constant 0 : i32
        %dma_start3A_108 = tpu.memref_slice %arg15[%dma_start3A_106, %dma_start3A_107] : memref<10112x64xf32, #tpu.memory_space<vmem_shared>> -> memref<10112x64xf32, #tpu.memory_space<vmem_shared>>
        tpu.enqueue_indirect_dma source(%arg9 : memref<128x64xf32, #tpu.memory_space<vmem>>) target(%dma_start3A_108 : memref<10112x64xf32, #tpu.memory_space<vmem_shared>>) offsets(%dma_start3A_105 : memref<128xi32, #tpu.memory_space<vmem>>) semaphore(%arg13 : memref<!tpu.dma_semaphore, #tpu.memory_space<semaphore_mem>>) {add = true}
        %dma_wait3A_109 = arith.constant 2 : i32
        %dma_wait3A_110 = arith.constant 0 : i32
        %dma_wait3A_111 = tpu.memref_slice %arg8[%dma_wait3A_109, %dma_wait3A_110] : memref<10x128xi32, #tpu.memory_space<vmem>> -> memref<1x128xi32, #tpu.memory_space<vmem>>
        %dma_wait3A_112 = tpu.memref_squeeze %dma_wait3A_111 : memref<1x128xi32, #tpu.memory_space<vmem>> -> memref<128xi32, #tpu.memory_space<vmem>>
        %dma_wait3A_113 = arith.constant 0 : i32
        %dma_wait3A_114 = arith.constant 0 : i32
        %dma_wait3A_115 = tpu.memref_slice %arg15[%dma_wait3A_113, %dma_wait3A_114] : memref<10112x64xf32, #tpu.memory_space<vmem_shared>> -> memref<10112x64xf32, #tpu.memory_space<vmem_shared>>
        tpu.wait_indirect_dma semaphore(%arg13 : memref<!tpu.dma_semaphore, #tpu.memory_space<semaphore_mem>>) src(%arg9 : memref<128x64xf32, #tpu.memory_space<vmem>>) dst(%dma_wait3A_115 : memref<10112x64xf32, #tpu.memory_space<vmem_shared>>)
        %dma_start3A_116 = arith.constant 4 : i32
        %dma_start3A_117 = arith.constant 0 : i32
        %dma_start3A_118 = tpu.memref_slice %arg7[%dma_start3A_116, %dma_start3A_117] : memref<10x128xi32, #tpu.memory_space<vmem>> -> memref<1x128xi32, #tpu.memory_space<vmem>>
        %dma_start3A_119 = tpu.memref_squeeze %dma_start3A_118 : memref<1x128xi32, #tpu.memory_space<vmem>> -> memref<128xi32, #tpu.memory_space<vmem>>
        %dma_start3A_120 = arith.constant 0 : i32
        %dma_start3A_121 = arith.constant 0 : i32
        %dma_start3A_122 = tpu.memref_slice %arg2[%dma_start3A_120, %dma_start3A_121] : memref<10000x64xf32, #tpu.memory_space<hbm>> -> memref<10000x64xf32, #tpu.memory_space<hbm>>
        tpu.enqueue_indirect_dma source(%dma_start3A_122 : memref<10000x64xf32, #tpu.memory_space<hbm>>) target(%arg9 : memref<128x64xf32, #tpu.memory_space<vmem>>) offsets(%dma_start3A_119 : memref<128xi32, #tpu.memory_space<vmem>>) semaphore(%arg11 : memref<!tpu.dma_semaphore, #tpu.memory_space<semaphore_mem>>)
        %dma_wait3A_123 = arith.constant 3 : i32
        %dma_wait3A_124 = arith.constant 0 : i32
        %dma_wait3A_125 = tpu.memref_slice %arg7[%dma_wait3A_123, %dma_wait3A_124] : memref<10x128xi32, #tpu.memory_space<vmem>> -> memref<1x128xi32, #tpu.memory_space<vmem>>
        %dma_wait3A_126 = tpu.memref_squeeze %dma_wait3A_125 : memref<1x128xi32, #tpu.memory_space<vmem>> -> memref<128xi32, #tpu.memory_space<vmem>>
        %dma_wait3A_127 = arith.constant 0 : i32
        %dma_wait3A_128 = arith.constant 0 : i32
        %dma_wait3A_129 = tpu.memref_slice %arg2[%dma_wait3A_127, %dma_wait3A_128] : memref<10000x64xf32, #tpu.memory_space<hbm>> -> memref<10000x64xf32, #tpu.memory_space<hbm>>
        tpu.wait_indirect_dma semaphore(%arg12 : memref<!tpu.dma_semaphore, #tpu.memory_space<semaphore_mem>>) src(%dma_wait3A_129 : memref<10000x64xf32, #tpu.memory_space<hbm>>) dst(%arg10 : memref<128x64xf32, #tpu.memory_space<vmem>>)
        %dma_start3A_130 = arith.constant 3 : i32
        %dma_start3A_131 = arith.constant 0 : i32
        %dma_start3A_132 = tpu.memref_slice %arg8[%dma_start3A_130, %dma_start3A_131] : memref<10x128xi32, #tpu.memory_space<vmem>> -> memref<1x128xi32, #tpu.memory_space<vmem>>
        %dma_start3A_133 = tpu.memref_squeeze %dma_start3A_132 : memref<1x128xi32, #tpu.memory_space<vmem>> -> memref<128xi32, #tpu.memory_space<vmem>>
        %dma_start3A_134 = arith.constant 0 : i32
        %dma_start3A_135 = arith.constant 0 : i32
        %dma_start3A_136 = tpu.memref_slice %arg15[%dma_start3A_134, %dma_start3A_135] : memref<10112x64xf32, #tpu.memory_space<vmem_shared>> -> memref<10112x64xf32, #tpu.memory_space<vmem_shared>>
        tpu.enqueue_indirect_dma source(%arg10 : memref<128x64xf32, #tpu.memory_space<vmem>>) target(%dma_start3A_136 : memref<10112x64xf32, #tpu.memory_space<vmem_shared>>) offsets(%dma_start3A_133 : memref<128xi32, #tpu.memory_space<vmem>>) semaphore(%arg14 : memref<!tpu.dma_semaphore, #tpu.memory_space<semaphore_mem>>) {add = true}
        %dma_wait3A_137 = arith.constant 3 : i32
        %dma_wait3A_138 = arith.constant 0 : i32
        %dma_wait3A_139 = tpu.memref_slice %arg8[%dma_wait3A_137, %dma_wait3A_138] : memref<10x128xi32, #tpu.memory_space<vmem>> -> memref<1x128xi32, #tpu.memory_space<vmem>>
        %dma_wait3A_140 = tpu.memref_squeeze %dma_wait3A_139 : memref<1x128xi32, #tpu.memory_space<vmem>> -> memref<128xi32, #tpu.memory_space<vmem>>
        %dma_wait3A_141 = arith.constant 0 : i32
        %dma_wait3A_142 = arith.constant 0 : i32
        %dma_wait3A_143 = tpu.memref_slice %arg15[%dma_wait3A_141, %dma_wait3A_142] : memref<10112x64xf32, #tpu.memory_space<vmem_shared>> -> memref<10112x64xf32, #tpu.memory_space<vmem_shared>>
        tpu.wait_indirect_dma semaphore(%arg14 : memref<!tpu.dma_semaphore, #tpu.memory_space<semaphore_mem>>) src(%arg10 : memref<128x64xf32, #tpu.memory_space<vmem>>) dst(%dma_wait3A_143 : memref<10112x64xf32, #tpu.memory_space<vmem_shared>>)
        %dma_start3A_144 = arith.constant 5 : i32
        %dma_start3A_145 = arith.constant 0 : i32
        %dma_start3A_146 = tpu.memref_slice %arg7[%dma_start3A_144, %dma_start3A_145] : memref<10x128xi32, #tpu.memory_space<vmem>> -> memref<1x128xi32, #tpu.memory_space<vmem>>
        %dma_start3A_147 = tpu.memref_squeeze %dma_start3A_146 : memref<1x128xi32, #tpu.memory_space<vmem>> -> memref<128xi32, #tpu.memory_space<vmem>>
        %dma_start3A_148 = arith.constant 0 : i32
        %dma_start3A_149 = arith.constant 0 : i32
        %dma_start3A_150 = tpu.memref_slice %arg2[%dma_start3A_148, %dma_start3A_149] : memref<10000x64xf32, #tpu.memory_space<hbm>> -> memref<10000x64xf32, #tpu.memory_space<hbm>>
        tpu.enqueue_indirect_dma source(%dma_start3A_150 : memref<10000x64xf32, #tpu.memory_space<hbm>>) target(%arg10 : memref<128x64xf32, #tpu.memory_space<vmem>>) offsets(%dma_start3A_147 : memref<128xi32, #tpu.memory_space<vmem>>) semaphore(%arg12 : memref<!tpu.dma_semaphore, #tpu.memory_space<semaphore_mem>>)
        %dma_wait3A_151 = arith.constant 4 : i32
        %dma_wait3A_152 = arith.constant 0 : i32
        %dma_wait3A_153 = tpu.memref_slice %arg7[%dma_wait3A_151, %dma_wait3A_152] : memref<10x128xi32, #tpu.memory_space<vmem>> -> memref<1x128xi32, #tpu.memory_space<vmem>>
        %dma_wait3A_154 = tpu.memref_squeeze %dma_wait3A_153 : memref<1x128xi32, #tpu.memory_space<vmem>> -> memref<128xi32, #tpu.memory_space<vmem>>
        %dma_wait3A_155 = arith.constant 0 : i32
        %dma_wait3A_156 = arith.constant 0 : i32
        %dma_wait3A_157 = tpu.memref_slice %arg2[%dma_wait3A_155, %dma_wait3A_156] : memref<10000x64xf32, #tpu.memory_space<hbm>> -> memref<10000x64xf32, #tpu.memory_space<hbm>>
        tpu.wait_indirect_dma semaphore(%arg11 : memref<!tpu.dma_semaphore, #tpu.memory_space<semaphore_mem>>) src(%dma_wait3A_157 : memref<10000x64xf32, #tpu.memory_space<hbm>>) dst(%arg9 : memref<128x64xf32, #tpu.memory_space<vmem>>)
        %dma_start3A_158 = arith.constant 4 : i32
        %dma_start3A_159 = arith.constant 0 : i32
        %dma_start3A_160 = tpu.memref_slice %arg8[%dma_start3A_158, %dma_start3A_159] : memref<10x128xi32, #tpu.memory_space<vmem>> -> memref<1x128xi32, #tpu.memory_space<vmem>>
        %dma_start3A_161 = tpu.memref_squeeze %dma_start3A_160 : memref<1x128xi32, #tpu.memory_space<vmem>> -> memref<128xi32, #tpu.memory_space<vmem>>
        %dma_start3A_162 = arith.constant 0 : i32
        %dma_start3A_163 = arith.constant 0 : i32
        %dma_start3A_164 = tpu.memref_slice %arg15[%dma_start3A_162, %dma_start3A_163] : memref<10112x64xf32, #tpu.memory_space<vmem_shared>> -> memref<10112x64xf32, #tpu.memory_space<vmem_shared>>
        tpu.enqueue_indirect_dma source(%arg9 : memref<128x64xf32, #tpu.memory_space<vmem>>) target(%dma_start3A_164 : memref<10112x64xf32, #tpu.memory_space<vmem_shared>>) offsets(%dma_start3A_161 : memref<128xi32, #tpu.memory_space<vmem>>) semaphore(%arg13 : memref<!tpu.dma_semaphore, #tpu.memory_space<semaphore_mem>>) {add = true}
        %dma_wait3A_165 = arith.constant 4 : i32
        %dma_wait3A_166 = arith.constant 0 : i32
        %dma_wait3A_167 = tpu.memref_slice %arg8[%dma_wait3A_165, %dma_wait3A_166] : memref<10x128xi32, #tpu.memory_space<vmem>> -> memref<1x128xi32, #tpu.memory_space<vmem>>
        %dma_wait3A_168 = tpu.memref_squeeze %dma_wait3A_167 : memref<1x128xi32, #tpu.memory_space<vmem>> -> memref<128xi32, #tpu.memory_space<vmem>>
        %dma_wait3A_169 = arith.constant 0 : i32
        %dma_wait3A_170 = arith.constant 0 : i32
        %dma_wait3A_171 = tpu.memref_slice %arg15[%dma_wait3A_169, %dma_wait3A_170] : memref<10112x64xf32, #tpu.memory_space<vmem_shared>> -> memref<10112x64xf32, #tpu.memory_space<vmem_shared>>
        tpu.wait_indirect_dma semaphore(%arg13 : memref<!tpu.dma_semaphore, #tpu.memory_space<semaphore_mem>>) src(%arg9 : memref<128x64xf32, #tpu.memory_space<vmem>>) dst(%dma_wait3A_171 : memref<10112x64xf32, #tpu.memory_space<vmem_shared>>)
        %dma_start3A_172 = arith.constant 6 : i32
        %dma_start3A_173 = arith.constant 0 : i32
        %dma_start3A_174 = tpu.memref_slice %arg7[%dma_start3A_172, %dma_start3A_173] : memref<10x128xi32, #tpu.memory_space<vmem>> -> memref<1x128xi32, #tpu.memory_space<vmem>>
        %dma_start3A_175 = tpu.memref_squeeze %dma_start3A_174 : memref<1x128xi32, #tpu.memory_space<vmem>> -> memref<128xi32, #tpu.memory_space<vmem>>
        %dma_start3A_176 = arith.constant 0 : i32
        %dma_start3A_177 = arith.constant 0 : i32
        %dma_start3A_178 = tpu.memref_slice %arg2[%dma_start3A_176, %dma_start3A_177] : memref<10000x64xf32, #tpu.memory_space<hbm>> -> memref<10000x64xf32, #tpu.memory_space<hbm>>
        tpu.enqueue_indirect_dma source(%dma_start3A_178 : memref<10000x64xf32, #tpu.memory_space<hbm>>) target(%arg9 : memref<128x64xf32, #tpu.memory_space<vmem>>) offsets(%dma_start3A_175 : memref<128xi32, #tpu.memory_space<vmem>>) semaphore(%arg11 : memref<!tpu.dma_semaphore, #tpu.memory_space<semaphore_mem>>)
        %dma_wait3A_179 = arith.constant 5 : i32
        %dma_wait3A_180 = arith.constant 0 : i32
        %dma_wait3A_181 = tpu.memref_slice %arg7[%dma_wait3A_179, %dma_wait3A_180] : memref<10x128xi32, #tpu.memory_space<vmem>> -> memref<1x128xi32, #tpu.memory_space<vmem>>
        %dma_wait3A_182 = tpu.memref_squeeze %dma_wait3A_181 : memref<1x128xi32, #tpu.memory_space<vmem>> -> memref<128xi32, #tpu.memory_space<vmem>>
        %dma_wait3A_183 = arith.constant 0 : i32
        %dma_wait3A_184 = arith.constant 0 : i32
        %dma_wait3A_185 = tpu.memref_slice %arg2[%dma_wait3A_183, %dma_wait3A_184] : memref<10000x64xf32, #tpu.memory_space<hbm>> -> memref<10000x64xf32, #tpu.memory_space<hbm>>
        tpu.wait_indirect_dma semaphore(%arg12 : memref<!tpu.dma_semaphore, #tpu.memory_space<semaphore_mem>>) src(%dma_wait3A_185 : memref<10000x64xf32, #tpu.memory_space<hbm>>) dst(%arg10 : memref<128x64xf32, #tpu.memory_space<vmem>>)
        %dma_start3A_186 = arith.constant 5 : i32
        %dma_start3A_187 = arith.constant 0 : i32
        %dma_start3A_188 = tpu.memref_slice %arg8[%dma_start3A_186, %dma_start3A_187] : memref<10x128xi32, #tpu.memory_space<vmem>> -> memref<1x128xi32, #tpu.memory_space<vmem>>
        %dma_start3A_189 = tpu.memref_squeeze %dma_start3A_188 : memref<1x128xi32, #tpu.memory_space<vmem>> -> memref<128xi32, #tpu.memory_space<vmem>>
        %dma_start3A_190 = arith.constant 0 : i32
        %dma_start3A_191 = arith.constant 0 : i32
        %dma_start3A_192 = tpu.memref_slice %arg15[%dma_start3A_190, %dma_start3A_191] : memref<10112x64xf32, #tpu.memory_space<vmem_shared>> -> memref<10112x64xf32, #tpu.memory_space<vmem_shared>>
        tpu.enqueue_indirect_dma source(%arg10 : memref<128x64xf32, #tpu.memory_space<vmem>>) target(%dma_start3A_192 : memref<10112x64xf32, #tpu.memory_space<vmem_shared>>) offsets(%dma_start3A_189 : memref<128xi32, #tpu.memory_space<vmem>>) semaphore(%arg14 : memref<!tpu.dma_semaphore, #tpu.memory_space<semaphore_mem>>) {add = true}
        %dma_wait3A_193 = arith.constant 5 : i32
        %dma_wait3A_194 = arith.constant 0 : i32
        %dma_wait3A_195 = tpu.memref_slice %arg8[%dma_wait3A_193, %dma_wait3A_194] : memref<10x128xi32, #tpu.memory_space<vmem>> -> memref<1x128xi32, #tpu.memory_space<vmem>>
        %dma_wait3A_196 = tpu.memref_squeeze %dma_wait3A_195 : memref<1x128xi32, #tpu.memory_space<vmem>> -> memref<128xi32, #tpu.memory_space<vmem>>
        %dma_wait3A_197 = arith.constant 0 : i32
        %dma_wait3A_198 = arith.constant 0 : i32
        %dma_wait3A_199 = tpu.memref_slice %arg15[%dma_wait3A_197, %dma_wait3A_198] : memref<10112x64xf32, #tpu.memory_space<vmem_shared>> -> memref<10112x64xf32, #tpu.memory_space<vmem_shared>>
        tpu.wait_indirect_dma semaphore(%arg14 : memref<!tpu.dma_semaphore, #tpu.memory_space<semaphore_mem>>) src(%arg10 : memref<128x64xf32, #tpu.memory_space<vmem>>) dst(%dma_wait3A_199 : memref<10112x64xf32, #tpu.memory_space<vmem_shared>>)
        %dma_start3A_200 = arith.constant 7 : i32
        %dma_start3A_201 = arith.constant 0 : i32
        %dma_start3A_202 = tpu.memref_slice %arg7[%dma_start3A_200, %dma_start3A_201] : memref<10x128xi32, #tpu.memory_space<vmem>> -> memref<1x128xi32, #tpu.memory_space<vmem>>
        %dma_start3A_203 = tpu.memref_squeeze %dma_start3A_202 : memref<1x128xi32, #tpu.memory_space<vmem>> -> memref<128xi32, #tpu.memory_space<vmem>>
        %dma_start3A_204 = arith.constant 0 : i32
        %dma_start3A_205 = arith.constant 0 : i32
        %dma_start3A_206 = tpu.memref_slice %arg2[%dma_start3A_204, %dma_start3A_205] : memref<10000x64xf32, #tpu.memory_space<hbm>> -> memref<10000x64xf32, #tpu.memory_space<hbm>>
        tpu.enqueue_indirect_dma source(%dma_start3A_206 : memref<10000x64xf32, #tpu.memory_space<hbm>>) target(%arg10 : memref<128x64xf32, #tpu.memory_space<vmem>>) offsets(%dma_start3A_203 : memref<128xi32, #tpu.memory_space<vmem>>) semaphore(%arg12 : memref<!tpu.dma_semaphore, #tpu.memory_space<semaphore_mem>>)
        %dma_wait3A_207 = arith.constant 6 : i32
        %dma_wait3A_208 = arith.constant 0 : i32
        %dma_wait3A_209 = tpu.memref_slice %arg7[%dma_wait3A_207, %dma_wait3A_208] : memref<10x128xi32, #tpu.memory_space<vmem>> -> memref<1x128xi32, #tpu.memory_space<vmem>>
        %dma_wait3A_210 = tpu.memref_squeeze %dma_wait3A_209 : memref<1x128xi32, #tpu.memory_space<vmem>> -> memref<128xi32, #tpu.memory_space<vmem>>
        %dma_wait3A_211 = arith.constant 0 : i32
        %dma_wait3A_212 = arith.constant 0 : i32
        %dma_wait3A_213 = tpu.memref_slice %arg2[%dma_wait3A_211, %dma_wait3A_212] : memref<10000x64xf32, #tpu.memory_space<hbm>> -> memref<10000x64xf32, #tpu.memory_space<hbm>>
        tpu.wait_indirect_dma semaphore(%arg11 : memref<!tpu.dma_semaphore, #tpu.memory_space<semaphore_mem>>) src(%dma_wait3A_213 : memref<10000x64xf32, #tpu.memory_space<hbm>>) dst(%arg9 : memref<128x64xf32, #tpu.memory_space<vmem>>)
        %dma_start3A_214 = arith.constant 6 : i32
        %dma_start3A_215 = arith.constant 0 : i32
        %dma_start3A_216 = tpu.memref_slice %arg8[%dma_start3A_214, %dma_start3A_215] : memref<10x128xi32, #tpu.memory_space<vmem>> -> memref<1x128xi32, #tpu.memory_space<vmem>>
        %dma_start3A_217 = tpu.memref_squeeze %dma_start3A_216 : memref<1x128xi32, #tpu.memory_space<vmem>> -> memref<128xi32, #tpu.memory_space<vmem>>
        %dma_start3A_218 = arith.constant 0 : i32
        %dma_start3A_219 = arith.constant 0 : i32
        %dma_start3A_220 = tpu.memref_slice %arg15[%dma_start3A_218, %dma_start3A_219] : memref<10112x64xf32, #tpu.memory_space<vmem_shared>> -> memref<10112x64xf32, #tpu.memory_space<vmem_shared>>
        tpu.enqueue_indirect_dma source(%arg9 : memref<128x64xf32, #tpu.memory_space<vmem>>) target(%dma_start3A_220 : memref<10112x64xf32, #tpu.memory_space<vmem_shared>>) offsets(%dma_start3A_217 : memref<128xi32, #tpu.memory_space<vmem>>) semaphore(%arg13 : memref<!tpu.dma_semaphore, #tpu.memory_space<semaphore_mem>>) {add = true}
        %dma_wait3A_221 = arith.constant 6 : i32
        %dma_wait3A_222 = arith.constant 0 : i32
        %dma_wait3A_223 = tpu.memref_slice %arg8[%dma_wait3A_221, %dma_wait3A_222] : memref<10x128xi32, #tpu.memory_space<vmem>> -> memref<1x128xi32, #tpu.memory_space<vmem>>
        %dma_wait3A_224 = tpu.memref_squeeze %dma_wait3A_223 : memref<1x128xi32, #tpu.memory_space<vmem>> -> memref<128xi32, #tpu.memory_space<vmem>>
        %dma_wait3A_225 = arith.constant 0 : i32
        %dma_wait3A_226 = arith.constant 0 : i32
        %dma_wait3A_227 = tpu.memref_slice %arg15[%dma_wait3A_225, %dma_wait3A_226] : memref<10112x64xf32, #tpu.memory_space<vmem_shared>> -> memref<10112x64xf32, #tpu.memory_space<vmem_shared>>
        tpu.wait_indirect_dma semaphore(%arg13 : memref<!tpu.dma_semaphore, #tpu.memory_space<semaphore_mem>>) src(%arg9 : memref<128x64xf32, #tpu.memory_space<vmem>>) dst(%dma_wait3A_227 : memref<10112x64xf32, #tpu.memory_space<vmem_shared>>)
        %dma_start3A_228 = arith.constant 8 : i32
        %dma_start3A_229 = arith.constant 0 : i32
        %dma_start3A_230 = tpu.memref_slice %arg7[%dma_start3A_228, %dma_start3A_229] : memref<10x128xi32, #tpu.memory_space<vmem>> -> memref<1x128xi32, #tpu.memory_space<vmem>>
        %dma_start3A_231 = tpu.memref_squeeze %dma_start3A_230 : memref<1x128xi32, #tpu.memory_space<vmem>> -> memref<128xi32, #tpu.memory_space<vmem>>
        %dma_start3A_232 = arith.constant 0 : i32
        %dma_start3A_233 = arith.constant 0 : i32
        %dma_start3A_234 = tpu.memref_slice %arg2[%dma_start3A_232, %dma_start3A_233] : memref<10000x64xf32, #tpu.memory_space<hbm>> -> memref<10000x64xf32, #tpu.memory_space<hbm>>
        tpu.enqueue_indirect_dma source(%dma_start3A_234 : memref<10000x64xf32, #tpu.memory_space<hbm>>) target(%arg9 : memref<128x64xf32, #tpu.memory_space<vmem>>) offsets(%dma_start3A_231 : memref<128xi32, #tpu.memory_space<vmem>>) semaphore(%arg11 : memref<!tpu.dma_semaphore, #tpu.memory_space<semaphore_mem>>)
        %dma_wait3A_235 = arith.constant 7 : i32
        %dma_wait3A_236 = arith.constant 0 : i32
        %dma_wait3A_237 = tpu.memref_slice %arg7[%dma_wait3A_235, %dma_wait3A_236] : memref<10x128xi32, #tpu.memory_space<vmem>> -> memref<1x128xi32, #tpu.memory_space<vmem>>
        %dma_wait3A_238 = tpu.memref_squeeze %dma_wait3A_237 : memref<1x128xi32, #tpu.memory_space<vmem>> -> memref<128xi32, #tpu.memory_space<vmem>>
        %dma_wait3A_239 = arith.constant 0 : i32
        %dma_wait3A_240 = arith.constant 0 : i32
        %dma_wait3A_241 = tpu.memref_slice %arg2[%dma_wait3A_239, %dma_wait3A_240] : memref<10000x64xf32, #tpu.memory_space<hbm>> -> memref<10000x64xf32, #tpu.memory_space<hbm>>
        tpu.wait_indirect_dma semaphore(%arg12 : memref<!tpu.dma_semaphore, #tpu.memory_space<semaphore_mem>>) src(%dma_wait3A_241 : memref<10000x64xf32, #tpu.memory_space<hbm>>) dst(%arg10 : memref<128x64xf32, #tpu.memory_space<vmem>>)
        %dma_start3A_242 = arith.constant 7 : i32
        %dma_start3A_243 = arith.constant 0 : i32
        %dma_start3A_244 = tpu.memref_slice %arg8[%dma_start3A_242, %dma_start3A_243] : memref<10x128xi32, #tpu.memory_space<vmem>> -> memref<1x128xi32, #tpu.memory_space<vmem>>
        %dma_start3A_245 = tpu.memref_squeeze %dma_start3A_244 : memref<1x128xi32, #tpu.memory_space<vmem>> -> memref<128xi32, #tpu.memory_space<vmem>>
        %dma_start3A_246 = arith.constant 0 : i32
        %dma_start3A_247 = arith.constant 0 : i32
        %dma_start3A_248 = tpu.memref_slice %arg15[%dma_start3A_246, %dma_start3A_247] : memref<10112x64xf32, #tpu.memory_space<vmem_shared>> -> memref<10112x64xf32, #tpu.memory_space<vmem_shared>>
        tpu.enqueue_indirect_dma source(%arg10 : memref<128x64xf32, #tpu.memory_space<vmem>>) target(%dma_start3A_248 : memref<10112x64xf32, #tpu.memory_space<vmem_shared>>) offsets(%dma_start3A_245 : memref<128xi32, #tpu.memory_space<vmem>>) semaphore(%arg14 : memref<!tpu.dma_semaphore, #tpu.memory_space<semaphore_mem>>) {add = true}
        %dma_wait3A_249 = arith.constant 7 : i32
        %dma_wait3A_250 = arith.constant 0 : i32
        %dma_wait3A_251 = tpu.memref_slice %arg8[%dma_wait3A_249, %dma_wait3A_250] : memref<10x128xi32, #tpu.memory_space<vmem>> -> memref<1x128xi32, #tpu.memory_space<vmem>>
        %dma_wait3A_252 = tpu.memref_squeeze %dma_wait3A_251 : memref<1x128xi32, #tpu.memory_space<vmem>> -> memref<128xi32, #tpu.memory_space<vmem>>
        %dma_wait3A_253 = arith.constant 0 : i32
        %dma_wait3A_254 = arith.constant 0 : i32
        %dma_wait3A_255 = tpu.memref_slice %arg15[%dma_wait3A_253, %dma_wait3A_254] : memref<10112x64xf32, #tpu.memory_space<vmem_shared>> -> memref<10112x64xf32, #tpu.memory_space<vmem_shared>>
        tpu.wait_indirect_dma semaphore(%arg14 : memref<!tpu.dma_semaphore, #tpu.memory_space<semaphore_mem>>) src(%arg10 : memref<128x64xf32, #tpu.memory_space<vmem>>) dst(%dma_wait3A_255 : memref<10112x64xf32, #tpu.memory_space<vmem_shared>>)
        %dma_start3A_256 = arith.constant 9 : i32
        %dma_start3A_257 = arith.constant 0 : i32
        %dma_start3A_258 = tpu.memref_slice %arg7[%dma_start3A_256, %dma_start3A_257] : memref<10x128xi32, #tpu.memory_space<vmem>> -> memref<1x128xi32, #tpu.memory_space<vmem>>
        %dma_start3A_259 = tpu.memref_squeeze %dma_start3A_258 : memref<1x128xi32, #tpu.memory_space<vmem>> -> memref<128xi32, #tpu.memory_space<vmem>>
        %dma_start3A_260 = arith.constant 0 : i32
        %dma_start3A_261 = arith.constant 0 : i32
        %dma_start3A_262 = tpu.memref_slice %arg2[%dma_start3A_260, %dma_start3A_261] : memref<10000x64xf32, #tpu.memory_space<hbm>> -> memref<10000x64xf32, #tpu.memory_space<hbm>>
        tpu.enqueue_indirect_dma source(%dma_start3A_262 : memref<10000x64xf32, #tpu.memory_space<hbm>>) target(%arg10 : memref<128x64xf32, #tpu.memory_space<vmem>>) offsets(%dma_start3A_259 : memref<128xi32, #tpu.memory_space<vmem>>) semaphore(%arg12 : memref<!tpu.dma_semaphore, #tpu.memory_space<semaphore_mem>>)
        %dma_wait3A_263 = arith.constant 8 : i32
        %dma_wait3A_264 = arith.constant 0 : i32
        %dma_wait3A_265 = tpu.memref_slice %arg7[%dma_wait3A_263, %dma_wait3A_264] : memref<10x128xi32, #tpu.memory_space<vmem>> -> memref<1x128xi32, #tpu.memory_space<vmem>>
        %dma_wait3A_266 = tpu.memref_squeeze %dma_wait3A_265 : memref<1x128xi32, #tpu.memory_space<vmem>> -> memref<128xi32, #tpu.memory_space<vmem>>
        %dma_wait3A_267 = arith.constant 0 : i32
        %dma_wait3A_268 = arith.constant 0 : i32
        %dma_wait3A_269 = tpu.memref_slice %arg2[%dma_wait3A_267, %dma_wait3A_268] : memref<10000x64xf32, #tpu.memory_space<hbm>> -> memref<10000x64xf32, #tpu.memory_space<hbm>>
        tpu.wait_indirect_dma semaphore(%arg11 : memref<!tpu.dma_semaphore, #tpu.memory_space<semaphore_mem>>) src(%dma_wait3A_269 : memref<10000x64xf32, #tpu.memory_space<hbm>>) dst(%arg9 : memref<128x64xf32, #tpu.memory_space<vmem>>)
        %dma_start3A_270 = arith.constant 8 : i32
        %dma_start3A_271 = arith.constant 0 : i32
        %dma_start3A_272 = tpu.memref_slice %arg8[%dma_start3A_270, %dma_start3A_271] : memref<10x128xi32, #tpu.memory_space<vmem>> -> memref<1x128xi32, #tpu.memory_space<vmem>>
        %dma_start3A_273 = tpu.memref_squeeze %dma_start3A_272 : memref<1x128xi32, #tpu.memory_space<vmem>> -> memref<128xi32, #tpu.memory_space<vmem>>
        %dma_start3A_274 = arith.constant 0 : i32
        %dma_start3A_275 = arith.constant 0 : i32
        %dma_start3A_276 = tpu.memref_slice %arg15[%dma_start3A_274, %dma_start3A_275] : memref<10112x64xf32, #tpu.memory_space<vmem_shared>> -> memref<10112x64xf32, #tpu.memory_space<vmem_shared>>
        tpu.enqueue_indirect_dma source(%arg9 : memref<128x64xf32, #tpu.memory_space<vmem>>) target(%dma_start3A_276 : memref<10112x64xf32, #tpu.memory_space<vmem_shared>>) offsets(%dma_start3A_273 : memref<128xi32, #tpu.memory_space<vmem>>) semaphore(%arg13 : memref<!tpu.dma_semaphore, #tpu.memory_space<semaphore_mem>>) {add = true}
        %dma_wait3A_277 = arith.constant 8 : i32
        %dma_wait3A_278 = arith.constant 0 : i32
        %dma_wait3A_279 = tpu.memref_slice %arg8[%dma_wait3A_277, %dma_wait3A_278] : memref<10x128xi32, #tpu.memory_space<vmem>> -> memref<1x128xi32, #tpu.memory_space<vmem>>
        %dma_wait3A_280 = tpu.memref_squeeze %dma_wait3A_279 : memref<1x128xi32, #tpu.memory_space<vmem>> -> memref<128xi32, #tpu.memory_space<vmem>>
        %dma_wait3A_281 = arith.constant 0 : i32
        %dma_wait3A_282 = arith.constant 0 : i32
        %dma_wait3A_283 = tpu.memref_slice %arg15[%dma_wait3A_281, %dma_wait3A_282] : memref<10112x64xf32, #tpu.memory_space<vmem_shared>> -> memref<10112x64xf32, #tpu.memory_space<vmem_shared>>
        tpu.wait_indirect_dma semaphore(%arg13 : memref<!tpu.dma_semaphore, #tpu.memory_space<semaphore_mem>>) src(%arg9 : memref<128x64xf32, #tpu.memory_space<vmem>>) dst(%dma_wait3A_283 : memref<10112x64xf32, #tpu.memory_space<vmem_shared>>)
        %dma_wait3A_284 = arith.constant 9 : i32
        %dma_wait3A_285 = arith.constant 0 : i32
        %dma_wait3A_286 = tpu.memref_slice %arg7[%dma_wait3A_284, %dma_wait3A_285] : memref<10x128xi32, #tpu.memory_space<vmem>> -> memref<1x128xi32, #tpu.memory_space<vmem>>
        %dma_wait3A_287 = tpu.memref_squeeze %dma_wait3A_286 : memref<1x128xi32, #tpu.memory_space<vmem>> -> memref<128xi32, #tpu.memory_space<vmem>>
        %dma_wait3A_288 = arith.constant 0 : i32
        %dma_wait3A_289 = arith.constant 0 : i32
        %dma_wait3A_290 = tpu.memref_slice %arg2[%dma_wait3A_288, %dma_wait3A_289] : memref<10000x64xf32, #tpu.memory_space<hbm>> -> memref<10000x64xf32, #tpu.memory_space<hbm>>
        tpu.wait_indirect_dma semaphore(%arg12 : memref<!tpu.dma_semaphore, #tpu.memory_space<semaphore_mem>>) src(%dma_wait3A_290 : memref<10000x64xf32, #tpu.memory_space<hbm>>) dst(%arg10 : memref<128x64xf32, #tpu.memory_space<vmem>>)
        %dma_start3A_291 = arith.constant 9 : i32
        %dma_start3A_292 = arith.constant 0 : i32
        %dma_start3A_293 = tpu.memref_slice %arg8[%dma_start3A_291, %dma_start3A_292] : memref<10x128xi32, #tpu.memory_space<vmem>> -> memref<1x128xi32, #tpu.memory_space<vmem>>
        %dma_start3A_294 = tpu.memref_squeeze %dma_start3A_293 : memref<1x128xi32, #tpu.memory_space<vmem>> -> memref<128xi32, #tpu.memory_space<vmem>>
        %dma_start3A_295 = arith.constant 0 : i32
        %dma_start3A_296 = arith.constant 0 : i32
        %dma_start3A_297 = tpu.memref_slice %arg15[%dma_start3A_295, %dma_start3A_296] : memref<10112x64xf32, #tpu.memory_space<vmem_shared>> -> memref<10112x64xf32, #tpu.memory_space<vmem_shared>>
        tpu.enqueue_indirect_dma source(%arg10 : memref<128x64xf32, #tpu.memory_space<vmem>>) target(%dma_start3A_297 : memref<10112x64xf32, #tpu.memory_space<vmem_shared>>) offsets(%dma_start3A_294 : memref<128xi32, #tpu.memory_space<vmem>>) semaphore(%arg14 : memref<!tpu.dma_semaphore, #tpu.memory_space<semaphore_mem>>) {add = true}
        %dma_wait3A_298 = arith.constant 9 : i32
        %dma_wait3A_299 = arith.constant 0 : i32
        %dma_wait3A_300 = tpu.memref_slice %arg8[%dma_wait3A_298, %dma_wait3A_299] : memref<10x128xi32, #tpu.memory_space<vmem>> -> memref<1x128xi32, #tpu.memory_space<vmem>>
        %dma_wait3A_301 = tpu.memref_squeeze %dma_wait3A_300 : memref<1x128xi32, #tpu.memory_space<vmem>> -> memref<128xi32, #tpu.memory_space<vmem>>
        %dma_wait3A_302 = arith.constant 0 : i32
        %dma_wait3A_303 = arith.constant 0 : i32
        %dma_wait3A_304 = tpu.memref_slice %arg15[%dma_wait3A_302, %dma_wait3A_303] : memref<10112x64xf32, #tpu.memory_space<vmem_shared>> -> memref<10112x64xf32, #tpu.memory_space<vmem_shared>>
        tpu.wait_indirect_dma semaphore(%arg14 : memref<!tpu.dma_semaphore, #tpu.memory_space<semaphore_mem>>) src(%arg10 : memref<128x64xf32, #tpu.memory_space<vmem>>) dst(%dma_wait3A_304 : memref<10112x64xf32, #tpu.memory_space<vmem_shared>>)
      }
      %scan3A_21 = arith.constant 12 : i32
    } else {
    }
    %eq3A_7 = arith.constant 1 : i32
    %eq3A_8 = arith.cmpi eq, %arg0, %eq3A_7 : i32
    %convert_element_type3A_9 = arith.extui %eq3A_8 : i1 to i32
    %cond3A_10 = arith.constant 0 : i32
    %cond3A_11 = arith.cmpi ne, %convert_element_type3A_9, %cond3A_10 : i32
    scf.if %cond3A_11 {
      %scan3A = arith.constant 0 : i32
      %scan3A_17 = arith.constant 0 : i32
      %scan3A_18 = arith.constant 4 : i32
      %scan3A_19 = arith.addi %scan3A_17, %scan3A_18 : i32
      %scan3A_20 = arith.constant 1 : i32
      scf.for %scan3A_22 = %scan3A_17 to %scan3A_19 step %scan3A_20  : i32 {
        %mul3A_23 = arith.constant 10 : i32
        %mul3A_24 = arith.muli %scan3A_22, %mul3A_23 : i32
        "tpu.region"() ({
          %run_scoped3A = tpu.sem_alloc : memref<!tpu.dma_semaphore, #tpu.memory_space<semaphore_mem>>
          %dma_start3A_305 = arith.constant 0 : i32
          %dma_start3A_306 = tpu.memref_slice %arg3[%add3A, %mul3A_24, %dma_start3A_305] : memref<32x120x128xi32, #tpu.memory_space<hbm>> -> memref<1x10x128xi32, #tpu.memory_space<hbm>>
          %dma_start3A_307 = tpu.memref_squeeze %dma_start3A_306 : memref<1x10x128xi32, #tpu.memory_space<hbm>> -> memref<10x128xi32, #tpu.memory_space<hbm>>
          %dma_start3A_308 = arith.constant 0 : i32
          %dma_start3A_309 = tpu.memref_slice %arg3[%add3A, %mul3A_24, %dma_start3A_308] : memref<32x120x128xi32, #tpu.memory_space<hbm>> -> memref<1x10x128xi32, #tpu.memory_space<hbm>>
          %dma_start3A_310 = tpu.memref_squeeze %dma_start3A_309 : memref<1x10x128xi32, #tpu.memory_space<hbm>> -> memref<10x128xi32, #tpu.memory_space<hbm>>
          tpu.enqueue_dma source(%dma_start3A_310 : memref<10x128xi32, #tpu.memory_space<hbm>>) target(%arg7 : memref<10x128xi32, #tpu.memory_space<vmem>>) target_semaphore(%run_scoped3A : memref<!tpu.dma_semaphore, #tpu.memory_space<semaphore_mem>>)
          %dma_wait3A_311 = arith.constant 0 : i32
          %dma_wait3A_312 = tpu.memref_slice %arg3[%add3A, %mul3A_24, %dma_wait3A_311] : memref<32x120x128xi32, #tpu.memory_space<hbm>> -> memref<1x10x128xi32, #tpu.memory_space<hbm>>
          %dma_wait3A_313 = tpu.memref_squeeze %dma_wait3A_312 : memref<1x10x128xi32, #tpu.memory_space<hbm>> -> memref<10x128xi32, #tpu.memory_space<hbm>>
          %dma_wait3A_314 = arith.constant 0 : i32
          %dma_wait3A_315 = tpu.memref_slice %arg3[%add3A, %mul3A_24, %dma_wait3A_314] : memref<32x120x128xi32, #tpu.memory_space<hbm>> -> memref<1x10x128xi32, #tpu.memory_space<hbm>>
          %dma_wait3A_316 = tpu.memref_squeeze %dma_wait3A_315 : memref<1x10x128xi32, #tpu.memory_space<hbm>> -> memref<10x128xi32, #tpu.memory_space<hbm>>
          tpu.wait_dma2 semaphore(%run_scoped3A : memref<!tpu.dma_semaphore, #tpu.memory_space<semaphore_mem>>) src(%dma_wait3A_316 : memref<10x128xi32, #tpu.memory_space<hbm>>) dst(%arg7 : memref<10x128xi32, #tpu.memory_space<vmem>>)
          tpu.yield
        }) : () -> ()
        %mul3A_25 = arith.constant 10 : i32
        %mul3A_26 = arith.muli %scan3A_22, %mul3A_25 : i32
        "tpu.region"() ({
          %run_scoped3A = tpu.sem_alloc : memref<!tpu.dma_semaphore, #tpu.memory_space<semaphore_mem>>
          %dma_start3A_305 = arith.constant 0 : i32
          %dma_start3A_306 = tpu.memref_slice %arg4[%add3A, %mul3A_26, %dma_start3A_305] : memref<32x120x128xi32, #tpu.memory_space<hbm>> -> memref<1x10x128xi32, #tpu.memory_space<hbm>>
          %dma_start3A_307 = tpu.memref_squeeze %dma_start3A_306 : memref<1x10x128xi32, #tpu.memory_space<hbm>> -> memref<10x128xi32, #tpu.memory_space<hbm>>
          %dma_start3A_308 = arith.constant 0 : i32
          %dma_start3A_309 = tpu.memref_slice %arg4[%add3A, %mul3A_26, %dma_start3A_308] : memref<32x120x128xi32, #tpu.memory_space<hbm>> -> memref<1x10x128xi32, #tpu.memory_space<hbm>>
          %dma_start3A_310 = tpu.memref_squeeze %dma_start3A_309 : memref<1x10x128xi32, #tpu.memory_space<hbm>> -> memref<10x128xi32, #tpu.memory_space<hbm>>
          tpu.enqueue_dma source(%dma_start3A_310 : memref<10x128xi32, #tpu.memory_space<hbm>>) target(%arg8 : memref<10x128xi32, #tpu.memory_space<vmem>>) target_semaphore(%run_scoped3A : memref<!tpu.dma_semaphore, #tpu.memory_space<semaphore_mem>>)
          %dma_wait3A_311 = arith.constant 0 : i32
          %dma_wait3A_312 = tpu.memref_slice %arg4[%add3A, %mul3A_26, %dma_wait3A_311] : memref<32x120x128xi32, #tpu.memory_space<hbm>> -> memref<1x10x128xi32, #tpu.memory_space<hbm>>
          %dma_wait3A_313 = tpu.memref_squeeze %dma_wait3A_312 : memref<1x10x128xi32, #tpu.memory_space<hbm>> -> memref<10x128xi32, #tpu.memory_space<hbm>>
          %dma_wait3A_314 = arith.constant 0 : i32
          %dma_wait3A_315 = tpu.memref_slice %arg4[%add3A, %mul3A_26, %dma_wait3A_314] : memref<32x120x128xi32, #tpu.memory_space<hbm>> -> memref<1x10x128xi32, #tpu.memory_space<hbm>>
          %dma_wait3A_316 = tpu.memref_squeeze %dma_wait3A_315 : memref<1x10x128xi32, #tpu.memory_space<hbm>> -> memref<10x128xi32, #tpu.memory_space<hbm>>
          tpu.wait_dma2 semaphore(%run_scoped3A : memref<!tpu.dma_semaphore, #tpu.memory_space<semaphore_mem>>) src(%dma_wait3A_316 : memref<10x128xi32, #tpu.memory_space<hbm>>) dst(%arg8 : memref<10x128xi32, #tpu.memory_space<vmem>>)
          tpu.yield
        }) : () -> ()
        %dma_start3A = arith.constant 0 : i32
        %dma_start3A_27 = arith.constant 0 : i32
        %dma_start3A_28 = tpu.memref_slice %arg7[%dma_start3A, %dma_start3A_27] : memref<10x128xi32, #tpu.memory_space<vmem>> -> memref<1x128xi32, #tpu.memory_space<vmem>>
        %dma_start3A_29 = tpu.memref_squeeze %dma_start3A_28 : memref<1x128xi32, #tpu.memory_space<vmem>> -> memref<128xi32, #tpu.memory_space<vmem>>
        %dma_start3A_30 = arith.constant 0 : i32
        %dma_start3A_31 = arith.constant 0 : i32
        %dma_start3A_32 = tpu.memref_slice %arg2[%dma_start3A_30, %dma_start3A_31] : memref<10000x64xf32, #tpu.memory_space<hbm>> -> memref<10000x64xf32, #tpu.memory_space<hbm>>
        tpu.enqueue_indirect_dma source(%dma_start3A_32 : memref<10000x64xf32, #tpu.memory_space<hbm>>) target(%arg9 : memref<128x64xf32, #tpu.memory_space<vmem>>) offsets(%dma_start3A_29 : memref<128xi32, #tpu.memory_space<vmem>>) semaphore(%arg11 : memref<!tpu.dma_semaphore, #tpu.memory_space<semaphore_mem>>)
        %dma_start3A_33 = arith.constant 1 : i32
        %dma_start3A_34 = arith.constant 0 : i32
        %dma_start3A_35 = tpu.memref_slice %arg7[%dma_start3A_33, %dma_start3A_34] : memref<10x128xi32, #tpu.memory_space<vmem>> -> memref<1x128xi32, #tpu.memory_space<vmem>>
        %dma_start3A_36 = tpu.memref_squeeze %dma_start3A_35 : memref<1x128xi32, #tpu.memory_space<vmem>> -> memref<128xi32, #tpu.memory_space<vmem>>
        %dma_start3A_37 = arith.constant 0 : i32
        %dma_start3A_38 = arith.constant 0 : i32
        %dma_start3A_39 = tpu.memref_slice %arg2[%dma_start3A_37, %dma_start3A_38] : memref<10000x64xf32, #tpu.memory_space<hbm>> -> memref<10000x64xf32, #tpu.memory_space<hbm>>
        tpu.enqueue_indirect_dma source(%dma_start3A_39 : memref<10000x64xf32, #tpu.memory_space<hbm>>) target(%arg10 : memref<128x64xf32, #tpu.memory_space<vmem>>) offsets(%dma_start3A_36 : memref<128xi32, #tpu.memory_space<vmem>>) semaphore(%arg12 : memref<!tpu.dma_semaphore, #tpu.memory_space<semaphore_mem>>)
        %dma_wait3A = arith.constant 0 : i32
        %dma_wait3A_40 = arith.constant 0 : i32
        %dma_wait3A_41 = tpu.memref_slice %arg7[%dma_wait3A, %dma_wait3A_40] : memref<10x128xi32, #tpu.memory_space<vmem>> -> memref<1x128xi32, #tpu.memory_space<vmem>>
        %dma_wait3A_42 = tpu.memref_squeeze %dma_wait3A_41 : memref<1x128xi32, #tpu.memory_space<vmem>> -> memref<128xi32, #tpu.memory_space<vmem>>
        %dma_wait3A_43 = arith.constant 0 : i32
        %dma_wait3A_44 = arith.constant 0 : i32
        %dma_wait3A_45 = tpu.memref_slice %arg2[%dma_wait3A_43, %dma_wait3A_44] : memref<10000x64xf32, #tpu.memory_space<hbm>> -> memref<10000x64xf32, #tpu.memory_space<hbm>>
        tpu.wait_indirect_dma semaphore(%arg11 : memref<!tpu.dma_semaphore, #tpu.memory_space<semaphore_mem>>) src(%dma_wait3A_45 : memref<10000x64xf32, #tpu.memory_space<hbm>>) dst(%arg9 : memref<128x64xf32, #tpu.memory_space<vmem>>)
        %dma_start3A_46 = arith.constant 0 : i32
        %dma_start3A_47 = arith.constant 0 : i32
        %dma_start3A_48 = tpu.memref_slice %arg8[%dma_start3A_46, %dma_start3A_47] : memref<10x128xi32, #tpu.memory_space<vmem>> -> memref<1x128xi32, #tpu.memory_space<vmem>>
        %dma_start3A_49 = tpu.memref_squeeze %dma_start3A_48 : memref<1x128xi32, #tpu.memory_space<vmem>> -> memref<128xi32, #tpu.memory_space<vmem>>
        %dma_start3A_50 = arith.constant 0 : i32
        %dma_start3A_51 = arith.constant 0 : i32
        %dma_start3A_52 = tpu.memref_slice %arg15[%dma_start3A_50, %dma_start3A_51] : memref<10112x64xf32, #tpu.memory_space<vmem_shared>> -> memref<10112x64xf32, #tpu.memory_space<vmem_shared>>
        tpu.enqueue_indirect_dma source(%arg9 : memref<128x64xf32, #tpu.memory_space<vmem>>) target(%dma_start3A_52 : memref<10112x64xf32, #tpu.memory_space<vmem_shared>>) offsets(%dma_start3A_49 : memref<128xi32, #tpu.memory_space<vmem>>) semaphore(%arg13 : memref<!tpu.dma_semaphore, #tpu.memory_space<semaphore_mem>>) {add = true}
        %dma_wait3A_53 = arith.constant 0 : i32
        %dma_wait3A_54 = arith.constant 0 : i32
        %dma_wait3A_55 = tpu.memref_slice %arg8[%dma_wait3A_53, %dma_wait3A_54] : memref<10x128xi32, #tpu.memory_space<vmem>> -> memref<1x128xi32, #tpu.memory_space<vmem>>
        %dma_wait3A_56 = tpu.memref_squeeze %dma_wait3A_55 : memref<1x128xi32, #tpu.memory_space<vmem>> -> memref<128xi32, #tpu.memory_space<vmem>>
        %dma_wait3A_57 = arith.constant 0 : i32
        %dma_wait3A_58 = arith.constant 0 : i32
        %dma_wait3A_59 = tpu.memref_slice %arg15[%dma_wait3A_57, %dma_wait3A_58] : memref<10112x64xf32, #tpu.memory_space<vmem_shared>> -> memref<10112x64xf32, #tpu.memory_space<vmem_shared>>
        tpu.wait_indirect_dma semaphore(%arg13 : memref<!tpu.dma_semaphore, #tpu.memory_space<semaphore_mem>>) src(%arg9 : memref<128x64xf32, #tpu.memory_space<vmem>>) dst(%dma_wait3A_59 : memref<10112x64xf32, #tpu.memory_space<vmem_shared>>)
        %dma_start3A_60 = arith.constant 2 : i32
        %dma_start3A_61 = arith.constant 0 : i32
        %dma_start3A_62 = tpu.memref_slice %arg7[%dma_start3A_60, %dma_start3A_61] : memref<10x128xi32, #tpu.memory_space<vmem>> -> memref<1x128xi32, #tpu.memory_space<vmem>>
        %dma_start3A_63 = tpu.memref_squeeze %dma_start3A_62 : memref<1x128xi32, #tpu.memory_space<vmem>> -> memref<128xi32, #tpu.memory_space<vmem>>
        %dma_start3A_64 = arith.constant 0 : i32
        %dma_start3A_65 = arith.constant 0 : i32
        %dma_start3A_66 = tpu.memref_slice %arg2[%dma_start3A_64, %dma_start3A_65] : memref<10000x64xf32, #tpu.memory_space<hbm>> -> memref<10000x64xf32, #tpu.memory_space<hbm>>
        tpu.enqueue_indirect_dma source(%dma_start3A_66 : memref<10000x64xf32, #tpu.memory_space<hbm>>) target(%arg9 : memref<128x64xf32, #tpu.memory_space<vmem>>) offsets(%dma_start3A_63 : memref<128xi32, #tpu.memory_space<vmem>>) semaphore(%arg11 : memref<!tpu.dma_semaphore, #tpu.memory_space<semaphore_mem>>)
        %dma_wait3A_67 = arith.constant 1 : i32
        %dma_wait3A_68 = arith.constant 0 : i32
        %dma_wait3A_69 = tpu.memref_slice %arg7[%dma_wait3A_67, %dma_wait3A_68] : memref<10x128xi32, #tpu.memory_space<vmem>> -> memref<1x128xi32, #tpu.memory_space<vmem>>
        %dma_wait3A_70 = tpu.memref_squeeze %dma_wait3A_69 : memref<1x128xi32, #tpu.memory_space<vmem>> -> memref<128xi32, #tpu.memory_space<vmem>>
        %dma_wait3A_71 = arith.constant 0 : i32
        %dma_wait3A_72 = arith.constant 0 : i32
        %dma_wait3A_73 = tpu.memref_slice %arg2[%dma_wait3A_71, %dma_wait3A_72] : memref<10000x64xf32, #tpu.memory_space<hbm>> -> memref<10000x64xf32, #tpu.memory_space<hbm>>
        tpu.wait_indirect_dma semaphore(%arg12 : memref<!tpu.dma_semaphore, #tpu.memory_space<semaphore_mem>>) src(%dma_wait3A_73 : memref<10000x64xf32, #tpu.memory_space<hbm>>) dst(%arg10 : memref<128x64xf32, #tpu.memory_space<vmem>>)
        %dma_start3A_74 = arith.constant 1 : i32
        %dma_start3A_75 = arith.constant 0 : i32
        %dma_start3A_76 = tpu.memref_slice %arg8[%dma_start3A_74, %dma_start3A_75] : memref<10x128xi32, #tpu.memory_space<vmem>> -> memref<1x128xi32, #tpu.memory_space<vmem>>
        %dma_start3A_77 = tpu.memref_squeeze %dma_start3A_76 : memref<1x128xi32, #tpu.memory_space<vmem>> -> memref<128xi32, #tpu.memory_space<vmem>>
        %dma_start3A_78 = arith.constant 0 : i32
        %dma_start3A_79 = arith.constant 0 : i32
        %dma_start3A_80 = tpu.memref_slice %arg15[%dma_start3A_78, %dma_start3A_79] : memref<10112x64xf32, #tpu.memory_space<vmem_shared>> -> memref<10112x64xf32, #tpu.memory_space<vmem_shared>>
        tpu.enqueue_indirect_dma source(%arg10 : memref<128x64xf32, #tpu.memory_space<vmem>>) target(%dma_start3A_80 : memref<10112x64xf32, #tpu.memory_space<vmem_shared>>) offsets(%dma_start3A_77 : memref<128xi32, #tpu.memory_space<vmem>>) semaphore(%arg14 : memref<!tpu.dma_semaphore, #tpu.memory_space<semaphore_mem>>) {add = true}
        %dma_wait3A_81 = arith.constant 1 : i32
        %dma_wait3A_82 = arith.constant 0 : i32
        %dma_wait3A_83 = tpu.memref_slice %arg8[%dma_wait3A_81, %dma_wait3A_82] : memref<10x128xi32, #tpu.memory_space<vmem>> -> memref<1x128xi32, #tpu.memory_space<vmem>>
        %dma_wait3A_84 = tpu.memref_squeeze %dma_wait3A_83 : memref<1x128xi32, #tpu.memory_space<vmem>> -> memref<128xi32, #tpu.memory_space<vmem>>
        %dma_wait3A_85 = arith.constant 0 : i32
        %dma_wait3A_86 = arith.constant 0 : i32
        %dma_wait3A_87 = tpu.memref_slice %arg15[%dma_wait3A_85, %dma_wait3A_86] : memref<10112x64xf32, #tpu.memory_space<vmem_shared>> -> memref<10112x64xf32, #tpu.memory_space<vmem_shared>>
        tpu.wait_indirect_dma semaphore(%arg14 : memref<!tpu.dma_semaphore, #tpu.memory_space<semaphore_mem>>) src(%arg10 : memref<128x64xf32, #tpu.memory_space<vmem>>) dst(%dma_wait3A_87 : memref<10112x64xf32, #tpu.memory_space<vmem_shared>>)
        %dma_start3A_88 = arith.constant 3 : i32
        %dma_start3A_89 = arith.constant 0 : i32
        %dma_start3A_90 = tpu.memref_slice %arg7[%dma_start3A_88, %dma_start3A_89] : memref<10x128xi32, #tpu.memory_space<vmem>> -> memref<1x128xi32, #tpu.memory_space<vmem>>
        %dma_start3A_91 = tpu.memref_squeeze %dma_start3A_90 : memref<1x128xi32, #tpu.memory_space<vmem>> -> memref<128xi32, #tpu.memory_space<vmem>>
        %dma_start3A_92 = arith.constant 0 : i32
        %dma_start3A_93 = arith.constant 0 : i32
        %dma_start3A_94 = tpu.memref_slice %arg2[%dma_start3A_92, %dma_start3A_93] : memref<10000x64xf32, #tpu.memory_space<hbm>> -> memref<10000x64xf32, #tpu.memory_space<hbm>>
        tpu.enqueue_indirect_dma source(%dma_start3A_94 : memref<10000x64xf32, #tpu.memory_space<hbm>>) target(%arg10 : memref<128x64xf32, #tpu.memory_space<vmem>>) offsets(%dma_start3A_91 : memref<128xi32, #tpu.memory_space<vmem>>) semaphore(%arg12 : memref<!tpu.dma_semaphore, #tpu.memory_space<semaphore_mem>>)
        %dma_wait3A_95 = arith.constant 2 : i32
        %dma_wait3A_96 = arith.constant 0 : i32
        %dma_wait3A_97 = tpu.memref_slice %arg7[%dma_wait3A_95, %dma_wait3A_96] : memref<10x128xi32, #tpu.memory_space<vmem>> -> memref<1x128xi32, #tpu.memory_space<vmem>>
        %dma_wait3A_98 = tpu.memref_squeeze %dma_wait3A_97 : memref<1x128xi32, #tpu.memory_space<vmem>> -> memref<128xi32, #tpu.memory_space<vmem>>
        %dma_wait3A_99 = arith.constant 0 : i32
        %dma_wait3A_100 = arith.constant 0 : i32
        %dma_wait3A_101 = tpu.memref_slice %arg2[%dma_wait3A_99, %dma_wait3A_100] : memref<10000x64xf32, #tpu.memory_space<hbm>> -> memref<10000x64xf32, #tpu.memory_space<hbm>>
        tpu.wait_indirect_dma semaphore(%arg11 : memref<!tpu.dma_semaphore, #tpu.memory_space<semaphore_mem>>) src(%dma_wait3A_101 : memref<10000x64xf32, #tpu.memory_space<hbm>>) dst(%arg9 : memref<128x64xf32, #tpu.memory_space<vmem>>)
        %dma_start3A_102 = arith.constant 2 : i32
        %dma_start3A_103 = arith.constant 0 : i32
        %dma_start3A_104 = tpu.memref_slice %arg8[%dma_start3A_102, %dma_start3A_103] : memref<10x128xi32, #tpu.memory_space<vmem>> -> memref<1x128xi32, #tpu.memory_space<vmem>>
        %dma_start3A_105 = tpu.memref_squeeze %dma_start3A_104 : memref<1x128xi32, #tpu.memory_space<vmem>> -> memref<128xi32, #tpu.memory_space<vmem>>
        %dma_start3A_106 = arith.constant 0 : i32
        %dma_start3A_107 = arith.constant 0 : i32
        %dma_start3A_108 = tpu.memref_slice %arg15[%dma_start3A_106, %dma_start3A_107] : memref<10112x64xf32, #tpu.memory_space<vmem_shared>> -> memref<10112x64xf32, #tpu.memory_space<vmem_shared>>
        tpu.enqueue_indirect_dma source(%arg9 : memref<128x64xf32, #tpu.memory_space<vmem>>) target(%dma_start3A_108 : memref<10112x64xf32, #tpu.memory_space<vmem_shared>>) offsets(%dma_start3A_105 : memref<128xi32, #tpu.memory_space<vmem>>) semaphore(%arg13 : memref<!tpu.dma_semaphore, #tpu.memory_space<semaphore_mem>>) {add = true}
        %dma_wait3A_109 = arith.constant 2 : i32
        %dma_wait3A_110 = arith.constant 0 : i32
        %dma_wait3A_111 = tpu.memref_slice %arg8[%dma_wait3A_109, %dma_wait3A_110] : memref<10x128xi32, #tpu.memory_space<vmem>> -> memref<1x128xi32, #tpu.memory_space<vmem>>
        %dma_wait3A_112 = tpu.memref_squeeze %dma_wait3A_111 : memref<1x128xi32, #tpu.memory_space<vmem>> -> memref<128xi32, #tpu.memory_space<vmem>>
        %dma_wait3A_113 = arith.constant 0 : i32
        %dma_wait3A_114 = arith.constant 0 : i32
        %dma_wait3A_115 = tpu.memref_slice %arg15[%dma_wait3A_113, %dma_wait3A_114] : memref<10112x64xf32, #tpu.memory_space<vmem_shared>> -> memref<10112x64xf32, #tpu.memory_space<vmem_shared>>
        tpu.wait_indirect_dma semaphore(%arg13 : memref<!tpu.dma_semaphore, #tpu.memory_space<semaphore_mem>>) src(%arg9 : memref<128x64xf32, #tpu.memory_space<vmem>>) dst(%dma_wait3A_115 : memref<10112x64xf32, #tpu.memory_space<vmem_shared>>)
        %dma_start3A_116 = arith.constant 4 : i32
        %dma_start3A_117 = arith.constant 0 : i32
        %dma_start3A_118 = tpu.memref_slice %arg7[%dma_start3A_116, %dma_start3A_117] : memref<10x128xi32, #tpu.memory_space<vmem>> -> memref<1x128xi32, #tpu.memory_space<vmem>>
        %dma_start3A_119 = tpu.memref_squeeze %dma_start3A_118 : memref<1x128xi32, #tpu.memory_space<vmem>> -> memref<128xi32, #tpu.memory_space<vmem>>
        %dma_start3A_120 = arith.constant 0 : i32
        %dma_start3A_121 = arith.constant 0 : i32
        %dma_start3A_122 = tpu.memref_slice %arg2[%dma_start3A_120, %dma_start3A_121] : memref<10000x64xf32, #tpu.memory_space<hbm>> -> memref<10000x64xf32, #tpu.memory_space<hbm>>
        tpu.enqueue_indirect_dma source(%dma_start3A_122 : memref<10000x64xf32, #tpu.memory_space<hbm>>) target(%arg9 : memref<128x64xf32, #tpu.memory_space<vmem>>) offsets(%dma_start3A_119 : memref<128xi32, #tpu.memory_space<vmem>>) semaphore(%arg11 : memref<!tpu.dma_semaphore, #tpu.memory_space<semaphore_mem>>)
        %dma_wait3A_123 = arith.constant 3 : i32
        %dma_wait3A_124 = arith.constant 0 : i32
        %dma_wait3A_125 = tpu.memref_slice %arg7[%dma_wait3A_123, %dma_wait3A_124] : memref<10x128xi32, #tpu.memory_space<vmem>> -> memref<1x128xi32, #tpu.memory_space<vmem>>
        %dma_wait3A_126 = tpu.memref_squeeze %dma_wait3A_125 : memref<1x128xi32, #tpu.memory_space<vmem>> -> memref<128xi32, #tpu.memory_space<vmem>>
        %dma_wait3A_127 = arith.constant 0 : i32
        %dma_wait3A_128 = arith.constant 0 : i32
        %dma_wait3A_129 = tpu.memref_slice %arg2[%dma_wait3A_127, %dma_wait3A_128] : memref<10000x64xf32, #tpu.memory_space<hbm>> -> memref<10000x64xf32, #tpu.memory_space<hbm>>
        tpu.wait_indirect_dma semaphore(%arg12 : memref<!tpu.dma_semaphore, #tpu.memory_space<semaphore_mem>>) src(%dma_wait3A_129 : memref<10000x64xf32, #tpu.memory_space<hbm>>) dst(%arg10 : memref<128x64xf32, #tpu.memory_space<vmem>>)
        %dma_start3A_130 = arith.constant 3 : i32
        %dma_start3A_131 = arith.constant 0 : i32
        %dma_start3A_132 = tpu.memref_slice %arg8[%dma_start3A_130, %dma_start3A_131] : memref<10x128xi32, #tpu.memory_space<vmem>> -> memref<1x128xi32, #tpu.memory_space<vmem>>
        %dma_start3A_133 = tpu.memref_squeeze %dma_start3A_132 : memref<1x128xi32, #tpu.memory_space<vmem>> -> memref<128xi32, #tpu.memory_space<vmem>>
        %dma_start3A_134 = arith.constant 0 : i32
        %dma_start3A_135 = arith.constant 0 : i32
        %dma_start3A_136 = tpu.memref_slice %arg15[%dma_start3A_134, %dma_start3A_135] : memref<10112x64xf32, #tpu.memory_space<vmem_shared>> -> memref<10112x64xf32, #tpu.memory_space<vmem_shared>>
        tpu.enqueue_indirect_dma source(%arg10 : memref<128x64xf32, #tpu.memory_space<vmem>>) target(%dma_start3A_136 : memref<10112x64xf32, #tpu.memory_space<vmem_shared>>) offsets(%dma_start3A_133 : memref<128xi32, #tpu.memory_space<vmem>>) semaphore(%arg14 : memref<!tpu.dma_semaphore, #tpu.memory_space<semaphore_mem>>) {add = true}
        %dma_wait3A_137 = arith.constant 3 : i32
        %dma_wait3A_138 = arith.constant 0 : i32
        %dma_wait3A_139 = tpu.memref_slice %arg8[%dma_wait3A_137, %dma_wait3A_138] : memref<10x128xi32, #tpu.memory_space<vmem>> -> memref<1x128xi32, #tpu.memory_space<vmem>>
        %dma_wait3A_140 = tpu.memref_squeeze %dma_wait3A_139 : memref<1x128xi32, #tpu.memory_space<vmem>> -> memref<128xi32, #tpu.memory_space<vmem>>
        %dma_wait3A_141 = arith.constant 0 : i32
        %dma_wait3A_142 = arith.constant 0 : i32
        %dma_wait3A_143 = tpu.memref_slice %arg15[%dma_wait3A_141, %dma_wait3A_142] : memref<10112x64xf32, #tpu.memory_space<vmem_shared>> -> memref<10112x64xf32, #tpu.memory_space<vmem_shared>>
        tpu.wait_indirect_dma semaphore(%arg14 : memref<!tpu.dma_semaphore, #tpu.memory_space<semaphore_mem>>) src(%arg10 : memref<128x64xf32, #tpu.memory_space<vmem>>) dst(%dma_wait3A_143 : memref<10112x64xf32, #tpu.memory_space<vmem_shared>>)
        %dma_start3A_144 = arith.constant 5 : i32
        %dma_start3A_145 = arith.constant 0 : i32
        %dma_start3A_146 = tpu.memref_slice %arg7[%dma_start3A_144, %dma_start3A_145] : memref<10x128xi32, #tpu.memory_space<vmem>> -> memref<1x128xi32, #tpu.memory_space<vmem>>
        %dma_start3A_147 = tpu.memref_squeeze %dma_start3A_146 : memref<1x128xi32, #tpu.memory_space<vmem>> -> memref<128xi32, #tpu.memory_space<vmem>>
        %dma_start3A_148 = arith.constant 0 : i32
        %dma_start3A_149 = arith.constant 0 : i32
        %dma_start3A_150 = tpu.memref_slice %arg2[%dma_start3A_148, %dma_start3A_149] : memref<10000x64xf32, #tpu.memory_space<hbm>> -> memref<10000x64xf32, #tpu.memory_space<hbm>>
        tpu.enqueue_indirect_dma source(%dma_start3A_150 : memref<10000x64xf32, #tpu.memory_space<hbm>>) target(%arg10 : memref<128x64xf32, #tpu.memory_space<vmem>>) offsets(%dma_start3A_147 : memref<128xi32, #tpu.memory_space<vmem>>) semaphore(%arg12 : memref<!tpu.dma_semaphore, #tpu.memory_space<semaphore_mem>>)
        %dma_wait3A_151 = arith.constant 4 : i32
        %dma_wait3A_152 = arith.constant 0 : i32
        %dma_wait3A_153 = tpu.memref_slice %arg7[%dma_wait3A_151, %dma_wait3A_152] : memref<10x128xi32, #tpu.memory_space<vmem>> -> memref<1x128xi32, #tpu.memory_space<vmem>>
        %dma_wait3A_154 = tpu.memref_squeeze %dma_wait3A_153 : memref<1x128xi32, #tpu.memory_space<vmem>> -> memref<128xi32, #tpu.memory_space<vmem>>
        %dma_wait3A_155 = arith.constant 0 : i32
        %dma_wait3A_156 = arith.constant 0 : i32
        %dma_wait3A_157 = tpu.memref_slice %arg2[%dma_wait3A_155, %dma_wait3A_156] : memref<10000x64xf32, #tpu.memory_space<hbm>> -> memref<10000x64xf32, #tpu.memory_space<hbm>>
        tpu.wait_indirect_dma semaphore(%arg11 : memref<!tpu.dma_semaphore, #tpu.memory_space<semaphore_mem>>) src(%dma_wait3A_157 : memref<10000x64xf32, #tpu.memory_space<hbm>>) dst(%arg9 : memref<128x64xf32, #tpu.memory_space<vmem>>)
        %dma_start3A_158 = arith.constant 4 : i32
        %dma_start3A_159 = arith.constant 0 : i32
        %dma_start3A_160 = tpu.memref_slice %arg8[%dma_start3A_158, %dma_start3A_159] : memref<10x128xi32, #tpu.memory_space<vmem>> -> memref<1x128xi32, #tpu.memory_space<vmem>>
        %dma_start3A_161 = tpu.memref_squeeze %dma_start3A_160 : memref<1x128xi32, #tpu.memory_space<vmem>> -> memref<128xi32, #tpu.memory_space<vmem>>
        %dma_start3A_162 = arith.constant 0 : i32
        %dma_start3A_163 = arith.constant 0 : i32
        %dma_start3A_164 = tpu.memref_slice %arg15[%dma_start3A_162, %dma_start3A_163] : memref<10112x64xf32, #tpu.memory_space<vmem_shared>> -> memref<10112x64xf32, #tpu.memory_space<vmem_shared>>
        tpu.enqueue_indirect_dma source(%arg9 : memref<128x64xf32, #tpu.memory_space<vmem>>) target(%dma_start3A_164 : memref<10112x64xf32, #tpu.memory_space<vmem_shared>>) offsets(%dma_start3A_161 : memref<128xi32, #tpu.memory_space<vmem>>) semaphore(%arg13 : memref<!tpu.dma_semaphore, #tpu.memory_space<semaphore_mem>>) {add = true}
        %dma_wait3A_165 = arith.constant 4 : i32
        %dma_wait3A_166 = arith.constant 0 : i32
        %dma_wait3A_167 = tpu.memref_slice %arg8[%dma_wait3A_165, %dma_wait3A_166] : memref<10x128xi32, #tpu.memory_space<vmem>> -> memref<1x128xi32, #tpu.memory_space<vmem>>
        %dma_wait3A_168 = tpu.memref_squeeze %dma_wait3A_167 : memref<1x128xi32, #tpu.memory_space<vmem>> -> memref<128xi32, #tpu.memory_space<vmem>>
        %dma_wait3A_169 = arith.constant 0 : i32
        %dma_wait3A_170 = arith.constant 0 : i32
        %dma_wait3A_171 = tpu.memref_slice %arg15[%dma_wait3A_169, %dma_wait3A_170] : memref<10112x64xf32, #tpu.memory_space<vmem_shared>> -> memref<10112x64xf32, #tpu.memory_space<vmem_shared>>
        tpu.wait_indirect_dma semaphore(%arg13 : memref<!tpu.dma_semaphore, #tpu.memory_space<semaphore_mem>>) src(%arg9 : memref<128x64xf32, #tpu.memory_space<vmem>>) dst(%dma_wait3A_171 : memref<10112x64xf32, #tpu.memory_space<vmem_shared>>)
        %dma_start3A_172 = arith.constant 6 : i32
        %dma_start3A_173 = arith.constant 0 : i32
        %dma_start3A_174 = tpu.memref_slice %arg7[%dma_start3A_172, %dma_start3A_173] : memref<10x128xi32, #tpu.memory_space<vmem>> -> memref<1x128xi32, #tpu.memory_space<vmem>>
        %dma_start3A_175 = tpu.memref_squeeze %dma_start3A_174 : memref<1x128xi32, #tpu.memory_space<vmem>> -> memref<128xi32, #tpu.memory_space<vmem>>
        %dma_start3A_176 = arith.constant 0 : i32
        %dma_start3A_177 = arith.constant 0 : i32
        %dma_start3A_178 = tpu.memref_slice %arg2[%dma_start3A_176, %dma_start3A_177] : memref<10000x64xf32, #tpu.memory_space<hbm>> -> memref<10000x64xf32, #tpu.memory_space<hbm>>
        tpu.enqueue_indirect_dma source(%dma_start3A_178 : memref<10000x64xf32, #tpu.memory_space<hbm>>) target(%arg9 : memref<128x64xf32, #tpu.memory_space<vmem>>) offsets(%dma_start3A_175 : memref<128xi32, #tpu.memory_space<vmem>>) semaphore(%arg11 : memref<!tpu.dma_semaphore, #tpu.memory_space<semaphore_mem>>)
        %dma_wait3A_179 = arith.constant 5 : i32
        %dma_wait3A_180 = arith.constant 0 : i32
        %dma_wait3A_181 = tpu.memref_slice %arg7[%dma_wait3A_179, %dma_wait3A_180] : memref<10x128xi32, #tpu.memory_space<vmem>> -> memref<1x128xi32, #tpu.memory_space<vmem>>
        %dma_wait3A_182 = tpu.memref_squeeze %dma_wait3A_181 : memref<1x128xi32, #tpu.memory_space<vmem>> -> memref<128xi32, #tpu.memory_space<vmem>>
        %dma_wait3A_183 = arith.constant 0 : i32
        %dma_wait3A_184 = arith.constant 0 : i32
        %dma_wait3A_185 = tpu.memref_slice %arg2[%dma_wait3A_183, %dma_wait3A_184] : memref<10000x64xf32, #tpu.memory_space<hbm>> -> memref<10000x64xf32, #tpu.memory_space<hbm>>
        tpu.wait_indirect_dma semaphore(%arg12 : memref<!tpu.dma_semaphore, #tpu.memory_space<semaphore_mem>>) src(%dma_wait3A_185 : memref<10000x64xf32, #tpu.memory_space<hbm>>) dst(%arg10 : memref<128x64xf32, #tpu.memory_space<vmem>>)
        %dma_start3A_186 = arith.constant 5 : i32
        %dma_start3A_187 = arith.constant 0 : i32
        %dma_start3A_188 = tpu.memref_slice %arg8[%dma_start3A_186, %dma_start3A_187] : memref<10x128xi32, #tpu.memory_space<vmem>> -> memref<1x128xi32, #tpu.memory_space<vmem>>
        %dma_start3A_189 = tpu.memref_squeeze %dma_start3A_188 : memref<1x128xi32, #tpu.memory_space<vmem>> -> memref<128xi32, #tpu.memory_space<vmem>>
        %dma_start3A_190 = arith.constant 0 : i32
        %dma_start3A_191 = arith.constant 0 : i32
        %dma_start3A_192 = tpu.memref_slice %arg15[%dma_start3A_190, %dma_start3A_191] : memref<10112x64xf32, #tpu.memory_space<vmem_shared>> -> memref<10112x64xf32, #tpu.memory_space<vmem_shared>>
        tpu.enqueue_indirect_dma source(%arg10 : memref<128x64xf32, #tpu.memory_space<vmem>>) target(%dma_start3A_192 : memref<10112x64xf32, #tpu.memory_space<vmem_shared>>) offsets(%dma_start3A_189 : memref<128xi32, #tpu.memory_space<vmem>>) semaphore(%arg14 : memref<!tpu.dma_semaphore, #tpu.memory_space<semaphore_mem>>) {add = true}
        %dma_wait3A_193 = arith.constant 5 : i32
        %dma_wait3A_194 = arith.constant 0 : i32
        %dma_wait3A_195 = tpu.memref_slice %arg8[%dma_wait3A_193, %dma_wait3A_194] : memref<10x128xi32, #tpu.memory_space<vmem>> -> memref<1x128xi32, #tpu.memory_space<vmem>>
        %dma_wait3A_196 = tpu.memref_squeeze %dma_wait3A_195 : memref<1x128xi32, #tpu.memory_space<vmem>> -> memref<128xi32, #tpu.memory_space<vmem>>
        %dma_wait3A_197 = arith.constant 0 : i32
        %dma_wait3A_198 = arith.constant 0 : i32
        %dma_wait3A_199 = tpu.memref_slice %arg15[%dma_wait3A_197, %dma_wait3A_198] : memref<10112x64xf32, #tpu.memory_space<vmem_shared>> -> memref<10112x64xf32, #tpu.memory_space<vmem_shared>>
        tpu.wait_indirect_dma semaphore(%arg14 : memref<!tpu.dma_semaphore, #tpu.memory_space<semaphore_mem>>) src(%arg10 : memref<128x64xf32, #tpu.memory_space<vmem>>) dst(%dma_wait3A_199 : memref<10112x64xf32, #tpu.memory_space<vmem_shared>>)
        %dma_start3A_200 = arith.constant 7 : i32
        %dma_start3A_201 = arith.constant 0 : i32
        %dma_start3A_202 = tpu.memref_slice %arg7[%dma_start3A_200, %dma_start3A_201] : memref<10x128xi32, #tpu.memory_space<vmem>> -> memref<1x128xi32, #tpu.memory_space<vmem>>
        %dma_start3A_203 = tpu.memref_squeeze %dma_start3A_202 : memref<1x128xi32, #tpu.memory_space<vmem>> -> memref<128xi32, #tpu.memory_space<vmem>>
        %dma_start3A_204 = arith.constant 0 : i32
        %dma_start3A_205 = arith.constant 0 : i32
        %dma_start3A_206 = tpu.memref_slice %arg2[%dma_start3A_204, %dma_start3A_205] : memref<10000x64xf32, #tpu.memory_space<hbm>> -> memref<10000x64xf32, #tpu.memory_space<hbm>>
        tpu.enqueue_indirect_dma source(%dma_start3A_206 : memref<10000x64xf32, #tpu.memory_space<hbm>>) target(%arg10 : memref<128x64xf32, #tpu.memory_space<vmem>>) offsets(%dma_start3A_203 : memref<128xi32, #tpu.memory_space<vmem>>) semaphore(%arg12 : memref<!tpu.dma_semaphore, #tpu.memory_space<semaphore_mem>>)
        %dma_wait3A_207 = arith.constant 6 : i32
        %dma_wait3A_208 = arith.constant 0 : i32
        %dma_wait3A_209 = tpu.memref_slice %arg7[%dma_wait3A_207, %dma_wait3A_208] : memref<10x128xi32, #tpu.memory_space<vmem>> -> memref<1x128xi32, #tpu.memory_space<vmem>>
        %dma_wait3A_210 = tpu.memref_squeeze %dma_wait3A_209 : memref<1x128xi32, #tpu.memory_space<vmem>> -> memref<128xi32, #tpu.memory_space<vmem>>
        %dma_wait3A_211 = arith.constant 0 : i32
        %dma_wait3A_212 = arith.constant 0 : i32
        %dma_wait3A_213 = tpu.memref_slice %arg2[%dma_wait3A_211, %dma_wait3A_212] : memref<10000x64xf32, #tpu.memory_space<hbm>> -> memref<10000x64xf32, #tpu.memory_space<hbm>>
        tpu.wait_indirect_dma semaphore(%arg11 : memref<!tpu.dma_semaphore, #tpu.memory_space<semaphore_mem>>) src(%dma_wait3A_213 : memref<10000x64xf32, #tpu.memory_space<hbm>>) dst(%arg9 : memref<128x64xf32, #tpu.memory_space<vmem>>)
        %dma_start3A_214 = arith.constant 6 : i32
        %dma_start3A_215 = arith.constant 0 : i32
        %dma_start3A_216 = tpu.memref_slice %arg8[%dma_start3A_214, %dma_start3A_215] : memref<10x128xi32, #tpu.memory_space<vmem>> -> memref<1x128xi32, #tpu.memory_space<vmem>>
        %dma_start3A_217 = tpu.memref_squeeze %dma_start3A_216 : memref<1x128xi32, #tpu.memory_space<vmem>> -> memref<128xi32, #tpu.memory_space<vmem>>
        %dma_start3A_218 = arith.constant 0 : i32
        %dma_start3A_219 = arith.constant 0 : i32
        %dma_start3A_220 = tpu.memref_slice %arg15[%dma_start3A_218, %dma_start3A_219] : memref<10112x64xf32, #tpu.memory_space<vmem_shared>> -> memref<10112x64xf32, #tpu.memory_space<vmem_shared>>
        tpu.enqueue_indirect_dma source(%arg9 : memref<128x64xf32, #tpu.memory_space<vmem>>) target(%dma_start3A_220 : memref<10112x64xf32, #tpu.memory_space<vmem_shared>>) offsets(%dma_start3A_217 : memref<128xi32, #tpu.memory_space<vmem>>) semaphore(%arg13 : memref<!tpu.dma_semaphore, #tpu.memory_space<semaphore_mem>>) {add = true}
        %dma_wait3A_221 = arith.constant 6 : i32
        %dma_wait3A_222 = arith.constant 0 : i32
        %dma_wait3A_223 = tpu.memref_slice %arg8[%dma_wait3A_221, %dma_wait3A_222] : memref<10x128xi32, #tpu.memory_space<vmem>> -> memref<1x128xi32, #tpu.memory_space<vmem>>
        %dma_wait3A_224 = tpu.memref_squeeze %dma_wait3A_223 : memref<1x128xi32, #tpu.memory_space<vmem>> -> memref<128xi32, #tpu.memory_space<vmem>>
        %dma_wait3A_225 = arith.constant 0 : i32
        %dma_wait3A_226 = arith.constant 0 : i32
        %dma_wait3A_227 = tpu.memref_slice %arg15[%dma_wait3A_225, %dma_wait3A_226] : memref<10112x64xf32, #tpu.memory_space<vmem_shared>> -> memref<10112x64xf32, #tpu.memory_space<vmem_shared>>
        tpu.wait_indirect_dma semaphore(%arg13 : memref<!tpu.dma_semaphore, #tpu.memory_space<semaphore_mem>>) src(%arg9 : memref<128x64xf32, #tpu.memory_space<vmem>>) dst(%dma_wait3A_227 : memref<10112x64xf32, #tpu.memory_space<vmem_shared>>)
        %dma_start3A_228 = arith.constant 8 : i32
        %dma_start3A_229 = arith.constant 0 : i32
        %dma_start3A_230 = tpu.memref_slice %arg7[%dma_start3A_228, %dma_start3A_229] : memref<10x128xi32, #tpu.memory_space<vmem>> -> memref<1x128xi32, #tpu.memory_space<vmem>>
        %dma_start3A_231 = tpu.memref_squeeze %dma_start3A_230 : memref<1x128xi32, #tpu.memory_space<vmem>> -> memref<128xi32, #tpu.memory_space<vmem>>
        %dma_start3A_232 = arith.constant 0 : i32
        %dma_start3A_233 = arith.constant 0 : i32
        %dma_start3A_234 = tpu.memref_slice %arg2[%dma_start3A_232, %dma_start3A_233] : memref<10000x64xf32, #tpu.memory_space<hbm>> -> memref<10000x64xf32, #tpu.memory_space<hbm>>
        tpu.enqueue_indirect_dma source(%dma_start3A_234 : memref<10000x64xf32, #tpu.memory_space<hbm>>) target(%arg9 : memref<128x64xf32, #tpu.memory_space<vmem>>) offsets(%dma_start3A_231 : memref<128xi32, #tpu.memory_space<vmem>>) semaphore(%arg11 : memref<!tpu.dma_semaphore, #tpu.memory_space<semaphore_mem>>)
        %dma_wait3A_235 = arith.constant 7 : i32
        %dma_wait3A_236 = arith.constant 0 : i32
        %dma_wait3A_237 = tpu.memref_slice %arg7[%dma_wait3A_235, %dma_wait3A_236] : memref<10x128xi32, #tpu.memory_space<vmem>> -> memref<1x128xi32, #tpu.memory_space<vmem>>
        %dma_wait3A_238 = tpu.memref_squeeze %dma_wait3A_237 : memref<1x128xi32, #tpu.memory_space<vmem>> -> memref<128xi32, #tpu.memory_space<vmem>>
        %dma_wait3A_239 = arith.constant 0 : i32
        %dma_wait3A_240 = arith.constant 0 : i32
        %dma_wait3A_241 = tpu.memref_slice %arg2[%dma_wait3A_239, %dma_wait3A_240] : memref<10000x64xf32, #tpu.memory_space<hbm>> -> memref<10000x64xf32, #tpu.memory_space<hbm>>
        tpu.wait_indirect_dma semaphore(%arg12 : memref<!tpu.dma_semaphore, #tpu.memory_space<semaphore_mem>>) src(%dma_wait3A_241 : memref<10000x64xf32, #tpu.memory_space<hbm>>) dst(%arg10 : memref<128x64xf32, #tpu.memory_space<vmem>>)
        %dma_start3A_242 = arith.constant 7 : i32
        %dma_start3A_243 = arith.constant 0 : i32
        %dma_start3A_244 = tpu.memref_slice %arg8[%dma_start3A_242, %dma_start3A_243] : memref<10x128xi32, #tpu.memory_space<vmem>> -> memref<1x128xi32, #tpu.memory_space<vmem>>
        %dma_start3A_245 = tpu.memref_squeeze %dma_start3A_244 : memref<1x128xi32, #tpu.memory_space<vmem>> -> memref<128xi32, #tpu.memory_space<vmem>>
        %dma_start3A_246 = arith.constant 0 : i32
        %dma_start3A_247 = arith.constant 0 : i32
        %dma_start3A_248 = tpu.memref_slice %arg15[%dma_start3A_246, %dma_start3A_247] : memref<10112x64xf32, #tpu.memory_space<vmem_shared>> -> memref<10112x64xf32, #tpu.memory_space<vmem_shared>>
        tpu.enqueue_indirect_dma source(%arg10 : memref<128x64xf32, #tpu.memory_space<vmem>>) target(%dma_start3A_248 : memref<10112x64xf32, #tpu.memory_space<vmem_shared>>) offsets(%dma_start3A_245 : memref<128xi32, #tpu.memory_space<vmem>>) semaphore(%arg14 : memref<!tpu.dma_semaphore, #tpu.memory_space<semaphore_mem>>) {add = true}
        %dma_wait3A_249 = arith.constant 7 : i32
        %dma_wait3A_250 = arith.constant 0 : i32
        %dma_wait3A_251 = tpu.memref_slice %arg8[%dma_wait3A_249, %dma_wait3A_250] : memref<10x128xi32, #tpu.memory_space<vmem>> -> memref<1x128xi32, #tpu.memory_space<vmem>>
        %dma_wait3A_252 = tpu.memref_squeeze %dma_wait3A_251 : memref<1x128xi32, #tpu.memory_space<vmem>> -> memref<128xi32, #tpu.memory_space<vmem>>
        %dma_wait3A_253 = arith.constant 0 : i32
        %dma_wait3A_254 = arith.constant 0 : i32
        %dma_wait3A_255 = tpu.memref_slice %arg15[%dma_wait3A_253, %dma_wait3A_254] : memref<10112x64xf32, #tpu.memory_space<vmem_shared>> -> memref<10112x64xf32, #tpu.memory_space<vmem_shared>>
        tpu.wait_indirect_dma semaphore(%arg14 : memref<!tpu.dma_semaphore, #tpu.memory_space<semaphore_mem>>) src(%arg10 : memref<128x64xf32, #tpu.memory_space<vmem>>) dst(%dma_wait3A_255 : memref<10112x64xf32, #tpu.memory_space<vmem_shared>>)
        %dma_start3A_256 = arith.constant 9 : i32
        %dma_start3A_257 = arith.constant 0 : i32
        %dma_start3A_258 = tpu.memref_slice %arg7[%dma_start3A_256, %dma_start3A_257] : memref<10x128xi32, #tpu.memory_space<vmem>> -> memref<1x128xi32, #tpu.memory_space<vmem>>
        %dma_start3A_259 = tpu.memref_squeeze %dma_start3A_258 : memref<1x128xi32, #tpu.memory_space<vmem>> -> memref<128xi32, #tpu.memory_space<vmem>>
        %dma_start3A_260 = arith.constant 0 : i32
        %dma_start3A_261 = arith.constant 0 : i32
        %dma_start3A_262 = tpu.memref_slice %arg2[%dma_start3A_260, %dma_start3A_261] : memref<10000x64xf32, #tpu.memory_space<hbm>> -> memref<10000x64xf32, #tpu.memory_space<hbm>>
        tpu.enqueue_indirect_dma source(%dma_start3A_262 : memref<10000x64xf32, #tpu.memory_space<hbm>>) target(%arg10 : memref<128x64xf32, #tpu.memory_space<vmem>>) offsets(%dma_start3A_259 : memref<128xi32, #tpu.memory_space<vmem>>) semaphore(%arg12 : memref<!tpu.dma_semaphore, #tpu.memory_space<semaphore_mem>>)
        %dma_wait3A_263 = arith.constant 8 : i32
        %dma_wait3A_264 = arith.constant 0 : i32
        %dma_wait3A_265 = tpu.memref_slice %arg7[%dma_wait3A_263, %dma_wait3A_264] : memref<10x128xi32, #tpu.memory_space<vmem>> -> memref<1x128xi32, #tpu.memory_space<vmem>>
        %dma_wait3A_266 = tpu.memref_squeeze %dma_wait3A_265 : memref<1x128xi32, #tpu.memory_space<vmem>> -> memref<128xi32, #tpu.memory_space<vmem>>
        %dma_wait3A_267 = arith.constant 0 : i32
        %dma_wait3A_268 = arith.constant 0 : i32
        %dma_wait3A_269 = tpu.memref_slice %arg2[%dma_wait3A_267, %dma_wait3A_268] : memref<10000x64xf32, #tpu.memory_space<hbm>> -> memref<10000x64xf32, #tpu.memory_space<hbm>>
        tpu.wait_indirect_dma semaphore(%arg11 : memref<!tpu.dma_semaphore, #tpu.memory_space<semaphore_mem>>) src(%dma_wait3A_269 : memref<10000x64xf32, #tpu.memory_space<hbm>>) dst(%arg9 : memref<128x64xf32, #tpu.memory_space<vmem>>)
        %dma_start3A_270 = arith.constant 8 : i32
        %dma_start3A_271 = arith.constant 0 : i32
        %dma_start3A_272 = tpu.memref_slice %arg8[%dma_start3A_270, %dma_start3A_271] : memref<10x128xi32, #tpu.memory_space<vmem>> -> memref<1x128xi32, #tpu.memory_space<vmem>>
        %dma_start3A_273 = tpu.memref_squeeze %dma_start3A_272 : memref<1x128xi32, #tpu.memory_space<vmem>> -> memref<128xi32, #tpu.memory_space<vmem>>
        %dma_start3A_274 = arith.constant 0 : i32
        %dma_start3A_275 = arith.constant 0 : i32
        %dma_start3A_276 = tpu.memref_slice %arg15[%dma_start3A_274, %dma_start3A_275] : memref<10112x64xf32, #tpu.memory_space<vmem_shared>> -> memref<10112x64xf32, #tpu.memory_space<vmem_shared>>
        tpu.enqueue_indirect_dma source(%arg9 : memref<128x64xf32, #tpu.memory_space<vmem>>) target(%dma_start3A_276 : memref<10112x64xf32, #tpu.memory_space<vmem_shared>>) offsets(%dma_start3A_273 : memref<128xi32, #tpu.memory_space<vmem>>) semaphore(%arg13 : memref<!tpu.dma_semaphore, #tpu.memory_space<semaphore_mem>>) {add = true}
        %dma_wait3A_277 = arith.constant 8 : i32
        %dma_wait3A_278 = arith.constant 0 : i32
        %dma_wait3A_279 = tpu.memref_slice %arg8[%dma_wait3A_277, %dma_wait3A_278] : memref<10x128xi32, #tpu.memory_space<vmem>> -> memref<1x128xi32, #tpu.memory_space<vmem>>
        %dma_wait3A_280 = tpu.memref_squeeze %dma_wait3A_279 : memref<1x128xi32, #tpu.memory_space<vmem>> -> memref<128xi32, #tpu.memory_space<vmem>>
        %dma_wait3A_281 = arith.constant 0 : i32
        %dma_wait3A_282 = arith.constant 0 : i32
        %dma_wait3A_283 = tpu.memref_slice %arg15[%dma_wait3A_281, %dma_wait3A_282] : memref<10112x64xf32, #tpu.memory_space<vmem_shared>> -> memref<10112x64xf32, #tpu.memory_space<vmem_shared>>
        tpu.wait_indirect_dma semaphore(%arg13 : memref<!tpu.dma_semaphore, #tpu.memory_space<semaphore_mem>>) src(%arg9 : memref<128x64xf32, #tpu.memory_space<vmem>>) dst(%dma_wait3A_283 : memref<10112x64xf32, #tpu.memory_space<vmem_shared>>)
        %dma_wait3A_284 = arith.constant 9 : i32
        %dma_wait3A_285 = arith.constant 0 : i32
        %dma_wait3A_286 = tpu.memref_slice %arg7[%dma_wait3A_284, %dma_wait3A_285] : memref<10x128xi32, #tpu.memory_space<vmem>> -> memref<1x128xi32, #tpu.memory_space<vmem>>
        %dma_wait3A_287 = tpu.memref_squeeze %dma_wait3A_286 : memref<1x128xi32, #tpu.memory_space<vmem>> -> memref<128xi32, #tpu.memory_space<vmem>>
        %dma_wait3A_288 = arith.constant 0 : i32
        %dma_wait3A_289 = arith.constant 0 : i32
        %dma_wait3A_290 = tpu.memref_slice %arg2[%dma_wait3A_288, %dma_wait3A_289] : memref<10000x64xf32, #tpu.memory_space<hbm>> -> memref<10000x64xf32, #tpu.memory_space<hbm>>
        tpu.wait_indirect_dma semaphore(%arg12 : memref<!tpu.dma_semaphore, #tpu.memory_space<semaphore_mem>>) src(%dma_wait3A_290 : memref<10000x64xf32, #tpu.memory_space<hbm>>) dst(%arg10 : memref<128x64xf32, #tpu.memory_space<vmem>>)
        %dma_start3A_291 = arith.constant 9 : i32
        %dma_start3A_292 = arith.constant 0 : i32
        %dma_start3A_293 = tpu.memref_slice %arg8[%dma_start3A_291, %dma_start3A_292] : memref<10x128xi32, #tpu.memory_space<vmem>> -> memref<1x128xi32, #tpu.memory_space<vmem>>
        %dma_start3A_294 = tpu.memref_squeeze %dma_start3A_293 : memref<1x128xi32, #tpu.memory_space<vmem>> -> memref<128xi32, #tpu.memory_space<vmem>>
        %dma_start3A_295 = arith.constant 0 : i32
        %dma_start3A_296 = arith.constant 0 : i32
        %dma_start3A_297 = tpu.memref_slice %arg15[%dma_start3A_295, %dma_start3A_296] : memref<10112x64xf32, #tpu.memory_space<vmem_shared>> -> memref<10112x64xf32, #tpu.memory_space<vmem_shared>>
        tpu.enqueue_indirect_dma source(%arg10 : memref<128x64xf32, #tpu.memory_space<vmem>>) target(%dma_start3A_297 : memref<10112x64xf32, #tpu.memory_space<vmem_shared>>) offsets(%dma_start3A_294 : memref<128xi32, #tpu.memory_space<vmem>>) semaphore(%arg14 : memref<!tpu.dma_semaphore, #tpu.memory_space<semaphore_mem>>) {add = true}
        %dma_wait3A_298 = arith.constant 9 : i32
        %dma_wait3A_299 = arith.constant 0 : i32
        %dma_wait3A_300 = tpu.memref_slice %arg8[%dma_wait3A_298, %dma_wait3A_299] : memref<10x128xi32, #tpu.memory_space<vmem>> -> memref<1x128xi32, #tpu.memory_space<vmem>>
        %dma_wait3A_301 = tpu.memref_squeeze %dma_wait3A_300 : memref<1x128xi32, #tpu.memory_space<vmem>> -> memref<128xi32, #tpu.memory_space<vmem>>
        %dma_wait3A_302 = arith.constant 0 : i32
        %dma_wait3A_303 = arith.constant 0 : i32
        %dma_wait3A_304 = tpu.memref_slice %arg15[%dma_wait3A_302, %dma_wait3A_303] : memref<10112x64xf32, #tpu.memory_space<vmem_shared>> -> memref<10112x64xf32, #tpu.memory_space<vmem_shared>>
        tpu.wait_indirect_dma semaphore(%arg14 : memref<!tpu.dma_semaphore, #tpu.memory_space<semaphore_mem>>) src(%arg10 : memref<128x64xf32, #tpu.memory_space<vmem>>) dst(%dma_wait3A_304 : memref<10112x64xf32, #tpu.memory_space<vmem_shared>>)
      }
      %scan3A_21 = arith.constant 4 : i32
    } else {
    }
    %barrier3A_12 = arith.constant 0 : index
    tpu.barrier barrier_id(%barrier3A_12)
    %mul3A_13 = arith.constant 632 : i32
    %mul3A_14 = arith.muli %arg1, %mul3A_13 : i32
    %mul3A_15 = arith.constant 632 : i32
    %mul3A_16 = arith.muli %arg1, %mul3A_15 : i32
    "tpu.region"() ({
      %run_scoped3A = tpu.sem_alloc : memref<!tpu.dma_semaphore, #tpu.memory_space<semaphore_mem>>
      %dma_start3A = arith.constant 0 : i32
      %dma_start3A_17 = tpu.memref_slice %arg6[%arg0, %mul3A_16, %dma_start3A] : memref<2x10112x64xf32, #tpu.memory_space<hbm>> -> memref<1x632x64xf32, #tpu.memory_space<hbm>>
      %dma_start3A_18 = tpu.memref_squeeze %dma_start3A_17 : memref<1x632x64xf32, #tpu.memory_space<hbm>> -> memref<632x64xf32, #tpu.memory_space<hbm>>
      %dma_start3A_19 = arith.constant 0 : i32
      %dma_start3A_20 = tpu.memref_slice %arg15[%mul3A_14, %dma_start3A_19] : memref<10112x64xf32, #tpu.memory_space<vmem_shared>> -> memref<632x64xf32, #tpu.memory_space<vmem_shared>>
      tpu.enqueue_dma source(%dma_start3A_20 : memref<632x64xf32, #tpu.memory_space<vmem_shared>>) target(%dma_start3A_18 : memref<632x64xf32, #tpu.memory_space<hbm>>) target_semaphore(%run_scoped3A : memref<!tpu.dma_semaphore, #tpu.memory_space<semaphore_mem>>)
      %dma_wait3A = arith.constant 0 : i32
      %dma_wait3A_21 = tpu.memref_slice %arg6[%arg0, %mul3A_16, %dma_wait3A] : memref<2x10112x64xf32, #tpu.memory_space<hbm>> -> memref<1x632x64xf32, #tpu.memory_space<hbm>>
      %dma_wait3A_22 = tpu.memref_squeeze %dma_wait3A_21 : memref<1x632x64xf32, #tpu.memory_space<hbm>> -> memref<632x64xf32, #tpu.memory_space<hbm>>
      %dma_wait3A_23 = arith.constant 0 : i32
      %dma_wait3A_24 = tpu.memref_slice %arg15[%mul3A_14, %dma_wait3A_23] : memref<10112x64xf32, #tpu.memory_space<vmem_shared>> -> memref<632x64xf32, #tpu.memory_space<vmem_shared>>
      tpu.wait_dma2 semaphore(%run_scoped3A : memref<!tpu.dma_semaphore, #tpu.memory_space<semaphore_mem>>) src(%dma_wait3A_24 : memref<632x64xf32, #tpu.memory_space<vmem_shared>>) dst(%dma_wait3A_22 : memref<632x64xf32, #tpu.memory_space<hbm>>)
      tpu.yield
    }) : () -> ()
    return
  }
}

#map = affine_map<(d0, d1) -> (0, 0, 0)>
#map1 = affine_map<(d0, d1) -> (0)>
#map2 = affine_map<(d0, d1) -> (0, 0)>
module attributes {stable_mosaic.version = 14 : i64} {
  func.func @_deg_body(%arg0: i32, %arg1: i32, %arg2: memref<32x120x128xi32, #tpu.memory_space<hbm>>, %arg3: memref<128xf32, #tpu.memory_space<hbm>>, %arg4: memref<10240xf32, #tpu.memory_space<hbm>>, %arg5: memref<2x10240xf32, #tpu.memory_space<hbm>>, %arg6: memref<120x128xi32, #tpu.memory_space<vmem>>, %arg7: memref<128xf32, #tpu.memory_space<vmem>>, %arg8: memref<10240xf32, #tpu.memory_space<vmem_shared>>, %arg9: memref<!tpu.dma_semaphore, #tpu.memory_space<semaphore_mem>>) attributes {dimension_semantics = [#tpu.dimension_semantics<core_parallel>, #tpu.dimension_semantics<subcore_parallel>], iteration_bounds = array<i64: 2, 16>, scalar_prefetch = 0 : i64, scratch_operands = 4 : i64, tpu.core_type = #tpu.core_type<sc_vector_subcore>, window_params = [{transform_indices = #map}, {transform_indices = #map1}, {transform_indices = #map1}, {transform_indices = #map2}]} {
    %mul3A = arith.constant 16 : i32
    %mul3A_0 = arith.muli %arg0, %mul3A : i32
    %add3A = arith.addi %mul3A_0, %arg1 : i32
    %mul3A_1 = arith.constant 640 : i32
    %mul3A_2 = arith.muli %arg1, %mul3A_1 : i32
    %mul3A_3 = arith.constant 640 : i32
    %mul3A_4 = arith.muli %arg1, %mul3A_3 : i32
    "tpu.region"() ({
      %run_scoped3A = tpu.sem_alloc : memref<!tpu.dma_semaphore, #tpu.memory_space<semaphore_mem>>
      %dma_start3A = tpu.memref_slice %arg8[%mul3A_4] : memref<10240xf32, #tpu.memory_space<vmem_shared>> -> memref<640xf32, #tpu.memory_space<vmem_shared>>
      %dma_start3A_17 = tpu.memref_slice %arg4[%mul3A_2] : memref<10240xf32, #tpu.memory_space<hbm>> -> memref<640xf32, #tpu.memory_space<hbm>>
      tpu.enqueue_dma source(%dma_start3A_17 : memref<640xf32, #tpu.memory_space<hbm>>) target(%dma_start3A : memref<640xf32, #tpu.memory_space<vmem_shared>>) target_semaphore(%run_scoped3A : memref<!tpu.dma_semaphore, #tpu.memory_space<semaphore_mem>>)
      %dma_wait3A = tpu.memref_slice %arg8[%mul3A_4] : memref<10240xf32, #tpu.memory_space<vmem_shared>> -> memref<640xf32, #tpu.memory_space<vmem_shared>>
      %dma_wait3A_18 = tpu.memref_slice %arg4[%mul3A_2] : memref<10240xf32, #tpu.memory_space<hbm>> -> memref<640xf32, #tpu.memory_space<hbm>>
      tpu.wait_dma2 semaphore(%run_scoped3A : memref<!tpu.dma_semaphore, #tpu.memory_space<semaphore_mem>>) src(%dma_wait3A_18 : memref<640xf32, #tpu.memory_space<hbm>>) dst(%dma_wait3A : memref<640xf32, #tpu.memory_space<vmem_shared>>)
      tpu.yield
    }) : () -> ()
    "tpu.region"() ({
      %run_scoped3A = tpu.sem_alloc : memref<!tpu.dma_semaphore, #tpu.memory_space<semaphore_mem>>
      tpu.enqueue_dma source(%arg3 : memref<128xf32, #tpu.memory_space<hbm>>) target(%arg7 : memref<128xf32, #tpu.memory_space<vmem>>) target_semaphore(%run_scoped3A : memref<!tpu.dma_semaphore, #tpu.memory_space<semaphore_mem>>)
      tpu.wait_dma2 semaphore(%run_scoped3A : memref<!tpu.dma_semaphore, #tpu.memory_space<semaphore_mem>>) src(%arg3 : memref<128xf32, #tpu.memory_space<hbm>>) dst(%arg7 : memref<128xf32, #tpu.memory_space<vmem>>)
      tpu.yield
    }) : () -> ()
    "tpu.region"() ({
      %run_scoped3A = tpu.sem_alloc : memref<!tpu.dma_semaphore, #tpu.memory_space<semaphore_mem>>
      %dma_start3A = arith.constant 0 : i32
      %dma_start3A_17 = arith.constant 0 : i32
      %dma_start3A_18 = tpu.memref_slice %arg2[%add3A, %dma_start3A, %dma_start3A_17] : memref<32x120x128xi32, #tpu.memory_space<hbm>> -> memref<1x120x128xi32, #tpu.memory_space<hbm>>
      %dma_start3A_19 = tpu.memref_squeeze %dma_start3A_18 : memref<1x120x128xi32, #tpu.memory_space<hbm>> -> memref<120x128xi32, #tpu.memory_space<hbm>>
      %dma_start3A_20 = arith.constant 0 : i32
      %dma_start3A_21 = arith.constant 0 : i32
      %dma_start3A_22 = tpu.memref_slice %arg2[%add3A, %dma_start3A_20, %dma_start3A_21] : memref<32x120x128xi32, #tpu.memory_space<hbm>> -> memref<1x120x128xi32, #tpu.memory_space<hbm>>
      %dma_start3A_23 = tpu.memref_squeeze %dma_start3A_22 : memref<1x120x128xi32, #tpu.memory_space<hbm>> -> memref<120x128xi32, #tpu.memory_space<hbm>>
      tpu.enqueue_dma source(%dma_start3A_23 : memref<120x128xi32, #tpu.memory_space<hbm>>) target(%arg6 : memref<120x128xi32, #tpu.memory_space<vmem>>) target_semaphore(%run_scoped3A : memref<!tpu.dma_semaphore, #tpu.memory_space<semaphore_mem>>)
      %dma_wait3A = arith.constant 0 : i32
      %dma_wait3A_24 = arith.constant 0 : i32
      %dma_wait3A_25 = tpu.memref_slice %arg2[%add3A, %dma_wait3A, %dma_wait3A_24] : memref<32x120x128xi32, #tpu.memory_space<hbm>> -> memref<1x120x128xi32, #tpu.memory_space<hbm>>
      %dma_wait3A_26 = tpu.memref_squeeze %dma_wait3A_25 : memref<1x120x128xi32, #tpu.memory_space<hbm>> -> memref<120x128xi32, #tpu.memory_space<hbm>>
      %dma_wait3A_27 = arith.constant 0 : i32
      %dma_wait3A_28 = arith.constant 0 : i32
      %dma_wait3A_29 = tpu.memref_slice %arg2[%add3A, %dma_wait3A_27, %dma_wait3A_28] : memref<32x120x128xi32, #tpu.memory_space<hbm>> -> memref<1x120x128xi32, #tpu.memory_space<hbm>>
      %dma_wait3A_30 = tpu.memref_squeeze %dma_wait3A_29 : memref<1x120x128xi32, #tpu.memory_space<hbm>> -> memref<120x128xi32, #tpu.memory_space<hbm>>
      tpu.wait_dma2 semaphore(%run_scoped3A : memref<!tpu.dma_semaphore, #tpu.memory_space<semaphore_mem>>) src(%dma_wait3A_30 : memref<120x128xi32, #tpu.memory_space<hbm>>) dst(%arg6 : memref<120x128xi32, #tpu.memory_space<vmem>>)
      tpu.yield
    }) : () -> ()
    %barrier3A = arith.constant 0 : index
    tpu.barrier barrier_id(%barrier3A)
    %eq3A = arith.constant 0 : i32
    %eq3A_5 = arith.cmpi eq, %arg0, %eq3A : i32
    %convert_element_type3A = arith.extui %eq3A_5 : i1 to i32
    %cond3A = arith.constant 0 : i32
    %cond3A_6 = arith.cmpi ne, %convert_element_type3A, %cond3A : i32
    scf.if %cond3A_6 {
      %scan3A = arith.constant 0 : i32
      %scan3A_17 = arith.constant 0 : i32
      %scan3A_18 = arith.constant 120 : i32
      %scan3A_19 = arith.addi %scan3A_17, %scan3A_18 : i32
      %scan3A_20 = arith.constant 1 : i32
      scf.for %scan3A_22 = %scan3A_17 to %scan3A_19 step %scan3A_20  : i32 {
        "tpu.region"() ({
          %run_scoped3A = tpu.sem_alloc : memref<!tpu.dma_semaphore, #tpu.memory_space<semaphore_mem>>
          %dma_start3A = arith.constant 0 : i32
          %dma_start3A_23 = tpu.memref_slice %arg6[%scan3A_22, %dma_start3A] : memref<120x128xi32, #tpu.memory_space<vmem>> -> memref<1x128xi32, #tpu.memory_space<vmem>>
          %dma_start3A_24 = tpu.memref_squeeze %dma_start3A_23 : memref<1x128xi32, #tpu.memory_space<vmem>> -> memref<128xi32, #tpu.memory_space<vmem>>
          %dma_start3A_25 = arith.constant 0 : i32
          %dma_start3A_26 = tpu.memref_slice %arg8[%dma_start3A_25] : memref<10240xf32, #tpu.memory_space<vmem_shared>> -> memref<10240xf32, #tpu.memory_space<vmem_shared>>
          tpu.enqueue_indirect_dma source(%arg7 : memref<128xf32, #tpu.memory_space<vmem>>) target(%dma_start3A_26 : memref<10240xf32, #tpu.memory_space<vmem_shared>>) offsets(%dma_start3A_24 : memref<128xi32, #tpu.memory_space<vmem>>) semaphore(%run_scoped3A : memref<!tpu.dma_semaphore, #tpu.memory_space<semaphore_mem>>) {add = true}
          %dma_wait3A = arith.constant 0 : i32
          %dma_wait3A_27 = tpu.memref_slice %arg6[%scan3A_22, %dma_wait3A] : memref<120x128xi32, #tpu.memory_space<vmem>> -> memref<1x128xi32, #tpu.memory_space<vmem>>
          %dma_wait3A_28 = tpu.memref_squeeze %dma_wait3A_27 : memref<1x128xi32, #tpu.memory_space<vmem>> -> memref<128xi32, #tpu.memory_space<vmem>>
          %dma_wait3A_29 = arith.constant 0 : i32
          %dma_wait3A_30 = tpu.memref_slice %arg8[%dma_wait3A_29] : memref<10240xf32, #tpu.memory_space<vmem_shared>> -> memref<10240xf32, #tpu.memory_space<vmem_shared>>
          tpu.wait_indirect_dma semaphore(%run_scoped3A : memref<!tpu.dma_semaphore, #tpu.memory_space<semaphore_mem>>) src(%arg7 : memref<128xf32, #tpu.memory_space<vmem>>) dst(%dma_wait3A_30 : memref<10240xf32, #tpu.memory_space<vmem_shared>>)
          tpu.yield
        }) : () -> ()
      }
      %scan3A_21 = arith.constant 120 : i32
    } else {
    }
    %eq3A_7 = arith.constant 1 : i32
    %eq3A_8 = arith.cmpi eq, %arg0, %eq3A_7 : i32
    %convert_element_type3A_9 = arith.extui %eq3A_8 : i1 to i32
    %cond3A_10 = arith.constant 0 : i32
    %cond3A_11 = arith.cmpi ne, %convert_element_type3A_9, %cond3A_10 : i32
    scf.if %cond3A_11 {
      %scan3A = arith.constant 0 : i32
      %scan3A_17 = arith.constant 0 : i32
      %scan3A_18 = arith.constant 40 : i32
      %scan3A_19 = arith.addi %scan3A_17, %scan3A_18 : i32
      %scan3A_20 = arith.constant 1 : i32
      scf.for %scan3A_22 = %scan3A_17 to %scan3A_19 step %scan3A_20  : i32 {
        "tpu.region"() ({
          %run_scoped3A = tpu.sem_alloc : memref<!tpu.dma_semaphore, #tpu.memory_space<semaphore_mem>>
          %dma_start3A = arith.constant 0 : i32
          %dma_start3A_23 = tpu.memref_slice %arg6[%scan3A_22, %dma_start3A] : memref<120x128xi32, #tpu.memory_space<vmem>> -> memref<1x128xi32, #tpu.memory_space<vmem>>
          %dma_start3A_24 = tpu.memref_squeeze %dma_start3A_23 : memref<1x128xi32, #tpu.memory_space<vmem>> -> memref<128xi32, #tpu.memory_space<vmem>>
          %dma_start3A_25 = arith.constant 0 : i32
          %dma_start3A_26 = tpu.memref_slice %arg8[%dma_start3A_25] : memref<10240xf32, #tpu.memory_space<vmem_shared>> -> memref<10240xf32, #tpu.memory_space<vmem_shared>>
          tpu.enqueue_indirect_dma source(%arg7 : memref<128xf32, #tpu.memory_space<vmem>>) target(%dma_start3A_26 : memref<10240xf32, #tpu.memory_space<vmem_shared>>) offsets(%dma_start3A_24 : memref<128xi32, #tpu.memory_space<vmem>>) semaphore(%run_scoped3A : memref<!tpu.dma_semaphore, #tpu.memory_space<semaphore_mem>>) {add = true}
          %dma_wait3A = arith.constant 0 : i32
          %dma_wait3A_27 = tpu.memref_slice %arg6[%scan3A_22, %dma_wait3A] : memref<120x128xi32, #tpu.memory_space<vmem>> -> memref<1x128xi32, #tpu.memory_space<vmem>>
          %dma_wait3A_28 = tpu.memref_squeeze %dma_wait3A_27 : memref<1x128xi32, #tpu.memory_space<vmem>> -> memref<128xi32, #tpu.memory_space<vmem>>
          %dma_wait3A_29 = arith.constant 0 : i32
          %dma_wait3A_30 = tpu.memref_slice %arg8[%dma_wait3A_29] : memref<10240xf32, #tpu.memory_space<vmem_shared>> -> memref<10240xf32, #tpu.memory_space<vmem_shared>>
          tpu.wait_indirect_dma semaphore(%run_scoped3A : memref<!tpu.dma_semaphore, #tpu.memory_space<semaphore_mem>>) src(%arg7 : memref<128xf32, #tpu.memory_space<vmem>>) dst(%dma_wait3A_30 : memref<10240xf32, #tpu.memory_space<vmem_shared>>)
          tpu.yield
        }) : () -> ()
      }
      %scan3A_21 = arith.constant 40 : i32
    } else {
    }
    %barrier3A_12 = arith.constant 0 : index
    tpu.barrier barrier_id(%barrier3A_12)
    %mul3A_13 = arith.constant 640 : i32
    %mul3A_14 = arith.muli %arg1, %mul3A_13 : i32
    %mul3A_15 = arith.constant 640 : i32
    %mul3A_16 = arith.muli %arg1, %mul3A_15 : i32
    "tpu.region"() ({
      %run_scoped3A = tpu.sem_alloc : memref<!tpu.dma_semaphore, #tpu.memory_space<semaphore_mem>>
      %dma_start3A = tpu.memref_slice %arg5[%arg0, %mul3A_16] : memref<2x10240xf32, #tpu.memory_space<hbm>> -> memref<1x640xf32, #tpu.memory_space<hbm>>
      %dma_start3A_17 = tpu.memref_squeeze %dma_start3A : memref<1x640xf32, #tpu.memory_space<hbm>> -> memref<640xf32, #tpu.memory_space<hbm>>
      %dma_start3A_18 = tpu.memref_slice %arg8[%mul3A_14] : memref<10240xf32, #tpu.memory_space<vmem_shared>> -> memref<640xf32, #tpu.memory_space<vmem_shared>>
      tpu.enqueue_dma source(%dma_start3A_18 : memref<640xf32, #tpu.memory_space<vmem_shared>>) target(%dma_start3A_17 : memref<640xf32, #tpu.memory_space<hbm>>) target_semaphore(%run_scoped3A : memref<!tpu.dma_semaphore, #tpu.memory_space<semaphore_mem>>)
      %dma_wait3A = tpu.memref_slice %arg5[%arg0, %mul3A_16] : memref<2x10240xf32, #tpu.memory_space<hbm>> -> memref<1x640xf32, #tpu.memory_space<hbm>>
      %dma_wait3A_19 = tpu.memref_squeeze %dma_wait3A : memref<1x640xf32, #tpu.memory_space<hbm>> -> memref<640xf32, #tpu.memory_space<hbm>>
      %dma_wait3A_20 = tpu.memref_slice %arg8[%mul3A_14] : memref<10240xf32, #tpu.memory_space<vmem_shared>> -> memref<640xf32, #tpu.memory_space<vmem_shared>>
      tpu.wait_dma2 semaphore(%run_scoped3A : memref<!tpu.dma_semaphore, #tpu.memory_space<semaphore_mem>>) src(%dma_wait3A_20 : memref<640xf32, #tpu.memory_space<vmem_shared>>) dst(%dma_wait3A_19 : memref<640xf32, #tpu.memory_space<hbm>>)
      tpu.yield
    }) : () -> ()
    return
  }
}

#map = affine_map<(d0, d1) -> (0, 0)>
#map1 = affine_map<(d0, d1) -> (0, 0, 0)>
module attributes {stable_mosaic.version = 14 : i64} {
  func.func @_prop_body(%arg0: i32, %arg1: i32, %arg2: memref<10000x128xf32, #tpu.memory_space<hbm>>, %arg3: memref<32x120x128xi32, #tpu.memory_space<hbm>>, %arg4: memref<32x120x128xi32, #tpu.memory_space<hbm>>, %arg5: memref<10112x128xf32, #tpu.memory_space<hbm>>, %arg6: memref<2x10112x128xf32, #tpu.memory_space<hbm>>, %arg7: memref<10x128xi32, #tpu.memory_space<vmem>>, %arg8: memref<10x128xi32, #tpu.memory_space<vmem>>, %arg9: memref<128x128xf32, #tpu.memory_space<vmem>>, %arg10: memref<128x128xf32, #tpu.memory_space<vmem>>, %arg11: memref<!tpu.dma_semaphore, #tpu.memory_space<semaphore_mem>>, %arg12: memref<!tpu.dma_semaphore, #tpu.memory_space<semaphore_mem>>, %arg13: memref<!tpu.dma_semaphore, #tpu.memory_space<semaphore_mem>>, %arg14: memref<!tpu.dma_semaphore, #tpu.memory_space<semaphore_mem>>, %arg15: memref<10112x128xf32, #tpu.memory_space<vmem_shared>>) attributes {dimension_semantics = [#tpu.dimension_semantics<core_parallel>, #tpu.dimension_semantics<subcore_parallel>], iteration_bounds = array<i64: 2, 16>, scalar_prefetch = 0 : i64, scratch_operands = 9 : i64, tpu.core_type = #tpu.core_type<sc_vector_subcore>, window_params = [{transform_indices = #map}, {transform_indices = #map1}, {transform_indices = #map1}, {transform_indices = #map}, {transform_indices = #map1}]} {
    %mul3A = arith.constant 16 : i32
    %mul3A_0 = arith.muli %arg0, %mul3A : i32
    %add3A = arith.addi %mul3A_0, %arg1 : i32
    %mul3A_1 = arith.constant 632 : i32
    %mul3A_2 = arith.muli %arg1, %mul3A_1 : i32
    %mul3A_3 = arith.constant 632 : i32
    %mul3A_4 = arith.muli %arg1, %mul3A_3 : i32
    "tpu.region"() ({
      %run_scoped3A = tpu.sem_alloc : memref<!tpu.dma_semaphore, #tpu.memory_space<semaphore_mem>>
      %dma_start3A = arith.constant 0 : i32
      %dma_start3A_17 = tpu.memref_slice %arg15[%mul3A_4, %dma_start3A] : memref<10112x128xf32, #tpu.memory_space<vmem_shared>> -> memref<632x128xf32, #tpu.memory_space<vmem_shared>>
      %dma_start3A_18 = arith.constant 0 : i32
      %dma_start3A_19 = tpu.memref_slice %arg5[%mul3A_2, %dma_start3A_18] : memref<10112x128xf32, #tpu.memory_space<hbm>> -> memref<632x128xf32, #tpu.memory_space<hbm>>
      tpu.enqueue_dma source(%dma_start3A_19 : memref<632x128xf32, #tpu.memory_space<hbm>>) target(%dma_start3A_17 : memref<632x128xf32, #tpu.memory_space<vmem_shared>>) target_semaphore(%run_scoped3A : memref<!tpu.dma_semaphore, #tpu.memory_space<semaphore_mem>>)
      %dma_wait3A = arith.constant 0 : i32
      %dma_wait3A_20 = tpu.memref_slice %arg15[%mul3A_4, %dma_wait3A] : memref<10112x128xf32, #tpu.memory_space<vmem_shared>> -> memref<632x128xf32, #tpu.memory_space<vmem_shared>>
      %dma_wait3A_21 = arith.constant 0 : i32
      %dma_wait3A_22 = tpu.memref_slice %arg5[%mul3A_2, %dma_wait3A_21] : memref<10112x128xf32, #tpu.memory_space<hbm>> -> memref<632x128xf32, #tpu.memory_space<hbm>>
      tpu.wait_dma2 semaphore(%run_scoped3A : memref<!tpu.dma_semaphore, #tpu.memory_space<semaphore_mem>>) src(%dma_wait3A_22 : memref<632x128xf32, #tpu.memory_space<hbm>>) dst(%dma_wait3A_20 : memref<632x128xf32, #tpu.memory_space<vmem_shared>>)
      tpu.yield
    }) : () -> ()
    %barrier3A = arith.constant 0 : index
    tpu.barrier barrier_id(%barrier3A)
    %eq3A = arith.constant 0 : i32
    %eq3A_5 = arith.cmpi eq, %arg0, %eq3A : i32
    %convert_element_type3A = arith.extui %eq3A_5 : i1 to i32
    %cond3A = arith.constant 0 : i32
    %cond3A_6 = arith.cmpi ne, %convert_element_type3A, %cond3A : i32
    scf.if %cond3A_6 {
      %scan3A = arith.constant 0 : i32
      %scan3A_17 = arith.constant 0 : i32
      %scan3A_18 = arith.constant 12 : i32
      %scan3A_19 = arith.addi %scan3A_17, %scan3A_18 : i32
      %scan3A_20 = arith.constant 1 : i32
      scf.for %scan3A_22 = %scan3A_17 to %scan3A_19 step %scan3A_20  : i32 {
        %mul3A_23 = arith.constant 10 : i32
        %mul3A_24 = arith.muli %scan3A_22, %mul3A_23 : i32
        "tpu.region"() ({
          %run_scoped3A = tpu.sem_alloc : memref<!tpu.dma_semaphore, #tpu.memory_space<semaphore_mem>>
          %dma_start3A_305 = arith.constant 0 : i32
          %dma_start3A_306 = tpu.memref_slice %arg3[%add3A, %mul3A_24, %dma_start3A_305] : memref<32x120x128xi32, #tpu.memory_space<hbm>> -> memref<1x10x128xi32, #tpu.memory_space<hbm>>
          %dma_start3A_307 = tpu.memref_squeeze %dma_start3A_306 : memref<1x10x128xi32, #tpu.memory_space<hbm>> -> memref<10x128xi32, #tpu.memory_space<hbm>>
          %dma_start3A_308 = arith.constant 0 : i32
          %dma_start3A_309 = tpu.memref_slice %arg3[%add3A, %mul3A_24, %dma_start3A_308] : memref<32x120x128xi32, #tpu.memory_space<hbm>> -> memref<1x10x128xi32, #tpu.memory_space<hbm>>
          %dma_start3A_310 = tpu.memref_squeeze %dma_start3A_309 : memref<1x10x128xi32, #tpu.memory_space<hbm>> -> memref<10x128xi32, #tpu.memory_space<hbm>>
          tpu.enqueue_dma source(%dma_start3A_310 : memref<10x128xi32, #tpu.memory_space<hbm>>) target(%arg7 : memref<10x128xi32, #tpu.memory_space<vmem>>) target_semaphore(%run_scoped3A : memref<!tpu.dma_semaphore, #tpu.memory_space<semaphore_mem>>)
          %dma_wait3A_311 = arith.constant 0 : i32
          %dma_wait3A_312 = tpu.memref_slice %arg3[%add3A, %mul3A_24, %dma_wait3A_311] : memref<32x120x128xi32, #tpu.memory_space<hbm>> -> memref<1x10x128xi32, #tpu.memory_space<hbm>>
          %dma_wait3A_313 = tpu.memref_squeeze %dma_wait3A_312 : memref<1x10x128xi32, #tpu.memory_space<hbm>> -> memref<10x128xi32, #tpu.memory_space<hbm>>
          %dma_wait3A_314 = arith.constant 0 : i32
          %dma_wait3A_315 = tpu.memref_slice %arg3[%add3A, %mul3A_24, %dma_wait3A_314] : memref<32x120x128xi32, #tpu.memory_space<hbm>> -> memref<1x10x128xi32, #tpu.memory_space<hbm>>
          %dma_wait3A_316 = tpu.memref_squeeze %dma_wait3A_315 : memref<1x10x128xi32, #tpu.memory_space<hbm>> -> memref<10x128xi32, #tpu.memory_space<hbm>>
          tpu.wait_dma2 semaphore(%run_scoped3A : memref<!tpu.dma_semaphore, #tpu.memory_space<semaphore_mem>>) src(%dma_wait3A_316 : memref<10x128xi32, #tpu.memory_space<hbm>>) dst(%arg7 : memref<10x128xi32, #tpu.memory_space<vmem>>)
          tpu.yield
        }) : () -> ()
        %mul3A_25 = arith.constant 10 : i32
        %mul3A_26 = arith.muli %scan3A_22, %mul3A_25 : i32
        "tpu.region"() ({
          %run_scoped3A = tpu.sem_alloc : memref<!tpu.dma_semaphore, #tpu.memory_space<semaphore_mem>>
          %dma_start3A_305 = arith.constant 0 : i32
          %dma_start3A_306 = tpu.memref_slice %arg4[%add3A, %mul3A_26, %dma_start3A_305] : memref<32x120x128xi32, #tpu.memory_space<hbm>> -> memref<1x10x128xi32, #tpu.memory_space<hbm>>
          %dma_start3A_307 = tpu.memref_squeeze %dma_start3A_306 : memref<1x10x128xi32, #tpu.memory_space<hbm>> -> memref<10x128xi32, #tpu.memory_space<hbm>>
          %dma_start3A_308 = arith.constant 0 : i32
          %dma_start3A_309 = tpu.memref_slice %arg4[%add3A, %mul3A_26, %dma_start3A_308] : memref<32x120x128xi32, #tpu.memory_space<hbm>> -> memref<1x10x128xi32, #tpu.memory_space<hbm>>
          %dma_start3A_310 = tpu.memref_squeeze %dma_start3A_309 : memref<1x10x128xi32, #tpu.memory_space<hbm>> -> memref<10x128xi32, #tpu.memory_space<hbm>>
          tpu.enqueue_dma source(%dma_start3A_310 : memref<10x128xi32, #tpu.memory_space<hbm>>) target(%arg8 : memref<10x128xi32, #tpu.memory_space<vmem>>) target_semaphore(%run_scoped3A : memref<!tpu.dma_semaphore, #tpu.memory_space<semaphore_mem>>)
          %dma_wait3A_311 = arith.constant 0 : i32
          %dma_wait3A_312 = tpu.memref_slice %arg4[%add3A, %mul3A_26, %dma_wait3A_311] : memref<32x120x128xi32, #tpu.memory_space<hbm>> -> memref<1x10x128xi32, #tpu.memory_space<hbm>>
          %dma_wait3A_313 = tpu.memref_squeeze %dma_wait3A_312 : memref<1x10x128xi32, #tpu.memory_space<hbm>> -> memref<10x128xi32, #tpu.memory_space<hbm>>
          %dma_wait3A_314 = arith.constant 0 : i32
          %dma_wait3A_315 = tpu.memref_slice %arg4[%add3A, %mul3A_26, %dma_wait3A_314] : memref<32x120x128xi32, #tpu.memory_space<hbm>> -> memref<1x10x128xi32, #tpu.memory_space<hbm>>
          %dma_wait3A_316 = tpu.memref_squeeze %dma_wait3A_315 : memref<1x10x128xi32, #tpu.memory_space<hbm>> -> memref<10x128xi32, #tpu.memory_space<hbm>>
          tpu.wait_dma2 semaphore(%run_scoped3A : memref<!tpu.dma_semaphore, #tpu.memory_space<semaphore_mem>>) src(%dma_wait3A_316 : memref<10x128xi32, #tpu.memory_space<hbm>>) dst(%arg8 : memref<10x128xi32, #tpu.memory_space<vmem>>)
          tpu.yield
        }) : () -> ()
        %dma_start3A = arith.constant 0 : i32
        %dma_start3A_27 = arith.constant 0 : i32
        %dma_start3A_28 = tpu.memref_slice %arg7[%dma_start3A, %dma_start3A_27] : memref<10x128xi32, #tpu.memory_space<vmem>> -> memref<1x128xi32, #tpu.memory_space<vmem>>
        %dma_start3A_29 = tpu.memref_squeeze %dma_start3A_28 : memref<1x128xi32, #tpu.memory_space<vmem>> -> memref<128xi32, #tpu.memory_space<vmem>>
        %dma_start3A_30 = arith.constant 0 : i32
        %dma_start3A_31 = arith.constant 0 : i32
        %dma_start3A_32 = tpu.memref_slice %arg2[%dma_start3A_30, %dma_start3A_31] : memref<10000x128xf32, #tpu.memory_space<hbm>> -> memref<10000x128xf32, #tpu.memory_space<hbm>>
        tpu.enqueue_indirect_dma source(%dma_start3A_32 : memref<10000x128xf32, #tpu.memory_space<hbm>>) target(%arg9 : memref<128x128xf32, #tpu.memory_space<vmem>>) offsets(%dma_start3A_29 : memref<128xi32, #tpu.memory_space<vmem>>) semaphore(%arg11 : memref<!tpu.dma_semaphore, #tpu.memory_space<semaphore_mem>>)
        %dma_start3A_33 = arith.constant 1 : i32
        %dma_start3A_34 = arith.constant 0 : i32
        %dma_start3A_35 = tpu.memref_slice %arg7[%dma_start3A_33, %dma_start3A_34] : memref<10x128xi32, #tpu.memory_space<vmem>> -> memref<1x128xi32, #tpu.memory_space<vmem>>
        %dma_start3A_36 = tpu.memref_squeeze %dma_start3A_35 : memref<1x128xi32, #tpu.memory_space<vmem>> -> memref<128xi32, #tpu.memory_space<vmem>>
        %dma_start3A_37 = arith.constant 0 : i32
        %dma_start3A_38 = arith.constant 0 : i32
        %dma_start3A_39 = tpu.memref_slice %arg2[%dma_start3A_37, %dma_start3A_38] : memref<10000x128xf32, #tpu.memory_space<hbm>> -> memref<10000x128xf32, #tpu.memory_space<hbm>>
        tpu.enqueue_indirect_dma source(%dma_start3A_39 : memref<10000x128xf32, #tpu.memory_space<hbm>>) target(%arg10 : memref<128x128xf32, #tpu.memory_space<vmem>>) offsets(%dma_start3A_36 : memref<128xi32, #tpu.memory_space<vmem>>) semaphore(%arg12 : memref<!tpu.dma_semaphore, #tpu.memory_space<semaphore_mem>>)
        %dma_wait3A = arith.constant 0 : i32
        %dma_wait3A_40 = arith.constant 0 : i32
        %dma_wait3A_41 = tpu.memref_slice %arg7[%dma_wait3A, %dma_wait3A_40] : memref<10x128xi32, #tpu.memory_space<vmem>> -> memref<1x128xi32, #tpu.memory_space<vmem>>
        %dma_wait3A_42 = tpu.memref_squeeze %dma_wait3A_41 : memref<1x128xi32, #tpu.memory_space<vmem>> -> memref<128xi32, #tpu.memory_space<vmem>>
        %dma_wait3A_43 = arith.constant 0 : i32
        %dma_wait3A_44 = arith.constant 0 : i32
        %dma_wait3A_45 = tpu.memref_slice %arg2[%dma_wait3A_43, %dma_wait3A_44] : memref<10000x128xf32, #tpu.memory_space<hbm>> -> memref<10000x128xf32, #tpu.memory_space<hbm>>
        tpu.wait_indirect_dma semaphore(%arg11 : memref<!tpu.dma_semaphore, #tpu.memory_space<semaphore_mem>>) src(%dma_wait3A_45 : memref<10000x128xf32, #tpu.memory_space<hbm>>) dst(%arg9 : memref<128x128xf32, #tpu.memory_space<vmem>>)
        %dma_start3A_46 = arith.constant 0 : i32
        %dma_start3A_47 = arith.constant 0 : i32
        %dma_start3A_48 = tpu.memref_slice %arg8[%dma_start3A_46, %dma_start3A_47] : memref<10x128xi32, #tpu.memory_space<vmem>> -> memref<1x128xi32, #tpu.memory_space<vmem>>
        %dma_start3A_49 = tpu.memref_squeeze %dma_start3A_48 : memref<1x128xi32, #tpu.memory_space<vmem>> -> memref<128xi32, #tpu.memory_space<vmem>>
        %dma_start3A_50 = arith.constant 0 : i32
        %dma_start3A_51 = arith.constant 0 : i32
        %dma_start3A_52 = tpu.memref_slice %arg15[%dma_start3A_50, %dma_start3A_51] : memref<10112x128xf32, #tpu.memory_space<vmem_shared>> -> memref<10112x128xf32, #tpu.memory_space<vmem_shared>>
        tpu.enqueue_indirect_dma source(%arg9 : memref<128x128xf32, #tpu.memory_space<vmem>>) target(%dma_start3A_52 : memref<10112x128xf32, #tpu.memory_space<vmem_shared>>) offsets(%dma_start3A_49 : memref<128xi32, #tpu.memory_space<vmem>>) semaphore(%arg13 : memref<!tpu.dma_semaphore, #tpu.memory_space<semaphore_mem>>) {add = true}
        %dma_wait3A_53 = arith.constant 0 : i32
        %dma_wait3A_54 = arith.constant 0 : i32
        %dma_wait3A_55 = tpu.memref_slice %arg8[%dma_wait3A_53, %dma_wait3A_54] : memref<10x128xi32, #tpu.memory_space<vmem>> -> memref<1x128xi32, #tpu.memory_space<vmem>>
        %dma_wait3A_56 = tpu.memref_squeeze %dma_wait3A_55 : memref<1x128xi32, #tpu.memory_space<vmem>> -> memref<128xi32, #tpu.memory_space<vmem>>
        %dma_wait3A_57 = arith.constant 0 : i32
        %dma_wait3A_58 = arith.constant 0 : i32
        %dma_wait3A_59 = tpu.memref_slice %arg15[%dma_wait3A_57, %dma_wait3A_58] : memref<10112x128xf32, #tpu.memory_space<vmem_shared>> -> memref<10112x128xf32, #tpu.memory_space<vmem_shared>>
        tpu.wait_indirect_dma semaphore(%arg13 : memref<!tpu.dma_semaphore, #tpu.memory_space<semaphore_mem>>) src(%arg9 : memref<128x128xf32, #tpu.memory_space<vmem>>) dst(%dma_wait3A_59 : memref<10112x128xf32, #tpu.memory_space<vmem_shared>>)
        %dma_start3A_60 = arith.constant 2 : i32
        %dma_start3A_61 = arith.constant 0 : i32
        %dma_start3A_62 = tpu.memref_slice %arg7[%dma_start3A_60, %dma_start3A_61] : memref<10x128xi32, #tpu.memory_space<vmem>> -> memref<1x128xi32, #tpu.memory_space<vmem>>
        %dma_start3A_63 = tpu.memref_squeeze %dma_start3A_62 : memref<1x128xi32, #tpu.memory_space<vmem>> -> memref<128xi32, #tpu.memory_space<vmem>>
        %dma_start3A_64 = arith.constant 0 : i32
        %dma_start3A_65 = arith.constant 0 : i32
        %dma_start3A_66 = tpu.memref_slice %arg2[%dma_start3A_64, %dma_start3A_65] : memref<10000x128xf32, #tpu.memory_space<hbm>> -> memref<10000x128xf32, #tpu.memory_space<hbm>>
        tpu.enqueue_indirect_dma source(%dma_start3A_66 : memref<10000x128xf32, #tpu.memory_space<hbm>>) target(%arg9 : memref<128x128xf32, #tpu.memory_space<vmem>>) offsets(%dma_start3A_63 : memref<128xi32, #tpu.memory_space<vmem>>) semaphore(%arg11 : memref<!tpu.dma_semaphore, #tpu.memory_space<semaphore_mem>>)
        %dma_wait3A_67 = arith.constant 1 : i32
        %dma_wait3A_68 = arith.constant 0 : i32
        %dma_wait3A_69 = tpu.memref_slice %arg7[%dma_wait3A_67, %dma_wait3A_68] : memref<10x128xi32, #tpu.memory_space<vmem>> -> memref<1x128xi32, #tpu.memory_space<vmem>>
        %dma_wait3A_70 = tpu.memref_squeeze %dma_wait3A_69 : memref<1x128xi32, #tpu.memory_space<vmem>> -> memref<128xi32, #tpu.memory_space<vmem>>
        %dma_wait3A_71 = arith.constant 0 : i32
        %dma_wait3A_72 = arith.constant 0 : i32
        %dma_wait3A_73 = tpu.memref_slice %arg2[%dma_wait3A_71, %dma_wait3A_72] : memref<10000x128xf32, #tpu.memory_space<hbm>> -> memref<10000x128xf32, #tpu.memory_space<hbm>>
        tpu.wait_indirect_dma semaphore(%arg12 : memref<!tpu.dma_semaphore, #tpu.memory_space<semaphore_mem>>) src(%dma_wait3A_73 : memref<10000x128xf32, #tpu.memory_space<hbm>>) dst(%arg10 : memref<128x128xf32, #tpu.memory_space<vmem>>)
        %dma_start3A_74 = arith.constant 1 : i32
        %dma_start3A_75 = arith.constant 0 : i32
        %dma_start3A_76 = tpu.memref_slice %arg8[%dma_start3A_74, %dma_start3A_75] : memref<10x128xi32, #tpu.memory_space<vmem>> -> memref<1x128xi32, #tpu.memory_space<vmem>>
        %dma_start3A_77 = tpu.memref_squeeze %dma_start3A_76 : memref<1x128xi32, #tpu.memory_space<vmem>> -> memref<128xi32, #tpu.memory_space<vmem>>
        %dma_start3A_78 = arith.constant 0 : i32
        %dma_start3A_79 = arith.constant 0 : i32
        %dma_start3A_80 = tpu.memref_slice %arg15[%dma_start3A_78, %dma_start3A_79] : memref<10112x128xf32, #tpu.memory_space<vmem_shared>> -> memref<10112x128xf32, #tpu.memory_space<vmem_shared>>
        tpu.enqueue_indirect_dma source(%arg10 : memref<128x128xf32, #tpu.memory_space<vmem>>) target(%dma_start3A_80 : memref<10112x128xf32, #tpu.memory_space<vmem_shared>>) offsets(%dma_start3A_77 : memref<128xi32, #tpu.memory_space<vmem>>) semaphore(%arg14 : memref<!tpu.dma_semaphore, #tpu.memory_space<semaphore_mem>>) {add = true}
        %dma_wait3A_81 = arith.constant 1 : i32
        %dma_wait3A_82 = arith.constant 0 : i32
        %dma_wait3A_83 = tpu.memref_slice %arg8[%dma_wait3A_81, %dma_wait3A_82] : memref<10x128xi32, #tpu.memory_space<vmem>> -> memref<1x128xi32, #tpu.memory_space<vmem>>
        %dma_wait3A_84 = tpu.memref_squeeze %dma_wait3A_83 : memref<1x128xi32, #tpu.memory_space<vmem>> -> memref<128xi32, #tpu.memory_space<vmem>>
        %dma_wait3A_85 = arith.constant 0 : i32
        %dma_wait3A_86 = arith.constant 0 : i32
        %dma_wait3A_87 = tpu.memref_slice %arg15[%dma_wait3A_85, %dma_wait3A_86] : memref<10112x128xf32, #tpu.memory_space<vmem_shared>> -> memref<10112x128xf32, #tpu.memory_space<vmem_shared>>
        tpu.wait_indirect_dma semaphore(%arg14 : memref<!tpu.dma_semaphore, #tpu.memory_space<semaphore_mem>>) src(%arg10 : memref<128x128xf32, #tpu.memory_space<vmem>>) dst(%dma_wait3A_87 : memref<10112x128xf32, #tpu.memory_space<vmem_shared>>)
        %dma_start3A_88 = arith.constant 3 : i32
        %dma_start3A_89 = arith.constant 0 : i32
        %dma_start3A_90 = tpu.memref_slice %arg7[%dma_start3A_88, %dma_start3A_89] : memref<10x128xi32, #tpu.memory_space<vmem>> -> memref<1x128xi32, #tpu.memory_space<vmem>>
        %dma_start3A_91 = tpu.memref_squeeze %dma_start3A_90 : memref<1x128xi32, #tpu.memory_space<vmem>> -> memref<128xi32, #tpu.memory_space<vmem>>
        %dma_start3A_92 = arith.constant 0 : i32
        %dma_start3A_93 = arith.constant 0 : i32
        %dma_start3A_94 = tpu.memref_slice %arg2[%dma_start3A_92, %dma_start3A_93] : memref<10000x128xf32, #tpu.memory_space<hbm>> -> memref<10000x128xf32, #tpu.memory_space<hbm>>
        tpu.enqueue_indirect_dma source(%dma_start3A_94 : memref<10000x128xf32, #tpu.memory_space<hbm>>) target(%arg10 : memref<128x128xf32, #tpu.memory_space<vmem>>) offsets(%dma_start3A_91 : memref<128xi32, #tpu.memory_space<vmem>>) semaphore(%arg12 : memref<!tpu.dma_semaphore, #tpu.memory_space<semaphore_mem>>)
        %dma_wait3A_95 = arith.constant 2 : i32
        %dma_wait3A_96 = arith.constant 0 : i32
        %dma_wait3A_97 = tpu.memref_slice %arg7[%dma_wait3A_95, %dma_wait3A_96] : memref<10x128xi32, #tpu.memory_space<vmem>> -> memref<1x128xi32, #tpu.memory_space<vmem>>
        %dma_wait3A_98 = tpu.memref_squeeze %dma_wait3A_97 : memref<1x128xi32, #tpu.memory_space<vmem>> -> memref<128xi32, #tpu.memory_space<vmem>>
        %dma_wait3A_99 = arith.constant 0 : i32
        %dma_wait3A_100 = arith.constant 0 : i32
        %dma_wait3A_101 = tpu.memref_slice %arg2[%dma_wait3A_99, %dma_wait3A_100] : memref<10000x128xf32, #tpu.memory_space<hbm>> -> memref<10000x128xf32, #tpu.memory_space<hbm>>
        tpu.wait_indirect_dma semaphore(%arg11 : memref<!tpu.dma_semaphore, #tpu.memory_space<semaphore_mem>>) src(%dma_wait3A_101 : memref<10000x128xf32, #tpu.memory_space<hbm>>) dst(%arg9 : memref<128x128xf32, #tpu.memory_space<vmem>>)
        %dma_start3A_102 = arith.constant 2 : i32
        %dma_start3A_103 = arith.constant 0 : i32
        %dma_start3A_104 = tpu.memref_slice %arg8[%dma_start3A_102, %dma_start3A_103] : memref<10x128xi32, #tpu.memory_space<vmem>> -> memref<1x128xi32, #tpu.memory_space<vmem>>
        %dma_start3A_105 = tpu.memref_squeeze %dma_start3A_104 : memref<1x128xi32, #tpu.memory_space<vmem>> -> memref<128xi32, #tpu.memory_space<vmem>>
        %dma_start3A_106 = arith.constant 0 : i32
        %dma_start3A_107 = arith.constant 0 : i32
        %dma_start3A_108 = tpu.memref_slice %arg15[%dma_start3A_106, %dma_start3A_107] : memref<10112x128xf32, #tpu.memory_space<vmem_shared>> -> memref<10112x128xf32, #tpu.memory_space<vmem_shared>>
        tpu.enqueue_indirect_dma source(%arg9 : memref<128x128xf32, #tpu.memory_space<vmem>>) target(%dma_start3A_108 : memref<10112x128xf32, #tpu.memory_space<vmem_shared>>) offsets(%dma_start3A_105 : memref<128xi32, #tpu.memory_space<vmem>>) semaphore(%arg13 : memref<!tpu.dma_semaphore, #tpu.memory_space<semaphore_mem>>) {add = true}
        %dma_wait3A_109 = arith.constant 2 : i32
        %dma_wait3A_110 = arith.constant 0 : i32
        %dma_wait3A_111 = tpu.memref_slice %arg8[%dma_wait3A_109, %dma_wait3A_110] : memref<10x128xi32, #tpu.memory_space<vmem>> -> memref<1x128xi32, #tpu.memory_space<vmem>>
        %dma_wait3A_112 = tpu.memref_squeeze %dma_wait3A_111 : memref<1x128xi32, #tpu.memory_space<vmem>> -> memref<128xi32, #tpu.memory_space<vmem>>
        %dma_wait3A_113 = arith.constant 0 : i32
        %dma_wait3A_114 = arith.constant 0 : i32
        %dma_wait3A_115 = tpu.memref_slice %arg15[%dma_wait3A_113, %dma_wait3A_114] : memref<10112x128xf32, #tpu.memory_space<vmem_shared>> -> memref<10112x128xf32, #tpu.memory_space<vmem_shared>>
        tpu.wait_indirect_dma semaphore(%arg13 : memref<!tpu.dma_semaphore, #tpu.memory_space<semaphore_mem>>) src(%arg9 : memref<128x128xf32, #tpu.memory_space<vmem>>) dst(%dma_wait3A_115 : memref<10112x128xf32, #tpu.memory_space<vmem_shared>>)
        %dma_start3A_116 = arith.constant 4 : i32
        %dma_start3A_117 = arith.constant 0 : i32
        %dma_start3A_118 = tpu.memref_slice %arg7[%dma_start3A_116, %dma_start3A_117] : memref<10x128xi32, #tpu.memory_space<vmem>> -> memref<1x128xi32, #tpu.memory_space<vmem>>
        %dma_start3A_119 = tpu.memref_squeeze %dma_start3A_118 : memref<1x128xi32, #tpu.memory_space<vmem>> -> memref<128xi32, #tpu.memory_space<vmem>>
        %dma_start3A_120 = arith.constant 0 : i32
        %dma_start3A_121 = arith.constant 0 : i32
        %dma_start3A_122 = tpu.memref_slice %arg2[%dma_start3A_120, %dma_start3A_121] : memref<10000x128xf32, #tpu.memory_space<hbm>> -> memref<10000x128xf32, #tpu.memory_space<hbm>>
        tpu.enqueue_indirect_dma source(%dma_start3A_122 : memref<10000x128xf32, #tpu.memory_space<hbm>>) target(%arg9 : memref<128x128xf32, #tpu.memory_space<vmem>>) offsets(%dma_start3A_119 : memref<128xi32, #tpu.memory_space<vmem>>) semaphore(%arg11 : memref<!tpu.dma_semaphore, #tpu.memory_space<semaphore_mem>>)
        %dma_wait3A_123 = arith.constant 3 : i32
        %dma_wait3A_124 = arith.constant 0 : i32
        %dma_wait3A_125 = tpu.memref_slice %arg7[%dma_wait3A_123, %dma_wait3A_124] : memref<10x128xi32, #tpu.memory_space<vmem>> -> memref<1x128xi32, #tpu.memory_space<vmem>>
        %dma_wait3A_126 = tpu.memref_squeeze %dma_wait3A_125 : memref<1x128xi32, #tpu.memory_space<vmem>> -> memref<128xi32, #tpu.memory_space<vmem>>
        %dma_wait3A_127 = arith.constant 0 : i32
        %dma_wait3A_128 = arith.constant 0 : i32
        %dma_wait3A_129 = tpu.memref_slice %arg2[%dma_wait3A_127, %dma_wait3A_128] : memref<10000x128xf32, #tpu.memory_space<hbm>> -> memref<10000x128xf32, #tpu.memory_space<hbm>>
        tpu.wait_indirect_dma semaphore(%arg12 : memref<!tpu.dma_semaphore, #tpu.memory_space<semaphore_mem>>) src(%dma_wait3A_129 : memref<10000x128xf32, #tpu.memory_space<hbm>>) dst(%arg10 : memref<128x128xf32, #tpu.memory_space<vmem>>)
        %dma_start3A_130 = arith.constant 3 : i32
        %dma_start3A_131 = arith.constant 0 : i32
        %dma_start3A_132 = tpu.memref_slice %arg8[%dma_start3A_130, %dma_start3A_131] : memref<10x128xi32, #tpu.memory_space<vmem>> -> memref<1x128xi32, #tpu.memory_space<vmem>>
        %dma_start3A_133 = tpu.memref_squeeze %dma_start3A_132 : memref<1x128xi32, #tpu.memory_space<vmem>> -> memref<128xi32, #tpu.memory_space<vmem>>
        %dma_start3A_134 = arith.constant 0 : i32
        %dma_start3A_135 = arith.constant 0 : i32
        %dma_start3A_136 = tpu.memref_slice %arg15[%dma_start3A_134, %dma_start3A_135] : memref<10112x128xf32, #tpu.memory_space<vmem_shared>> -> memref<10112x128xf32, #tpu.memory_space<vmem_shared>>
        tpu.enqueue_indirect_dma source(%arg10 : memref<128x128xf32, #tpu.memory_space<vmem>>) target(%dma_start3A_136 : memref<10112x128xf32, #tpu.memory_space<vmem_shared>>) offsets(%dma_start3A_133 : memref<128xi32, #tpu.memory_space<vmem>>) semaphore(%arg14 : memref<!tpu.dma_semaphore, #tpu.memory_space<semaphore_mem>>) {add = true}
        %dma_wait3A_137 = arith.constant 3 : i32
        %dma_wait3A_138 = arith.constant 0 : i32
        %dma_wait3A_139 = tpu.memref_slice %arg8[%dma_wait3A_137, %dma_wait3A_138] : memref<10x128xi32, #tpu.memory_space<vmem>> -> memref<1x128xi32, #tpu.memory_space<vmem>>
        %dma_wait3A_140 = tpu.memref_squeeze %dma_wait3A_139 : memref<1x128xi32, #tpu.memory_space<vmem>> -> memref<128xi32, #tpu.memory_space<vmem>>
        %dma_wait3A_141 = arith.constant 0 : i32
        %dma_wait3A_142 = arith.constant 0 : i32
        %dma_wait3A_143 = tpu.memref_slice %arg15[%dma_wait3A_141, %dma_wait3A_142] : memref<10112x128xf32, #tpu.memory_space<vmem_shared>> -> memref<10112x128xf32, #tpu.memory_space<vmem_shared>>
        tpu.wait_indirect_dma semaphore(%arg14 : memref<!tpu.dma_semaphore, #tpu.memory_space<semaphore_mem>>) src(%arg10 : memref<128x128xf32, #tpu.memory_space<vmem>>) dst(%dma_wait3A_143 : memref<10112x128xf32, #tpu.memory_space<vmem_shared>>)
        %dma_start3A_144 = arith.constant 5 : i32
        %dma_start3A_145 = arith.constant 0 : i32
        %dma_start3A_146 = tpu.memref_slice %arg7[%dma_start3A_144, %dma_start3A_145] : memref<10x128xi32, #tpu.memory_space<vmem>> -> memref<1x128xi32, #tpu.memory_space<vmem>>
        %dma_start3A_147 = tpu.memref_squeeze %dma_start3A_146 : memref<1x128xi32, #tpu.memory_space<vmem>> -> memref<128xi32, #tpu.memory_space<vmem>>
        %dma_start3A_148 = arith.constant 0 : i32
        %dma_start3A_149 = arith.constant 0 : i32
        %dma_start3A_150 = tpu.memref_slice %arg2[%dma_start3A_148, %dma_start3A_149] : memref<10000x128xf32, #tpu.memory_space<hbm>> -> memref<10000x128xf32, #tpu.memory_space<hbm>>
        tpu.enqueue_indirect_dma source(%dma_start3A_150 : memref<10000x128xf32, #tpu.memory_space<hbm>>) target(%arg10 : memref<128x128xf32, #tpu.memory_space<vmem>>) offsets(%dma_start3A_147 : memref<128xi32, #tpu.memory_space<vmem>>) semaphore(%arg12 : memref<!tpu.dma_semaphore, #tpu.memory_space<semaphore_mem>>)
        %dma_wait3A_151 = arith.constant 4 : i32
        %dma_wait3A_152 = arith.constant 0 : i32
        %dma_wait3A_153 = tpu.memref_slice %arg7[%dma_wait3A_151, %dma_wait3A_152] : memref<10x128xi32, #tpu.memory_space<vmem>> -> memref<1x128xi32, #tpu.memory_space<vmem>>
        %dma_wait3A_154 = tpu.memref_squeeze %dma_wait3A_153 : memref<1x128xi32, #tpu.memory_space<vmem>> -> memref<128xi32, #tpu.memory_space<vmem>>
        %dma_wait3A_155 = arith.constant 0 : i32
        %dma_wait3A_156 = arith.constant 0 : i32
        %dma_wait3A_157 = tpu.memref_slice %arg2[%dma_wait3A_155, %dma_wait3A_156] : memref<10000x128xf32, #tpu.memory_space<hbm>> -> memref<10000x128xf32, #tpu.memory_space<hbm>>
        tpu.wait_indirect_dma semaphore(%arg11 : memref<!tpu.dma_semaphore, #tpu.memory_space<semaphore_mem>>) src(%dma_wait3A_157 : memref<10000x128xf32, #tpu.memory_space<hbm>>) dst(%arg9 : memref<128x128xf32, #tpu.memory_space<vmem>>)
        %dma_start3A_158 = arith.constant 4 : i32
        %dma_start3A_159 = arith.constant 0 : i32
        %dma_start3A_160 = tpu.memref_slice %arg8[%dma_start3A_158, %dma_start3A_159] : memref<10x128xi32, #tpu.memory_space<vmem>> -> memref<1x128xi32, #tpu.memory_space<vmem>>
        %dma_start3A_161 = tpu.memref_squeeze %dma_start3A_160 : memref<1x128xi32, #tpu.memory_space<vmem>> -> memref<128xi32, #tpu.memory_space<vmem>>
        %dma_start3A_162 = arith.constant 0 : i32
        %dma_start3A_163 = arith.constant 0 : i32
        %dma_start3A_164 = tpu.memref_slice %arg15[%dma_start3A_162, %dma_start3A_163] : memref<10112x128xf32, #tpu.memory_space<vmem_shared>> -> memref<10112x128xf32, #tpu.memory_space<vmem_shared>>
        tpu.enqueue_indirect_dma source(%arg9 : memref<128x128xf32, #tpu.memory_space<vmem>>) target(%dma_start3A_164 : memref<10112x128xf32, #tpu.memory_space<vmem_shared>>) offsets(%dma_start3A_161 : memref<128xi32, #tpu.memory_space<vmem>>) semaphore(%arg13 : memref<!tpu.dma_semaphore, #tpu.memory_space<semaphore_mem>>) {add = true}
        %dma_wait3A_165 = arith.constant 4 : i32
        %dma_wait3A_166 = arith.constant 0 : i32
        %dma_wait3A_167 = tpu.memref_slice %arg8[%dma_wait3A_165, %dma_wait3A_166] : memref<10x128xi32, #tpu.memory_space<vmem>> -> memref<1x128xi32, #tpu.memory_space<vmem>>
        %dma_wait3A_168 = tpu.memref_squeeze %dma_wait3A_167 : memref<1x128xi32, #tpu.memory_space<vmem>> -> memref<128xi32, #tpu.memory_space<vmem>>
        %dma_wait3A_169 = arith.constant 0 : i32
        %dma_wait3A_170 = arith.constant 0 : i32
        %dma_wait3A_171 = tpu.memref_slice %arg15[%dma_wait3A_169, %dma_wait3A_170] : memref<10112x128xf32, #tpu.memory_space<vmem_shared>> -> memref<10112x128xf32, #tpu.memory_space<vmem_shared>>
        tpu.wait_indirect_dma semaphore(%arg13 : memref<!tpu.dma_semaphore, #tpu.memory_space<semaphore_mem>>) src(%arg9 : memref<128x128xf32, #tpu.memory_space<vmem>>) dst(%dma_wait3A_171 : memref<10112x128xf32, #tpu.memory_space<vmem_shared>>)
        %dma_start3A_172 = arith.constant 6 : i32
        %dma_start3A_173 = arith.constant 0 : i32
        %dma_start3A_174 = tpu.memref_slice %arg7[%dma_start3A_172, %dma_start3A_173] : memref<10x128xi32, #tpu.memory_space<vmem>> -> memref<1x128xi32, #tpu.memory_space<vmem>>
        %dma_start3A_175 = tpu.memref_squeeze %dma_start3A_174 : memref<1x128xi32, #tpu.memory_space<vmem>> -> memref<128xi32, #tpu.memory_space<vmem>>
        %dma_start3A_176 = arith.constant 0 : i32
        %dma_start3A_177 = arith.constant 0 : i32
        %dma_start3A_178 = tpu.memref_slice %arg2[%dma_start3A_176, %dma_start3A_177] : memref<10000x128xf32, #tpu.memory_space<hbm>> -> memref<10000x128xf32, #tpu.memory_space<hbm>>
        tpu.enqueue_indirect_dma source(%dma_start3A_178 : memref<10000x128xf32, #tpu.memory_space<hbm>>) target(%arg9 : memref<128x128xf32, #tpu.memory_space<vmem>>) offsets(%dma_start3A_175 : memref<128xi32, #tpu.memory_space<vmem>>) semaphore(%arg11 : memref<!tpu.dma_semaphore, #tpu.memory_space<semaphore_mem>>)
        %dma_wait3A_179 = arith.constant 5 : i32
        %dma_wait3A_180 = arith.constant 0 : i32
        %dma_wait3A_181 = tpu.memref_slice %arg7[%dma_wait3A_179, %dma_wait3A_180] : memref<10x128xi32, #tpu.memory_space<vmem>> -> memref<1x128xi32, #tpu.memory_space<vmem>>
        %dma_wait3A_182 = tpu.memref_squeeze %dma_wait3A_181 : memref<1x128xi32, #tpu.memory_space<vmem>> -> memref<128xi32, #tpu.memory_space<vmem>>
        %dma_wait3A_183 = arith.constant 0 : i32
        %dma_wait3A_184 = arith.constant 0 : i32
        %dma_wait3A_185 = tpu.memref_slice %arg2[%dma_wait3A_183, %dma_wait3A_184] : memref<10000x128xf32, #tpu.memory_space<hbm>> -> memref<10000x128xf32, #tpu.memory_space<hbm>>
        tpu.wait_indirect_dma semaphore(%arg12 : memref<!tpu.dma_semaphore, #tpu.memory_space<semaphore_mem>>) src(%dma_wait3A_185 : memref<10000x128xf32, #tpu.memory_space<hbm>>) dst(%arg10 : memref<128x128xf32, #tpu.memory_space<vmem>>)
        %dma_start3A_186 = arith.constant 5 : i32
        %dma_start3A_187 = arith.constant 0 : i32
        %dma_start3A_188 = tpu.memref_slice %arg8[%dma_start3A_186, %dma_start3A_187] : memref<10x128xi32, #tpu.memory_space<vmem>> -> memref<1x128xi32, #tpu.memory_space<vmem>>
        %dma_start3A_189 = tpu.memref_squeeze %dma_start3A_188 : memref<1x128xi32, #tpu.memory_space<vmem>> -> memref<128xi32, #tpu.memory_space<vmem>>
        %dma_start3A_190 = arith.constant 0 : i32
        %dma_start3A_191 = arith.constant 0 : i32
        %dma_start3A_192 = tpu.memref_slice %arg15[%dma_start3A_190, %dma_start3A_191] : memref<10112x128xf32, #tpu.memory_space<vmem_shared>> -> memref<10112x128xf32, #tpu.memory_space<vmem_shared>>
        tpu.enqueue_indirect_dma source(%arg10 : memref<128x128xf32, #tpu.memory_space<vmem>>) target(%dma_start3A_192 : memref<10112x128xf32, #tpu.memory_space<vmem_shared>>) offsets(%dma_start3A_189 : memref<128xi32, #tpu.memory_space<vmem>>) semaphore(%arg14 : memref<!tpu.dma_semaphore, #tpu.memory_space<semaphore_mem>>) {add = true}
        %dma_wait3A_193 = arith.constant 5 : i32
        %dma_wait3A_194 = arith.constant 0 : i32
        %dma_wait3A_195 = tpu.memref_slice %arg8[%dma_wait3A_193, %dma_wait3A_194] : memref<10x128xi32, #tpu.memory_space<vmem>> -> memref<1x128xi32, #tpu.memory_space<vmem>>
        %dma_wait3A_196 = tpu.memref_squeeze %dma_wait3A_195 : memref<1x128xi32, #tpu.memory_space<vmem>> -> memref<128xi32, #tpu.memory_space<vmem>>
        %dma_wait3A_197 = arith.constant 0 : i32
        %dma_wait3A_198 = arith.constant 0 : i32
        %dma_wait3A_199 = tpu.memref_slice %arg15[%dma_wait3A_197, %dma_wait3A_198] : memref<10112x128xf32, #tpu.memory_space<vmem_shared>> -> memref<10112x128xf32, #tpu.memory_space<vmem_shared>>
        tpu.wait_indirect_dma semaphore(%arg14 : memref<!tpu.dma_semaphore, #tpu.memory_space<semaphore_mem>>) src(%arg10 : memref<128x128xf32, #tpu.memory_space<vmem>>) dst(%dma_wait3A_199 : memref<10112x128xf32, #tpu.memory_space<vmem_shared>>)
        %dma_start3A_200 = arith.constant 7 : i32
        %dma_start3A_201 = arith.constant 0 : i32
        %dma_start3A_202 = tpu.memref_slice %arg7[%dma_start3A_200, %dma_start3A_201] : memref<10x128xi32, #tpu.memory_space<vmem>> -> memref<1x128xi32, #tpu.memory_space<vmem>>
        %dma_start3A_203 = tpu.memref_squeeze %dma_start3A_202 : memref<1x128xi32, #tpu.memory_space<vmem>> -> memref<128xi32, #tpu.memory_space<vmem>>
        %dma_start3A_204 = arith.constant 0 : i32
        %dma_start3A_205 = arith.constant 0 : i32
        %dma_start3A_206 = tpu.memref_slice %arg2[%dma_start3A_204, %dma_start3A_205] : memref<10000x128xf32, #tpu.memory_space<hbm>> -> memref<10000x128xf32, #tpu.memory_space<hbm>>
        tpu.enqueue_indirect_dma source(%dma_start3A_206 : memref<10000x128xf32, #tpu.memory_space<hbm>>) target(%arg10 : memref<128x128xf32, #tpu.memory_space<vmem>>) offsets(%dma_start3A_203 : memref<128xi32, #tpu.memory_space<vmem>>) semaphore(%arg12 : memref<!tpu.dma_semaphore, #tpu.memory_space<semaphore_mem>>)
        %dma_wait3A_207 = arith.constant 6 : i32
        %dma_wait3A_208 = arith.constant 0 : i32
        %dma_wait3A_209 = tpu.memref_slice %arg7[%dma_wait3A_207, %dma_wait3A_208] : memref<10x128xi32, #tpu.memory_space<vmem>> -> memref<1x128xi32, #tpu.memory_space<vmem>>
        %dma_wait3A_210 = tpu.memref_squeeze %dma_wait3A_209 : memref<1x128xi32, #tpu.memory_space<vmem>> -> memref<128xi32, #tpu.memory_space<vmem>>
        %dma_wait3A_211 = arith.constant 0 : i32
        %dma_wait3A_212 = arith.constant 0 : i32
        %dma_wait3A_213 = tpu.memref_slice %arg2[%dma_wait3A_211, %dma_wait3A_212] : memref<10000x128xf32, #tpu.memory_space<hbm>> -> memref<10000x128xf32, #tpu.memory_space<hbm>>
        tpu.wait_indirect_dma semaphore(%arg11 : memref<!tpu.dma_semaphore, #tpu.memory_space<semaphore_mem>>) src(%dma_wait3A_213 : memref<10000x128xf32, #tpu.memory_space<hbm>>) dst(%arg9 : memref<128x128xf32, #tpu.memory_space<vmem>>)
        %dma_start3A_214 = arith.constant 6 : i32
        %dma_start3A_215 = arith.constant 0 : i32
        %dma_start3A_216 = tpu.memref_slice %arg8[%dma_start3A_214, %dma_start3A_215] : memref<10x128xi32, #tpu.memory_space<vmem>> -> memref<1x128xi32, #tpu.memory_space<vmem>>
        %dma_start3A_217 = tpu.memref_squeeze %dma_start3A_216 : memref<1x128xi32, #tpu.memory_space<vmem>> -> memref<128xi32, #tpu.memory_space<vmem>>
        %dma_start3A_218 = arith.constant 0 : i32
        %dma_start3A_219 = arith.constant 0 : i32
        %dma_start3A_220 = tpu.memref_slice %arg15[%dma_start3A_218, %dma_start3A_219] : memref<10112x128xf32, #tpu.memory_space<vmem_shared>> -> memref<10112x128xf32, #tpu.memory_space<vmem_shared>>
        tpu.enqueue_indirect_dma source(%arg9 : memref<128x128xf32, #tpu.memory_space<vmem>>) target(%dma_start3A_220 : memref<10112x128xf32, #tpu.memory_space<vmem_shared>>) offsets(%dma_start3A_217 : memref<128xi32, #tpu.memory_space<vmem>>) semaphore(%arg13 : memref<!tpu.dma_semaphore, #tpu.memory_space<semaphore_mem>>) {add = true}
        %dma_wait3A_221 = arith.constant 6 : i32
        %dma_wait3A_222 = arith.constant 0 : i32
        %dma_wait3A_223 = tpu.memref_slice %arg8[%dma_wait3A_221, %dma_wait3A_222] : memref<10x128xi32, #tpu.memory_space<vmem>> -> memref<1x128xi32, #tpu.memory_space<vmem>>
        %dma_wait3A_224 = tpu.memref_squeeze %dma_wait3A_223 : memref<1x128xi32, #tpu.memory_space<vmem>> -> memref<128xi32, #tpu.memory_space<vmem>>
        %dma_wait3A_225 = arith.constant 0 : i32
        %dma_wait3A_226 = arith.constant 0 : i32
        %dma_wait3A_227 = tpu.memref_slice %arg15[%dma_wait3A_225, %dma_wait3A_226] : memref<10112x128xf32, #tpu.memory_space<vmem_shared>> -> memref<10112x128xf32, #tpu.memory_space<vmem_shared>>
        tpu.wait_indirect_dma semaphore(%arg13 : memref<!tpu.dma_semaphore, #tpu.memory_space<semaphore_mem>>) src(%arg9 : memref<128x128xf32, #tpu.memory_space<vmem>>) dst(%dma_wait3A_227 : memref<10112x128xf32, #tpu.memory_space<vmem_shared>>)
        %dma_start3A_228 = arith.constant 8 : i32
        %dma_start3A_229 = arith.constant 0 : i32
        %dma_start3A_230 = tpu.memref_slice %arg7[%dma_start3A_228, %dma_start3A_229] : memref<10x128xi32, #tpu.memory_space<vmem>> -> memref<1x128xi32, #tpu.memory_space<vmem>>
        %dma_start3A_231 = tpu.memref_squeeze %dma_start3A_230 : memref<1x128xi32, #tpu.memory_space<vmem>> -> memref<128xi32, #tpu.memory_space<vmem>>
        %dma_start3A_232 = arith.constant 0 : i32
        %dma_start3A_233 = arith.constant 0 : i32
        %dma_start3A_234 = tpu.memref_slice %arg2[%dma_start3A_232, %dma_start3A_233] : memref<10000x128xf32, #tpu.memory_space<hbm>> -> memref<10000x128xf32, #tpu.memory_space<hbm>>
        tpu.enqueue_indirect_dma source(%dma_start3A_234 : memref<10000x128xf32, #tpu.memory_space<hbm>>) target(%arg9 : memref<128x128xf32, #tpu.memory_space<vmem>>) offsets(%dma_start3A_231 : memref<128xi32, #tpu.memory_space<vmem>>) semaphore(%arg11 : memref<!tpu.dma_semaphore, #tpu.memory_space<semaphore_mem>>)
        %dma_wait3A_235 = arith.constant 7 : i32
        %dma_wait3A_236 = arith.constant 0 : i32
        %dma_wait3A_237 = tpu.memref_slice %arg7[%dma_wait3A_235, %dma_wait3A_236] : memref<10x128xi32, #tpu.memory_space<vmem>> -> memref<1x128xi32, #tpu.memory_space<vmem>>
        %dma_wait3A_238 = tpu.memref_squeeze %dma_wait3A_237 : memref<1x128xi32, #tpu.memory_space<vmem>> -> memref<128xi32, #tpu.memory_space<vmem>>
        %dma_wait3A_239 = arith.constant 0 : i32
        %dma_wait3A_240 = arith.constant 0 : i32
        %dma_wait3A_241 = tpu.memref_slice %arg2[%dma_wait3A_239, %dma_wait3A_240] : memref<10000x128xf32, #tpu.memory_space<hbm>> -> memref<10000x128xf32, #tpu.memory_space<hbm>>
        tpu.wait_indirect_dma semaphore(%arg12 : memref<!tpu.dma_semaphore, #tpu.memory_space<semaphore_mem>>) src(%dma_wait3A_241 : memref<10000x128xf32, #tpu.memory_space<hbm>>) dst(%arg10 : memref<128x128xf32, #tpu.memory_space<vmem>>)
        %dma_start3A_242 = arith.constant 7 : i32
        %dma_start3A_243 = arith.constant 0 : i32
        %dma_start3A_244 = tpu.memref_slice %arg8[%dma_start3A_242, %dma_start3A_243] : memref<10x128xi32, #tpu.memory_space<vmem>> -> memref<1x128xi32, #tpu.memory_space<vmem>>
        %dma_start3A_245 = tpu.memref_squeeze %dma_start3A_244 : memref<1x128xi32, #tpu.memory_space<vmem>> -> memref<128xi32, #tpu.memory_space<vmem>>
        %dma_start3A_246 = arith.constant 0 : i32
        %dma_start3A_247 = arith.constant 0 : i32
        %dma_start3A_248 = tpu.memref_slice %arg15[%dma_start3A_246, %dma_start3A_247] : memref<10112x128xf32, #tpu.memory_space<vmem_shared>> -> memref<10112x128xf32, #tpu.memory_space<vmem_shared>>
        tpu.enqueue_indirect_dma source(%arg10 : memref<128x128xf32, #tpu.memory_space<vmem>>) target(%dma_start3A_248 : memref<10112x128xf32, #tpu.memory_space<vmem_shared>>) offsets(%dma_start3A_245 : memref<128xi32, #tpu.memory_space<vmem>>) semaphore(%arg14 : memref<!tpu.dma_semaphore, #tpu.memory_space<semaphore_mem>>) {add = true}
        %dma_wait3A_249 = arith.constant 7 : i32
        %dma_wait3A_250 = arith.constant 0 : i32
        %dma_wait3A_251 = tpu.memref_slice %arg8[%dma_wait3A_249, %dma_wait3A_250] : memref<10x128xi32, #tpu.memory_space<vmem>> -> memref<1x128xi32, #tpu.memory_space<vmem>>
        %dma_wait3A_252 = tpu.memref_squeeze %dma_wait3A_251 : memref<1x128xi32, #tpu.memory_space<vmem>> -> memref<128xi32, #tpu.memory_space<vmem>>
        %dma_wait3A_253 = arith.constant 0 : i32
        %dma_wait3A_254 = arith.constant 0 : i32
        %dma_wait3A_255 = tpu.memref_slice %arg15[%dma_wait3A_253, %dma_wait3A_254] : memref<10112x128xf32, #tpu.memory_space<vmem_shared>> -> memref<10112x128xf32, #tpu.memory_space<vmem_shared>>
        tpu.wait_indirect_dma semaphore(%arg14 : memref<!tpu.dma_semaphore, #tpu.memory_space<semaphore_mem>>) src(%arg10 : memref<128x128xf32, #tpu.memory_space<vmem>>) dst(%dma_wait3A_255 : memref<10112x128xf32, #tpu.memory_space<vmem_shared>>)
        %dma_start3A_256 = arith.constant 9 : i32
        %dma_start3A_257 = arith.constant 0 : i32
        %dma_start3A_258 = tpu.memref_slice %arg7[%dma_start3A_256, %dma_start3A_257] : memref<10x128xi32, #tpu.memory_space<vmem>> -> memref<1x128xi32, #tpu.memory_space<vmem>>
        %dma_start3A_259 = tpu.memref_squeeze %dma_start3A_258 : memref<1x128xi32, #tpu.memory_space<vmem>> -> memref<128xi32, #tpu.memory_space<vmem>>
        %dma_start3A_260 = arith.constant 0 : i32
        %dma_start3A_261 = arith.constant 0 : i32
        %dma_start3A_262 = tpu.memref_slice %arg2[%dma_start3A_260, %dma_start3A_261] : memref<10000x128xf32, #tpu.memory_space<hbm>> -> memref<10000x128xf32, #tpu.memory_space<hbm>>
        tpu.enqueue_indirect_dma source(%dma_start3A_262 : memref<10000x128xf32, #tpu.memory_space<hbm>>) target(%arg10 : memref<128x128xf32, #tpu.memory_space<vmem>>) offsets(%dma_start3A_259 : memref<128xi32, #tpu.memory_space<vmem>>) semaphore(%arg12 : memref<!tpu.dma_semaphore, #tpu.memory_space<semaphore_mem>>)
        %dma_wait3A_263 = arith.constant 8 : i32
        %dma_wait3A_264 = arith.constant 0 : i32
        %dma_wait3A_265 = tpu.memref_slice %arg7[%dma_wait3A_263, %dma_wait3A_264] : memref<10x128xi32, #tpu.memory_space<vmem>> -> memref<1x128xi32, #tpu.memory_space<vmem>>
        %dma_wait3A_266 = tpu.memref_squeeze %dma_wait3A_265 : memref<1x128xi32, #tpu.memory_space<vmem>> -> memref<128xi32, #tpu.memory_space<vmem>>
        %dma_wait3A_267 = arith.constant 0 : i32
        %dma_wait3A_268 = arith.constant 0 : i32
        %dma_wait3A_269 = tpu.memref_slice %arg2[%dma_wait3A_267, %dma_wait3A_268] : memref<10000x128xf32, #tpu.memory_space<hbm>> -> memref<10000x128xf32, #tpu.memory_space<hbm>>
        tpu.wait_indirect_dma semaphore(%arg11 : memref<!tpu.dma_semaphore, #tpu.memory_space<semaphore_mem>>) src(%dma_wait3A_269 : memref<10000x128xf32, #tpu.memory_space<hbm>>) dst(%arg9 : memref<128x128xf32, #tpu.memory_space<vmem>>)
        %dma_start3A_270 = arith.constant 8 : i32
        %dma_start3A_271 = arith.constant 0 : i32
        %dma_start3A_272 = tpu.memref_slice %arg8[%dma_start3A_270, %dma_start3A_271] : memref<10x128xi32, #tpu.memory_space<vmem>> -> memref<1x128xi32, #tpu.memory_space<vmem>>
        %dma_start3A_273 = tpu.memref_squeeze %dma_start3A_272 : memref<1x128xi32, #tpu.memory_space<vmem>> -> memref<128xi32, #tpu.memory_space<vmem>>
        %dma_start3A_274 = arith.constant 0 : i32
        %dma_start3A_275 = arith.constant 0 : i32
        %dma_start3A_276 = tpu.memref_slice %arg15[%dma_start3A_274, %dma_start3A_275] : memref<10112x128xf32, #tpu.memory_space<vmem_shared>> -> memref<10112x128xf32, #tpu.memory_space<vmem_shared>>
        tpu.enqueue_indirect_dma source(%arg9 : memref<128x128xf32, #tpu.memory_space<vmem>>) target(%dma_start3A_276 : memref<10112x128xf32, #tpu.memory_space<vmem_shared>>) offsets(%dma_start3A_273 : memref<128xi32, #tpu.memory_space<vmem>>) semaphore(%arg13 : memref<!tpu.dma_semaphore, #tpu.memory_space<semaphore_mem>>) {add = true}
        %dma_wait3A_277 = arith.constant 8 : i32
        %dma_wait3A_278 = arith.constant 0 : i32
        %dma_wait3A_279 = tpu.memref_slice %arg8[%dma_wait3A_277, %dma_wait3A_278] : memref<10x128xi32, #tpu.memory_space<vmem>> -> memref<1x128xi32, #tpu.memory_space<vmem>>
        %dma_wait3A_280 = tpu.memref_squeeze %dma_wait3A_279 : memref<1x128xi32, #tpu.memory_space<vmem>> -> memref<128xi32, #tpu.memory_space<vmem>>
        %dma_wait3A_281 = arith.constant 0 : i32
        %dma_wait3A_282 = arith.constant 0 : i32
        %dma_wait3A_283 = tpu.memref_slice %arg15[%dma_wait3A_281, %dma_wait3A_282] : memref<10112x128xf32, #tpu.memory_space<vmem_shared>> -> memref<10112x128xf32, #tpu.memory_space<vmem_shared>>
        tpu.wait_indirect_dma semaphore(%arg13 : memref<!tpu.dma_semaphore, #tpu.memory_space<semaphore_mem>>) src(%arg9 : memref<128x128xf32, #tpu.memory_space<vmem>>) dst(%dma_wait3A_283 : memref<10112x128xf32, #tpu.memory_space<vmem_shared>>)
        %dma_wait3A_284 = arith.constant 9 : i32
        %dma_wait3A_285 = arith.constant 0 : i32
        %dma_wait3A_286 = tpu.memref_slice %arg7[%dma_wait3A_284, %dma_wait3A_285] : memref<10x128xi32, #tpu.memory_space<vmem>> -> memref<1x128xi32, #tpu.memory_space<vmem>>
        %dma_wait3A_287 = tpu.memref_squeeze %dma_wait3A_286 : memref<1x128xi32, #tpu.memory_space<vmem>> -> memref<128xi32, #tpu.memory_space<vmem>>
        %dma_wait3A_288 = arith.constant 0 : i32
        %dma_wait3A_289 = arith.constant 0 : i32
        %dma_wait3A_290 = tpu.memref_slice %arg2[%dma_wait3A_288, %dma_wait3A_289] : memref<10000x128xf32, #tpu.memory_space<hbm>> -> memref<10000x128xf32, #tpu.memory_space<hbm>>
        tpu.wait_indirect_dma semaphore(%arg12 : memref<!tpu.dma_semaphore, #tpu.memory_space<semaphore_mem>>) src(%dma_wait3A_290 : memref<10000x128xf32, #tpu.memory_space<hbm>>) dst(%arg10 : memref<128x128xf32, #tpu.memory_space<vmem>>)
        %dma_start3A_291 = arith.constant 9 : i32
        %dma_start3A_292 = arith.constant 0 : i32
        %dma_start3A_293 = tpu.memref_slice %arg8[%dma_start3A_291, %dma_start3A_292] : memref<10x128xi32, #tpu.memory_space<vmem>> -> memref<1x128xi32, #tpu.memory_space<vmem>>
        %dma_start3A_294 = tpu.memref_squeeze %dma_start3A_293 : memref<1x128xi32, #tpu.memory_space<vmem>> -> memref<128xi32, #tpu.memory_space<vmem>>
        %dma_start3A_295 = arith.constant 0 : i32
        %dma_start3A_296 = arith.constant 0 : i32
        %dma_start3A_297 = tpu.memref_slice %arg15[%dma_start3A_295, %dma_start3A_296] : memref<10112x128xf32, #tpu.memory_space<vmem_shared>> -> memref<10112x128xf32, #tpu.memory_space<vmem_shared>>
        tpu.enqueue_indirect_dma source(%arg10 : memref<128x128xf32, #tpu.memory_space<vmem>>) target(%dma_start3A_297 : memref<10112x128xf32, #tpu.memory_space<vmem_shared>>) offsets(%dma_start3A_294 : memref<128xi32, #tpu.memory_space<vmem>>) semaphore(%arg14 : memref<!tpu.dma_semaphore, #tpu.memory_space<semaphore_mem>>) {add = true}
        %dma_wait3A_298 = arith.constant 9 : i32
        %dma_wait3A_299 = arith.constant 0 : i32
        %dma_wait3A_300 = tpu.memref_slice %arg8[%dma_wait3A_298, %dma_wait3A_299] : memref<10x128xi32, #tpu.memory_space<vmem>> -> memref<1x128xi32, #tpu.memory_space<vmem>>
        %dma_wait3A_301 = tpu.memref_squeeze %dma_wait3A_300 : memref<1x128xi32, #tpu.memory_space<vmem>> -> memref<128xi32, #tpu.memory_space<vmem>>
        %dma_wait3A_302 = arith.constant 0 : i32
        %dma_wait3A_303 = arith.constant 0 : i32
        %dma_wait3A_304 = tpu.memref_slice %arg15[%dma_wait3A_302, %dma_wait3A_303] : memref<10112x128xf32, #tpu.memory_space<vmem_shared>> -> memref<10112x128xf32, #tpu.memory_space<vmem_shared>>
        tpu.wait_indirect_dma semaphore(%arg14 : memref<!tpu.dma_semaphore, #tpu.memory_space<semaphore_mem>>) src(%arg10 : memref<128x128xf32, #tpu.memory_space<vmem>>) dst(%dma_wait3A_304 : memref<10112x128xf32, #tpu.memory_space<vmem_shared>>)
      }
      %scan3A_21 = arith.constant 12 : i32
    } else {
    }
    %eq3A_7 = arith.constant 1 : i32
    %eq3A_8 = arith.cmpi eq, %arg0, %eq3A_7 : i32
    %convert_element_type3A_9 = arith.extui %eq3A_8 : i1 to i32
    %cond3A_10 = arith.constant 0 : i32
    %cond3A_11 = arith.cmpi ne, %convert_element_type3A_9, %cond3A_10 : i32
    scf.if %cond3A_11 {
      %scan3A = arith.constant 0 : i32
      %scan3A_17 = arith.constant 0 : i32
      %scan3A_18 = arith.constant 4 : i32
      %scan3A_19 = arith.addi %scan3A_17, %scan3A_18 : i32
      %scan3A_20 = arith.constant 1 : i32
      scf.for %scan3A_22 = %scan3A_17 to %scan3A_19 step %scan3A_20  : i32 {
        %mul3A_23 = arith.constant 10 : i32
        %mul3A_24 = arith.muli %scan3A_22, %mul3A_23 : i32
        "tpu.region"() ({
          %run_scoped3A = tpu.sem_alloc : memref<!tpu.dma_semaphore, #tpu.memory_space<semaphore_mem>>
          %dma_start3A_305 = arith.constant 0 : i32
          %dma_start3A_306 = tpu.memref_slice %arg3[%add3A, %mul3A_24, %dma_start3A_305] : memref<32x120x128xi32, #tpu.memory_space<hbm>> -> memref<1x10x128xi32, #tpu.memory_space<hbm>>
          %dma_start3A_307 = tpu.memref_squeeze %dma_start3A_306 : memref<1x10x128xi32, #tpu.memory_space<hbm>> -> memref<10x128xi32, #tpu.memory_space<hbm>>
          %dma_start3A_308 = arith.constant 0 : i32
          %dma_start3A_309 = tpu.memref_slice %arg3[%add3A, %mul3A_24, %dma_start3A_308] : memref<32x120x128xi32, #tpu.memory_space<hbm>> -> memref<1x10x128xi32, #tpu.memory_space<hbm>>
          %dma_start3A_310 = tpu.memref_squeeze %dma_start3A_309 : memref<1x10x128xi32, #tpu.memory_space<hbm>> -> memref<10x128xi32, #tpu.memory_space<hbm>>
          tpu.enqueue_dma source(%dma_start3A_310 : memref<10x128xi32, #tpu.memory_space<hbm>>) target(%arg7 : memref<10x128xi32, #tpu.memory_space<vmem>>) target_semaphore(%run_scoped3A : memref<!tpu.dma_semaphore, #tpu.memory_space<semaphore_mem>>)
          %dma_wait3A_311 = arith.constant 0 : i32
          %dma_wait3A_312 = tpu.memref_slice %arg3[%add3A, %mul3A_24, %dma_wait3A_311] : memref<32x120x128xi32, #tpu.memory_space<hbm>> -> memref<1x10x128xi32, #tpu.memory_space<hbm>>
          %dma_wait3A_313 = tpu.memref_squeeze %dma_wait3A_312 : memref<1x10x128xi32, #tpu.memory_space<hbm>> -> memref<10x128xi32, #tpu.memory_space<hbm>>
          %dma_wait3A_314 = arith.constant 0 : i32
          %dma_wait3A_315 = tpu.memref_slice %arg3[%add3A, %mul3A_24, %dma_wait3A_314] : memref<32x120x128xi32, #tpu.memory_space<hbm>> -> memref<1x10x128xi32, #tpu.memory_space<hbm>>
          %dma_wait3A_316 = tpu.memref_squeeze %dma_wait3A_315 : memref<1x10x128xi32, #tpu.memory_space<hbm>> -> memref<10x128xi32, #tpu.memory_space<hbm>>
          tpu.wait_dma2 semaphore(%run_scoped3A : memref<!tpu.dma_semaphore, #tpu.memory_space<semaphore_mem>>) src(%dma_wait3A_316 : memref<10x128xi32, #tpu.memory_space<hbm>>) dst(%arg7 : memref<10x128xi32, #tpu.memory_space<vmem>>)
          tpu.yield
        }) : () -> ()
        %mul3A_25 = arith.constant 10 : i32
        %mul3A_26 = arith.muli %scan3A_22, %mul3A_25 : i32
        "tpu.region"() ({
          %run_scoped3A = tpu.sem_alloc : memref<!tpu.dma_semaphore, #tpu.memory_space<semaphore_mem>>
          %dma_start3A_305 = arith.constant 0 : i32
          %dma_start3A_306 = tpu.memref_slice %arg4[%add3A, %mul3A_26, %dma_start3A_305] : memref<32x120x128xi32, #tpu.memory_space<hbm>> -> memref<1x10x128xi32, #tpu.memory_space<hbm>>
          %dma_start3A_307 = tpu.memref_squeeze %dma_start3A_306 : memref<1x10x128xi32, #tpu.memory_space<hbm>> -> memref<10x128xi32, #tpu.memory_space<hbm>>
          %dma_start3A_308 = arith.constant 0 : i32
          %dma_start3A_309 = tpu.memref_slice %arg4[%add3A, %mul3A_26, %dma_start3A_308] : memref<32x120x128xi32, #tpu.memory_space<hbm>> -> memref<1x10x128xi32, #tpu.memory_space<hbm>>
          %dma_start3A_310 = tpu.memref_squeeze %dma_start3A_309 : memref<1x10x128xi32, #tpu.memory_space<hbm>> -> memref<10x128xi32, #tpu.memory_space<hbm>>
          tpu.enqueue_dma source(%dma_start3A_310 : memref<10x128xi32, #tpu.memory_space<hbm>>) target(%arg8 : memref<10x128xi32, #tpu.memory_space<vmem>>) target_semaphore(%run_scoped3A : memref<!tpu.dma_semaphore, #tpu.memory_space<semaphore_mem>>)
          %dma_wait3A_311 = arith.constant 0 : i32
          %dma_wait3A_312 = tpu.memref_slice %arg4[%add3A, %mul3A_26, %dma_wait3A_311] : memref<32x120x128xi32, #tpu.memory_space<hbm>> -> memref<1x10x128xi32, #tpu.memory_space<hbm>>
          %dma_wait3A_313 = tpu.memref_squeeze %dma_wait3A_312 : memref<1x10x128xi32, #tpu.memory_space<hbm>> -> memref<10x128xi32, #tpu.memory_space<hbm>>
          %dma_wait3A_314 = arith.constant 0 : i32
          %dma_wait3A_315 = tpu.memref_slice %arg4[%add3A, %mul3A_26, %dma_wait3A_314] : memref<32x120x128xi32, #tpu.memory_space<hbm>> -> memref<1x10x128xi32, #tpu.memory_space<hbm>>
          %dma_wait3A_316 = tpu.memref_squeeze %dma_wait3A_315 : memref<1x10x128xi32, #tpu.memory_space<hbm>> -> memref<10x128xi32, #tpu.memory_space<hbm>>
          tpu.wait_dma2 semaphore(%run_scoped3A : memref<!tpu.dma_semaphore, #tpu.memory_space<semaphore_mem>>) src(%dma_wait3A_316 : memref<10x128xi32, #tpu.memory_space<hbm>>) dst(%arg8 : memref<10x128xi32, #tpu.memory_space<vmem>>)
          tpu.yield
        }) : () -> ()
        %dma_start3A = arith.constant 0 : i32
        %dma_start3A_27 = arith.constant 0 : i32
        %dma_start3A_28 = tpu.memref_slice %arg7[%dma_start3A, %dma_start3A_27] : memref<10x128xi32, #tpu.memory_space<vmem>> -> memref<1x128xi32, #tpu.memory_space<vmem>>
        %dma_start3A_29 = tpu.memref_squeeze %dma_start3A_28 : memref<1x128xi32, #tpu.memory_space<vmem>> -> memref<128xi32, #tpu.memory_space<vmem>>
        %dma_start3A_30 = arith.constant 0 : i32
        %dma_start3A_31 = arith.constant 0 : i32
        %dma_start3A_32 = tpu.memref_slice %arg2[%dma_start3A_30, %dma_start3A_31] : memref<10000x128xf32, #tpu.memory_space<hbm>> -> memref<10000x128xf32, #tpu.memory_space<hbm>>
        tpu.enqueue_indirect_dma source(%dma_start3A_32 : memref<10000x128xf32, #tpu.memory_space<hbm>>) target(%arg9 : memref<128x128xf32, #tpu.memory_space<vmem>>) offsets(%dma_start3A_29 : memref<128xi32, #tpu.memory_space<vmem>>) semaphore(%arg11 : memref<!tpu.dma_semaphore, #tpu.memory_space<semaphore_mem>>)
        %dma_start3A_33 = arith.constant 1 : i32
        %dma_start3A_34 = arith.constant 0 : i32
        %dma_start3A_35 = tpu.memref_slice %arg7[%dma_start3A_33, %dma_start3A_34] : memref<10x128xi32, #tpu.memory_space<vmem>> -> memref<1x128xi32, #tpu.memory_space<vmem>>
        %dma_start3A_36 = tpu.memref_squeeze %dma_start3A_35 : memref<1x128xi32, #tpu.memory_space<vmem>> -> memref<128xi32, #tpu.memory_space<vmem>>
        %dma_start3A_37 = arith.constant 0 : i32
        %dma_start3A_38 = arith.constant 0 : i32
        %dma_start3A_39 = tpu.memref_slice %arg2[%dma_start3A_37, %dma_start3A_38] : memref<10000x128xf32, #tpu.memory_space<hbm>> -> memref<10000x128xf32, #tpu.memory_space<hbm>>
        tpu.enqueue_indirect_dma source(%dma_start3A_39 : memref<10000x128xf32, #tpu.memory_space<hbm>>) target(%arg10 : memref<128x128xf32, #tpu.memory_space<vmem>>) offsets(%dma_start3A_36 : memref<128xi32, #tpu.memory_space<vmem>>) semaphore(%arg12 : memref<!tpu.dma_semaphore, #tpu.memory_space<semaphore_mem>>)
        %dma_wait3A = arith.constant 0 : i32
        %dma_wait3A_40 = arith.constant 0 : i32
        %dma_wait3A_41 = tpu.memref_slice %arg7[%dma_wait3A, %dma_wait3A_40] : memref<10x128xi32, #tpu.memory_space<vmem>> -> memref<1x128xi32, #tpu.memory_space<vmem>>
        %dma_wait3A_42 = tpu.memref_squeeze %dma_wait3A_41 : memref<1x128xi32, #tpu.memory_space<vmem>> -> memref<128xi32, #tpu.memory_space<vmem>>
        %dma_wait3A_43 = arith.constant 0 : i32
        %dma_wait3A_44 = arith.constant 0 : i32
        %dma_wait3A_45 = tpu.memref_slice %arg2[%dma_wait3A_43, %dma_wait3A_44] : memref<10000x128xf32, #tpu.memory_space<hbm>> -> memref<10000x128xf32, #tpu.memory_space<hbm>>
        tpu.wait_indirect_dma semaphore(%arg11 : memref<!tpu.dma_semaphore, #tpu.memory_space<semaphore_mem>>) src(%dma_wait3A_45 : memref<10000x128xf32, #tpu.memory_space<hbm>>) dst(%arg9 : memref<128x128xf32, #tpu.memory_space<vmem>>)
        %dma_start3A_46 = arith.constant 0 : i32
        %dma_start3A_47 = arith.constant 0 : i32
        %dma_start3A_48 = tpu.memref_slice %arg8[%dma_start3A_46, %dma_start3A_47] : memref<10x128xi32, #tpu.memory_space<vmem>> -> memref<1x128xi32, #tpu.memory_space<vmem>>
        %dma_start3A_49 = tpu.memref_squeeze %dma_start3A_48 : memref<1x128xi32, #tpu.memory_space<vmem>> -> memref<128xi32, #tpu.memory_space<vmem>>
        %dma_start3A_50 = arith.constant 0 : i32
        %dma_start3A_51 = arith.constant 0 : i32
        %dma_start3A_52 = tpu.memref_slice %arg15[%dma_start3A_50, %dma_start3A_51] : memref<10112x128xf32, #tpu.memory_space<vmem_shared>> -> memref<10112x128xf32, #tpu.memory_space<vmem_shared>>
        tpu.enqueue_indirect_dma source(%arg9 : memref<128x128xf32, #tpu.memory_space<vmem>>) target(%dma_start3A_52 : memref<10112x128xf32, #tpu.memory_space<vmem_shared>>) offsets(%dma_start3A_49 : memref<128xi32, #tpu.memory_space<vmem>>) semaphore(%arg13 : memref<!tpu.dma_semaphore, #tpu.memory_space<semaphore_mem>>) {add = true}
        %dma_wait3A_53 = arith.constant 0 : i32
        %dma_wait3A_54 = arith.constant 0 : i32
        %dma_wait3A_55 = tpu.memref_slice %arg8[%dma_wait3A_53, %dma_wait3A_54] : memref<10x128xi32, #tpu.memory_space<vmem>> -> memref<1x128xi32, #tpu.memory_space<vmem>>
        %dma_wait3A_56 = tpu.memref_squeeze %dma_wait3A_55 : memref<1x128xi32, #tpu.memory_space<vmem>> -> memref<128xi32, #tpu.memory_space<vmem>>
        %dma_wait3A_57 = arith.constant 0 : i32
        %dma_wait3A_58 = arith.constant 0 : i32
        %dma_wait3A_59 = tpu.memref_slice %arg15[%dma_wait3A_57, %dma_wait3A_58] : memref<10112x128xf32, #tpu.memory_space<vmem_shared>> -> memref<10112x128xf32, #tpu.memory_space<vmem_shared>>
        tpu.wait_indirect_dma semaphore(%arg13 : memref<!tpu.dma_semaphore, #tpu.memory_space<semaphore_mem>>) src(%arg9 : memref<128x128xf32, #tpu.memory_space<vmem>>) dst(%dma_wait3A_59 : memref<10112x128xf32, #tpu.memory_space<vmem_shared>>)
        %dma_start3A_60 = arith.constant 2 : i32
        %dma_start3A_61 = arith.constant 0 : i32
        %dma_start3A_62 = tpu.memref_slice %arg7[%dma_start3A_60, %dma_start3A_61] : memref<10x128xi32, #tpu.memory_space<vmem>> -> memref<1x128xi32, #tpu.memory_space<vmem>>
        %dma_start3A_63 = tpu.memref_squeeze %dma_start3A_62 : memref<1x128xi32, #tpu.memory_space<vmem>> -> memref<128xi32, #tpu.memory_space<vmem>>
        %dma_start3A_64 = arith.constant 0 : i32
        %dma_start3A_65 = arith.constant 0 : i32
        %dma_start3A_66 = tpu.memref_slice %arg2[%dma_start3A_64, %dma_start3A_65] : memref<10000x128xf32, #tpu.memory_space<hbm>> -> memref<10000x128xf32, #tpu.memory_space<hbm>>
        tpu.enqueue_indirect_dma source(%dma_start3A_66 : memref<10000x128xf32, #tpu.memory_space<hbm>>) target(%arg9 : memref<128x128xf32, #tpu.memory_space<vmem>>) offsets(%dma_start3A_63 : memref<128xi32, #tpu.memory_space<vmem>>) semaphore(%arg11 : memref<!tpu.dma_semaphore, #tpu.memory_space<semaphore_mem>>)
        %dma_wait3A_67 = arith.constant 1 : i32
        %dma_wait3A_68 = arith.constant 0 : i32
        %dma_wait3A_69 = tpu.memref_slice %arg7[%dma_wait3A_67, %dma_wait3A_68] : memref<10x128xi32, #tpu.memory_space<vmem>> -> memref<1x128xi32, #tpu.memory_space<vmem>>
        %dma_wait3A_70 = tpu.memref_squeeze %dma_wait3A_69 : memref<1x128xi32, #tpu.memory_space<vmem>> -> memref<128xi32, #tpu.memory_space<vmem>>
        %dma_wait3A_71 = arith.constant 0 : i32
        %dma_wait3A_72 = arith.constant 0 : i32
        %dma_wait3A_73 = tpu.memref_slice %arg2[%dma_wait3A_71, %dma_wait3A_72] : memref<10000x128xf32, #tpu.memory_space<hbm>> -> memref<10000x128xf32, #tpu.memory_space<hbm>>
        tpu.wait_indirect_dma semaphore(%arg12 : memref<!tpu.dma_semaphore, #tpu.memory_space<semaphore_mem>>) src(%dma_wait3A_73 : memref<10000x128xf32, #tpu.memory_space<hbm>>) dst(%arg10 : memref<128x128xf32, #tpu.memory_space<vmem>>)
        %dma_start3A_74 = arith.constant 1 : i32
        %dma_start3A_75 = arith.constant 0 : i32
        %dma_start3A_76 = tpu.memref_slice %arg8[%dma_start3A_74, %dma_start3A_75] : memref<10x128xi32, #tpu.memory_space<vmem>> -> memref<1x128xi32, #tpu.memory_space<vmem>>
        %dma_start3A_77 = tpu.memref_squeeze %dma_start3A_76 : memref<1x128xi32, #tpu.memory_space<vmem>> -> memref<128xi32, #tpu.memory_space<vmem>>
        %dma_start3A_78 = arith.constant 0 : i32
        %dma_start3A_79 = arith.constant 0 : i32
        %dma_start3A_80 = tpu.memref_slice %arg15[%dma_start3A_78, %dma_start3A_79] : memref<10112x128xf32, #tpu.memory_space<vmem_shared>> -> memref<10112x128xf32, #tpu.memory_space<vmem_shared>>
        tpu.enqueue_indirect_dma source(%arg10 : memref<128x128xf32, #tpu.memory_space<vmem>>) target(%dma_start3A_80 : memref<10112x128xf32, #tpu.memory_space<vmem_shared>>) offsets(%dma_start3A_77 : memref<128xi32, #tpu.memory_space<vmem>>) semaphore(%arg14 : memref<!tpu.dma_semaphore, #tpu.memory_space<semaphore_mem>>) {add = true}
        %dma_wait3A_81 = arith.constant 1 : i32
        %dma_wait3A_82 = arith.constant 0 : i32
        %dma_wait3A_83 = tpu.memref_slice %arg8[%dma_wait3A_81, %dma_wait3A_82] : memref<10x128xi32, #tpu.memory_space<vmem>> -> memref<1x128xi32, #tpu.memory_space<vmem>>
        %dma_wait3A_84 = tpu.memref_squeeze %dma_wait3A_83 : memref<1x128xi32, #tpu.memory_space<vmem>> -> memref<128xi32, #tpu.memory_space<vmem>>
        %dma_wait3A_85 = arith.constant 0 : i32
        %dma_wait3A_86 = arith.constant 0 : i32
        %dma_wait3A_87 = tpu.memref_slice %arg15[%dma_wait3A_85, %dma_wait3A_86] : memref<10112x128xf32, #tpu.memory_space<vmem_shared>> -> memref<10112x128xf32, #tpu.memory_space<vmem_shared>>
        tpu.wait_indirect_dma semaphore(%arg14 : memref<!tpu.dma_semaphore, #tpu.memory_space<semaphore_mem>>) src(%arg10 : memref<128x128xf32, #tpu.memory_space<vmem>>) dst(%dma_wait3A_87 : memref<10112x128xf32, #tpu.memory_space<vmem_shared>>)
        %dma_start3A_88 = arith.constant 3 : i32
        %dma_start3A_89 = arith.constant 0 : i32
        %dma_start3A_90 = tpu.memref_slice %arg7[%dma_start3A_88, %dma_start3A_89] : memref<10x128xi32, #tpu.memory_space<vmem>> -> memref<1x128xi32, #tpu.memory_space<vmem>>
        %dma_start3A_91 = tpu.memref_squeeze %dma_start3A_90 : memref<1x128xi32, #tpu.memory_space<vmem>> -> memref<128xi32, #tpu.memory_space<vmem>>
        %dma_start3A_92 = arith.constant 0 : i32
        %dma_start3A_93 = arith.constant 0 : i32
        %dma_start3A_94 = tpu.memref_slice %arg2[%dma_start3A_92, %dma_start3A_93] : memref<10000x128xf32, #tpu.memory_space<hbm>> -> memref<10000x128xf32, #tpu.memory_space<hbm>>
        tpu.enqueue_indirect_dma source(%dma_start3A_94 : memref<10000x128xf32, #tpu.memory_space<hbm>>) target(%arg10 : memref<128x128xf32, #tpu.memory_space<vmem>>) offsets(%dma_start3A_91 : memref<128xi32, #tpu.memory_space<vmem>>) semaphore(%arg12 : memref<!tpu.dma_semaphore, #tpu.memory_space<semaphore_mem>>)
        %dma_wait3A_95 = arith.constant 2 : i32
        %dma_wait3A_96 = arith.constant 0 : i32
        %dma_wait3A_97 = tpu.memref_slice %arg7[%dma_wait3A_95, %dma_wait3A_96] : memref<10x128xi32, #tpu.memory_space<vmem>> -> memref<1x128xi32, #tpu.memory_space<vmem>>
        %dma_wait3A_98 = tpu.memref_squeeze %dma_wait3A_97 : memref<1x128xi32, #tpu.memory_space<vmem>> -> memref<128xi32, #tpu.memory_space<vmem>>
        %dma_wait3A_99 = arith.constant 0 : i32
        %dma_wait3A_100 = arith.constant 0 : i32
        %dma_wait3A_101 = tpu.memref_slice %arg2[%dma_wait3A_99, %dma_wait3A_100] : memref<10000x128xf32, #tpu.memory_space<hbm>> -> memref<10000x128xf32, #tpu.memory_space<hbm>>
        tpu.wait_indirect_dma semaphore(%arg11 : memref<!tpu.dma_semaphore, #tpu.memory_space<semaphore_mem>>) src(%dma_wait3A_101 : memref<10000x128xf32, #tpu.memory_space<hbm>>) dst(%arg9 : memref<128x128xf32, #tpu.memory_space<vmem>>)
        %dma_start3A_102 = arith.constant 2 : i32
        %dma_start3A_103 = arith.constant 0 : i32
        %dma_start3A_104 = tpu.memref_slice %arg8[%dma_start3A_102, %dma_start3A_103] : memref<10x128xi32, #tpu.memory_space<vmem>> -> memref<1x128xi32, #tpu.memory_space<vmem>>
        %dma_start3A_105 = tpu.memref_squeeze %dma_start3A_104 : memref<1x128xi32, #tpu.memory_space<vmem>> -> memref<128xi32, #tpu.memory_space<vmem>>
        %dma_start3A_106 = arith.constant 0 : i32
        %dma_start3A_107 = arith.constant 0 : i32
        %dma_start3A_108 = tpu.memref_slice %arg15[%dma_start3A_106, %dma_start3A_107] : memref<10112x128xf32, #tpu.memory_space<vmem_shared>> -> memref<10112x128xf32, #tpu.memory_space<vmem_shared>>
        tpu.enqueue_indirect_dma source(%arg9 : memref<128x128xf32, #tpu.memory_space<vmem>>) target(%dma_start3A_108 : memref<10112x128xf32, #tpu.memory_space<vmem_shared>>) offsets(%dma_start3A_105 : memref<128xi32, #tpu.memory_space<vmem>>) semaphore(%arg13 : memref<!tpu.dma_semaphore, #tpu.memory_space<semaphore_mem>>) {add = true}
        %dma_wait3A_109 = arith.constant 2 : i32
        %dma_wait3A_110 = arith.constant 0 : i32
        %dma_wait3A_111 = tpu.memref_slice %arg8[%dma_wait3A_109, %dma_wait3A_110] : memref<10x128xi32, #tpu.memory_space<vmem>> -> memref<1x128xi32, #tpu.memory_space<vmem>>
        %dma_wait3A_112 = tpu.memref_squeeze %dma_wait3A_111 : memref<1x128xi32, #tpu.memory_space<vmem>> -> memref<128xi32, #tpu.memory_space<vmem>>
        %dma_wait3A_113 = arith.constant 0 : i32
        %dma_wait3A_114 = arith.constant 0 : i32
        %dma_wait3A_115 = tpu.memref_slice %arg15[%dma_wait3A_113, %dma_wait3A_114] : memref<10112x128xf32, #tpu.memory_space<vmem_shared>> -> memref<10112x128xf32, #tpu.memory_space<vmem_shared>>
        tpu.wait_indirect_dma semaphore(%arg13 : memref<!tpu.dma_semaphore, #tpu.memory_space<semaphore_mem>>) src(%arg9 : memref<128x128xf32, #tpu.memory_space<vmem>>) dst(%dma_wait3A_115 : memref<10112x128xf32, #tpu.memory_space<vmem_shared>>)
        %dma_start3A_116 = arith.constant 4 : i32
        %dma_start3A_117 = arith.constant 0 : i32
        %dma_start3A_118 = tpu.memref_slice %arg7[%dma_start3A_116, %dma_start3A_117] : memref<10x128xi32, #tpu.memory_space<vmem>> -> memref<1x128xi32, #tpu.memory_space<vmem>>
        %dma_start3A_119 = tpu.memref_squeeze %dma_start3A_118 : memref<1x128xi32, #tpu.memory_space<vmem>> -> memref<128xi32, #tpu.memory_space<vmem>>
        %dma_start3A_120 = arith.constant 0 : i32
        %dma_start3A_121 = arith.constant 0 : i32
        %dma_start3A_122 = tpu.memref_slice %arg2[%dma_start3A_120, %dma_start3A_121] : memref<10000x128xf32, #tpu.memory_space<hbm>> -> memref<10000x128xf32, #tpu.memory_space<hbm>>
        tpu.enqueue_indirect_dma source(%dma_start3A_122 : memref<10000x128xf32, #tpu.memory_space<hbm>>) target(%arg9 : memref<128x128xf32, #tpu.memory_space<vmem>>) offsets(%dma_start3A_119 : memref<128xi32, #tpu.memory_space<vmem>>) semaphore(%arg11 : memref<!tpu.dma_semaphore, #tpu.memory_space<semaphore_mem>>)
        %dma_wait3A_123 = arith.constant 3 : i32
        %dma_wait3A_124 = arith.constant 0 : i32
        %dma_wait3A_125 = tpu.memref_slice %arg7[%dma_wait3A_123, %dma_wait3A_124] : memref<10x128xi32, #tpu.memory_space<vmem>> -> memref<1x128xi32, #tpu.memory_space<vmem>>
        %dma_wait3A_126 = tpu.memref_squeeze %dma_wait3A_125 : memref<1x128xi32, #tpu.memory_space<vmem>> -> memref<128xi32, #tpu.memory_space<vmem>>
        %dma_wait3A_127 = arith.constant 0 : i32
        %dma_wait3A_128 = arith.constant 0 : i32
        %dma_wait3A_129 = tpu.memref_slice %arg2[%dma_wait3A_127, %dma_wait3A_128] : memref<10000x128xf32, #tpu.memory_space<hbm>> -> memref<10000x128xf32, #tpu.memory_space<hbm>>
        tpu.wait_indirect_dma semaphore(%arg12 : memref<!tpu.dma_semaphore, #tpu.memory_space<semaphore_mem>>) src(%dma_wait3A_129 : memref<10000x128xf32, #tpu.memory_space<hbm>>) dst(%arg10 : memref<128x128xf32, #tpu.memory_space<vmem>>)
        %dma_start3A_130 = arith.constant 3 : i32
        %dma_start3A_131 = arith.constant 0 : i32
        %dma_start3A_132 = tpu.memref_slice %arg8[%dma_start3A_130, %dma_start3A_131] : memref<10x128xi32, #tpu.memory_space<vmem>> -> memref<1x128xi32, #tpu.memory_space<vmem>>
        %dma_start3A_133 = tpu.memref_squeeze %dma_start3A_132 : memref<1x128xi32, #tpu.memory_space<vmem>> -> memref<128xi32, #tpu.memory_space<vmem>>
        %dma_start3A_134 = arith.constant 0 : i32
        %dma_start3A_135 = arith.constant 0 : i32
        %dma_start3A_136 = tpu.memref_slice %arg15[%dma_start3A_134, %dma_start3A_135] : memref<10112x128xf32, #tpu.memory_space<vmem_shared>> -> memref<10112x128xf32, #tpu.memory_space<vmem_shared>>
        tpu.enqueue_indirect_dma source(%arg10 : memref<128x128xf32, #tpu.memory_space<vmem>>) target(%dma_start3A_136 : memref<10112x128xf32, #tpu.memory_space<vmem_shared>>) offsets(%dma_start3A_133 : memref<128xi32, #tpu.memory_space<vmem>>) semaphore(%arg14 : memref<!tpu.dma_semaphore, #tpu.memory_space<semaphore_mem>>) {add = true}
        %dma_wait3A_137 = arith.constant 3 : i32
        %dma_wait3A_138 = arith.constant 0 : i32
        %dma_wait3A_139 = tpu.memref_slice %arg8[%dma_wait3A_137, %dma_wait3A_138] : memref<10x128xi32, #tpu.memory_space<vmem>> -> memref<1x128xi32, #tpu.memory_space<vmem>>
        %dma_wait3A_140 = tpu.memref_squeeze %dma_wait3A_139 : memref<1x128xi32, #tpu.memory_space<vmem>> -> memref<128xi32, #tpu.memory_space<vmem>>
        %dma_wait3A_141 = arith.constant 0 : i32
        %dma_wait3A_142 = arith.constant 0 : i32
        %dma_wait3A_143 = tpu.memref_slice %arg15[%dma_wait3A_141, %dma_wait3A_142] : memref<10112x128xf32, #tpu.memory_space<vmem_shared>> -> memref<10112x128xf32, #tpu.memory_space<vmem_shared>>
        tpu.wait_indirect_dma semaphore(%arg14 : memref<!tpu.dma_semaphore, #tpu.memory_space<semaphore_mem>>) src(%arg10 : memref<128x128xf32, #tpu.memory_space<vmem>>) dst(%dma_wait3A_143 : memref<10112x128xf32, #tpu.memory_space<vmem_shared>>)
        %dma_start3A_144 = arith.constant 5 : i32
        %dma_start3A_145 = arith.constant 0 : i32
        %dma_start3A_146 = tpu.memref_slice %arg7[%dma_start3A_144, %dma_start3A_145] : memref<10x128xi32, #tpu.memory_space<vmem>> -> memref<1x128xi32, #tpu.memory_space<vmem>>
        %dma_start3A_147 = tpu.memref_squeeze %dma_start3A_146 : memref<1x128xi32, #tpu.memory_space<vmem>> -> memref<128xi32, #tpu.memory_space<vmem>>
        %dma_start3A_148 = arith.constant 0 : i32
        %dma_start3A_149 = arith.constant 0 : i32
        %dma_start3A_150 = tpu.memref_slice %arg2[%dma_start3A_148, %dma_start3A_149] : memref<10000x128xf32, #tpu.memory_space<hbm>> -> memref<10000x128xf32, #tpu.memory_space<hbm>>
        tpu.enqueue_indirect_dma source(%dma_start3A_150 : memref<10000x128xf32, #tpu.memory_space<hbm>>) target(%arg10 : memref<128x128xf32, #tpu.memory_space<vmem>>) offsets(%dma_start3A_147 : memref<128xi32, #tpu.memory_space<vmem>>) semaphore(%arg12 : memref<!tpu.dma_semaphore, #tpu.memory_space<semaphore_mem>>)
        %dma_wait3A_151 = arith.constant 4 : i32
        %dma_wait3A_152 = arith.constant 0 : i32
        %dma_wait3A_153 = tpu.memref_slice %arg7[%dma_wait3A_151, %dma_wait3A_152] : memref<10x128xi32, #tpu.memory_space<vmem>> -> memref<1x128xi32, #tpu.memory_space<vmem>>
        %dma_wait3A_154 = tpu.memref_squeeze %dma_wait3A_153 : memref<1x128xi32, #tpu.memory_space<vmem>> -> memref<128xi32, #tpu.memory_space<vmem>>
        %dma_wait3A_155 = arith.constant 0 : i32
        %dma_wait3A_156 = arith.constant 0 : i32
        %dma_wait3A_157 = tpu.memref_slice %arg2[%dma_wait3A_155, %dma_wait3A_156] : memref<10000x128xf32, #tpu.memory_space<hbm>> -> memref<10000x128xf32, #tpu.memory_space<hbm>>
        tpu.wait_indirect_dma semaphore(%arg11 : memref<!tpu.dma_semaphore, #tpu.memory_space<semaphore_mem>>) src(%dma_wait3A_157 : memref<10000x128xf32, #tpu.memory_space<hbm>>) dst(%arg9 : memref<128x128xf32, #tpu.memory_space<vmem>>)
        %dma_start3A_158 = arith.constant 4 : i32
        %dma_start3A_159 = arith.constant 0 : i32
        %dma_start3A_160 = tpu.memref_slice %arg8[%dma_start3A_158, %dma_start3A_159] : memref<10x128xi32, #tpu.memory_space<vmem>> -> memref<1x128xi32, #tpu.memory_space<vmem>>
        %dma_start3A_161 = tpu.memref_squeeze %dma_start3A_160 : memref<1x128xi32, #tpu.memory_space<vmem>> -> memref<128xi32, #tpu.memory_space<vmem>>
        %dma_start3A_162 = arith.constant 0 : i32
        %dma_start3A_163 = arith.constant 0 : i32
        %dma_start3A_164 = tpu.memref_slice %arg15[%dma_start3A_162, %dma_start3A_163] : memref<10112x128xf32, #tpu.memory_space<vmem_shared>> -> memref<10112x128xf32, #tpu.memory_space<vmem_shared>>
        tpu.enqueue_indirect_dma source(%arg9 : memref<128x128xf32, #tpu.memory_space<vmem>>) target(%dma_start3A_164 : memref<10112x128xf32, #tpu.memory_space<vmem_shared>>) offsets(%dma_start3A_161 : memref<128xi32, #tpu.memory_space<vmem>>) semaphore(%arg13 : memref<!tpu.dma_semaphore, #tpu.memory_space<semaphore_mem>>) {add = true}
        %dma_wait3A_165 = arith.constant 4 : i32
        %dma_wait3A_166 = arith.constant 0 : i32
        %dma_wait3A_167 = tpu.memref_slice %arg8[%dma_wait3A_165, %dma_wait3A_166] : memref<10x128xi32, #tpu.memory_space<vmem>> -> memref<1x128xi32, #tpu.memory_space<vmem>>
        %dma_wait3A_168 = tpu.memref_squeeze %dma_wait3A_167 : memref<1x128xi32, #tpu.memory_space<vmem>> -> memref<128xi32, #tpu.memory_space<vmem>>
        %dma_wait3A_169 = arith.constant 0 : i32
        %dma_wait3A_170 = arith.constant 0 : i32
        %dma_wait3A_171 = tpu.memref_slice %arg15[%dma_wait3A_169, %dma_wait3A_170] : memref<10112x128xf32, #tpu.memory_space<vmem_shared>> -> memref<10112x128xf32, #tpu.memory_space<vmem_shared>>
        tpu.wait_indirect_dma semaphore(%arg13 : memref<!tpu.dma_semaphore, #tpu.memory_space<semaphore_mem>>) src(%arg9 : memref<128x128xf32, #tpu.memory_space<vmem>>) dst(%dma_wait3A_171 : memref<10112x128xf32, #tpu.memory_space<vmem_shared>>)
        %dma_start3A_172 = arith.constant 6 : i32
        %dma_start3A_173 = arith.constant 0 : i32
        %dma_start3A_174 = tpu.memref_slice %arg7[%dma_start3A_172, %dma_start3A_173] : memref<10x128xi32, #tpu.memory_space<vmem>> -> memref<1x128xi32, #tpu.memory_space<vmem>>
        %dma_start3A_175 = tpu.memref_squeeze %dma_start3A_174 : memref<1x128xi32, #tpu.memory_space<vmem>> -> memref<128xi32, #tpu.memory_space<vmem>>
        %dma_start3A_176 = arith.constant 0 : i32
        %dma_start3A_177 = arith.constant 0 : i32
        %dma_start3A_178 = tpu.memref_slice %arg2[%dma_start3A_176, %dma_start3A_177] : memref<10000x128xf32, #tpu.memory_space<hbm>> -> memref<10000x128xf32, #tpu.memory_space<hbm>>
        tpu.enqueue_indirect_dma source(%dma_start3A_178 : memref<10000x128xf32, #tpu.memory_space<hbm>>) target(%arg9 : memref<128x128xf32, #tpu.memory_space<vmem>>) offsets(%dma_start3A_175 : memref<128xi32, #tpu.memory_space<vmem>>) semaphore(%arg11 : memref<!tpu.dma_semaphore, #tpu.memory_space<semaphore_mem>>)
        %dma_wait3A_179 = arith.constant 5 : i32
        %dma_wait3A_180 = arith.constant 0 : i32
        %dma_wait3A_181 = tpu.memref_slice %arg7[%dma_wait3A_179, %dma_wait3A_180] : memref<10x128xi32, #tpu.memory_space<vmem>> -> memref<1x128xi32, #tpu.memory_space<vmem>>
        %dma_wait3A_182 = tpu.memref_squeeze %dma_wait3A_181 : memref<1x128xi32, #tpu.memory_space<vmem>> -> memref<128xi32, #tpu.memory_space<vmem>>
        %dma_wait3A_183 = arith.constant 0 : i32
        %dma_wait3A_184 = arith.constant 0 : i32
        %dma_wait3A_185 = tpu.memref_slice %arg2[%dma_wait3A_183, %dma_wait3A_184] : memref<10000x128xf32, #tpu.memory_space<hbm>> -> memref<10000x128xf32, #tpu.memory_space<hbm>>
        tpu.wait_indirect_dma semaphore(%arg12 : memref<!tpu.dma_semaphore, #tpu.memory_space<semaphore_mem>>) src(%dma_wait3A_185 : memref<10000x128xf32, #tpu.memory_space<hbm>>) dst(%arg10 : memref<128x128xf32, #tpu.memory_space<vmem>>)
        %dma_start3A_186 = arith.constant 5 : i32
        %dma_start3A_187 = arith.constant 0 : i32
        %dma_start3A_188 = tpu.memref_slice %arg8[%dma_start3A_186, %dma_start3A_187] : memref<10x128xi32, #tpu.memory_space<vmem>> -> memref<1x128xi32, #tpu.memory_space<vmem>>
        %dma_start3A_189 = tpu.memref_squeeze %dma_start3A_188 : memref<1x128xi32, #tpu.memory_space<vmem>> -> memref<128xi32, #tpu.memory_space<vmem>>
        %dma_start3A_190 = arith.constant 0 : i32
        %dma_start3A_191 = arith.constant 0 : i32
        %dma_start3A_192 = tpu.memref_slice %arg15[%dma_start3A_190, %dma_start3A_191] : memref<10112x128xf32, #tpu.memory_space<vmem_shared>> -> memref<10112x128xf32, #tpu.memory_space<vmem_shared>>
        tpu.enqueue_indirect_dma source(%arg10 : memref<128x128xf32, #tpu.memory_space<vmem>>) target(%dma_start3A_192 : memref<10112x128xf32, #tpu.memory_space<vmem_shared>>) offsets(%dma_start3A_189 : memref<128xi32, #tpu.memory_space<vmem>>) semaphore(%arg14 : memref<!tpu.dma_semaphore, #tpu.memory_space<semaphore_mem>>) {add = true}
        %dma_wait3A_193 = arith.constant 5 : i32
        %dma_wait3A_194 = arith.constant 0 : i32
        %dma_wait3A_195 = tpu.memref_slice %arg8[%dma_wait3A_193, %dma_wait3A_194] : memref<10x128xi32, #tpu.memory_space<vmem>> -> memref<1x128xi32, #tpu.memory_space<vmem>>
        %dma_wait3A_196 = tpu.memref_squeeze %dma_wait3A_195 : memref<1x128xi32, #tpu.memory_space<vmem>> -> memref<128xi32, #tpu.memory_space<vmem>>
        %dma_wait3A_197 = arith.constant 0 : i32
        %dma_wait3A_198 = arith.constant 0 : i32
        %dma_wait3A_199 = tpu.memref_slice %arg15[%dma_wait3A_197, %dma_wait3A_198] : memref<10112x128xf32, #tpu.memory_space<vmem_shared>> -> memref<10112x128xf32, #tpu.memory_space<vmem_shared>>
        tpu.wait_indirect_dma semaphore(%arg14 : memref<!tpu.dma_semaphore, #tpu.memory_space<semaphore_mem>>) src(%arg10 : memref<128x128xf32, #tpu.memory_space<vmem>>) dst(%dma_wait3A_199 : memref<10112x128xf32, #tpu.memory_space<vmem_shared>>)
        %dma_start3A_200 = arith.constant 7 : i32
        %dma_start3A_201 = arith.constant 0 : i32
        %dma_start3A_202 = tpu.memref_slice %arg7[%dma_start3A_200, %dma_start3A_201] : memref<10x128xi32, #tpu.memory_space<vmem>> -> memref<1x128xi32, #tpu.memory_space<vmem>>
        %dma_start3A_203 = tpu.memref_squeeze %dma_start3A_202 : memref<1x128xi32, #tpu.memory_space<vmem>> -> memref<128xi32, #tpu.memory_space<vmem>>
        %dma_start3A_204 = arith.constant 0 : i32
        %dma_start3A_205 = arith.constant 0 : i32
        %dma_start3A_206 = tpu.memref_slice %arg2[%dma_start3A_204, %dma_start3A_205] : memref<10000x128xf32, #tpu.memory_space<hbm>> -> memref<10000x128xf32, #tpu.memory_space<hbm>>
        tpu.enqueue_indirect_dma source(%dma_start3A_206 : memref<10000x128xf32, #tpu.memory_space<hbm>>) target(%arg10 : memref<128x128xf32, #tpu.memory_space<vmem>>) offsets(%dma_start3A_203 : memref<128xi32, #tpu.memory_space<vmem>>) semaphore(%arg12 : memref<!tpu.dma_semaphore, #tpu.memory_space<semaphore_mem>>)
        %dma_wait3A_207 = arith.constant 6 : i32
        %dma_wait3A_208 = arith.constant 0 : i32
        %dma_wait3A_209 = tpu.memref_slice %arg7[%dma_wait3A_207, %dma_wait3A_208] : memref<10x128xi32, #tpu.memory_space<vmem>> -> memref<1x128xi32, #tpu.memory_space<vmem>>
        %dma_wait3A_210 = tpu.memref_squeeze %dma_wait3A_209 : memref<1x128xi32, #tpu.memory_space<vmem>> -> memref<128xi32, #tpu.memory_space<vmem>>
        %dma_wait3A_211 = arith.constant 0 : i32
        %dma_wait3A_212 = arith.constant 0 : i32
        %dma_wait3A_213 = tpu.memref_slice %arg2[%dma_wait3A_211, %dma_wait3A_212] : memref<10000x128xf32, #tpu.memory_space<hbm>> -> memref<10000x128xf32, #tpu.memory_space<hbm>>
        tpu.wait_indirect_dma semaphore(%arg11 : memref<!tpu.dma_semaphore, #tpu.memory_space<semaphore_mem>>) src(%dma_wait3A_213 : memref<10000x128xf32, #tpu.memory_space<hbm>>) dst(%arg9 : memref<128x128xf32, #tpu.memory_space<vmem>>)
        %dma_start3A_214 = arith.constant 6 : i32
        %dma_start3A_215 = arith.constant 0 : i32
        %dma_start3A_216 = tpu.memref_slice %arg8[%dma_start3A_214, %dma_start3A_215] : memref<10x128xi32, #tpu.memory_space<vmem>> -> memref<1x128xi32, #tpu.memory_space<vmem>>
        %dma_start3A_217 = tpu.memref_squeeze %dma_start3A_216 : memref<1x128xi32, #tpu.memory_space<vmem>> -> memref<128xi32, #tpu.memory_space<vmem>>
        %dma_start3A_218 = arith.constant 0 : i32
        %dma_start3A_219 = arith.constant 0 : i32
        %dma_start3A_220 = tpu.memref_slice %arg15[%dma_start3A_218, %dma_start3A_219] : memref<10112x128xf32, #tpu.memory_space<vmem_shared>> -> memref<10112x128xf32, #tpu.memory_space<vmem_shared>>
        tpu.enqueue_indirect_dma source(%arg9 : memref<128x128xf32, #tpu.memory_space<vmem>>) target(%dma_start3A_220 : memref<10112x128xf32, #tpu.memory_space<vmem_shared>>) offsets(%dma_start3A_217 : memref<128xi32, #tpu.memory_space<vmem>>) semaphore(%arg13 : memref<!tpu.dma_semaphore, #tpu.memory_space<semaphore_mem>>) {add = true}
        %dma_wait3A_221 = arith.constant 6 : i32
        %dma_wait3A_222 = arith.constant 0 : i32
        %dma_wait3A_223 = tpu.memref_slice %arg8[%dma_wait3A_221, %dma_wait3A_222] : memref<10x128xi32, #tpu.memory_space<vmem>> -> memref<1x128xi32, #tpu.memory_space<vmem>>
        %dma_wait3A_224 = tpu.memref_squeeze %dma_wait3A_223 : memref<1x128xi32, #tpu.memory_space<vmem>> -> memref<128xi32, #tpu.memory_space<vmem>>
        %dma_wait3A_225 = arith.constant 0 : i32
        %dma_wait3A_226 = arith.constant 0 : i32
        %dma_wait3A_227 = tpu.memref_slice %arg15[%dma_wait3A_225, %dma_wait3A_226] : memref<10112x128xf32, #tpu.memory_space<vmem_shared>> -> memref<10112x128xf32, #tpu.memory_space<vmem_shared>>
        tpu.wait_indirect_dma semaphore(%arg13 : memref<!tpu.dma_semaphore, #tpu.memory_space<semaphore_mem>>) src(%arg9 : memref<128x128xf32, #tpu.memory_space<vmem>>) dst(%dma_wait3A_227 : memref<10112x128xf32, #tpu.memory_space<vmem_shared>>)
        %dma_start3A_228 = arith.constant 8 : i32
        %dma_start3A_229 = arith.constant 0 : i32
        %dma_start3A_230 = tpu.memref_slice %arg7[%dma_start3A_228, %dma_start3A_229] : memref<10x128xi32, #tpu.memory_space<vmem>> -> memref<1x128xi32, #tpu.memory_space<vmem>>
        %dma_start3A_231 = tpu.memref_squeeze %dma_start3A_230 : memref<1x128xi32, #tpu.memory_space<vmem>> -> memref<128xi32, #tpu.memory_space<vmem>>
        %dma_start3A_232 = arith.constant 0 : i32
        %dma_start3A_233 = arith.constant 0 : i32
        %dma_start3A_234 = tpu.memref_slice %arg2[%dma_start3A_232, %dma_start3A_233] : memref<10000x128xf32, #tpu.memory_space<hbm>> -> memref<10000x128xf32, #tpu.memory_space<hbm>>
        tpu.enqueue_indirect_dma source(%dma_start3A_234 : memref<10000x128xf32, #tpu.memory_space<hbm>>) target(%arg9 : memref<128x128xf32, #tpu.memory_space<vmem>>) offsets(%dma_start3A_231 : memref<128xi32, #tpu.memory_space<vmem>>) semaphore(%arg11 : memref<!tpu.dma_semaphore, #tpu.memory_space<semaphore_mem>>)
        %dma_wait3A_235 = arith.constant 7 : i32
        %dma_wait3A_236 = arith.constant 0 : i32
        %dma_wait3A_237 = tpu.memref_slice %arg7[%dma_wait3A_235, %dma_wait3A_236] : memref<10x128xi32, #tpu.memory_space<vmem>> -> memref<1x128xi32, #tpu.memory_space<vmem>>
        %dma_wait3A_238 = tpu.memref_squeeze %dma_wait3A_237 : memref<1x128xi32, #tpu.memory_space<vmem>> -> memref<128xi32, #tpu.memory_space<vmem>>
        %dma_wait3A_239 = arith.constant 0 : i32
        %dma_wait3A_240 = arith.constant 0 : i32
        %dma_wait3A_241 = tpu.memref_slice %arg2[%dma_wait3A_239, %dma_wait3A_240] : memref<10000x128xf32, #tpu.memory_space<hbm>> -> memref<10000x128xf32, #tpu.memory_space<hbm>>
        tpu.wait_indirect_dma semaphore(%arg12 : memref<!tpu.dma_semaphore, #tpu.memory_space<semaphore_mem>>) src(%dma_wait3A_241 : memref<10000x128xf32, #tpu.memory_space<hbm>>) dst(%arg10 : memref<128x128xf32, #tpu.memory_space<vmem>>)
        %dma_start3A_242 = arith.constant 7 : i32
        %dma_start3A_243 = arith.constant 0 : i32
        %dma_start3A_244 = tpu.memref_slice %arg8[%dma_start3A_242, %dma_start3A_243] : memref<10x128xi32, #tpu.memory_space<vmem>> -> memref<1x128xi32, #tpu.memory_space<vmem>>
        %dma_start3A_245 = tpu.memref_squeeze %dma_start3A_244 : memref<1x128xi32, #tpu.memory_space<vmem>> -> memref<128xi32, #tpu.memory_space<vmem>>
        %dma_start3A_246 = arith.constant 0 : i32
        %dma_start3A_247 = arith.constant 0 : i32
        %dma_start3A_248 = tpu.memref_slice %arg15[%dma_start3A_246, %dma_start3A_247] : memref<10112x128xf32, #tpu.memory_space<vmem_shared>> -> memref<10112x128xf32, #tpu.memory_space<vmem_shared>>
        tpu.enqueue_indirect_dma source(%arg10 : memref<128x128xf32, #tpu.memory_space<vmem>>) target(%dma_start3A_248 : memref<10112x128xf32, #tpu.memory_space<vmem_shared>>) offsets(%dma_start3A_245 : memref<128xi32, #tpu.memory_space<vmem>>) semaphore(%arg14 : memref<!tpu.dma_semaphore, #tpu.memory_space<semaphore_mem>>) {add = true}
        %dma_wait3A_249 = arith.constant 7 : i32
        %dma_wait3A_250 = arith.constant 0 : i32
        %dma_wait3A_251 = tpu.memref_slice %arg8[%dma_wait3A_249, %dma_wait3A_250] : memref<10x128xi32, #tpu.memory_space<vmem>> -> memref<1x128xi32, #tpu.memory_space<vmem>>
        %dma_wait3A_252 = tpu.memref_squeeze %dma_wait3A_251 : memref<1x128xi32, #tpu.memory_space<vmem>> -> memref<128xi32, #tpu.memory_space<vmem>>
        %dma_wait3A_253 = arith.constant 0 : i32
        %dma_wait3A_254 = arith.constant 0 : i32
        %dma_wait3A_255 = tpu.memref_slice %arg15[%dma_wait3A_253, %dma_wait3A_254] : memref<10112x128xf32, #tpu.memory_space<vmem_shared>> -> memref<10112x128xf32, #tpu.memory_space<vmem_shared>>
        tpu.wait_indirect_dma semaphore(%arg14 : memref<!tpu.dma_semaphore, #tpu.memory_space<semaphore_mem>>) src(%arg10 : memref<128x128xf32, #tpu.memory_space<vmem>>) dst(%dma_wait3A_255 : memref<10112x128xf32, #tpu.memory_space<vmem_shared>>)
        %dma_start3A_256 = arith.constant 9 : i32
        %dma_start3A_257 = arith.constant 0 : i32
        %dma_start3A_258 = tpu.memref_slice %arg7[%dma_start3A_256, %dma_start3A_257] : memref<10x128xi32, #tpu.memory_space<vmem>> -> memref<1x128xi32, #tpu.memory_space<vmem>>
        %dma_start3A_259 = tpu.memref_squeeze %dma_start3A_258 : memref<1x128xi32, #tpu.memory_space<vmem>> -> memref<128xi32, #tpu.memory_space<vmem>>
        %dma_start3A_260 = arith.constant 0 : i32
        %dma_start3A_261 = arith.constant 0 : i32
        %dma_start3A_262 = tpu.memref_slice %arg2[%dma_start3A_260, %dma_start3A_261] : memref<10000x128xf32, #tpu.memory_space<hbm>> -> memref<10000x128xf32, #tpu.memory_space<hbm>>
        tpu.enqueue_indirect_dma source(%dma_start3A_262 : memref<10000x128xf32, #tpu.memory_space<hbm>>) target(%arg10 : memref<128x128xf32, #tpu.memory_space<vmem>>) offsets(%dma_start3A_259 : memref<128xi32, #tpu.memory_space<vmem>>) semaphore(%arg12 : memref<!tpu.dma_semaphore, #tpu.memory_space<semaphore_mem>>)
        %dma_wait3A_263 = arith.constant 8 : i32
        %dma_wait3A_264 = arith.constant 0 : i32
        %dma_wait3A_265 = tpu.memref_slice %arg7[%dma_wait3A_263, %dma_wait3A_264] : memref<10x128xi32, #tpu.memory_space<vmem>> -> memref<1x128xi32, #tpu.memory_space<vmem>>
        %dma_wait3A_266 = tpu.memref_squeeze %dma_wait3A_265 : memref<1x128xi32, #tpu.memory_space<vmem>> -> memref<128xi32, #tpu.memory_space<vmem>>
        %dma_wait3A_267 = arith.constant 0 : i32
        %dma_wait3A_268 = arith.constant 0 : i32
        %dma_wait3A_269 = tpu.memref_slice %arg2[%dma_wait3A_267, %dma_wait3A_268] : memref<10000x128xf32, #tpu.memory_space<hbm>> -> memref<10000x128xf32, #tpu.memory_space<hbm>>
        tpu.wait_indirect_dma semaphore(%arg11 : memref<!tpu.dma_semaphore, #tpu.memory_space<semaphore_mem>>) src(%dma_wait3A_269 : memref<10000x128xf32, #tpu.memory_space<hbm>>) dst(%arg9 : memref<128x128xf32, #tpu.memory_space<vmem>>)
        %dma_start3A_270 = arith.constant 8 : i32
        %dma_start3A_271 = arith.constant 0 : i32
        %dma_start3A_272 = tpu.memref_slice %arg8[%dma_start3A_270, %dma_start3A_271] : memref<10x128xi32, #tpu.memory_space<vmem>> -> memref<1x128xi32, #tpu.memory_space<vmem>>
        %dma_start3A_273 = tpu.memref_squeeze %dma_start3A_272 : memref<1x128xi32, #tpu.memory_space<vmem>> -> memref<128xi32, #tpu.memory_space<vmem>>
        %dma_start3A_274 = arith.constant 0 : i32
        %dma_start3A_275 = arith.constant 0 : i32
        %dma_start3A_276 = tpu.memref_slice %arg15[%dma_start3A_274, %dma_start3A_275] : memref<10112x128xf32, #tpu.memory_space<vmem_shared>> -> memref<10112x128xf32, #tpu.memory_space<vmem_shared>>
        tpu.enqueue_indirect_dma source(%arg9 : memref<128x128xf32, #tpu.memory_space<vmem>>) target(%dma_start3A_276 : memref<10112x128xf32, #tpu.memory_space<vmem_shared>>) offsets(%dma_start3A_273 : memref<128xi32, #tpu.memory_space<vmem>>) semaphore(%arg13 : memref<!tpu.dma_semaphore, #tpu.memory_space<semaphore_mem>>) {add = true}
        %dma_wait3A_277 = arith.constant 8 : i32
        %dma_wait3A_278 = arith.constant 0 : i32
        %dma_wait3A_279 = tpu.memref_slice %arg8[%dma_wait3A_277, %dma_wait3A_278] : memref<10x128xi32, #tpu.memory_space<vmem>> -> memref<1x128xi32, #tpu.memory_space<vmem>>
        %dma_wait3A_280 = tpu.memref_squeeze %dma_wait3A_279 : memref<1x128xi32, #tpu.memory_space<vmem>> -> memref<128xi32, #tpu.memory_space<vmem>>
        %dma_wait3A_281 = arith.constant 0 : i32
        %dma_wait3A_282 = arith.constant 0 : i32
        %dma_wait3A_283 = tpu.memref_slice %arg15[%dma_wait3A_281, %dma_wait3A_282] : memref<10112x128xf32, #tpu.memory_space<vmem_shared>> -> memref<10112x128xf32, #tpu.memory_space<vmem_shared>>
        tpu.wait_indirect_dma semaphore(%arg13 : memref<!tpu.dma_semaphore, #tpu.memory_space<semaphore_mem>>) src(%arg9 : memref<128x128xf32, #tpu.memory_space<vmem>>) dst(%dma_wait3A_283 : memref<10112x128xf32, #tpu.memory_space<vmem_shared>>)
        %dma_wait3A_284 = arith.constant 9 : i32
        %dma_wait3A_285 = arith.constant 0 : i32
        %dma_wait3A_286 = tpu.memref_slice %arg7[%dma_wait3A_284, %dma_wait3A_285] : memref<10x128xi32, #tpu.memory_space<vmem>> -> memref<1x128xi32, #tpu.memory_space<vmem>>
        %dma_wait3A_287 = tpu.memref_squeeze %dma_wait3A_286 : memref<1x128xi32, #tpu.memory_space<vmem>> -> memref<128xi32, #tpu.memory_space<vmem>>
        %dma_wait3A_288 = arith.constant 0 : i32
        %dma_wait3A_289 = arith.constant 0 : i32
        %dma_wait3A_290 = tpu.memref_slice %arg2[%dma_wait3A_288, %dma_wait3A_289] : memref<10000x128xf32, #tpu.memory_space<hbm>> -> memref<10000x128xf32, #tpu.memory_space<hbm>>
        tpu.wait_indirect_dma semaphore(%arg12 : memref<!tpu.dma_semaphore, #tpu.memory_space<semaphore_mem>>) src(%dma_wait3A_290 : memref<10000x128xf32, #tpu.memory_space<hbm>>) dst(%arg10 : memref<128x128xf32, #tpu.memory_space<vmem>>)
        %dma_start3A_291 = arith.constant 9 : i32
        %dma_start3A_292 = arith.constant 0 : i32
        %dma_start3A_293 = tpu.memref_slice %arg8[%dma_start3A_291, %dma_start3A_292] : memref<10x128xi32, #tpu.memory_space<vmem>> -> memref<1x128xi32, #tpu.memory_space<vmem>>
        %dma_start3A_294 = tpu.memref_squeeze %dma_start3A_293 : memref<1x128xi32, #tpu.memory_space<vmem>> -> memref<128xi32, #tpu.memory_space<vmem>>
        %dma_start3A_295 = arith.constant 0 : i32
        %dma_start3A_296 = arith.constant 0 : i32
        %dma_start3A_297 = tpu.memref_slice %arg15[%dma_start3A_295, %dma_start3A_296] : memref<10112x128xf32, #tpu.memory_space<vmem_shared>> -> memref<10112x128xf32, #tpu.memory_space<vmem_shared>>
        tpu.enqueue_indirect_dma source(%arg10 : memref<128x128xf32, #tpu.memory_space<vmem>>) target(%dma_start3A_297 : memref<10112x128xf32, #tpu.memory_space<vmem_shared>>) offsets(%dma_start3A_294 : memref<128xi32, #tpu.memory_space<vmem>>) semaphore(%arg14 : memref<!tpu.dma_semaphore, #tpu.memory_space<semaphore_mem>>) {add = true}
        %dma_wait3A_298 = arith.constant 9 : i32
        %dma_wait3A_299 = arith.constant 0 : i32
        %dma_wait3A_300 = tpu.memref_slice %arg8[%dma_wait3A_298, %dma_wait3A_299] : memref<10x128xi32, #tpu.memory_space<vmem>> -> memref<1x128xi32, #tpu.memory_space<vmem>>
        %dma_wait3A_301 = tpu.memref_squeeze %dma_wait3A_300 : memref<1x128xi32, #tpu.memory_space<vmem>> -> memref<128xi32, #tpu.memory_space<vmem>>
        %dma_wait3A_302 = arith.constant 0 : i32
        %dma_wait3A_303 = arith.constant 0 : i32
        %dma_wait3A_304 = tpu.memref_slice %arg15[%dma_wait3A_302, %dma_wait3A_303] : memref<10112x128xf32, #tpu.memory_space<vmem_shared>> -> memref<10112x128xf32, #tpu.memory_space<vmem_shared>>
        tpu.wait_indirect_dma semaphore(%arg14 : memref<!tpu.dma_semaphore, #tpu.memory_space<semaphore_mem>>) src(%arg10 : memref<128x128xf32, #tpu.memory_space<vmem>>) dst(%dma_wait3A_304 : memref<10112x128xf32, #tpu.memory_space<vmem_shared>>)
      }
      %scan3A_21 = arith.constant 4 : i32
    } else {
    }
    %barrier3A_12 = arith.constant 0 : index
    tpu.barrier barrier_id(%barrier3A_12)
    %mul3A_13 = arith.constant 632 : i32
    %mul3A_14 = arith.muli %arg1, %mul3A_13 : i32
    %mul3A_15 = arith.constant 632 : i32
    %mul3A_16 = arith.muli %arg1, %mul3A_15 : i32
    "tpu.region"() ({
      %run_scoped3A = tpu.sem_alloc : memref<!tpu.dma_semaphore, #tpu.memory_space<semaphore_mem>>
      %dma_start3A = arith.constant 0 : i32
      %dma_start3A_17 = tpu.memref_slice %arg6[%arg0, %mul3A_16, %dma_start3A] : memref<2x10112x128xf32, #tpu.memory_space<hbm>> -> memref<1x632x128xf32, #tpu.memory_space<hbm>>
      %dma_start3A_18 = tpu.memref_squeeze %dma_start3A_17 : memref<1x632x128xf32, #tpu.memory_space<hbm>> -> memref<632x128xf32, #tpu.memory_space<hbm>>
      %dma_start3A_19 = arith.constant 0 : i32
      %dma_start3A_20 = tpu.memref_slice %arg15[%mul3A_14, %dma_start3A_19] : memref<10112x128xf32, #tpu.memory_space<vmem_shared>> -> memref<632x128xf32, #tpu.memory_space<vmem_shared>>
      tpu.enqueue_dma source(%dma_start3A_20 : memref<632x128xf32, #tpu.memory_space<vmem_shared>>) target(%dma_start3A_18 : memref<632x128xf32, #tpu.memory_space<hbm>>) target_semaphore(%run_scoped3A : memref<!tpu.dma_semaphore, #tpu.memory_space<semaphore_mem>>)
      %dma_wait3A = arith.constant 0 : i32
      %dma_wait3A_21 = tpu.memref_slice %arg6[%arg0, %mul3A_16, %dma_wait3A] : memref<2x10112x128xf32, #tpu.memory_space<hbm>> -> memref<1x632x128xf32, #tpu.memory_space<hbm>>
      %dma_wait3A_22 = tpu.memref_squeeze %dma_wait3A_21 : memref<1x632x128xf32, #tpu.memory_space<hbm>> -> memref<632x128xf32, #tpu.memory_space<hbm>>
      %dma_wait3A_23 = arith.constant 0 : i32
      %dma_wait3A_24 = tpu.memref_slice %arg15[%mul3A_14, %dma_wait3A_23] : memref<10112x128xf32, #tpu.memory_space<vmem_shared>> -> memref<632x128xf32, #tpu.memory_space<vmem_shared>>
      tpu.wait_dma2 semaphore(%run_scoped3A : memref<!tpu.dma_semaphore, #tpu.memory_space<semaphore_mem>>) src(%dma_wait3A_24 : memref<632x128xf32, #tpu.memory_space<vmem_shared>>) dst(%dma_wait3A_22 : memref<632x128xf32, #tpu.memory_space<hbm>>)
      tpu.yield
    }) : () -> ()
    return
  }
}

module attributes {stable_mosaic.version = 14 : i64} {
  func.func @_dinv_body(%arg0: memref<8x1280xf32, #tpu.memory_space<vmem>>, %arg1: memref<8x1280xf32, #tpu.memory_space<vmem>>, %arg2: memref<8x1280xf32, #tpu.memory_space<vmem>>) attributes {dimension_semantics = [], scalar_prefetch = 0 : i64, scratch_operands = 0 : i64, tpu.core_type = #tpu.core_type<tc>} {
    %get3A = arith.constant 0 : index
    %get3A_0 = arith.constant 0 : index
    %get3A_1 = vector.load %arg0[%get3A, %get3A_0] : memref<8x1280xf32, #tpu.memory_space<vmem>>, vector<8x1280xf32>
    %add3A = arith.constant 1.000000e+00 : f32
    %add3A_2 = vector.broadcast %add3A : f32 to vector<8x1280xf32>
    %add3A_3 = arith.addf %add3A_2, %get3A_1 : vector<8x1280xf32>
    %get3A_4 = arith.constant 0 : index
    %get3A_5 = arith.constant 0 : index
    %get3A_6 = vector.load %arg1[%get3A_4, %get3A_5] : memref<8x1280xf32, #tpu.memory_space<vmem>>, vector<8x1280xf32>
    %add3A_7 = arith.addf %add3A_3, %get3A_6 : vector<8x1280xf32>
    %rsqrt3A = math.rsqrt %add3A_7 : vector<8x1280xf32>
    %swap3A = arith.constant 0 : index
    %swap3A_8 = arith.constant 0 : index
    %swap3A_9 = vector.load %arg2[%swap3A, %swap3A_8] : memref<8x1280xf32, #tpu.memory_space<vmem>>, vector<8x1280xf32>
    tpu.vector_store %arg2[%swap3A, %swap3A_8], %rsqrt3A {strides = array<i32>} : memref<8x1280xf32, #tpu.memory_space<vmem>>, vector<8x1280xf32>,
    return
  }
}

module attributes {stable_mosaic.version = 14 : i64} {
  func.func @_tc1_body(%arg0: i32, %arg1: memref<2000x1xf32, #tpu.memory_space<vmem>>, %arg2: memref<2000x128xf32, #tpu.memory_space<vmem>>, %arg3: memref<128x128xf32, #tpu.memory_space<vmem>>, %arg4: memref<2000x128xf32, #tpu.memory_space<vmem>>) attributes {dimension_semantics = [#tpu.dimension_semantics<arbitrary>], iteration_bounds = array<i64: 5>, scalar_prefetch = 0 : i64, scratch_operands = 0 : i64, tpu.core_type = #tpu.core_type<tc>, window_params = [{transform_indices = @transform_0, window_bounds = array<i64: 2000, 1>}, {transform_indices = @transform_1, window_bounds = array<i64: 2000, 128>}, {pipeline_mode = #tpu.pipeline_mode<synchronous>, transform_indices = @transform_2, window_bounds = array<i64: 128, 128>}, {transform_indices = @transform_3, window_bounds = array<i64: 2000, 128>}]} {
    %get3A = arith.constant 0 : index
    %get3A_0 = arith.constant 0 : index
    %get3A_1 = vector.load %arg1[%get3A, %get3A_0] : memref<2000x1xf32, #tpu.memory_space<vmem>>, vector<2000x1xf32>
    %get3A_2 = arith.constant 0 : index
    %get3A_3 = arith.constant 0 : index
    %get3A_4 = vector.load %arg2[%get3A_2, %get3A_3] : memref<2000x128xf32, #tpu.memory_space<vmem>>, vector<2000x128xf32>
    %get3A_5 = arith.constant 0 : index
    %get3A_6 = arith.constant 0 : index
    %get3A_7 = vector.load %arg3[%get3A_5, %get3A_6] : memref<128x128xf32, #tpu.memory_space<vmem>>, vector<128x128xf32>
    %dot_general3A = arith.constant dense<0.000000e+00> : vector<2000x128xf32>
    %dot_general3A_8 = tpu.matmul %get3A_4, %get3A_7, %dot_general3A {dimension_numbers = #tpu.dot_dimension_numbers<[1], [0], [0], [1], [0, 0, 1, 1], [], []>, transpose_lhs_hint = false} : vector<2000x128xf32>, vector<128x128xf32>, vector<2000x128xf32> -> vector<2000x128xf32>
    %mul3A = vector.broadcast %get3A_1 : vector<2000x1xf32> to vector<2000x128xf32>
    %mul3A_9 = arith.mulf %mul3A, %dot_general3A_8 : vector<2000x128xf32>
    %swap3A = arith.constant 0 : index
    %swap3A_10 = arith.constant 0 : index
    %swap3A_11 = vector.load %arg4[%swap3A, %swap3A_10] : memref<2000x128xf32, #tpu.memory_space<vmem>>, vector<2000x128xf32>
    tpu.vector_store %arg4[%swap3A, %swap3A_10], %mul3A_9 {strides = array<i32>} : memref<2000x128xf32, #tpu.memory_space<vmem>>, vector<2000x128xf32>,
    return
  }
  func.func @transform_0(%arg0: i32) -> (i32, i32) {
    %c0_i32 = arith.constant 0 : i32
    %c0_i32_0 = arith.constant 0 : i32
    return %arg0, %c0_i32 : i32, i32
  }
  func.func @transform_1(%arg0: i32) -> (i32, i32) {
    %c0_i32 = arith.constant 0 : i32
    %c0_i32_0 = arith.constant 0 : i32
    return %arg0, %c0_i32 : i32, i32
  }
  func.func @transform_2(%arg0: i32) -> (i32, i32) {
    %c0_i32 = arith.constant 0 : i32
    %c0_i32_0 = arith.constant 0 : i32
    %c0_i32_1 = arith.constant 0 : i32
    return %c0_i32, %c0_i32_0 : i32, i32
  }
  func.func @transform_3(%arg0: i32) -> (i32, i32) {
    %c0_i32 = arith.constant 0 : i32
    %c0_i32_0 = arith.constant 0 : i32
    return %arg0, %c0_i32 : i32, i32
  }
}

module attributes {stable_mosaic.version = 14 : i64} {
  func.func @_tc_mid_body(%arg0: i32, %arg1: memref<2000x1xf32, #tpu.memory_space<vmem>>, %arg2: memref<2000x128xf32, #tpu.memory_space<vmem>>, %arg3: memref<2000x128xf32, #tpu.memory_space<vmem>>, %arg4: memref<2000x128xf32, #tpu.memory_space<vmem>>, %arg5: memref<128x128xf32, #tpu.memory_space<vmem>>, %arg6: memref<2000x128xf32, #tpu.memory_space<vmem>>) attributes {dimension_semantics = [#tpu.dimension_semantics<arbitrary>], iteration_bounds = array<i64: 5>, scalar_prefetch = 0 : i64, scratch_operands = 0 : i64, tpu.core_type = #tpu.core_type<tc>, window_params = [{transform_indices = @transform_0, window_bounds = array<i64: 2000, 1>}, {transform_indices = @transform_1, window_bounds = array<i64: 2000, 128>}, {transform_indices = @transform_2, window_bounds = array<i64: 2000, 128>}, {transform_indices = @transform_3, window_bounds = array<i64: 2000, 128>}, {pipeline_mode = #tpu.pipeline_mode<synchronous>, transform_indices = @transform_4, window_bounds = array<i64: 128, 128>}, {transform_indices = @transform_5, window_bounds = array<i64: 2000, 128>}]} {
    %get3A = arith.constant 0 : index
    %get3A_0 = arith.constant 0 : index
    %get3A_1 = vector.load %arg1[%get3A, %get3A_0] : memref<2000x1xf32, #tpu.memory_space<vmem>>, vector<2000x1xf32>
    %get3A_2 = arith.constant 0 : index
    %get3A_3 = arith.constant 0 : index
    %get3A_4 = vector.load %arg2[%get3A_2, %get3A_3] : memref<2000x128xf32, #tpu.memory_space<vmem>>, vector<2000x128xf32>
    %get3A_5 = arith.constant 0 : index
    %get3A_6 = arith.constant 0 : index
    %get3A_7 = vector.load %arg3[%get3A_5, %get3A_6] : memref<2000x128xf32, #tpu.memory_space<vmem>>, vector<2000x128xf32>
    %add3A = arith.addf %get3A_4, %get3A_7 : vector<2000x128xf32>
    %get3A_8 = arith.constant 0 : index
    %get3A_9 = arith.constant 0 : index
    %get3A_10 = vector.load %arg4[%get3A_8, %get3A_9] : memref<2000x128xf32, #tpu.memory_space<vmem>>, vector<2000x128xf32>
    %add3A_11 = arith.addf %add3A, %get3A_10 : vector<2000x128xf32>
    %mul3A = vector.broadcast %get3A_1 : vector<2000x1xf32> to vector<2000x128xf32>
    %mul3A_12 = arith.mulf %mul3A, %add3A_11 : vector<2000x128xf32>
    %tanh3A = math.tanh %mul3A_12 : vector<2000x128xf32>
    %get3A_13 = arith.constant 0 : index
    %get3A_14 = arith.constant 0 : index
    %get3A_15 = vector.load %arg5[%get3A_13, %get3A_14] : memref<128x128xf32, #tpu.memory_space<vmem>>, vector<128x128xf32>
    %dot_general3A = arith.constant dense<0.000000e+00> : vector<2000x128xf32>
    %dot_general3A_16 = tpu.matmul %tanh3A, %get3A_15, %dot_general3A {dimension_numbers = #tpu.dot_dimension_numbers<[1], [0], [0], [1], [0, 0, 1, 1], [], []>, transpose_lhs_hint = false} : vector<2000x128xf32>, vector<128x128xf32>, vector<2000x128xf32> -> vector<2000x128xf32>
    %mul3A_17 = vector.broadcast %get3A_1 : vector<2000x1xf32> to vector<2000x128xf32>
    %mul3A_18 = arith.mulf %mul3A_17, %dot_general3A_16 : vector<2000x128xf32>
    %swap3A = arith.constant 0 : index
    %swap3A_19 = arith.constant 0 : index
    %swap3A_20 = vector.load %arg6[%swap3A, %swap3A_19] : memref<2000x128xf32, #tpu.memory_space<vmem>>, vector<2000x128xf32>
    tpu.vector_store %arg6[%swap3A, %swap3A_19], %mul3A_18 {strides = array<i32>} : memref<2000x128xf32, #tpu.memory_space<vmem>>, vector<2000x128xf32>,
    return
  }
  func.func @transform_0(%arg0: i32) -> (i32, i32) {
    %c0_i32 = arith.constant 0 : i32
    %c0_i32_0 = arith.constant 0 : i32
    return %arg0, %c0_i32 : i32, i32
  }
  func.func @transform_1(%arg0: i32) -> (i32, i32) {
    %c0_i32 = arith.constant 0 : i32
    %c0_i32_0 = arith.constant 0 : i32
    return %arg0, %c0_i32 : i32, i32
  }
  func.func @transform_2(%arg0: i32) -> (i32, i32) {
    %c0_i32 = arith.constant 0 : i32
    %c0_i32_0 = arith.constant 0 : i32
    return %arg0, %c0_i32 : i32, i32
  }
  func.func @transform_3(%arg0: i32) -> (i32, i32) {
    %c0_i32 = arith.constant 0 : i32
    %c0_i32_0 = arith.constant 0 : i32
    return %arg0, %c0_i32 : i32, i32
  }
  func.func @transform_4(%arg0: i32) -> (i32, i32) {
    %c0_i32 = arith.constant 0 : i32
    %c0_i32_0 = arith.constant 0 : i32
    %c0_i32_1 = arith.constant 0 : i32
    return %c0_i32, %c0_i32_0 : i32, i32
  }
  func.func @transform_5(%arg0: i32) -> (i32, i32) {
    %c0_i32 = arith.constant 0 : i32
    %c0_i32_0 = arith.constant 0 : i32
    return %arg0, %c0_i32 : i32, i32
  }
}

module attributes {stable_mosaic.version = 14 : i64} {
  func.func @_tc_mid_body(%arg0: i32, %arg1: memref<2000x1xf32, #tpu.memory_space<vmem>>, %arg2: memref<2000x128xf32, #tpu.memory_space<vmem>>, %arg3: memref<2000x128xf32, #tpu.memory_space<vmem>>, %arg4: memref<2000x128xf32, #tpu.memory_space<vmem>>, %arg5: memref<128x64xf32, #tpu.memory_space<vmem>>, %arg6: memref<2000x64xf32, #tpu.memory_space<vmem>>) attributes {dimension_semantics = [#tpu.dimension_semantics<arbitrary>], iteration_bounds = array<i64: 5>, scalar_prefetch = 0 : i64, scratch_operands = 0 : i64, tpu.core_type = #tpu.core_type<tc>, window_params = [{transform_indices = @transform_0, window_bounds = array<i64: 2000, 1>}, {transform_indices = @transform_1, window_bounds = array<i64: 2000, 128>}, {transform_indices = @transform_2, window_bounds = array<i64: 2000, 128>}, {transform_indices = @transform_3, window_bounds = array<i64: 2000, 128>}, {pipeline_mode = #tpu.pipeline_mode<synchronous>, transform_indices = @transform_4, window_bounds = array<i64: 128, 64>}, {transform_indices = @transform_5, window_bounds = array<i64: 2000, 64>}]} {
    %get3A = arith.constant 0 : index
    %get3A_0 = arith.constant 0 : index
    %get3A_1 = vector.load %arg1[%get3A, %get3A_0] : memref<2000x1xf32, #tpu.memory_space<vmem>>, vector<2000x1xf32>
    %get3A_2 = arith.constant 0 : index
    %get3A_3 = arith.constant 0 : index
    %get3A_4 = vector.load %arg2[%get3A_2, %get3A_3] : memref<2000x128xf32, #tpu.memory_space<vmem>>, vector<2000x128xf32>
    %get3A_5 = arith.constant 0 : index
    %get3A_6 = arith.constant 0 : index
    %get3A_7 = vector.load %arg3[%get3A_5, %get3A_6] : memref<2000x128xf32, #tpu.memory_space<vmem>>, vector<2000x128xf32>
    %add3A = arith.addf %get3A_4, %get3A_7 : vector<2000x128xf32>
    %get3A_8 = arith.constant 0 : index
    %get3A_9 = arith.constant 0 : index
    %get3A_10 = vector.load %arg4[%get3A_8, %get3A_9] : memref<2000x128xf32, #tpu.memory_space<vmem>>, vector<2000x128xf32>
    %add3A_11 = arith.addf %add3A, %get3A_10 : vector<2000x128xf32>
    %mul3A = vector.broadcast %get3A_1 : vector<2000x1xf32> to vector<2000x128xf32>
    %mul3A_12 = arith.mulf %mul3A, %add3A_11 : vector<2000x128xf32>
    %tanh3A = math.tanh %mul3A_12 : vector<2000x128xf32>
    %get3A_13 = arith.constant 0 : index
    %get3A_14 = arith.constant 0 : index
    %get3A_15 = vector.load %arg5[%get3A_13, %get3A_14] : memref<128x64xf32, #tpu.memory_space<vmem>>, vector<128x64xf32>
    %dot_general3A = arith.constant dense<0.000000e+00> : vector<2000x64xf32>
    %dot_general3A_16 = tpu.matmul %tanh3A, %get3A_15, %dot_general3A {dimension_numbers = #tpu.dot_dimension_numbers<[1], [0], [0], [1], [0, 0, 1, 1], [], []>, transpose_lhs_hint = false} : vector<2000x128xf32>, vector<128x64xf32>, vector<2000x64xf32> -> vector<2000x64xf32>
    %mul3A_17 = vector.broadcast %get3A_1 : vector<2000x1xf32> to vector<2000x64xf32>
    %mul3A_18 = arith.mulf %mul3A_17, %dot_general3A_16 : vector<2000x64xf32>
    %swap3A = arith.constant 0 : index
    %swap3A_19 = arith.constant 0 : index
    %swap3A_20 = vector.load %arg6[%swap3A, %swap3A_19] : memref<2000x64xf32, #tpu.memory_space<vmem>>, vector<2000x64xf32>
    tpu.vector_store %arg6[%swap3A, %swap3A_19], %mul3A_18 {strides = array<i32>} : memref<2000x64xf32, #tpu.memory_space<vmem>>, vector<2000x64xf32>,
    return
  }
  func.func @transform_0(%arg0: i32) -> (i32, i32) {
    %c0_i32 = arith.constant 0 : i32
    %c0_i32_0 = arith.constant 0 : i32
    return %arg0, %c0_i32 : i32, i32
  }
  func.func @transform_1(%arg0: i32) -> (i32, i32) {
    %c0_i32 = arith.constant 0 : i32
    %c0_i32_0 = arith.constant 0 : i32
    return %arg0, %c0_i32 : i32, i32
  }
  func.func @transform_2(%arg0: i32) -> (i32, i32) {
    %c0_i32 = arith.constant 0 : i32
    %c0_i32_0 = arith.constant 0 : i32
    return %arg0, %c0_i32 : i32, i32
  }
  func.func @transform_3(%arg0: i32) -> (i32, i32) {
    %c0_i32 = arith.constant 0 : i32
    %c0_i32_0 = arith.constant 0 : i32
    return %arg0, %c0_i32 : i32, i32
  }
  func.func @transform_4(%arg0: i32) -> (i32, i32) {
    %c0_i32 = arith.constant 0 : i32
    %c0_i32_0 = arith.constant 0 : i32
    %c0_i32_1 = arith.constant 0 : i32
    return %c0_i32, %c0_i32_0 : i32, i32
  }
  func.func @transform_5(%arg0: i32) -> (i32, i32) {
    %c0_i32 = arith.constant 0 : i32
    %c0_i32_0 = arith.constant 0 : i32
    return %arg0, %c0_i32 : i32, i32
  }
}

module attributes {stable_mosaic.version = 14 : i64} {
  func.func @_tc_fin_body(%arg0: i32, %arg1: memref<2000x1xf32, #tpu.memory_space<vmem>>, %arg2: memref<2000x64xf32, #tpu.memory_space<vmem>>, %arg3: memref<2000x64xf32, #tpu.memory_space<vmem>>, %arg4: memref<2000x64xf32, #tpu.memory_space<vmem>>, %arg5: memref<2000x64xf32, #tpu.memory_space<vmem>>, %arg6: memref<2000x64xf32, #tpu.memory_space<vmem>>) attributes {dimension_semantics = [#tpu.dimension_semantics<arbitrary>], iteration_bounds = array<i64: 5>, scalar_prefetch = 0 : i64, scratch_operands = 0 : i64, tpu.core_type = #tpu.core_type<tc>, window_params = [{transform_indices = @transform_0, window_bounds = array<i64: 2000, 1>}, {transform_indices = @transform_1, window_bounds = array<i64: 2000, 64>}, {transform_indices = @transform_2, window_bounds = array<i64: 2000, 64>}, {transform_indices = @transform_3, window_bounds = array<i64: 2000, 64>}, {transform_indices = @transform_4, window_bounds = array<i64: 2000, 64>}, {transform_indices = @transform_5, window_bounds = array<i64: 2000, 64>}]} {
    %get3A = arith.constant 0 : index
    %get3A_0 = arith.constant 0 : index
    %get3A_1 = vector.load %arg1[%get3A, %get3A_0] : memref<2000x1xf32, #tpu.memory_space<vmem>>, vector<2000x1xf32>
    %get3A_2 = arith.constant 0 : index
    %get3A_3 = arith.constant 0 : index
    %get3A_4 = vector.load %arg2[%get3A_2, %get3A_3] : memref<2000x64xf32, #tpu.memory_space<vmem>>, vector<2000x64xf32>
    %get3A_5 = arith.constant 0 : index
    %get3A_6 = arith.constant 0 : index
    %get3A_7 = vector.load %arg3[%get3A_5, %get3A_6] : memref<2000x64xf32, #tpu.memory_space<vmem>>, vector<2000x64xf32>
    %add3A = arith.addf %get3A_4, %get3A_7 : vector<2000x64xf32>
    %get3A_8 = arith.constant 0 : index
    %get3A_9 = arith.constant 0 : index
    %get3A_10 = vector.load %arg4[%get3A_8, %get3A_9] : memref<2000x64xf32, #tpu.memory_space<vmem>>, vector<2000x64xf32>
    %add3A_11 = arith.addf %add3A, %get3A_10 : vector<2000x64xf32>
    %mul3A = vector.broadcast %get3A_1 : vector<2000x1xf32> to vector<2000x64xf32>
    %mul3A_12 = arith.mulf %mul3A, %add3A_11 : vector<2000x64xf32>
    %swap3A = arith.constant 0 : index
    %swap3A_13 = arith.constant 0 : index
    %swap3A_14 = vector.load %arg6[%swap3A, %swap3A_13] : memref<2000x64xf32, #tpu.memory_space<vmem>>, vector<2000x64xf32>
    tpu.vector_store %arg6[%swap3A, %swap3A_13], %mul3A_12 {strides = array<i32>} : memref<2000x64xf32, #tpu.memory_space<vmem>>, vector<2000x64xf32>,
    %reduce_max3A = arith.constant dense<0xFF800000> : vector<2000xf32>
    %reduce_max3A_15 = vector.multi_reduction <maximumf>, %mul3A_12, %reduce_max3A [1] : vector<2000x64xf32> to vector<2000xf32>
    %broadcast_in_dim3A = vector.shape_cast %reduce_max3A_15 : vector<2000xf32> to vector<2000x1xf32>
    %sub3A = vector.broadcast %broadcast_in_dim3A : vector<2000x1xf32> to vector<2000x64xf32>
    %sub3A_16 = arith.subf %mul3A_12, %sub3A : vector<2000x64xf32>
    %exp3A = math.exp %sub3A_16 : vector<2000x64xf32>
    %reduce_sum3A = arith.constant dense<0.000000e+00> : vector<2000xf32>
    %reduce_sum3A_17 = vector.multi_reduction <add>, %exp3A, %reduce_sum3A [1] : vector<2000x64xf32> to vector<2000xf32>
    %broadcast_in_dim3A_18 = vector.shape_cast %reduce_sum3A_17 : vector<2000xf32> to vector<2000x1xf32>
    %div3A = vector.broadcast %broadcast_in_dim3A_18 : vector<2000x1xf32> to vector<2000x64xf32>
    %div3A_19 = arith.divf %exp3A, %div3A : vector<2000x64xf32>
    %swap3A_20 = arith.constant 0 : index
    %swap3A_21 = arith.constant 0 : index
    %swap3A_22 = vector.load %arg5[%swap3A_20, %swap3A_21] : memref<2000x64xf32, #tpu.memory_space<vmem>>, vector<2000x64xf32>
    tpu.vector_store %arg5[%swap3A_20, %swap3A_21], %div3A_19 {strides = array<i32>} : memref<2000x64xf32, #tpu.memory_space<vmem>>, vector<2000x64xf32>,
    return
  }
  func.func @transform_0(%arg0: i32) -> (i32, i32) {
    %c0_i32 = arith.constant 0 : i32
    %c0_i32_0 = arith.constant 0 : i32
    return %arg0, %c0_i32 : i32, i32
  }
  func.func @transform_1(%arg0: i32) -> (i32, i32) {
    %c0_i32 = arith.constant 0 : i32
    %c0_i32_0 = arith.constant 0 : i32
    return %arg0, %c0_i32 : i32, i32
  }
  func.func @transform_2(%arg0: i32) -> (i32, i32) {
    %c0_i32 = arith.constant 0 : i32
    %c0_i32_0 = arith.constant 0 : i32
    return %arg0, %c0_i32 : i32, i32
  }
  func.func @transform_3(%arg0: i32) -> (i32, i32) {
    %c0_i32 = arith.constant 0 : i32
    %c0_i32_0 = arith.constant 0 : i32
    return %arg0, %c0_i32 : i32, i32
  }
  func.func @transform_4(%arg0: i32) -> (i32, i32) {
    %c0_i32 = arith.constant 0 : i32
    %c0_i32_0 = arith.constant 0 : i32
    return %arg0, %c0_i32 : i32, i32
  }
  func.func @transform_5(%arg0: i32) -> (i32, i32) {
    %c0_i32 = arith.constant 0 : i32
    %c0_i32_0 = arith.constant 0 : i32
    return %arg0, %c0_i32 : i32, i32
  }
}

</mosaic_0001>

<sc_bundles>
// kernel: kernel.11.cloned.1.call-start
scs
__scs_entry_jumppad:
0x0: {  	(pc) =	sbr.rel $0x88, $3  }
0x1: {  	(tag) =	ssettag $0x0;
	lr =	simm.s32 $0x1  }
0x2: {  	[smem:$0x3F9C] =	sst lr;
	_ =	strace $0xD0000000  }
0x3: {  	_ = 	snop  }
0x4: {  	_ = 	snop  }
0x5: {  	_ = 	snop  }
0x6: {  	_ = 	snop  }
0x7: {  	_ = 	snop  }
__scs_overlays_trampoline_lowered:
0x8: {  	[smem:$0x3FAB] =	sst s0  }
0x9: {  	[smem:$0x3FAC] =	sst s1  }
0xa: {  	[smem:$0x3FAD] =	sst s2  }
0xb: {  	[smem:$0x3FAE] =	sst s3  }
0xc: {  	[smem:$0x3FAF] =	sst s4  }
0xd: {  	[smem:$0x3FB0] =	sst s5  }
0xe: {  	[smem:$0x3FB1] =	sst s6  }
0xf: {  	[smem:$0x3FB2] =	sst s7  }
0x10: {  	[smem:$0x3FB3] =	sst s8  }
0x11: {  	[smem:$0x3FB4] =	sst s9;
	s0 =	simm.s32 @!p0 $0x0  }
0x12: {  	s1 =	sld [smem:$0x3F9A];
	s0 =	simm.s32 @p0 $0x1  }
0x13: {  	[smem:$0x3FB5] =	sst s0;
	s0 =	simm.s32 @!p1 $0x0  }
0x14: {  	s2 =	sld [smem:$0x3F99];
	s0 =	simm.s32 @p1 $0x1  }
0x15: {  	[smem:$0x3FB6] =	sst s0;
	s0 =	simm.s32 @!p2 $0x0  }
0x16: {  	s3 =	sld [smem:$0x3FDB];
	s0 =	simm.s32 @p2 $0x1  }
0x17: {  	s4 =	simm.s32 $0x1BF5;
	[smem:$0x3FB8] =	sst s0  }
0x18: {  	s0 =	sld [smem:$0x3F9B];
	_ =	swait.ge [sflag:s4], $0x0  }
0x19: {  	s7 =	sld [smem:$0x3F9C]  }
0x1a: {  	s8 =	sadd.s32 $0xFFFFE003, lr  }
0x1b: {  	s9 =	sadd.s32 $0xFFFFFEF7, lr;
	s5 =	simm.s32 $0xFFFFFFFF;
	p2 =	slt.u32 s8, $0xFFFFF086  }
0x1c: {  	p1 =	slt.u32 s9, $0xF7A;
	s5 =	simm.s32 @!p2 $0x0  }
0x1d: {  	s5 =	simm.s32 @p1 $0x1;
	p0 =	seq.s32 s7, s2  }
0x1e: {  	s7 =	smul.u32 @!p0 $0xF7A, s2;
	p2 =	seq.s32 @!p0 s5, $0x0  }
0x1f: {  	s9 =	smul.u32 $0xF7A, s1;
	s8 =	simm.s32 @!p0 $0x1BF5;
	p2 =	por !p2, p0  }
0x20: {  	[sflag:s8] =	ssyncset.s32 @!p0 $0xFFFFF086;
	s6 =	sadd.s32 @!p0 s3, s7;
	s7 =	simm.s32 @!p0 $0x108  }
0x21: {  	s3 =	sadd.s32 s3, s9;
	s6 =	sadd.s32 @!p0 $0x88, s6;
	s7 =	simm.s32 @p2 $0x1082  }
0x22: {  	[simem:s7], [sflag:s8] =	dma.local @!p0 [hbm:s6], $0xF7A  }
0x23: {  	s9 =	sor.u32 $0xD0000000, s2;
	s6 =	simm.s32 $0x108;
	_ =	swait.ge @!p0 [sflag:s8], $0x0  }
0x24: {  	s3 =	sadd.s32 $0x88, s3;
	s6 =	simm.s32 @!p1 $0x1082;
	[sflag:s4] =	ssyncset.s32 $0xFFFFF086  }
0x25: {  	[simem:s6], [sflag:s4] =	dma.local [hbm:s3], $0xF7A  }
0x26: {  	[smem:$0x3F9C] =	sst s1;
	(tag) =	ssettag s2;
	_ =	strace s9  }
0x27: {  	s1 =	sld [smem:$0x3FAC]  }
0x28: {  	s2 =	sld [smem:$0x3FAD]  }
0x29: {  	s4 =	sld [smem:$0x3FAF]  }
0x2a: {  	p0 =	seq.s32 s5, $0x0;
	s5 =	sld [smem:$0x3FB0]  }
0x2b: {  	s6 =	sld [smem:$0x3FB1]  }
0x2c: {  	s7 =	sld [smem:$0x3FB2]  }
0x2d: {  	s3 =	simm.s32 $0x108;
	s8 =	sld [smem:$0x3FB3]  }
0x2e: {  	s3 =	simm.s32 @!p0 $0x1082;
	s9 =	sld [smem:$0x3FB4]  }
0x2f: {  	lr =	sadd.s32 s0, s3;
	s0 =	sld [smem:$0x3FAB]  }
0x30: {  	s3 =	sld [smem:$0x3FAE]  }
0x31: {  	[smem:$0x3FB7] =	sst s10  }
0x32: {  	s10 =	sld [smem:$0x3FB5];
	_ =	sdelay $0x3  }
0x33: {  	p0 =	seq.s32 s10, $0x1;
	s10 =	sld [smem:$0x3FB7];
	_ =	sdelay $0x3  }
0x34: {  	[smem:$0x3FB7] =	sst s10  }
0x35: {  	s10 =	sld [smem:$0x3FB6];
	_ =	sdelay $0x3  }
0x36: {  	p1 =	seq.s32 s10, $0x1;
	s10 =	sld [smem:$0x3FB7];
	_ =	sdelay $0x3  }
0x37: {  	[smem:$0x3FB7] =	sst s10  }
0x38: {  	s10 =	sld [smem:$0x3FB8]  }
0x39: {  	_ = 	snop;
	(pc) =	sbr.ind lr, $3  }
0x3a: {  	_ = 	snop  }
0x3b: {  	_ = 	snop  }
0x3c: {  	p2 =	seq.s32 s10, $0x1;
	s10 =	sld [smem:$0x3FB7]  }
0x3d: {  	_ =	shalt  }
0x3e: {  	_ =	shalt  }
0x3f: {  	_ =	shalt  }
0x40: {  	_ =	shalt  }
0x41: {  	_ =	shalt  }
0x42: {  	_ =	shalt  }
0x43: {  	_ =	shalt  }
0x44: {  	_ =	shalt  }
0x45: {  	_ =	shalt  }
0x46: {  	_ =	shalt  }
0x47: {  	_ =	shalt  }
0x48: {  	_ =	shalt  }
0x49: {  	_ =	shalt  }
0x4a: {  	_ =	shalt  }
0x4b: {  	_ =	shalt  }
0x4c: {  	_ =	shalt  }
0x4d: {  	_ =	shalt  }
0x4e: {  	_ =	shalt  }
0x4f: {  	_ =	shalt  }
0x50: {  	_ =	shalt  }
0x51: {  	_ =	shalt  }
0x52: {  	_ =	shalt  }
0x53: {  	_ =	shalt  }
0x54: {  	_ =	shalt  }
0x55: {  	_ =	shalt  }
0x56: {  	_ =	shalt  }
0x57: {  	_ =	shalt  }
0x58: {  	_ =	shalt  }
0x59: {  	_ =	shalt  }
0x5a: {  	_ =	shalt  }
0x5b: {  	_ =	shalt  }
0x5c: {  	_ =	shalt  }
0x5d: {  	_ =	shalt  }
0x5e: {  	_ =	shalt  }
0x5f: {  	_ =	shalt  }
0x60: {  	_ =	shalt  }
0x61: {  	_ =	shalt  }
0x62: {  	_ =	shalt  }
0x63: {  	_ =	shalt  }
0x64: {  	_ =	shalt  }
0x65: {  	_ =	shalt  }
0x66: {  	_ =	shalt  }
0x67: {  	_ =	shalt  }
0x68: {  	_ =	shalt  }
0x69: {  	_ =	shalt  }
0x6a: {  	_ =	shalt  }
0x6b: {  	_ =	shalt  }
0x6c: {  	_ =	shalt  }
0x6d: {  	_ =	shalt  }
0x6e: {  	_ =	shalt  }
0x6f: {  	_ =	shalt  }
0x70: {  	_ =	shalt  }
0x71: {  	_ =	shalt  }
0x72: {  	_ =	shalt  }
0x73: {  	_ =	shalt  }
0x74: {  	_ =	shalt  }
0x75: {  	_ =	shalt  }
0x76: {  	_ =	shalt  }
0x77: {  	_ =	shalt  }
0x78: {  	_ =	shalt  }
0x79: {  	_ =	shalt  }
0x7a: {  	_ =	shalt  }
0x7b: {  	_ =	shalt  }
0x7c: {  	_ =	shalt  }
0x7d: {  	_ =	shalt  }
0x7e: {  	_ =	shalt  }
0x7f: {  	_ =	shalt  }
0x80: {  	_ =	shalt  }
0x81: {  	_ =	shalt  }
0x82: {  	_ =	shalt  }
0x83: {  	_ =	shalt  }
0x84: {  	_ =	shalt  }
0x85: {  	_ =	shalt  }
0x86: {  	_ =	shalt  }
0x87: {  	_ =	shalt  }
.Lfunc_end0:
.L_simem_size_0:
called_computation_lowered:
.L_overlay_start_0:
0x88: {  	s2 =	sld [smem:$0x3FD9]  }
0x89: {  	s3 =	sld [smem:$0x3FFE];
	_ =	sdelay $0x1  }
0x8a: {  	s1 =	srdreg.scid  }
0x8b: {  	s0 =	sand.u32 $0x1, s1  }
0x8c: {  	s14 =	sshll.u32 s0, $0xA;
	s2 =	sadd.s32 s3, s2  }
0x8d: {  	s2 =	sadd.s32 s2, s14  }
0x8e: {  	[smem:$0x3FC3] =	sst s2  }
0x8f: {  	_ = 	snop  }
0x90: {  	s2 =	sld [smem:$0x3FD0];
	_ =	sdelay $0x2  }
0x91: {  	s15 =	simm.s32 $0xA;
	s4 =	simm.s32 $0x10  }
0x92: {  	[smem:s4], [sflag:s15] =	dma.local [hbm:s2], $0x1  }
0x93: {  	_ =	swait.eq [sflag:s15], $0x1  }
0x94: {  	[sflag:s15] =	ssyncset.done $0x0  }
0x95: {  	s16 =	sld [smem:$0x10];
	[sflag:s15] =	ssyncadd.s32 $0xFFFFFFFF  }
0x96: {  	s17 =	sld [smem:$0x11];
	(tm) =	ssettm $0x1  }
0x97: {  	s18 =	sld [smem:$0x3FFB];
	_ =	sdelay $0x3  }
0x98: {  	_ =	strace s18  }
0x99: {  	s4 =	sld [smem:$0x3FFC];
	_ =	sdelay $0x3  }
0x9a: {  	_ =	strace s4  }
0x9b: {  	s4 =	sld [smem:$0x3FFD];
	_ =	sdelay $0x3  }
0x9c: {  	_ =	strace s4  }
0x9d: {  	_ =	strace $0x8FFFFFFF  }
0x9e: {  	s19 =	sld [smem:$0x3FDB];
	_ =	sdelay $0x1  }
0x9f: {  	s5 =	simm.s32 $_scs_section_size  }
0xa0: {  	s6 =	simm.s32 $_size__tile_overlayer_lowered;
	s7 =	simm.s32 $_tile_overlayer_lowered  }
0xa1: {  	s22 =	simm.s32 $0x1BFF;
	s21 =	sshll.u32 s7, $0x1;
	s4 =	sadd.s32 s5, s19  }
0xa2: {  	s8 =	simm.s32 $0x0;
	s20 =	sshll.u32 s6, $0x1;
	s6 =	sadd.s32 s21, s4  }
0xa3: {  	[timem:s8], [sflag:s22] =	dma.local [hbm:s6], s20  }
0xa4: {  	_ =	swait.ge [sflag:s22], s20  }
0xa5: {  	s5 =	ssub.s32 $0x0, s20;
	[sflag:s22] =	ssyncset.done $0x0  }
0xa6: {  	[sflag:s22] =	ssyncadd.s32 s5;
	_ =	sdelay $0x1  }
0xa7: {  	s23 =	simm.s32 $0x1B8B  }
0xa8: {  	_ =	swait.ge [sflag:s23], $0x1  }
0xa9: {  	[sflag:s23] =	ssyncset.done $0x0  }
0xaa: {  	s25 =	simm.s32 $0x1B8E;
	s24 =	sld [smem:$0x3FFE];
	[sflag:s23] =	ssyncadd.s32 $0xFFFFFFFF  }
0xab: {  	s26 =	simm.s32 $execute0_lowered;
	[smem:$0x3FD2] =	sst s25  }
0xac: {  	s6 =	sshll.u32 s26, $0x1;
	_ =	strace $0x80000046;
	[dreg:$0x1] =	wrdreg $0xFFFFFFFF  }
0xad: {  	s28 =	simm.s32 $_size_execute0_lowered;
	s4 =	sadd.s32 s4, s6;
	[dreg:$0x0] =	wrdreg $0x0  }
0xae: {  	s6 =	sshll.u32 s28, $0x1;
	[dreg:$0x2] =	wrdreg s4  }
0xaf: {  	[dreg:$0x3] =	wrdreg s6  }
0xb0: {  	[dreg:$0x4] =	wrdreg $0xC0  }
0xb1: {  	_ =	task [dreg:s8], $0x5FFFF  }
0xb2: {  	[dreg:$0x1] =	wrdreg $0xFFFFFFFF  }
0xb3: {  	[dreg:$0x0] =	wrdreg $0x60  }
0xb4: {  	[dreg:$0x2] =	wrdreg s24  }
0xb5: {  	[dreg:$0x3] =	wrdreg s16  }
0xb6: {  	[dreg:$0x4] =	wrdreg s17  }
0xb7: {  	[dreg:$0x5] =	wrdreg $0x3C800  }
0xb8: {  	[dreg:$0x6] =	wrdreg $0x9  }
0xb9: {  	_ =	task.clear_ibuf [dreg:s8], $0x7FFFF;
	_ =	strace $0x90000046  }
0xba: {  	s29 =	simm.s32 $0x9;
	_ =	strace $0x80000048  }
0xbb: {  	_ =	swait.ge [sflag:s29], $0x1  }
0xbc: {  	[sflag:s29] =	ssyncadd.s32 $0xFFFFFFFF  }
0xbd: {  	_ =	strace $0x90000048  }
0xbe: {  	_ =	sfence  }
0xbf: {  	s30 =	sld [smem:$0x0];
	_ =	sdelay $0x2  }
0xc0: {  	s31 =	sshll.u32 s1, $0xD;
	s1 =	sshrl.u32 s1, $0x2  }
0xc1: {  	s3 =	sand.u32 $0x4000, s31;
	s1 =	sadd.s32 s1, s30  }
0xc2: {  	s0 =	sor.u32 s3, s0;
	s1 =	sshll.u32 s1, $0x11  }
0xc3: {  	s0 =	sor.u32 s1, s0  }
0xc4: {  	s0 =	sadd.s32 $0x8F2B, s0  }
0xc5: {  	[sflag:s0] =	ssyncadd.remote.s32 $0x1  }
0xc6: {  	_ =	sfence.sel $0xFFFF  }
0xc7: {  	[dreg:$0x0] =	wrdreg $0xFFFFFFFF;
	(pc) =	sbr.abs _section_cstart, $3  }
0xc8: {  	[dreg:$0x1] =	wrdreg $0xFFFFFFFF  }
0xc9: {  	_ =	task.clear_ibuf [dreg:s8], $0x2FFFF;
	_ =	strace $0x9FFFFFFF  }
0xca: {  	(tm) =	ssettm $0x7FFFFFFF  }
0xcb: {  	_ =	shalt  }
tec
execute0_lowered:
.L_overlay_start_1:
0x0: {  	(tag) =	ssettag $0x1  }
0x1: {  	s4 =	rddreg [dreg:$0x0]  }
0x2: {  	s5 =	rddreg [dreg:$0x1]  }
0x3: {  	s8 =	rddreg [dreg:$0x2]  }
0x4: {  	s0 =	srdreg.scid;
	s2 =	rddreg [dreg:$0x3]  }
0x5: {  	s1 =	stileid.u32;
	s3 =	simm.s32 $0x0;
	s15 =	simm.s32 $0x10  }
0x6: {  	s9 =	sand.u32 $0x1, s0;
	s0 =	rddreg [dreg:$0x4];
	s10 =	smul.u32 $0x280, s1  }
0x7: {  	s16 =	simm.s32 $0x0;
	[smem:$0x7FF] =	sst s3;
	s26 =	smul.u32 $0x500, s1  }
0x8: {  	s29 =	sshll.u32 s1, $0x6;
	s6 =	sshll.u32 s9, $0x4;
	_ =	strace $0x80000047  }
0x9: {  	s7 =	ssub.s32 $0x2, s9;
	s14 =	sshll.u32 s9, $0x7;
	p0 =	seq.s32 s9, $0x1  }
0xa: {  	s6 =	sor.u32 s1, s6;
	s25 =	sshrl.u32 s7, $0x1;
	s13 =	sadd.s32 s10, s2  }
0xb: {  	s28 =	sshrl.u32 s10, $0x3;
	s30 =	sor.u32 s14, s26;
	s6 =	smul.u32 $0x780, s6  }
.Ltmp0:
0xc: {  	s14 =	simm.s32 $0x20;
	s12 =	ssub.s32 s7, s25;
	(pc) =	sbr.rel .LBB2_1-.Ltmp0, $4  }
0xd: {  	s5 =	sadd.s32 s5, s28;
	s31 =	sshrl.u32 s30, $0x3;
	s10 =	sshrl.u32 s13, $0x3  }
0xe: {  	s13 =	simm.s32 $0x80;
	s8 =	sadd.s32 s8, s31;
	s9 =	smax.u32 s12, $0x1  }
0xf: {  	s12 =	simm.s32 $0x3C00;
	s11 =	sadd.s32 s6, s4;
	s4 =	sadd.s32 $0x10E00, s4  }
0x10: {  	s6 =	sor.u32 $0x1C01, s29;
	s7 =	sadd.s32 $0x1E00, s11;
	s11 =	simm.s32 $0x1  }
.LBB2_7:
0x11: {  	[sflag:s11] =	ssyncadd.s32 $0xFFFFFF80  }
.LBB2_8:
0x12: {  	s16 =	sadd.s32 $0x1, s16  }
0x13: {  	p1 =	sne.s32 s16, s9  }
.Ltmp1:
0x14: {  	[bflag:$0x0] =	sbarrier.arrive $0xFFFF;
	(pc) =	sbr.rel @!p1 .LBB2_9-.Ltmp1, $4  }
0x15: {  	[hbm:s8@s14], [sflag:s6] =	dma.strided [spmem:s10@s15], $0x50, s11, $0x10   }
0x16: {  	_ =	swait.ge [sflag:s11], $0x50  }
0x17: {  	[sflag:s11] =	ssyncset.done $0x0  }
0x18: {  	[sflag:s11] =	ssyncadd.s32 $0xFFFFFFB0  }
.LBB2_1:
0x19: {  	[spmem:s10], [sflag:s6] =	dma.local [hbm:s5], $0x50  }
0x1a: {  	_ =	swait.ge [sflag:s11], $0x50  }
0x1b: {  	[sflag:s11] =	ssyncset.done $0x0  }
0x1c: {  	[sflag:s11] =	ssyncadd.s32 $0xFFFFFFB0  }
0x1d: {  	[tilespmem:s12], [sflag:$0x1] =	stream.linear.gather [hbm4b:s4+s3], $0x80, $0x38;
	[tilespmem:$0x3F00] =	vst v63  }
0x1e: {  	_ =	swait.ge [sflag:s11], $0x80  }
0x1f: {  	[sflag:s11] =	ssyncset.done $0x0  }
0x20: {  	[sflag:s11] =	ssyncadd.s32 $0xFFFFFF80  }
0x21: {  	[tilespmem:s3], [sflag:$0x1] =	stream.linear.gather [hbm4b:s7+s3], $0x3C00, $0x38;
	[tilespmem:$0x3F00] =	vst v63  }
.Ltmp2:
0x22: {  	_ =	swait.ge [sflag:s11], $0x3C00;
	(pc) =	sbr.rel @!p0 .LBB2_2-.Ltmp2, $4  }
0x23: {  	[sflag:s11] =	ssyncset.done $0x0  }
0x24: {  	[sflag:s11] =	ssyncadd.s32 $0xFFFFC400  }
0x25: {  	[bflag:$0x0] =	sbarrier.arrive $0xFFFF  }
0x26: {  	s17 =	sshra.s32 s3, $0x2  }
0x27: {  	[spmem:s2] =	stream.indirect.scatter.add.f32 [tilespmem:s12], [sflag:$0x1], $0x1, s17, s13, $0xb8;
	[tilespmem:$0x3F00] =	vst v63  }
0x28: {  	_ =	swait.ge [sflag:s11], $0x80  }
0x29: {  	s17 =	sadd.s32 $0x200, s3;
	[sflag:s11] =	ssyncset.done $0x0  }
.LBB2_6:
0x2a: {  	s18 =	sshra.s32 s17, $0x2;
	[sflag:s11] =	ssyncadd.s32 $0xFFFFFF80;
	p1 =	sne.s32 s17, $0x4E00  }
0x2b: {  	[spmem:s2] =	stream.indirect.scatter.add.f32 [tilespmem:s12], [sflag:$0x1], $0x1, s18, s13, $0xb8;
	[tilespmem:$0x3F00] =	vst v63  }
.Ltmp3:
0x2c: {  	_ = 	snop;
	(pc) =	sbr.rel @p1 .LBB2_6-.Ltmp3, $4  }
0x2d: {  	_ = 	snop  }
0x2e: {  	s17 =	sadd.s32 $0x200, s17  }
0x2f: {  	_ =	swait.ge [sflag:s11], $0x80  }
0x30: {  	[sflag:s11] =	ssyncset.done $0x0  }
.Ltmp4:
0x31: {  	_ = 	snop;
	(pc) =	sbr.rel .LBB2_7-.Ltmp4, $1  }
0x32: {  	_ =	sdelay $0x3  }
.LBB2_2:
0x33: {  	[spmem:s2] =	stream.indirect.scatter.add.f32 [tilespmem:s12], [sflag:$0x1], $0x1, s17, s13, $0xb8;
	[tilespmem:$0x3F00] =	vst v63  }
0x34: {  	_ =	swait.ge [sflag:s11], $0x80  }
0x35: {  	s17 =	sadd.s32 $0x200, s3;
	[sflag:s11] =	ssyncset.done $0x0  }
.LBB2_3:
0x36: {  	s18 =	sshra.s32 s17, $0x2;
	[sflag:s11] =	ssyncadd.s32 $0xFFFFFF80;
	p1 =	seq.s32 s17, $0xEE00  }
0x37: {  	[spmem:s2] =	stream.indirect.scatter.add.f32 [tilespmem:s12], [sflag:$0x1], $0x1, s18, s13, $0xb8;
	[tilespmem:$0x3F00] =	vst v63  }
.Ltmp5:
0x38: {  	_ = 	snop;
	(pc) =	sbr.rel @!p1 .LBB2_3-.Ltmp5, $4  }
0x39: {  	_ = 	snop  }
0x3a: {  	s17 =	sadd.s32 $0x200, s17  }
0x3b: {  	_ =	swait.ge [sflag:s11], $0x80  }
0x3c: {  	[sflag:s11] =	ssyncset.done $0x0  }
.Ltmp6:
0x3d: {  	(pc) =	sbr.rel .LBB2_8-.Ltmp6, $2  }
0x3e: {  	_ =	sdelay $0x2  }
0x3f: {  	[sflag:s11] =	ssyncadd.s32 $0xFFFFFF80  }
.LBB2_9:
0x40: {  	_ =	sfence.sel $0x180000  }
0x41: {  	[bflag:$0x0] =	sbarrier.arrive $0xFFFF  }
0x42: {  	p0 =	sne.s32 s1, $0x0;
	_ =	strace $0x90000047  }
0x43: {  	s0 =	sadd.s32 @!p0 $0x100000, s0;
	[bflag:$0x2] =	sbarrier.arrive $0xFFFF  }
0x44: {  	[sflag:s0] =	ssyncadd.tile.s32 @!p0 $0x1;
	_ =	shalt  }
.Lfunc_end2:
_tile_overlayer_lowered:
.L_overlay_start_2:
0x45: {  	(tag) =	ssettag $0x2  }
0x46: {  	s0 =	rddreg [dreg:$0x0];
	s2 =	stileid.u32  }
0x47: {  	s1 =	rddreg [dreg:$0x1];
	p0 =	sne.s32 s2, $0x0  }
0x48: {  	s3 =	rddreg [dreg:$0x2];
	[bflag:$0x3] =	sbarrier.arrive $0xFFFF;
	s2 =	simm.s32 @!p0 $0x1C01  }
0x49: {  	[timem:s3], [sflag:s2] =	dma.local @!p0 [hbm:s0], s1  }
0x4a: {  	s0 =	simm.s32 @!p0 $0x1  }
0x4b: {  	_ =	swait.ge @!p0 [sflag:s0], s1  }
0x4c: {  	s1 =	ssub.s32 @!p0 $0x0, s1;
	[sflag:s0] =	ssyncset.done @!p0 $0x0  }
0x4d: {  	[sflag:s0] =	ssyncadd.s32 @!p0 s1  }
0x4e: {  	[bflag:$0x3] =	sbarrier.arrive $0xFFFF  }
0x4f: {  	_ =	shalt  }

// kernel: kernel.14.cloned.1.call-start
scs
__scs_entry_jumppad:
0x0: {  	(pc) =	sbr.rel $0x88, $3  }
0x1: {  	(tag) =	ssettag $0x0;
	lr =	simm.s32 $0x1  }
0x2: {  	[smem:$0x3F9C] =	sst lr;
	_ =	strace $0xD0000000  }
0x3: {  	_ = 	snop  }
0x4: {  	_ = 	snop  }
0x5: {  	_ = 	snop  }
0x6: {  	_ = 	snop  }
0x7: {  	_ = 	snop  }
__scs_overlays_trampoline_lowered:
0x8: {  	[smem:$0x3FAB] =	sst s0  }
0x9: {  	[smem:$0x3FAC] =	sst s1  }
0xa: {  	[smem:$0x3FAD] =	sst s2  }
0xb: {  	[smem:$0x3FAE] =	sst s3  }
0xc: {  	[smem:$0x3FAF] =	sst s4  }
0xd: {  	[smem:$0x3FB0] =	sst s5  }
0xe: {  	[smem:$0x3FB1] =	sst s6  }
0xf: {  	[smem:$0x3FB2] =	sst s7  }
0x10: {  	[smem:$0x3FB3] =	sst s8  }
0x11: {  	[smem:$0x3FB4] =	sst s9;
	s0 =	simm.s32 @!p0 $0x0  }
0x12: {  	s1 =	sld [smem:$0x3F9A];
	s0 =	simm.s32 @p0 $0x1  }
0x13: {  	[smem:$0x3FB5] =	sst s0;
	s0 =	simm.s32 @!p1 $0x0  }
0x14: {  	s2 =	sld [smem:$0x3F99];
	s0 =	simm.s32 @p1 $0x1  }
0x15: {  	[smem:$0x3FB6] =	sst s0;
	s0 =	simm.s32 @!p2 $0x0  }
0x16: {  	s3 =	sld [smem:$0x3FDB];
	s0 =	simm.s32 @p2 $0x1  }
0x17: {  	s4 =	simm.s32 $0x1BF5;
	[smem:$0x3FB8] =	sst s0  }
0x18: {  	s0 =	sld [smem:$0x3F9B];
	_ =	swait.ge [sflag:s4], $0x0  }
0x19: {  	s7 =	sld [smem:$0x3F9C]  }
0x1a: {  	s8 =	sadd.s32 $0xFFFFE003, lr  }
0x1b: {  	s9 =	sadd.s32 $0xFFFFFEF7, lr;
	s5 =	simm.s32 $0xFFFFFFFF;
	p2 =	slt.u32 s8, $0xFFFFF086  }
0x1c: {  	p1 =	slt.u32 s9, $0xF7A;
	s5 =	simm.s32 @!p2 $0x0  }
0x1d: {  	s5 =	simm.s32 @p1 $0x1;
	p0 =	seq.s32 s7, s2  }
0x1e: {  	s7 =	smul.u32 @!p0 $0xF7A, s2;
	p2 =	seq.s32 @!p0 s5, $0x0  }
0x1f: {  	s9 =	smul.u32 $0xF7A, s1;
	s8 =	simm.s32 @!p0 $0x1BF5;
	p2 =	por !p2, p0  }
0x20: {  	[sflag:s8] =	ssyncset.s32 @!p0 $0xFFFFF086;
	s6 =	sadd.s32 @!p0 s3, s7;
	s7 =	simm.s32 @!p0 $0x108  }
0x21: {  	s3 =	sadd.s32 s3, s9;
	s6 =	sadd.s32 @!p0 $0x88, s6;
	s7 =	simm.s32 @p2 $0x1082  }
0x22: {  	[simem:s7], [sflag:s8] =	dma.local @!p0 [hbm:s6], $0xF7A  }
0x23: {  	s9 =	sor.u32 $0xD0000000, s2;
	s6 =	simm.s32 $0x108;
	_ =	swait.ge @!p0 [sflag:s8], $0x0  }
0x24: {  	s3 =	sadd.s32 $0x88, s3;
	s6 =	simm.s32 @!p1 $0x1082;
	[sflag:s4] =	ssyncset.s32 $0xFFFFF086  }
0x25: {  	[simem:s6], [sflag:s4] =	dma.local [hbm:s3], $0xF7A  }
0x26: {  	[smem:$0x3F9C] =	sst s1;
	(tag) =	ssettag s2;
	_ =	strace s9  }
0x27: {  	s1 =	sld [smem:$0x3FAC]  }
0x28: {  	s2 =	sld [smem:$0x3FAD]  }
0x29: {  	s4 =	sld [smem:$0x3FAF]  }
0x2a: {  	p0 =	seq.s32 s5, $0x0;
	s5 =	sld [smem:$0x3FB0]  }
0x2b: {  	s6 =	sld [smem:$0x3FB1]  }
0x2c: {  	s7 =	sld [smem:$0x3FB2]  }
0x2d: {  	s3 =	simm.s32 $0x108;
	s8 =	sld [smem:$0x3FB3]  }
0x2e: {  	s3 =	simm.s32 @!p0 $0x1082;
	s9 =	sld [smem:$0x3FB4]  }
0x2f: {  	lr =	sadd.s32 s0, s3;
	s0 =	sld [smem:$0x3FAB]  }
0x30: {  	s3 =	sld [smem:$0x3FAE]  }
0x31: {  	[smem:$0x3FB7] =	sst s10  }
0x32: {  	s10 =	sld [smem:$0x3FB5];
	_ =	sdelay $0x3  }
0x33: {  	p0 =	seq.s32 s10, $0x1;
	s10 =	sld [smem:$0x3FB7];
	_ =	sdelay $0x3  }
0x34: {  	[smem:$0x3FB7] =	sst s10  }
0x35: {  	s10 =	sld [smem:$0x3FB6];
	_ =	sdelay $0x3  }
0x36: {  	p1 =	seq.s32 s10, $0x1;
	s10 =	sld [smem:$0x3FB7];
	_ =	sdelay $0x3  }
0x37: {  	[smem:$0x3FB7] =	sst s10  }
0x38: {  	s10 =	sld [smem:$0x3FB8]  }
0x39: {  	_ = 	snop;
	(pc) =	sbr.ind lr, $3  }
0x3a: {  	_ = 	snop  }
0x3b: {  	_ = 	snop  }
0x3c: {  	p2 =	seq.s32 s10, $0x1;
	s10 =	sld [smem:$0x3FB7]  }
0x3d: {  	_ =	shalt  }
0x3e: {  	_ =	shalt  }
0x3f: {  	_ =	shalt  }
0x40: {  	_ =	shalt  }
0x41: {  	_ =	shalt  }
0x42: {  	_ =	shalt  }
0x43: {  	_ =	shalt  }
0x44: {  	_ =	shalt  }
0x45: {  	_ =	shalt  }
0x46: {  	_ =	shalt  }
0x47: {  	_ =	shalt  }
0x48: {  	_ =	shalt  }
0x49: {  	_ =	shalt  }
0x4a: {  	_ =	shalt  }
0x4b: {  	_ =	shalt  }
0x4c: {  	_ =	shalt  }
0x4d: {  	_ =	shalt  }
0x4e: {  	_ =	shalt  }
0x4f: {  	_ =	shalt  }
0x50: {  	_ =	shalt  }
0x51: {  	_ =	shalt  }
0x52: {  	_ =	shalt  }
0x53: {  	_ =	shalt  }
0x54: {  	_ =	shalt  }
0x55: {  	_ =	shalt  }
0x56: {  	_ =	shalt  }
0x57: {  	_ =	shalt  }
0x58: {  	_ =	shalt  }
0x59: {  	_ =	shalt  }
0x5a: {  	_ =	shalt  }
0x5b: {  	_ =	shalt  }
0x5c: {  	_ =	shalt  }
0x5d: {  	_ =	shalt  }
0x5e: {  	_ =	shalt  }
0x5f: {  	_ =	shalt  }
0x60: {  	_ =	shalt  }
0x61: {  	_ =	shalt  }
0x62: {  	_ =	shalt  }
0x63: {  	_ =	shalt  }
0x64: {  	_ =	shalt  }
0x65: {  	_ =	shalt  }
0x66: {  	_ =	shalt  }
0x67: {  	_ =	shalt  }
0x68: {  	_ =	shalt  }
0x69: {  	_ =	shalt  }
0x6a: {  	_ =	shalt  }
0x6b: {  	_ =	shalt  }
0x6c: {  	_ =	shalt  }
0x6d: {  	_ =	shalt  }
0x6e: {  	_ =	shalt  }
0x6f: {  	_ =	shalt  }
0x70: {  	_ =	shalt  }
0x71: {  	_ =	shalt  }
0x72: {  	_ =	shalt  }
0x73: {  	_ =	shalt  }
0x74: {  	_ =	shalt  }
0x75: {  	_ =	shalt  }
0x76: {  	_ =	shalt  }
0x77: {  	_ =	shalt  }
0x78: {  	_ =	shalt  }
0x79: {  	_ =	shalt  }
0x7a: {  	_ =	shalt  }
0x7b: {  	_ =	shalt  }
0x7c: {  	_ =	shalt  }
0x7d: {  	_ =	shalt  }
0x7e: {  	_ =	shalt  }
0x7f: {  	_ =	shalt  }
0x80: {  	_ =	shalt  }
0x81: {  	_ =	shalt  }
0x82: {  	_ =	shalt  }
0x83: {  	_ =	shalt  }
0x84: {  	_ =	shalt  }
0x85: {  	_ =	shalt  }
0x86: {  	_ =	shalt  }
0x87: {  	_ =	shalt  }
.Lfunc_end0:
.L_simem_size_0:
called_computation.1_lowered:
.L_overlay_start_0:
0x88: {  	s2 =	sld [smem:$0x3FD9]  }
0x89: {  	s3 =	sld [smem:$0x3FFE];
	_ =	sdelay $0x1  }
0x8a: {  	s1 =	srdreg.scid  }
0x8b: {  	s0 =	sand.u32 $0x1, s1  }
0x8c: {  	s16 =	sshll.u32 s0, $0xA;
	s2 =	sadd.s32 s3, s2  }
0x8d: {  	s2 =	sadd.s32 s2, s16  }
0x8e: {  	[smem:$0x3FC3] =	sst s2  }
0x8f: {  	_ = 	snop  }
0x90: {  	(tm) =	ssettm $0x1  }
0x91: {  	s17 =	sld [smem:$0x3FFB];
	_ =	sdelay $0x3  }
0x92: {  	_ =	strace s17  }
0x93: {  	s2 =	sld [smem:$0x3FFC];
	_ =	sdelay $0x3  }
0x94: {  	_ =	strace s2  }
0x95: {  	s2 =	sld [smem:$0x3FFD];
	_ =	sdelay $0x3  }
0x96: {  	_ =	strace s2  }
0x97: {  	_ =	strace $0x8FFFFFFF  }
0x98: {  	s18 =	sld [smem:$0x3FDB];
	_ =	sdelay $0x1  }
0x99: {  	s19 =	simm.s32 $_scs_section_size  }
0x9a: {  	s4 =	simm.s32 $_size__tile_overlayer_lowered;
	s5 =	simm.s32 $_tile_overlayer_lowered  }
0x9b: {  	s22 =	simm.s32 $0x1BFF;
	s21 =	sshll.u32 s5, $0x1;
	s2 =	sadd.s32 s19, s18  }
0x9c: {  	s6 =	simm.s32 $0x0;
	s20 =	sshll.u32 s4, $0x1;
	s4 =	sadd.s32 s21, s2  }
0x9d: {  	[timem:s6], [sflag:s22] =	dma.local [hbm:s4], s20  }
0x9e: {  	_ =	swait.ge [sflag:s22], s20  }
0x9f: {  	s3 =	ssub.s32 $0x0, s20;
	[sflag:s22] =	ssyncset.done $0x0  }
0xa0: {  	[sflag:s22] =	ssyncadd.s32 s3;
	_ =	sdelay $0x1  }
0xa1: {  	s23 =	simm.s32 $0x1B8B  }
0xa2: {  	_ =	swait.ge [sflag:s23], $0x1  }
0xa3: {  	[sflag:s23] =	ssyncset.done $0x0  }
0xa4: {  	s25 =	simm.s32 $0x1B8E;
	s24 =	sld [smem:$0x3FFE];
	[sflag:s23] =	ssyncadd.s32 $0xFFFFFFFF  }
0xa5: {  	s26 =	simm.s32 $execute0_lowered;
	[smem:$0x3FD2] =	sst s25  }
0xa6: {  	s4 =	sshll.u32 s26, $0x1;
	_ =	strace $0x80000049;
	[dreg:$0x1] =	wrdreg $0xFFFFFFFF  }
0xa7: {  	s28 =	simm.s32 $_size_execute0_lowered;
	s2 =	sadd.s32 s2, s4;
	[dreg:$0x0] =	wrdreg $0x0  }
0xa8: {  	s4 =	sshll.u32 s28, $0x1;
	[dreg:$0x2] =	wrdreg s2  }
0xa9: {  	[dreg:$0x3] =	wrdreg s4  }
0xaa: {  	[dreg:$0x4] =	wrdreg $0xC0  }
0xab: {  	_ =	task [dreg:s6], $0x5FFFF  }
0xac: {  	[dreg:$0x1] =	wrdreg $0xFFFFFFFF  }
0xad: {  	[dreg:$0x0] =	wrdreg $0x60  }
0xae: {  	[dreg:$0x2] =	wrdreg s24  }
0xaf: {  	[dreg:$0x3] =	wrdreg $0x8A000  }
0xb0: {  	[dreg:$0x4] =	wrdreg $0x9  }
0xb1: {  	_ =	task.clear_ibuf [dreg:s6], $0x5FFFF;
	_ =	strace $0x90000049  }
0xb2: {  	s29 =	simm.s32 $0x9;
	_ =	strace $0x8000004B  }
0xb3: {  	_ =	swait.ge [sflag:s29], $0x1  }
0xb4: {  	[sflag:s29] =	ssyncadd.s32 $0xFFFFFFFF  }
0xb5: {  	_ =	strace $0x9000004B  }
0xb6: {  	_ =	sfence  }
0xb7: {  	s30 =	sld [smem:$0x0];
	_ =	sdelay $0x2  }
0xb8: {  	s31 =	sshll.u32 s1, $0xD;
	s1 =	sshrl.u32 s1, $0x2  }
0xb9: {  	s3 =	sand.u32 $0x4000, s31;
	s1 =	sadd.s32 s1, s30  }
0xba: {  	s0 =	sor.u32 s3, s0;
	s1 =	sshll.u32 s1, $0x11  }
0xbb: {  	s0 =	sor.u32 s1, s0  }
0xbc: {  	s0 =	sadd.s32 $0x8F2B, s0  }
0xbd: {  	[sflag:s0] =	ssyncadd.remote.s32 $0x1  }
0xbe: {  	_ =	sfence.sel $0xFFFF  }
0xbf: {  	[dreg:$0x0] =	wrdreg $0xFFFFFFFF;
	(pc) =	sbr.abs _section_cstart, $3  }
0xc0: {  	[dreg:$0x1] =	wrdreg $0xFFFFFFFF  }
0xc1: {  	_ =	task.clear_ibuf [dreg:s6], $0x2FFFF;
	_ =	strace $0x9FFFFFFF  }
0xc2: {  	(tm) =	ssettm $0x7FFFFFFF  }
0xc3: {  	_ =	shalt  }
tec
execute0_lowered:
.L_overlay_start_1:
0x0: {  	(tag) =	ssettag $0x1  }
0x1: {  	s0 =	srdreg.scid;
	s1 =	rddreg [dreg:$0x0]  }
0x2: {  	s11 =	stileid.u32;
	s2 =	rddreg [dreg:$0x1]  }
0x3: {  	s3 =	simm.s32 $0x0;
	s12 =	simm.s32 $0x5;
	s13 =	simm.s32 $0x500  }
0x4: {  	s14 =	simm.s32 $0x80;
	s15 =	simm.s32 $0xA00;
	s16 =	simm.s32 $0x4A00  }
0x5: {  	s17 =	simm.s32 $0x1;
	s18 =	simm.s32 $0x3;
	s24 =	simm.s32 $0x100  }
0x6: {  	s20 =	simm.s32 $0x2;
	s25 =	simm.s32 $0x580;
	s5 =	smul.u32 $0x3C00, s11  }
0x7: {  	s22 =	simm.s32 $0x4;
	s0 =	sand.u32 $0x1, s0;
	s26 =	smul.u32 $0x13C00, s11  }
0x8: {  	[smem:$0x7FF] =	sst s3;
	s29 =	sshll.u32 s11, $0x6;
	s4 =	smul.u32 $0x3C000, s0  }
0x9: {  	s7 =	smul.u32 $0x13C000, s0;
	_ =	strace $0x8000004A;
	s9 =	ssub.s32 $0x2, s0  }
0xa: {  	s21 =	sor.u32 $0x1C05, s29;
	p0 =	seq.s32 s0, $0x1;
	s8 =	sshrl.u32 s26, $0x3  }
0xb: {  	s10 =	sshrl.u32 s9, $0x1;
	[dreg:$0x4] =	wrdreg s21;
	s4 =	sadd.s32 s5, s4  }
0xc: {  	s7 =	sadd.s32 s26, s7;
	s8 =	sadd.s32 s8, s1;
	s28 =	ssub.s32 s9, s10  }
0xd: {  	s5 =	sadd.s32 s26, s2;
	s6 =	sshrl.u32 s4, $0x3;
	s4 =	sadd.s32 $0x20000, s1  }
.Ltmp0:
0xe: {  	s7 =	sshrl.u32 s7, $0x3;
	s8 =	sadd.s32 $0x47200, s8;
	(pc) =	sbr.rel .LBB2_1-.Ltmp0, $4  }
0xf: {  	s31 =	smax.u32 s28, $0x1;
	s23 =	sshrl.u32 s5, $0x3;
	[dreg:$0x3] =	wrdreg s8  }
0x10: {  	s6 =	sadd.s32 s6, s1;
	s1 =	sadd.s32 s7, s1;
	[dreg:$0x6] =	wrdreg s31  }
0x11: {  	s0 =	simm.s32 $0x0;
	[dreg:$0x7] =	wrdreg s23;
	s30 =	sadd.s32 $0x6EA00, s1  }
0x12: {  	s9 =	sadd.s32 $0x1E00, s6;
	s10 =	sadd.s32 $0x11000, s6;
	[dreg:$0x5] =	wrdreg s30  }
.LBB2_7:
0x13: {  	s21 =	sadd.s32 s19, s10;
	[sflag:s22] =	ssyncadd.s32 $0xFFFFC000  }
0x14: {  	[tilespmem:s3], [sflag:$0x5] =	stream.linear.gather [hbm4b:s21+s3], $0x500, $0x38;
	[tilespmem:$0x1C600] =	vst v63  }
0x15: {  	_ =	swait.ge [sflag:s12], $0x500  }
0x16: {  	[sflag:s12] =	ssyncset.done $0x0  }
0x17: {  	s23 =	sadd.s32 s19, s9;
	[sflag:s12] =	ssyncadd.s32 $0xFFFFFB00  }
0x18: {  	[tilespmem:s13], [sflag:$0x5] =	stream.linear.gather [hbm4b:s23+s3], $0x500, $0x38;
	[tilespmem:$0x1C600] =	vst v63  }
0x19: {  	_ =	swait.ge [sflag:s12], $0x500  }
0x1a: {  	[sflag:s12] =	ssyncset.done $0x0  }
0x1b: {  	[sflag:s12] =	ssyncadd.s32 $0xFFFFFB00  }
0x1c: {  	[tilespmem:s15], [sflag:$0x1] =	stream.indirect.gather [hbm4b:s4+s14], $0x80, s3, s14, $0xb8;
	[tilespmem:$0x1C600] =	vst v63  }
0x1d: {  	_ = 	snop  }
0x1e: {  	[tilespmem:s16], [sflag:$0x2] =	stream.indirect.gather [hbm4b:s4+s14], $0x80, s14, s14, $0xb8;
	[tilespmem:$0x1C600] =	vst v63  }
0x1f: {  	_ =	swait.ge [sflag:s17], $0x4000  }
0x20: {  	[sflag:s17] =	ssyncset.done $0x0  }
0x21: {  	[sflag:s17] =	ssyncadd.s32 $0xFFFFC000  }
0x22: {  	[spmem:s2] =	stream.indirect.scatter.add.f32 [tilespmem:s15], [sflag:$0x3], $0x80, s13, s14, $0xb8;
	[tilespmem:$0x1C600] =	vst v63  }
0x23: {  	_ =	swait.ge [sflag:s18], $0x4000  }
0x24: {  	[sflag:s18] =	ssyncset.done $0x0  }
0x25: {  	[sflag:s18] =	ssyncadd.s32 $0xFFFFC000  }
0x26: {  	[tilespmem:s15], [sflag:$0x1] =	stream.indirect.gather [hbm4b:s4+s14], $0x80, s24, s14, $0xb8;
	[tilespmem:$0x1C600] =	vst v63  }
0x27: {  	_ =	swait.ge [sflag:s20], $0x4000  }
0x28: {  	[sflag:s20] =	ssyncset.done $0x0  }
0x29: {  	[sflag:s20] =	ssyncadd.s32 $0xFFFFC000  }
0x2a: {  	[spmem:s2] =	stream.indirect.scatter.add.f32 [tilespmem:s16], [sflag:$0x4], $0x80, s25, s14, $0xb8;
	[tilespmem:$0x1C600] =	vst v63  }
0x2b: {  	_ =	swait.ge [sflag:s22], $0x4000  }
0x2c: {  	[sflag:s22] =	ssyncset.done $0x0  }
0x2d: {  	[sflag:s22] =	ssyncadd.s32 $0xFFFFC000  }
0x2e: {  	[tilespmem:s16], [sflag:$0x2] =	stream.indirect.gather [hbm4b:s4+s14], $0x80, s26, s14, $0xb8;
	[tilespmem:$0x1C600] =	vst v63  }
0x2f: {  	_ =	swait.ge [sflag:s17], $0x4000  }
0x30: {  	[sflag:s17] =	ssyncset.done $0x0  }
0x31: {  	[sflag:s17] =	ssyncadd.s32 $0xFFFFC000  }
0x32: {  	[spmem:s2] =	stream.indirect.scatter.add.f32 [tilespmem:s15], [sflag:$0x3], $0x80, s28, s14, $0xb8;
	[tilespmem:$0x1C600] =	vst v63  }
0x33: {  	_ =	swait.ge [sflag:s18], $0x4000  }
0x34: {  	[sflag:s18] =	ssyncset.done $0x0  }
0x35: {  	[sflag:s18] =	ssyncadd.s32 $0xFFFFC000  }
0x36: {  	[tilespmem:s15], [sflag:$0x1] =	stream.indirect.gather [hbm4b:s4+s14], $0x80, s29, s14, $0xb8;
	[tilespmem:$0x1C600] =	vst v63  }
0x37: {  	_ =	swait.ge [sflag:s20], $0x4000  }
0x38: {  	[sflag:s20] =	ssyncset.done $0x0  }
0x39: {  	[sflag:s20] =	ssyncadd.s32 $0xFFFFC000  }
0x3a: {  	[spmem:s2] =	stream.indirect.scatter.add.f32 [tilespmem:s16], [sflag:$0x4], $0x80, s30, s14, $0xb8;
	[tilespmem:$0x1C600] =	vst v63  }
0x3b: {  	_ =	swait.ge [sflag:s22], $0x4000  }
0x3c: {  	[sflag:s22] =	ssyncset.done $0x0  }
0x3d: {  	[sflag:s22] =	ssyncadd.s32 $0xFFFFC000  }
0x3e: {  	[tilespmem:s16], [sflag:$0x2] =	stream.indirect.gather [hbm4b:s4+s14], $0x80, s31, s14, $0xb8;
	[tilespmem:$0x1C600] =	vst v63  }
0x3f: {  	_ =	swait.ge [sflag:s17], $0x4000  }
0x40: {  	[sflag:s17] =	ssyncset.done $0x0  }
0x41: {  	[sflag:s17] =	ssyncadd.s32 $0xFFFFC000  }
0x42: {  	[spmem:s2] =	stream.indirect.scatter.add.f32 [tilespmem:s15], [sflag:$0x3], $0x80, s1, s14, $0xb8;
	[tilespmem:$0x1C600] =	vst v63  }
0x43: {  	_ =	swait.ge [sflag:s18], $0x4000  }
0x44: {  	[sflag:s18] =	ssyncset.done $0x0  }
0x45: {  	[sflag:s18] =	ssyncadd.s32 $0xFFFFC000  }
0x46: {  	[tilespmem:s15], [sflag:$0x1] =	stream.indirect.gather [hbm4b:s4+s14], $0x80, s0, s14, $0xb8;
	[tilespmem:$0x1C600] =	vst v63  }
0x47: {  	_ =	swait.ge [sflag:s20], $0x4000  }
0x48: {  	[sflag:s20] =	ssyncset.done $0x0  }
0x49: {  	[sflag:s20] =	ssyncadd.s32 $0xFFFFC000  }
0x4a: {  	[spmem:s2] =	stream.indirect.scatter.add.f32 [tilespmem:s16], [sflag:$0x4], $0x80, s5, s14, $0xb8;
	[tilespmem:$0x1C600] =	vst v63  }
0x4b: {  	_ =	swait.ge [sflag:s22], $0x4000  }
0x4c: {  	[sflag:s22] =	ssyncset.done $0x0  }
0x4d: {  	[sflag:s22] =	ssyncadd.s32 $0xFFFFC000  }
0x4e: {  	[tilespmem:s16], [sflag:$0x2] =	stream.indirect.gather [hbm4b:s4+s14], $0x80, s7, s14, $0xb8;
	[tilespmem:$0x1C600] =	vst v63  }
0x4f: {  	_ =	swait.ge [sflag:s17], $0x4000  }
0x50: {  	[sflag:s17] =	ssyncset.done $0x0  }
0x51: {  	[sflag:s17] =	ssyncadd.s32 $0xFFFFC000  }
0x52: {  	[spmem:s2] =	stream.indirect.scatter.add.f32 [tilespmem:s15], [sflag:$0x3], $0x80, s8, s14, $0xb8;
	[tilespmem:$0x1C600] =	vst v63  }
0x53: {  	_ =	swait.ge [sflag:s18], $0x4000  }
0x54: {  	[sflag:s18] =	ssyncset.done $0x0  }
0x55: {  	[sflag:s18] =	ssyncadd.s32 $0xFFFFC000  }
0x56: {  	[tilespmem:s15], [sflag:$0x1] =	stream.indirect.gather [hbm4b:s4+s14], $0x80, s6, s14, $0xb8;
	[tilespmem:$0x1C600] =	vst v63  }
0x57: {  	_ =	swait.ge [sflag:s20], $0x4000  }
0x58: {  	[sflag:s20] =	ssyncset.done $0x0  }
0x59: {  	[sflag:s20] =	ssyncadd.s32 $0xFFFFC000  }
0x5a: {  	[spmem:s2] =	stream.indirect.scatter.add.f32 [tilespmem:s16], [sflag:$0x4], $0x80, s11, s14, $0xb8;
	[tilespmem:$0x1C600] =	vst v63  }
0x5b: {  	_ =	swait.ge [sflag:s22], $0x4000  }
0x5c: {  	[sflag:s22] =	ssyncset.done $0x0  }
0x5d: {  	s29 =	simm.s32 $0x480;
	[sflag:s22] =	ssyncadd.s32 $0xFFFFC000  }
0x5e: {  	[tilespmem:s16], [sflag:$0x2] =	stream.indirect.gather [hbm4b:s4+s14], $0x80, s29, s14, $0xb8;
	[tilespmem:$0x1C600] =	vst v63  }
0x5f: {  	_ =	swait.ge [sflag:s17], $0x4000  }
0x60: {  	[sflag:s17] =	ssyncset.done $0x0  }
0x61: {  	s30 =	simm.s32 $0x900;
	[sflag:s17] =	ssyncadd.s32 $0xFFFFC000  }
0x62: {  	[spmem:s2] =	stream.indirect.scatter.add.f32 [tilespmem:s15], [sflag:$0x3], $0x80, s30, s14, $0xb8;
	[tilespmem:$0x1C600] =	vst v63  }
0x63: {  	_ =	swait.ge [sflag:s18], $0x4000  }
0x64: {  	[sflag:s18] =	ssyncset.done $0x0  }
0x65: {  	[sflag:s18] =	ssyncadd.s32 $0xFFFFC000  }
0x66: {  	_ =	swait.ge [sflag:s20], $0x4000  }
0x67: {  	[sflag:s20] =	ssyncset.done $0x0  }
0x68: {  	s31 =	simm.s32 $0x980;
	[sflag:s20] =	ssyncadd.s32 $0xFFFFC000  }
0x69: {  	[spmem:s2] =	stream.indirect.scatter.add.f32 [tilespmem:s16], [sflag:$0x4], $0x80, s31, s14, $0xb8;
	[tilespmem:$0x1C600] =	vst v63  }
0x6a: {  	_ =	swait.ge [sflag:s22], $0x4000  }
0x6b: {  	[sflag:s22] =	ssyncset.done $0x0  }
0x6c: {  	s0 =	rddreg [dreg:$0x8];
	[sflag:s22] =	ssyncadd.s32 $0xFFFFC000  }
.LBB2_8:
0x6d: {  	[bflag:$0x0] =	sbarrier.arrive $0xFFFF  }
0x6e: {  	s21 =	rddreg [dreg:$0x4]  }
0x6f: {  	s19 =	rddreg [dreg:$0x5]  }
0x70: {  	s23 =	rddreg [dreg:$0x7]  }
0x71: {  	[hbm:s19], [sflag:s21] =	dma.local [spmem:s23], $0x2780  }
0x72: {  	_ =	swait.ge [sflag:s12], $0x2780  }
0x73: {  	s0 =	sadd.s32 $0x1, s0;
	s31 =	rddreg [dreg:$0x6]  }
0x74: {  	p1 =	sne.s32 s0, s31  }
.Ltmp1:
0x75: {  	_ = 	snop;
	(pc) =	sbr.rel @!p1 .LBB2_9-.Ltmp1, $3  }
0x76: {  	_ =	sdelay $0x1  }
0x77: {  	[sflag:s12] =	ssyncset.done $0x0  }
0x78: {  	[sflag:s12] =	ssyncadd.s32 $0xFFFFD880  }
.LBB2_1:
0x79: {  	[dreg:$0x8] =	wrdreg s0  }
0x7a: {  	s19 =	rddreg [dreg:$0x3]  }
0x7b: {  	[spmem:s23], [sflag:s21] =	dma.local [hbm:s19], $0x2780  }
.Ltmp2:
0x7c: {  	_ =	swait.ge [sflag:s12], $0x2780;
	(pc) =	sbr.rel @!p0 .LBB2_2-.Ltmp2, $4  }
0x7d: {  	[sflag:s12] =	ssyncset.done $0x0  }
0x7e: {  	[sflag:s12] =	ssyncadd.s32 $0xFFFFD880  }
0x7f: {  	[bflag:$0x0] =	sbarrier.arrive $0xFFFF  }
0x80: {  	s19 =	sadd.s32 $0x0, s10  }
0x81: {  	[tilespmem:s3], [sflag:$0x5] =	stream.linear.gather [hbm4b:s19+s3], $0x500, $0x38;
	[tilespmem:$0x1C600] =	vst v63  }
0x82: {  	_ =	swait.ge [sflag:s12], $0x500  }
0x83: {  	[sflag:s12] =	ssyncset.done $0x0  }
0x84: {  	s21 =	sadd.s32 $0x0, s9;
	[sflag:s12] =	ssyncadd.s32 $0xFFFFFB00  }
0x85: {  	[tilespmem:s13], [sflag:$0x5] =	stream.linear.gather [hbm4b:s21+s3], $0x500, $0x38;
	[tilespmem:$0x1C600] =	vst v63  }
0x86: {  	_ =	swait.ge [sflag:s12], $0x500  }
0x87: {  	[sflag:s12] =	ssyncset.done $0x0  }
0x88: {  	[sflag:s12] =	ssyncadd.s32 $0xFFFFFB00  }
0x89: {  	[tilespmem:s15], [sflag:$0x1] =	stream.indirect.gather [hbm4b:s4+s14], $0x80, s3, s14, $0xb8;
	[tilespmem:$0x1C600] =	vst v63  }
0x8a: {  	_ = 	snop  }
0x8b: {  	[tilespmem:s16], [sflag:$0x2] =	stream.indirect.gather [hbm4b:s4+s14], $0x80, s14, s14, $0xb8;
	[tilespmem:$0x1C600] =	vst v63  }
0x8c: {  	_ =	swait.ge [sflag:s17], $0x4000  }
0x8d: {  	[sflag:s17] =	ssyncset.done $0x0  }
0x8e: {  	[sflag:s17] =	ssyncadd.s32 $0xFFFFC000  }
0x8f: {  	[spmem:s2] =	stream.indirect.scatter.add.f32 [tilespmem:s15], [sflag:$0x3], $0x80, s13, s14, $0xb8;
	[tilespmem:$0x1C600] =	vst v63  }
0x90: {  	_ =	swait.ge [sflag:s18], $0x4000  }
0x91: {  	[sflag:s18] =	ssyncset.done $0x0  }
0x92: {  	[sflag:s18] =	ssyncadd.s32 $0xFFFFC000  }
0x93: {  	[tilespmem:s15], [sflag:$0x1] =	stream.indirect.gather [hbm4b:s4+s14], $0x80, s24, s14, $0xb8;
	[tilespmem:$0x1C600] =	vst v63  }
0x94: {  	_ =	swait.ge [sflag:s20], $0x4000  }
0x95: {  	[sflag:s20] =	ssyncset.done $0x0  }
0x96: {  	[sflag:s20] =	ssyncadd.s32 $0xFFFFC000  }
0x97: {  	[spmem:s2] =	stream.indirect.scatter.add.f32 [tilespmem:s16], [sflag:$0x4], $0x80, s25, s14, $0xb8;
	[tilespmem:$0x1C600] =	vst v63  }
0x98: {  	_ =	swait.ge [sflag:s22], $0x4000  }
0x99: {  	[sflag:s22] =	ssyncset.done $0x0  }
0x9a: {  	s26 =	simm.s32 $0x180;
	[sflag:s22] =	ssyncadd.s32 $0xFFFFC000  }
0x9b: {  	[tilespmem:s16], [sflag:$0x2] =	stream.indirect.gather [hbm4b:s4+s14], $0x80, s26, s14, $0xb8;
	[tilespmem:$0x1C600] =	vst v63  }
0x9c: {  	_ =	swait.ge [sflag:s17], $0x4000  }
0x9d: {  	[sflag:s17] =	ssyncset.done $0x0  }
0x9e: {  	s28 =	simm.s32 $0x600;
	[sflag:s17] =	ssyncadd.s32 $0xFFFFC000  }
0x9f: {  	[spmem:s2] =	stream.indirect.scatter.add.f32 [tilespmem:s15], [sflag:$0x3], $0x80, s28, s14, $0xb8;
	[tilespmem:$0x1C600] =	vst v63  }
0xa0: {  	_ =	swait.ge [sflag:s18], $0x4000  }
0xa1: {  	[sflag:s18] =	ssyncset.done $0x0  }
0xa2: {  	s29 =	simm.s32 $0x200;
	[sflag:s18] =	ssyncadd.s32 $0xFFFFC000  }
0xa3: {  	[tilespmem:s15], [sflag:$0x1] =	stream.indirect.gather [hbm4b:s4+s14], $0x80, s29, s14, $0xb8;
	[tilespmem:$0x1C600] =	vst v63  }
0xa4: {  	_ =	swait.ge [sflag:s20], $0x4000  }
0xa5: {  	[sflag:s20] =	ssyncset.done $0x0  }
0xa6: {  	s30 =	simm.s32 $0x680;
	[sflag:s20] =	ssyncadd.s32 $0xFFFFC000  }
0xa7: {  	[spmem:s2] =	stream.indirect.scatter.add.f32 [tilespmem:s16], [sflag:$0x4], $0x80, s30, s14, $0xb8;
	[tilespmem:$0x1C600] =	vst v63  }
0xa8: {  	_ =	swait.ge [sflag:s22], $0x4000  }
0xa9: {  	[sflag:s22] =	ssyncset.done $0x0  }
0xaa: {  	s31 =	simm.s32 $0x280;
	[sflag:s22] =	ssyncadd.s32 $0xFFFFC000  }
0xab: {  	[tilespmem:s16], [sflag:$0x2] =	stream.indirect.gather [hbm4b:s4+s14], $0x80, s31, s14, $0xb8;
	[tilespmem:$0x1C600] =	vst v63  }
0xac: {  	_ =	swait.ge [sflag:s17], $0x4000  }
0xad: {  	[sflag:s17] =	ssyncset.done $0x0  }
0xae: {  	s1 =	simm.s32 $0x700;
	[sflag:s17] =	ssyncadd.s32 $0xFFFFC000  }
0xaf: {  	[spmem:s2] =	stream.indirect.scatter.add.f32 [tilespmem:s15], [sflag:$0x3], $0x80, s1, s14, $0xb8;
	[tilespmem:$0x1C600] =	vst v63  }
0xb0: {  	_ =	swait.ge [sflag:s18], $0x4000  }
0xb1: {  	[sflag:s18] =	ssyncset.done $0x0  }
0xb2: {  	s0 =	simm.s32 $0x300;
	[sflag:s18] =	ssyncadd.s32 $0xFFFFC000  }
0xb3: {  	[tilespmem:s15], [sflag:$0x1] =	stream.indirect.gather [hbm4b:s4+s14], $0x80, s0, s14, $0xb8;
	[tilespmem:$0x1C600] =	vst v63  }
0xb4: {  	_ =	swait.ge [sflag:s20], $0x4000  }
0xb5: {  	[sflag:s20] =	ssyncset.done $0x0  }
0xb6: {  	s5 =	simm.s32 $0x780;
	[sflag:s20] =	ssyncadd.s32 $0xFFFFC000  }
0xb7: {  	[spmem:s2] =	stream.indirect.scatter.add.f32 [tilespmem:s16], [sflag:$0x4], $0x80, s5, s14, $0xb8;
	[tilespmem:$0x1C600] =	vst v63  }
0xb8: {  	_ =	swait.ge [sflag:s22], $0x4000  }
0xb9: {  	[sflag:s22] =	ssyncset.done $0x0  }
0xba: {  	s7 =	simm.s32 $0x380;
	[sflag:s22] =	ssyncadd.s32 $0xFFFFC000  }
0xbb: {  	[tilespmem:s16], [sflag:$0x2] =	stream.indirect.gather [hbm4b:s4+s14], $0x80, s7, s14, $0xb8;
	[tilespmem:$0x1C600] =	vst v63  }
0xbc: {  	_ =	swait.ge [sflag:s17], $0x4000  }
0xbd: {  	[sflag:s17] =	ssyncset.done $0x0  }
0xbe: {  	s8 =	simm.s32 $0x800;
	[sflag:s17] =	ssyncadd.s32 $0xFFFFC000  }
0xbf: {  	[spmem:s2] =	stream.indirect.scatter.add.f32 [tilespmem:s15], [sflag:$0x3], $0x80, s8, s14, $0xb8;
	[tilespmem:$0x1C600] =	vst v63  }
0xc0: {  	_ =	swait.ge [sflag:s18], $0x4000  }
0xc1: {  	[sflag:s18] =	ssyncset.done $0x0  }
0xc2: {  	s6 =	simm.s32 $0x400;
	[sflag:s18] =	ssyncadd.s32 $0xFFFFC000  }
0xc3: {  	[tilespmem:s15], [sflag:$0x1] =	stream.indirect.gather [hbm4b:s4+s14], $0x80, s6, s14, $0xb8;
	[tilespmem:$0x1C600] =	vst v63  }
0xc4: {  	_ =	swait.ge [sflag:s20], $0x4000  }
0xc5: {  	[sflag:s20] =	ssyncset.done $0x0  }
0xc6: {  	s11 =	simm.s32 $0x880;
	[sflag:s20] =	ssyncadd.s32 $0xFFFFC000  }
0xc7: {  	[spmem:s2] =	stream.indirect.scatter.add.f32 [tilespmem:s16], [sflag:$0x4], $0x80, s11, s14, $0xb8;
	[tilespmem:$0x1C600] =	vst v63  }
0xc8: {  	_ =	swait.ge [sflag:s22], $0x4000  }
0xc9: {  	[sflag:s22] =	ssyncset.done $0x0  }
0xca: {  	s23 =	simm.s32 $0x480;
	[sflag:s22] =	ssyncadd.s32 $0xFFFFC000  }
0xcb: {  	[tilespmem:s16], [sflag:$0x2] =	stream.indirect.gather [hbm4b:s4+s14], $0x80, s23, s14, $0xb8;
	[tilespmem:$0x1C600] =	vst v63  }
0xcc: {  	_ =	swait.ge [sflag:s17], $0x4000  }
0xcd: {  	[sflag:s17] =	ssyncset.done $0x0  }
0xce: {  	s24 =	simm.s32 $0x900;
	[sflag:s17] =	ssyncadd.s32 $0xFFFFC000  }
0xcf: {  	[spmem:s2] =	stream.indirect.scatter.add.f32 [tilespmem:s15], [sflag:$0x3], $0x80, s24, s14, $0xb8;
	[tilespmem:$0x1C600] =	vst v63  }
0xd0: {  	_ =	swait.ge [sflag:s18], $0x4000  }
0xd1: {  	[sflag:s18] =	ssyncset.done $0x0  }
0xd2: {  	[sflag:s18] =	ssyncadd.s32 $0xFFFFC000  }
0xd3: {  	_ =	swait.ge [sflag:s20], $0x4000  }
0xd4: {  	[sflag:s20] =	ssyncset.done $0x0  }
0xd5: {  	s25 =	simm.s32 $0x980;
	[sflag:s20] =	ssyncadd.s32 $0xFFFFC000  }
0xd6: {  	[spmem:s2] =	stream.indirect.scatter.add.f32 [tilespmem:s16], [sflag:$0x4], $0x80, s25, s14, $0xb8;
	[tilespmem:$0x1C600] =	vst v63  }
0xd7: {  	_ =	swait.ge [sflag:s22], $0x4000  }
0xd8: {  	s19 =	simm.s32 $0xA0;
	s23 =	simm.s32 $0x140;
	[sflag:s22] =	ssyncset.done $0x0  }
.LBB2_6:
0xd9: {  	s24 =	sadd.s32 s19, s10  }
0xda: {  	[sflag:s22] =	ssyncadd.s32 $0xFFFFC000;
	s25 =	smov.u32 s23;
	s21 =	sadd.s32 $0xA0, s23  }
0xdb: {  	[tilespmem:s3], [sflag:$0x5] =	stream.linear.gather [hbm4b:s24+s3], $0x500, $0x38;
	[tilespmem:$0x1C600] =	vst v63  }
0xdc: {  	s24 =	simm.s32 $0x100  }
0xdd: {  	p1 =	sne.s32 s23, $0x1E0;
	_ =	swait.ge [sflag:s12], $0x500  }
0xde: {  	s23 =	sadd.s32 s19, s9;
	[sflag:s12] =	ssyncset.done $0x0  }
0xdf: {  	s19 =	smov.u32 s25;
	s25 =	simm.s32 $0x580;
	[sflag:s12] =	ssyncadd.s32 $0xFFFFFB00  }
0xe0: {  	[tilespmem:s13], [sflag:$0x5] =	stream.linear.gather [hbm4b:s23+s3], $0x500, $0x38;
	[tilespmem:$0x1C600] =	vst v63  }
0xe1: {  	_ =	swait.ge [sflag:s12], $0x500  }
0xe2: {  	[sflag:s12] =	ssyncset.done $0x0  }
0xe3: {  	[sflag:s12] =	ssyncadd.s32 $0xFFFFFB00  }
0xe4: {  	[tilespmem:s15], [sflag:$0x1] =	stream.indirect.gather [hbm4b:s4+s14], $0x80, s3, s14, $0xb8;
	[tilespmem:$0x1C600] =	vst v63  }
0xe5: {  	_ = 	snop  }
0xe6: {  	[tilespmem:s16], [sflag:$0x2] =	stream.indirect.gather [hbm4b:s4+s14], $0x80, s14, s14, $0xb8;
	[tilespmem:$0x1C600] =	vst v63  }
0xe7: {  	_ =	swait.ge [sflag:s17], $0x4000  }
0xe8: {  	[sflag:s17] =	ssyncset.done $0x0  }
0xe9: {  	[sflag:s17] =	ssyncadd.s32 $0xFFFFC000  }
0xea: {  	[spmem:s2] =	stream.indirect.scatter.add.f32 [tilespmem:s15], [sflag:$0x3], $0x80, s13, s14, $0xb8;
	[tilespmem:$0x1C600] =	vst v63  }
0xeb: {  	_ =	swait.ge [sflag:s18], $0x4000  }
0xec: {  	[sflag:s18] =	ssyncset.done $0x0  }
0xed: {  	[sflag:s18] =	ssyncadd.s32 $0xFFFFC000  }
0xee: {  	[tilespmem:s15], [sflag:$0x1] =	stream.indirect.gather [hbm4b:s4+s14], $0x80, s24, s14, $0xb8;
	[tilespmem:$0x1C600] =	vst v63  }
0xef: {  	_ =	swait.ge [sflag:s20], $0x4000  }
0xf0: {  	[sflag:s20] =	ssyncset.done $0x0  }
0xf1: {  	[sflag:s20] =	ssyncadd.s32 $0xFFFFC000  }
0xf2: {  	[spmem:s2] =	stream.indirect.scatter.add.f32 [tilespmem:s16], [sflag:$0x4], $0x80, s25, s14, $0xb8;
	[tilespmem:$0x1C600] =	vst v63  }
0xf3: {  	_ =	swait.ge [sflag:s22], $0x4000  }
0xf4: {  	[sflag:s22] =	ssyncset.done $0x0  }
0xf5: {  	[sflag:s22] =	ssyncadd.s32 $0xFFFFC000  }
0xf6: {  	[tilespmem:s16], [sflag:$0x2] =	stream.indirect.gather [hbm4b:s4+s14], $0x80, s26, s14, $0xb8;
	[tilespmem:$0x1C600] =	vst v63  }
0xf7: {  	_ =	swait.ge [sflag:s17], $0x4000  }
0xf8: {  	[sflag:s17] =	ssyncset.done $0x0  }
0xf9: {  	[sflag:s17] =	ssyncadd.s32 $0xFFFFC000  }
0xfa: {  	[spmem:s2] =	stream.indirect.scatter.add.f32 [tilespmem:s15], [sflag:$0x3], $0x80, s28, s14, $0xb8;
	[tilespmem:$0x1C600] =	vst v63  }
0xfb: {  	_ =	swait.ge [sflag:s18], $0x4000  }
0xfc: {  	[sflag:s18] =	ssyncset.done $0x0  }
0xfd: {  	[sflag:s18] =	ssyncadd.s32 $0xFFFFC000  }
0xfe: {  	[tilespmem:s15], [sflag:$0x1] =	stream.indirect.gather [hbm4b:s4+s14], $0x80, s29, s14, $0xb8;
	[tilespmem:$0x1C600] =	vst v63  }
0xff: {  	_ =	swait.ge [sflag:s20], $0x4000  }
0x100: {  	[sflag:s20] =	ssyncset.done $0x0  }
0x101: {  	[sflag:s20] =	ssyncadd.s32 $0xFFFFC000  }
0x102: {  	[spmem:s2] =	stream.indirect.scatter.add.f32 [tilespmem:s16], [sflag:$0x4], $0x80, s30, s14, $0xb8;
	[tilespmem:$0x1C600] =	vst v63  }
0x103: {  	_ =	swait.ge [sflag:s22], $0x4000  }
0x104: {  	[sflag:s22] =	ssyncset.done $0x0  }
0x105: {  	[sflag:s22] =	ssyncadd.s32 $0xFFFFC000  }
0x106: {  	[tilespmem:s16], [sflag:$0x2] =	stream.indirect.gather [hbm4b:s4+s14], $0x80, s31, s14, $0xb8;
	[tilespmem:$0x1C600] =	vst v63  }
0x107: {  	_ =	swait.ge [sflag:s17], $0x4000  }
0x108: {  	[sflag:s17] =	ssyncset.done $0x0  }
0x109: {  	[sflag:s17] =	ssyncadd.s32 $0xFFFFC000  }
0x10a: {  	[spmem:s2] =	stream.indirect.scatter.add.f32 [tilespmem:s15], [sflag:$0x3], $0x80, s1, s14, $0xb8;
	[tilespmem:$0x1C600] =	vst v63  }
0x10b: {  	_ =	swait.ge [sflag:s18], $0x4000  }
0x10c: {  	[sflag:s18] =	ssyncset.done $0x0  }
0x10d: {  	[sflag:s18] =	ssyncadd.s32 $0xFFFFC000  }
0x10e: {  	[tilespmem:s15], [sflag:$0x1] =	stream.indirect.gather [hbm4b:s4+s14], $0x80, s0, s14, $0xb8;
	[tilespmem:$0x1C600] =	vst v63  }
0x10f: {  	_ =	swait.ge [sflag:s20], $0x4000  }
0x110: {  	[sflag:s20] =	ssyncset.done $0x0  }
0x111: {  	[sflag:s20] =	ssyncadd.s32 $0xFFFFC000  }
0x112: {  	[spmem:s2] =	stream.indirect.scatter.add.f32 [tilespmem:s16], [sflag:$0x4], $0x80, s5, s14, $0xb8;
	[tilespmem:$0x1C600] =	vst v63  }
0x113: {  	_ =	swait.ge [sflag:s22], $0x4000  }
0x114: {  	[sflag:s22] =	ssyncset.done $0x0  }
0x115: {  	[sflag:s22] =	ssyncadd.s32 $0xFFFFC000  }
0x116: {  	[tilespmem:s16], [sflag:$0x2] =	stream.indirect.gather [hbm4b:s4+s14], $0x80, s7, s14, $0xb8;
	[tilespmem:$0x1C600] =	vst v63  }
0x117: {  	_ =	swait.ge [sflag:s17], $0x4000  }
0x118: {  	[sflag:s17] =	ssyncset.done $0x0  }
0x119: {  	[sflag:s17] =	ssyncadd.s32 $0xFFFFC000  }
0x11a: {  	[spmem:s2] =	stream.indirect.scatter.add.f32 [tilespmem:s15], [sflag:$0x3], $0x80, s8, s14, $0xb8;
	[tilespmem:$0x1C600] =	vst v63  }
0x11b: {  	_ =	swait.ge [sflag:s18], $0x4000  }
0x11c: {  	[sflag:s18] =	ssyncset.done $0x0  }
0x11d: {  	[sflag:s18] =	ssyncadd.s32 $0xFFFFC000  }
0x11e: {  	[tilespmem:s15], [sflag:$0x1] =	stream.indirect.gather [hbm4b:s4+s14], $0x80, s6, s14, $0xb8;
	[tilespmem:$0x1C600] =	vst v63  }
0x11f: {  	_ =	swait.ge [sflag:s20], $0x4000  }
0x120: {  	[sflag:s20] =	ssyncset.done $0x0  }
0x121: {  	[sflag:s20] =	ssyncadd.s32 $0xFFFFC000  }
0x122: {  	[spmem:s2] =	stream.indirect.scatter.add.f32 [tilespmem:s16], [sflag:$0x4], $0x80, s11, s14, $0xb8;
	[tilespmem:$0x1C600] =	vst v63  }
0x123: {  	_ =	swait.ge [sflag:s22], $0x4000  }
0x124: {  	[sflag:s22] =	ssyncset.done $0x0  }
0x125: {  	s23 =	simm.s32 $0x480;
	[sflag:s22] =	ssyncadd.s32 $0xFFFFC000  }
0x126: {  	[tilespmem:s16], [sflag:$0x2] =	stream.indirect.gather [hbm4b:s4+s14], $0x80, s23, s14, $0xb8;
	[tilespmem:$0x1C600] =	vst v63  }
0x127: {  	_ =	swait.ge [sflag:s17], $0x4000  }
0x128: {  	[sflag:s17] =	ssyncset.done $0x0  }
0x129: {  	s23 =	simm.s32 $0x900;
	[sflag:s17] =	ssyncadd.s32 $0xFFFFC000  }
0x12a: {  	[spmem:s2] =	stream.indirect.scatter.add.f32 [tilespmem:s15], [sflag:$0x3], $0x80, s23, s14, $0xb8;
	[tilespmem:$0x1C600] =	vst v63  }
0x12b: {  	_ =	swait.ge [sflag:s18], $0x4000  }
0x12c: {  	[sflag:s18] =	ssyncset.done $0x0  }
0x12d: {  	[sflag:s18] =	ssyncadd.s32 $0xFFFFC000  }
0x12e: {  	_ =	swait.ge [sflag:s20], $0x4000  }
.Ltmp3:
0x12f: {  	[sflag:s20] =	ssyncset.done $0x0;
	(pc) =	sbr.rel @p1 .LBB2_6-.Ltmp3, $4  }
0x130: {  	s23 =	simm.s32 $0x980;
	[sflag:s20] =	ssyncadd.s32 $0xFFFFC000  }
0x131: {  	[spmem:s2] =	stream.indirect.scatter.add.f32 [tilespmem:s16], [sflag:$0x4], $0x80, s23, s14, $0xb8;
	[tilespmem:$0x1C600] =	vst v63  }
0x132: {  	_ =	swait.ge [sflag:s22], $0x4000  }
0x133: {  	s23 =	smov.u32 s21;
	[sflag:s22] =	ssyncset.done $0x0  }
.Ltmp4:
0x134: {  	_ = 	snop;
	(pc) =	sbr.rel .LBB2_7-.Ltmp4, $1  }
0x135: {  	_ =	sdelay $0x3  }
.LBB2_2:
0x136: {  	[tilespmem:s3], [sflag:$0x5] =	stream.linear.gather [hbm4b:s19+s3], $0x500, $0x38;
	[tilespmem:$0x1C600] =	vst v63  }
0x137: {  	_ =	swait.ge [sflag:s12], $0x500  }
0x138: {  	[sflag:s12] =	ssyncset.done $0x0  }
0x139: {  	s21 =	sadd.s32 $0x0, s9;
	[sflag:s12] =	ssyncadd.s32 $0xFFFFFB00  }
0x13a: {  	[tilespmem:s13], [sflag:$0x5] =	stream.linear.gather [hbm4b:s21+s3], $0x500, $0x38;
	[tilespmem:$0x1C600] =	vst v63  }
0x13b: {  	_ =	swait.ge [sflag:s12], $0x500  }
0x13c: {  	[sflag:s12] =	ssyncset.done $0x0  }
0x13d: {  	[sflag:s12] =	ssyncadd.s32 $0xFFFFFB00  }
0x13e: {  	[tilespmem:s15], [sflag:$0x1] =	stream.indirect.gather [hbm4b:s4+s14], $0x80, s3, s14, $0xb8;
	[tilespmem:$0x1C600] =	vst v63  }
0x13f: {  	_ = 	snop  }
0x140: {  	[tilespmem:s16], [sflag:$0x2] =	stream.indirect.gather [hbm4b:s4+s14], $0x80, s14, s14, $0xb8;
	[tilespmem:$0x1C600] =	vst v63  }
0x141: {  	_ =	swait.ge [sflag:s17], $0x4000  }
0x142: {  	[sflag:s17] =	ssyncset.done $0x0  }
0x143: {  	[sflag:s17] =	ssyncadd.s32 $0xFFFFC000  }
0x144: {  	[spmem:s2] =	stream.indirect.scatter.add.f32 [tilespmem:s15], [sflag:$0x3], $0x80, s13, s14, $0xb8;
	[tilespmem:$0x1C600] =	vst v63  }
0x145: {  	_ =	swait.ge [sflag:s18], $0x4000  }
0x146: {  	[sflag:s18] =	ssyncset.done $0x0  }
0x147: {  	[sflag:s18] =	ssyncadd.s32 $0xFFFFC000  }
0x148: {  	[tilespmem:s15], [sflag:$0x1] =	stream.indirect.gather [hbm4b:s4+s14], $0x80, s24, s14, $0xb8;
	[tilespmem:$0x1C600] =	vst v63  }
0x149: {  	_ =	swait.ge [sflag:s20], $0x4000  }
0x14a: {  	[sflag:s20] =	ssyncset.done $0x0  }
0x14b: {  	[sflag:s20] =	ssyncadd.s32 $0xFFFFC000  }
0x14c: {  	[spmem:s2] =	stream.indirect.scatter.add.f32 [tilespmem:s16], [sflag:$0x4], $0x80, s25, s14, $0xb8;
	[tilespmem:$0x1C600] =	vst v63  }
0x14d: {  	_ =	swait.ge [sflag:s22], $0x4000  }
0x14e: {  	[sflag:s22] =	ssyncset.done $0x0  }
0x14f: {  	s26 =	simm.s32 $0x180;
	[sflag:s22] =	ssyncadd.s32 $0xFFFFC000  }
0x150: {  	[tilespmem:s16], [sflag:$0x2] =	stream.indirect.gather [hbm4b:s4+s14], $0x80, s26, s14, $0xb8;
	[tilespmem:$0x1C600] =	vst v63  }
0x151: {  	_ =	swait.ge [sflag:s17], $0x4000  }
0x152: {  	[sflag:s17] =	ssyncset.done $0x0  }
0x153: {  	s28 =	simm.s32 $0x600;
	[sflag:s17] =	ssyncadd.s32 $0xFFFFC000  }
0x154: {  	[spmem:s2] =	stream.indirect.scatter.add.f32 [tilespmem:s15], [sflag:$0x3], $0x80, s28, s14, $0xb8;
	[tilespmem:$0x1C600] =	vst v63  }
0x155: {  	_ =	swait.ge [sflag:s18], $0x4000  }
0x156: {  	[sflag:s18] =	ssyncset.done $0x0  }
0x157: {  	s29 =	simm.s32 $0x200;
	[sflag:s18] =	ssyncadd.s32 $0xFFFFC000  }
0x158: {  	[tilespmem:s15], [sflag:$0x1] =	stream.indirect.gather [hbm4b:s4+s14], $0x80, s29, s14, $0xb8;
	[tilespmem:$0x1C600] =	vst v63  }
0x159: {  	_ =	swait.ge [sflag:s20], $0x4000  }
0x15a: {  	[sflag:s20] =	ssyncset.done $0x0  }
0x15b: {  	s30 =	simm.s32 $0x680;
	[sflag:s20] =	ssyncadd.s32 $0xFFFFC000  }
0x15c: {  	[spmem:s2] =	stream.indirect.scatter.add.f32 [tilespmem:s16], [sflag:$0x4], $0x80, s30, s14, $0xb8;
	[tilespmem:$0x1C600] =	vst v63  }
0x15d: {  	_ =	swait.ge [sflag:s22], $0x4000  }
0x15e: {  	[sflag:s22] =	ssyncset.done $0x0  }
0x15f: {  	s31 =	simm.s32 $0x280;
	[sflag:s22] =	ssyncadd.s32 $0xFFFFC000  }
0x160: {  	[tilespmem:s16], [sflag:$0x2] =	stream.indirect.gather [hbm4b:s4+s14], $0x80, s31, s14, $0xb8;
	[tilespmem:$0x1C600] =	vst v63  }
0x161: {  	_ =	swait.ge [sflag:s17], $0x4000  }
0x162: {  	[sflag:s17] =	ssyncset.done $0x0  }
0x163: {  	s1 =	simm.s32 $0x700;
	[sflag:s17] =	ssyncadd.s32 $0xFFFFC000  }
0x164: {  	[spmem:s2] =	stream.indirect.scatter.add.f32 [tilespmem:s15], [sflag:$0x3], $0x80, s1, s14, $0xb8;
	[tilespmem:$0x1C600] =	vst v63  }
0x165: {  	_ =	swait.ge [sflag:s18], $0x4000  }
0x166: {  	[sflag:s18] =	ssyncset.done $0x0  }
0x167: {  	s0 =	simm.s32 $0x300;
	[sflag:s18] =	ssyncadd.s32 $0xFFFFC000  }
0x168: {  	[tilespmem:s15], [sflag:$0x1] =	stream.indirect.gather [hbm4b:s4+s14], $0x80, s0, s14, $0xb8;
	[tilespmem:$0x1C600] =	vst v63  }
0x169: {  	_ =	swait.ge [sflag:s20], $0x4000  }
0x16a: {  	[sflag:s20] =	ssyncset.done $0x0  }
0x16b: {  	s5 =	simm.s32 $0x780;
	[sflag:s20] =	ssyncadd.s32 $0xFFFFC000  }
0x16c: {  	[spmem:s2] =	stream.indirect.scatter.add.f32 [tilespmem:s16], [sflag:$0x4], $0x80, s5, s14, $0xb8;
	[tilespmem:$0x1C600] =	vst v63  }
0x16d: {  	_ =	swait.ge [sflag:s22], $0x4000  }
0x16e: {  	[sflag:s22] =	ssyncset.done $0x0  }
0x16f: {  	s7 =	simm.s32 $0x380;
	[sflag:s22] =	ssyncadd.s32 $0xFFFFC000  }
0x170: {  	[tilespmem:s16], [sflag:$0x2] =	stream.indirect.gather [hbm4b:s4+s14], $0x80, s7, s14, $0xb8;
	[tilespmem:$0x1C600] =	vst v63  }
0x171: {  	_ =	swait.ge [sflag:s17], $0x4000  }
0x172: {  	[sflag:s17] =	ssyncset.done $0x0  }
0x173: {  	s8 =	simm.s32 $0x800;
	[sflag:s17] =	ssyncadd.s32 $0xFFFFC000  }
0x174: {  	[spmem:s2] =	stream.indirect.scatter.add.f32 [tilespmem:s15], [sflag:$0x3], $0x80, s8, s14, $0xb8;
	[tilespmem:$0x1C600] =	vst v63  }
0x175: {  	_ =	swait.ge [sflag:s18], $0x4000  }
0x176: {  	[sflag:s18] =	ssyncset.done $0x0  }
0x177: {  	s6 =	simm.s32 $0x400;
	[sflag:s18] =	ssyncadd.s32 $0xFFFFC000  }
0x178: {  	[tilespmem:s15], [sflag:$0x1] =	stream.indirect.gather [hbm4b:s4+s14], $0x80, s6, s14, $0xb8;
	[tilespmem:$0x1C600] =	vst v63  }
0x179: {  	_ =	swait.ge [sflag:s20], $0x4000  }
0x17a: {  	[sflag:s20] =	ssyncset.done $0x0  }
0x17b: {  	s11 =	simm.s32 $0x880;
	[sflag:s20] =	ssyncadd.s32 $0xFFFFC000  }
0x17c: {  	[spmem:s2] =	stream.indirect.scatter.add.f32 [tilespmem:s16], [sflag:$0x4], $0x80, s11, s14, $0xb8;
	[tilespmem:$0x1C600] =	vst v63  }
0x17d: {  	_ =	swait.ge [sflag:s22], $0x4000  }
0x17e: {  	[sflag:s22] =	ssyncset.done $0x0  }
0x17f: {  	s23 =	simm.s32 $0x480;
	[sflag:s22] =	ssyncadd.s32 $0xFFFFC000  }
0x180: {  	[tilespmem:s16], [sflag:$0x2] =	stream.indirect.gather [hbm4b:s4+s14], $0x80, s23, s14, $0xb8;
	[tilespmem:$0x1C600] =	vst v63  }
0x181: {  	_ =	swait.ge [sflag:s17], $0x4000  }
0x182: {  	[sflag:s17] =	ssyncset.done $0x0  }
0x183: {  	s24 =	simm.s32 $0x900;
	[sflag:s17] =	ssyncadd.s32 $0xFFFFC000  }
0x184: {  	[spmem:s2] =	stream.indirect.scatter.add.f32 [tilespmem:s15], [sflag:$0x3], $0x80, s24, s14, $0xb8;
	[tilespmem:$0x1C600] =	vst v63  }
0x185: {  	_ =	swait.ge [sflag:s18], $0x4000  }
0x186: {  	[sflag:s18] =	ssyncset.done $0x0  }
0x187: {  	[sflag:s18] =	ssyncadd.s32 $0xFFFFC000  }
0x188: {  	_ =	swait.ge [sflag:s20], $0x4000  }
0x189: {  	[sflag:s20] =	ssyncset.done $0x0  }
0x18a: {  	s25 =	simm.s32 $0x980;
	[sflag:s20] =	ssyncadd.s32 $0xFFFFC000  }
0x18b: {  	[spmem:s2] =	stream.indirect.scatter.add.f32 [tilespmem:s16], [sflag:$0x4], $0x80, s25, s14, $0xb8;
	[tilespmem:$0x1C600] =	vst v63  }
0x18c: {  	_ =	swait.ge [sflag:s22], $0x4000  }
0x18d: {  	s19 =	simm.s32 $0xA0;
	s21 =	simm.s32 $0x140;
	[sflag:s22] =	ssyncset.done $0x0  }
.LBB2_3:
0x18e: {  	s24 =	sadd.s32 s19, s10  }
0x18f: {  	[sflag:s22] =	ssyncadd.s32 $0xFFFFC000;
	s25 =	smov.u32 s21;
	s23 =	sadd.s32 $0xA0, s21  }
0x190: {  	[tilespmem:s3], [sflag:$0x5] =	stream.linear.gather [hbm4b:s24+s3], $0x500, $0x38;
	[tilespmem:$0x1C600] =	vst v63  }
0x191: {  	s24 =	simm.s32 $0x100  }
0x192: {  	p1 =	seq.s32 s21, $0x6E0;
	_ =	swait.ge [sflag:s12], $0x500  }
0x193: {  	s21 =	sadd.s32 s19, s9;
	[sflag:s12] =	ssyncset.done $0x0  }
0x194: {  	s19 =	smov.u32 s25;
	s25 =	simm.s32 $0x580;
	[sflag:s12] =	ssyncadd.s32 $0xFFFFFB00  }
0x195: {  	[tilespmem:s13], [sflag:$0x5] =	stream.linear.gather [hbm4b:s21+s3], $0x500, $0x38;
	[tilespmem:$0x1C600] =	vst v63  }
0x196: {  	_ =	swait.ge [sflag:s12], $0x500  }
0x197: {  	[sflag:s12] =	ssyncset.done $0x0  }
0x198: {  	[sflag:s12] =	ssyncadd.s32 $0xFFFFFB00  }
0x199: {  	[tilespmem:s15], [sflag:$0x1] =	stream.indirect.gather [hbm4b:s4+s14], $0x80, s3, s14, $0xb8;
	[tilespmem:$0x1C600] =	vst v63  }
0x19a: {  	_ = 	snop  }
0x19b: {  	[tilespmem:s16], [sflag:$0x2] =	stream.indirect.gather [hbm4b:s4+s14], $0x80, s14, s14, $0xb8;
	[tilespmem:$0x1C600] =	vst v63  }
0x19c: {  	_ =	swait.ge [sflag:s17], $0x4000  }
0x19d: {  	[sflag:s17] =	ssyncset.done $0x0  }
0x19e: {  	[sflag:s17] =	ssyncadd.s32 $0xFFFFC000  }
0x19f: {  	[spmem:s2] =	stream.indirect.scatter.add.f32 [tilespmem:s15], [sflag:$0x3], $0x80, s13, s14, $0xb8;
	[tilespmem:$0x1C600] =	vst v63  }
0x1a0: {  	_ =	swait.ge [sflag:s18], $0x4000  }
0x1a1: {  	[sflag:s18] =	ssyncset.done $0x0  }
0x1a2: {  	[sflag:s18] =	ssyncadd.s32 $0xFFFFC000  }
0x1a3: {  	[tilespmem:s15], [sflag:$0x1] =	stream.indirect.gather [hbm4b:s4+s14], $0x80, s24, s14, $0xb8;
	[tilespmem:$0x1C600] =	vst v63  }
0x1a4: {  	_ =	swait.ge [sflag:s20], $0x4000  }
0x1a5: {  	[sflag:s20] =	ssyncset.done $0x0  }
0x1a6: {  	[sflag:s20] =	ssyncadd.s32 $0xFFFFC000  }
0x1a7: {  	[spmem:s2] =	stream.indirect.scatter.add.f32 [tilespmem:s16], [sflag:$0x4], $0x80, s25, s14, $0xb8;
	[tilespmem:$0x1C600] =	vst v63  }
0x1a8: {  	_ =	swait.ge [sflag:s22], $0x4000  }
0x1a9: {  	[sflag:s22] =	ssyncset.done $0x0  }
0x1aa: {  	[sflag:s22] =	ssyncadd.s32 $0xFFFFC000  }
0x1ab: {  	[tilespmem:s16], [sflag:$0x2] =	stream.indirect.gather [hbm4b:s4+s14], $0x80, s26, s14, $0xb8;
	[tilespmem:$0x1C600] =	vst v63  }
0x1ac: {  	_ =	swait.ge [sflag:s17], $0x4000  }
0x1ad: {  	[sflag:s17] =	ssyncset.done $0x0  }
0x1ae: {  	[sflag:s17] =	ssyncadd.s32 $0xFFFFC000  }
0x1af: {  	[spmem:s2] =	stream.indirect.scatter.add.f32 [tilespmem:s15], [sflag:$0x3], $0x80, s28, s14, $0xb8;
	[tilespmem:$0x1C600] =	vst v63  }
0x1b0: {  	_ =	swait.ge [sflag:s18], $0x4000  }
0x1b1: {  	[sflag:s18] =	ssyncset.done $0x0  }
0x1b2: {  	[sflag:s18] =	ssyncadd.s32 $0xFFFFC000  }
0x1b3: {  	[tilespmem:s15], [sflag:$0x1] =	stream.indirect.gather [hbm4b:s4+s14], $0x80, s29, s14, $0xb8;
	[tilespmem:$0x1C600] =	vst v63  }
0x1b4: {  	_ =	swait.ge [sflag:s20], $0x4000  }
0x1b5: {  	[sflag:s20] =	ssyncset.done $0x0  }
0x1b6: {  	[sflag:s20] =	ssyncadd.s32 $0xFFFFC000  }
0x1b7: {  	[spmem:s2] =	stream.indirect.scatter.add.f32 [tilespmem:s16], [sflag:$0x4], $0x80, s30, s14, $0xb8;
	[tilespmem:$0x1C600] =	vst v63  }
0x1b8: {  	_ =	swait.ge [sflag:s22], $0x4000  }
0x1b9: {  	[sflag:s22] =	ssyncset.done $0x0  }
0x1ba: {  	[sflag:s22] =	ssyncadd.s32 $0xFFFFC000  }
0x1bb: {  	[tilespmem:s16], [sflag:$0x2] =	stream.indirect.gather [hbm4b:s4+s14], $0x80, s31, s14, $0xb8;
	[tilespmem:$0x1C600] =	vst v63  }
0x1bc: {  	_ =	swait.ge [sflag:s17], $0x4000  }
0x1bd: {  	[sflag:s17] =	ssyncset.done $0x0  }
0x1be: {  	[sflag:s17] =	ssyncadd.s32 $0xFFFFC000  }
0x1bf: {  	[spmem:s2] =	stream.indirect.scatter.add.f32 [tilespmem:s15], [sflag:$0x3], $0x80, s1, s14, $0xb8;
	[tilespmem:$0x1C600] =	vst v63  }
0x1c0: {  	_ =	swait.ge [sflag:s18], $0x4000  }
0x1c1: {  	[sflag:s18] =	ssyncset.done $0x0  }
0x1c2: {  	[sflag:s18] =	ssyncadd.s32 $0xFFFFC000  }
0x1c3: {  	[tilespmem:s15], [sflag:$0x1] =	stream.indirect.gather [hbm4b:s4+s14], $0x80, s0, s14, $0xb8;
	[tilespmem:$0x1C600] =	vst v63  }
0x1c4: {  	_ =	swait.ge [sflag:s20], $0x4000  }
0x1c5: {  	[sflag:s20] =	ssyncset.done $0x0  }
0x1c6: {  	[sflag:s20] =	ssyncadd.s32 $0xFFFFC000  }
0x1c7: {  	[spmem:s2] =	stream.indirect.scatter.add.f32 [tilespmem:s16], [sflag:$0x4], $0x80, s5, s14, $0xb8;
	[tilespmem:$0x1C600] =	vst v63  }
0x1c8: {  	_ =	swait.ge [sflag:s22], $0x4000  }
0x1c9: {  	[sflag:s22] =	ssyncset.done $0x0  }
0x1ca: {  	[sflag:s22] =	ssyncadd.s32 $0xFFFFC000  }
0x1cb: {  	[tilespmem:s16], [sflag:$0x2] =	stream.indirect.gather [hbm4b:s4+s14], $0x80, s7, s14, $0xb8;
	[tilespmem:$0x1C600] =	vst v63  }
0x1cc: {  	_ =	swait.ge [sflag:s17], $0x4000  }
0x1cd: {  	[sflag:s17] =	ssyncset.done $0x0  }
0x1ce: {  	[sflag:s17] =	ssyncadd.s32 $0xFFFFC000  }
0x1cf: {  	[spmem:s2] =	stream.indirect.scatter.add.f32 [tilespmem:s15], [sflag:$0x3], $0x80, s8, s14, $0xb8;
	[tilespmem:$0x1C600] =	vst v63  }
0x1d0: {  	_ =	swait.ge [sflag:s18], $0x4000  }
0x1d1: {  	[sflag:s18] =	ssyncset.done $0x0  }
0x1d2: {  	[sflag:s18] =	ssyncadd.s32 $0xFFFFC000  }
0x1d3: {  	[tilespmem:s15], [sflag:$0x1] =	stream.indirect.gather [hbm4b:s4+s14], $0x80, s6, s14, $0xb8;
	[tilespmem:$0x1C600] =	vst v63  }
0x1d4: {  	_ =	swait.ge [sflag:s20], $0x4000  }
0x1d5: {  	[sflag:s20] =	ssyncset.done $0x0  }
0x1d6: {  	[sflag:s20] =	ssyncadd.s32 $0xFFFFC000  }
0x1d7: {  	[spmem:s2] =	stream.indirect.scatter.add.f32 [tilespmem:s16], [sflag:$0x4], $0x80, s11, s14, $0xb8;
	[tilespmem:$0x1C600] =	vst v63  }
0x1d8: {  	_ =	swait.ge [sflag:s22], $0x4000  }
0x1d9: {  	[sflag:s22] =	ssyncset.done $0x0  }
0x1da: {  	s21 =	simm.s32 $0x480;
	[sflag:s22] =	ssyncadd.s32 $0xFFFFC000  }
0x1db: {  	[tilespmem:s16], [sflag:$0x2] =	stream.indirect.gather [hbm4b:s4+s14], $0x80, s21, s14, $0xb8;
	[tilespmem:$0x1C600] =	vst v63  }
0x1dc: {  	_ =	swait.ge [sflag:s17], $0x4000  }
0x1dd: {  	[sflag:s17] =	ssyncset.done $0x0  }
0x1de: {  	s21 =	simm.s32 $0x900;
	[sflag:s17] =	ssyncadd.s32 $0xFFFFC000  }
0x1df: {  	[spmem:s2] =	stream.indirect.scatter.add.f32 [tilespmem:s15], [sflag:$0x3], $0x80, s21, s14, $0xb8;
	[tilespmem:$0x1C600] =	vst v63  }
0x1e0: {  	_ =	swait.ge [sflag:s18], $0x4000  }
0x1e1: {  	[sflag:s18] =	ssyncset.done $0x0  }
0x1e2: {  	[sflag:s18] =	ssyncadd.s32 $0xFFFFC000  }
0x1e3: {  	_ =	swait.ge [sflag:s20], $0x4000  }
.Ltmp5:
0x1e4: {  	[sflag:s20] =	ssyncset.done $0x0;
	(pc) =	sbr.rel @!p1 .LBB2_3-.Ltmp5, $4  }
0x1e5: {  	s21 =	simm.s32 $0x980;
	[sflag:s20] =	ssyncadd.s32 $0xFFFFC000  }
0x1e6: {  	[spmem:s2] =	stream.indirect.scatter.add.f32 [tilespmem:s16], [sflag:$0x4], $0x80, s21, s14, $0xb8;
	[tilespmem:$0x1C600] =	vst v63  }
0x1e7: {  	_ =	swait.ge [sflag:s22], $0x4000  }
0x1e8: {  	s21 =	smov.u32 s23;
	[sflag:s22] =	ssyncset.done $0x0  }
0x1e9: {  	s21 =	sadd.s32 s19, s10;
	[sflag:s22] =	ssyncadd.s32 $0xFFFFC000  }
0x1ea: {  	[tilespmem:s3], [sflag:$0x5] =	stream.linear.gather [hbm4b:s21+s3], $0x500, $0x38;
	[tilespmem:$0x1C600] =	vst v63  }
0x1eb: {  	_ =	swait.ge [sflag:s12], $0x500  }
0x1ec: {  	[sflag:s12] =	ssyncset.done $0x0  }
0x1ed: {  	s23 =	sadd.s32 s19, s9;
	[sflag:s12] =	ssyncadd.s32 $0xFFFFFB00  }
0x1ee: {  	[tilespmem:s13], [sflag:$0x5] =	stream.linear.gather [hbm4b:s23+s3], $0x500, $0x38;
	[tilespmem:$0x1C600] =	vst v63  }
0x1ef: {  	_ =	swait.ge [sflag:s12], $0x500  }
0x1f0: {  	[sflag:s12] =	ssyncset.done $0x0  }
0x1f1: {  	[sflag:s12] =	ssyncadd.s32 $0xFFFFFB00  }
0x1f2: {  	[tilespmem:s15], [sflag:$0x1] =	stream.indirect.gather [hbm4b:s4+s14], $0x80, s3, s14, $0xb8;
	[tilespmem:$0x1C600] =	vst v63  }
0x1f3: {  	_ = 	snop  }
0x1f4: {  	[tilespmem:s16], [sflag:$0x2] =	stream.indirect.gather [hbm4b:s4+s14], $0x80, s14, s14, $0xb8;
	[tilespmem:$0x1C600] =	vst v63  }
0x1f5: {  	_ =	swait.ge [sflag:s17], $0x4000  }
0x1f6: {  	[sflag:s17] =	ssyncset.done $0x0  }
0x1f7: {  	[sflag:s17] =	ssyncadd.s32 $0xFFFFC000  }
0x1f8: {  	[spmem:s2] =	stream.indirect.scatter.add.f32 [tilespmem:s15], [sflag:$0x3], $0x80, s13, s14, $0xb8;
	[tilespmem:$0x1C600] =	vst v63  }
0x1f9: {  	_ =	swait.ge [sflag:s18], $0x4000  }
0x1fa: {  	[sflag:s18] =	ssyncset.done $0x0  }
0x1fb: {  	[sflag:s18] =	ssyncadd.s32 $0xFFFFC000  }
0x1fc: {  	[tilespmem:s15], [sflag:$0x1] =	stream.indirect.gather [hbm4b:s4+s14], $0x80, s24, s14, $0xb8;
	[tilespmem:$0x1C600] =	vst v63  }
0x1fd: {  	_ =	swait.ge [sflag:s20], $0x4000  }
0x1fe: {  	[sflag:s20] =	ssyncset.done $0x0  }
0x1ff: {  	[sflag:s20] =	ssyncadd.s32 $0xFFFFC000  }
0x200: {  	[spmem:s2] =	stream.indirect.scatter.add.f32 [tilespmem:s16], [sflag:$0x4], $0x80, s25, s14, $0xb8;
	[tilespmem:$0x1C600] =	vst v63  }
0x201: {  	_ =	swait.ge [sflag:s22], $0x4000  }
0x202: {  	[sflag:s22] =	ssyncset.done $0x0  }
0x203: {  	[sflag:s22] =	ssyncadd.s32 $0xFFFFC000  }
0x204: {  	[tilespmem:s16], [sflag:$0x2] =	stream.indirect.gather [hbm4b:s4+s14], $0x80, s26, s14, $0xb8;
	[tilespmem:$0x1C600] =	vst v63  }
0x205: {  	_ =	swait.ge [sflag:s17], $0x4000  }
0x206: {  	[sflag:s17] =	ssyncset.done $0x0  }
0x207: {  	[sflag:s17] =	ssyncadd.s32 $0xFFFFC000  }
0x208: {  	[spmem:s2] =	stream.indirect.scatter.add.f32 [tilespmem:s15], [sflag:$0x3], $0x80, s28, s14, $0xb8;
	[tilespmem:$0x1C600] =	vst v63  }
0x209: {  	_ =	swait.ge [sflag:s18], $0x4000  }
0x20a: {  	[sflag:s18] =	ssyncset.done $0x0  }
0x20b: {  	[sflag:s18] =	ssyncadd.s32 $0xFFFFC000  }
0x20c: {  	[tilespmem:s15], [sflag:$0x1] =	stream.indirect.gather [hbm4b:s4+s14], $0x80, s29, s14, $0xb8;
	[tilespmem:$0x1C600] =	vst v63  }
0x20d: {  	_ =	swait.ge [sflag:s20], $0x4000  }
0x20e: {  	[sflag:s20] =	ssyncset.done $0x0  }
0x20f: {  	[sflag:s20] =	ssyncadd.s32 $0xFFFFC000  }
0x210: {  	[spmem:s2] =	stream.indirect.scatter.add.f32 [tilespmem:s16], [sflag:$0x4], $0x80, s30, s14, $0xb8;
	[tilespmem:$0x1C600] =	vst v63  }
0x211: {  	_ =	swait.ge [sflag:s22], $0x4000  }
0x212: {  	[sflag:s22] =	ssyncset.done $0x0  }
0x213: {  	[sflag:s22] =	ssyncadd.s32 $0xFFFFC000  }
0x214: {  	[tilespmem:s16], [sflag:$0x2] =	stream.indirect.gather [hbm4b:s4+s14], $0x80, s31, s14, $0xb8;
	[tilespmem:$0x1C600] =	vst v63  }
0x215: {  	_ =	swait.ge [sflag:s17], $0x4000  }
0x216: {  	[sflag:s17] =	ssyncset.done $0x0  }
0x217: {  	[sflag:s17] =	ssyncadd.s32 $0xFFFFC000  }
0x218: {  	[spmem:s2] =	stream.indirect.scatter.add.f32 [tilespmem:s15], [sflag:$0x3], $0x80, s1, s14, $0xb8;
	[tilespmem:$0x1C600] =	vst v63  }
0x219: {  	_ =	swait.ge [sflag:s18], $0x4000  }
0x21a: {  	[sflag:s18] =	ssyncset.done $0x0  }
0x21b: {  	[sflag:s18] =	ssyncadd.s32 $0xFFFFC000  }
0x21c: {  	[tilespmem:s15], [sflag:$0x1] =	stream.indirect.gather [hbm4b:s4+s14], $0x80, s0, s14, $0xb8;
	[tilespmem:$0x1C600] =	vst v63  }
0x21d: {  	_ =	swait.ge [sflag:s20], $0x4000  }
0x21e: {  	[sflag:s20] =	ssyncset.done $0x0  }
0x21f: {  	[sflag:s20] =	ssyncadd.s32 $0xFFFFC000  }
0x220: {  	[spmem:s2] =	stream.indirect.scatter.add.f32 [tilespmem:s16], [sflag:$0x4], $0x80, s5, s14, $0xb8;
	[tilespmem:$0x1C600] =	vst v63  }
0x221: {  	_ =	swait.ge [sflag:s22], $0x4000  }
0x222: {  	[sflag:s22] =	ssyncset.done $0x0  }
0x223: {  	[sflag:s22] =	ssyncadd.s32 $0xFFFFC000  }
0x224: {  	[tilespmem:s16], [sflag:$0x2] =	stream.indirect.gather [hbm4b:s4+s14], $0x80, s7, s14, $0xb8;
	[tilespmem:$0x1C600] =	vst v63  }
0x225: {  	_ =	swait.ge [sflag:s17], $0x4000  }
0x226: {  	[sflag:s17] =	ssyncset.done $0x0  }
0x227: {  	[sflag:s17] =	ssyncadd.s32 $0xFFFFC000  }
0x228: {  	[spmem:s2] =	stream.indirect.scatter.add.f32 [tilespmem:s15], [sflag:$0x3], $0x80, s8, s14, $0xb8;
	[tilespmem:$0x1C600] =	vst v63  }
0x229: {  	_ =	swait.ge [sflag:s18], $0x4000  }
0x22a: {  	[sflag:s18] =	ssyncset.done $0x0  }
0x22b: {  	[sflag:s18] =	ssyncadd.s32 $0xFFFFC000  }
0x22c: {  	[tilespmem:s15], [sflag:$0x1] =	stream.indirect.gather [hbm4b:s4+s14], $0x80, s6, s14, $0xb8;
	[tilespmem:$0x1C600] =	vst v63  }
0x22d: {  	_ =	swait.ge [sflag:s20], $0x4000  }
0x22e: {  	[sflag:s20] =	ssyncset.done $0x0  }
0x22f: {  	[sflag:s20] =	ssyncadd.s32 $0xFFFFC000  }
0x230: {  	[spmem:s2] =	stream.indirect.scatter.add.f32 [tilespmem:s16], [sflag:$0x4], $0x80, s11, s14, $0xb8;
	[tilespmem:$0x1C600] =	vst v63  }
0x231: {  	_ =	swait.ge [sflag:s22], $0x4000  }
0x232: {  	[sflag:s22] =	ssyncset.done $0x0  }
0x233: {  	s29 =	simm.s32 $0x480;
	[sflag:s22] =	ssyncadd.s32 $0xFFFFC000  }
0x234: {  	[tilespmem:s16], [sflag:$0x2] =	stream.indirect.gather [hbm4b:s4+s14], $0x80, s29, s14, $0xb8;
	[tilespmem:$0x1C600] =	vst v63  }
0x235: {  	_ =	swait.ge [sflag:s17], $0x4000  }
0x236: {  	[sflag:s17] =	ssyncset.done $0x0  }
0x237: {  	s30 =	simm.s32 $0x900;
	[sflag:s17] =	ssyncadd.s32 $0xFFFFC000  }
0x238: {  	[spmem:s2] =	stream.indirect.scatter.add.f32 [tilespmem:s15], [sflag:$0x3], $0x80, s30, s14, $0xb8;
	[tilespmem:$0x1C600] =	vst v63  }
0x239: {  	_ =	swait.ge [sflag:s18], $0x4000  }
0x23a: {  	[sflag:s18] =	ssyncset.done $0x0  }
0x23b: {  	[sflag:s18] =	ssyncadd.s32 $0xFFFFC000  }
0x23c: {  	_ =	swait.ge [sflag:s20], $0x4000  }
0x23d: {  	[sflag:s20] =	ssyncset.done $0x0  }
.Ltmp6:
0x23e: {  	s31 =	simm.s32 $0x980;
	[sflag:s20] =	ssyncadd.s32 $0xFFFFC000;
	(pc) =	sbr.rel .LBB2_8-.Ltmp6, $4  }
0x23f: {  	[spmem:s2] =	stream.indirect.scatter.add.f32 [tilespmem:s16], [sflag:$0x4], $0x80, s31, s14, $0xb8;
	[tilespmem:$0x1C600] =	vst v63  }
0x240: {  	_ =	swait.ge [sflag:s22], $0x4000  }
0x241: {  	[sflag:s22] =	ssyncset.done $0x0  }
0x242: {  	s0 =	rddreg [dreg:$0x8];
	[sflag:s22] =	ssyncadd.s32 $0xFFFFC000  }
.LBB2_9:
0x243: {  	_ =	sfence.sel $0x180000  }
0x244: {  	[bflag:$0x0] =	sbarrier.arrive $0xFFFF  }
0x245: {  	_ =	strace $0x9000004A  }
0x246: {  	s0 =	stileid.u32;
	[bflag:$0x2] =	sbarrier.arrive $0xFFFF  }
0x247: {  	p0 =	sne.s32 s0, $0x0;
	s0 =	rddreg [dreg:$0x2]  }
0x248: {  	s0 =	sadd.s32 @!p0 $0x100000, s0  }
0x249: {  	[sflag:s0] =	ssyncadd.tile.s32 @!p0 $0x1;
	_ =	shalt  }
.Lfunc_end2:
_tile_overlayer_lowered:
.L_overlay_start_2:
0x24a: {  	(tag) =	ssettag $0x2  }
0x24b: {  	s0 =	rddreg [dreg:$0x0];
	s2 =	stileid.u32  }
0x24c: {  	s1 =	rddreg [dreg:$0x1];
	p0 =	sne.s32 s2, $0x0  }
0x24d: {  	s3 =	rddreg [dreg:$0x2];
	[bflag:$0x3] =	sbarrier.arrive $0xFFFF;
	s2 =	simm.s32 @!p0 $0x1C05  }
0x24e: {  	[timem:s3], [sflag:s2] =	dma.local @!p0 [hbm:s0], s1  }
0x24f: {  	s0 =	simm.s32 @!p0 $0x5  }
0x250: {  	_ =	swait.ge @!p0 [sflag:s0], s1  }
0x251: {  	s1 =	ssub.s32 @!p0 $0x0, s1;
	[sflag:s0] =	ssyncset.done @!p0 $0x0  }
0x252: {  	[sflag:s0] =	ssyncadd.s32 @!p0 s1  }
0x253: {  	[bflag:$0x3] =	sbarrier.arrive $0xFFFF  }
0x254: {  	_ =	shalt  }

// kernel: kernel.17.cloned.1.call-start
scs
__scs_entry_jumppad:
0x0: {  	(pc) =	sbr.rel $0x88, $3  }
0x1: {  	(tag) =	ssettag $0x0;
	lr =	simm.s32 $0x1  }
0x2: {  	[smem:$0x3F9C] =	sst lr;
	_ =	strace $0xD0000000  }
0x3: {  	_ = 	snop  }
0x4: {  	_ = 	snop  }
0x5: {  	_ = 	snop  }
0x6: {  	_ = 	snop  }
0x7: {  	_ = 	snop  }
__scs_overlays_trampoline_lowered:
0x8: {  	[smem:$0x3FAB] =	sst s0  }
0x9: {  	[smem:$0x3FAC] =	sst s1  }
0xa: {  	[smem:$0x3FAD] =	sst s2  }
0xb: {  	[smem:$0x3FAE] =	sst s3  }
0xc: {  	[smem:$0x3FAF] =	sst s4  }
0xd: {  	[smem:$0x3FB0] =	sst s5  }
0xe: {  	[smem:$0x3FB1] =	sst s6  }
0xf: {  	[smem:$0x3FB2] =	sst s7  }
0x10: {  	[smem:$0x3FB3] =	sst s8  }
0x11: {  	[smem:$0x3FB4] =	sst s9;
	s0 =	simm.s32 @!p0 $0x0  }
0x12: {  	s1 =	sld [smem:$0x3F9A];
	s0 =	simm.s32 @p0 $0x1  }
0x13: {  	[smem:$0x3FB5] =	sst s0;
	s0 =	simm.s32 @!p1 $0x0  }
0x14: {  	s2 =	sld [smem:$0x3F99];
	s0 =	simm.s32 @p1 $0x1  }
0x15: {  	[smem:$0x3FB6] =	sst s0;
	s0 =	simm.s32 @!p2 $0x0  }
0x16: {  	s3 =	sld [smem:$0x3FDB];
	s0 =	simm.s32 @p2 $0x1  }
0x17: {  	s4 =	simm.s32 $0x1BF5;
	[smem:$0x3FB8] =	sst s0  }
0x18: {  	s0 =	sld [smem:$0x3F9B];
	_ =	swait.ge [sflag:s4], $0x0  }
0x19: {  	s7 =	sld [smem:$0x3F9C]  }
0x1a: {  	s8 =	sadd.s32 $0xFFFFE003, lr  }
0x1b: {  	s9 =	sadd.s32 $0xFFFFFEF7, lr;
	s5 =	simm.s32 $0xFFFFFFFF;
	p2 =	slt.u32 s8, $0xFFFFF086  }
0x1c: {  	p1 =	slt.u32 s9, $0xF7A;
	s5 =	simm.s32 @!p2 $0x0  }
0x1d: {  	s5 =	simm.s32 @p1 $0x1;
	p0 =	seq.s32 s7, s2  }
0x1e: {  	s7 =	smul.u32 @!p0 $0xF7A, s2;
	p2 =	seq.s32 @!p0 s5, $0x0  }
0x1f: {  	s9 =	smul.u32 $0xF7A, s1;
	s8 =	simm.s32 @!p0 $0x1BF5;
	p2 =	por !p2, p0  }
0x20: {  	[sflag:s8] =	ssyncset.s32 @!p0 $0xFFFFF086;
	s6 =	sadd.s32 @!p0 s3, s7;
	s7 =	simm.s32 @!p0 $0x108  }
0x21: {  	s3 =	sadd.s32 s3, s9;
	s6 =	sadd.s32 @!p0 $0x88, s6;
	s7 =	simm.s32 @p2 $0x1082  }
0x22: {  	[simem:s7], [sflag:s8] =	dma.local @!p0 [hbm:s6], $0xF7A  }
0x23: {  	s9 =	sor.u32 $0xD0000000, s2;
	s6 =	simm.s32 $0x108;
	_ =	swait.ge @!p0 [sflag:s8], $0x0  }
0x24: {  	s3 =	sadd.s32 $0x88, s3;
	s6 =	simm.s32 @!p1 $0x1082;
	[sflag:s4] =	ssyncset.s32 $0xFFFFF086  }
0x25: {  	[simem:s6], [sflag:s4] =	dma.local [hbm:s3], $0xF7A  }
0x26: {  	[smem:$0x3F9C] =	sst s1;
	(tag) =	ssettag s2;
	_ =	strace s9  }
0x27: {  	s1 =	sld [smem:$0x3FAC]  }
0x28: {  	s2 =	sld [smem:$0x3FAD]  }
0x29: {  	s4 =	sld [smem:$0x3FAF]  }
0x2a: {  	p0 =	seq.s32 s5, $0x0;
	s5 =	sld [smem:$0x3FB0]  }
0x2b: {  	s6 =	sld [smem:$0x3FB1]  }
0x2c: {  	s7 =	sld [smem:$0x3FB2]  }
0x2d: {  	s3 =	simm.s32 $0x108;
	s8 =	sld [smem:$0x3FB3]  }
0x2e: {  	s3 =	simm.s32 @!p0 $0x1082;
	s9 =	sld [smem:$0x3FB4]  }
0x2f: {  	lr =	sadd.s32 s0, s3;
	s0 =	sld [smem:$0x3FAB]  }
0x30: {  	s3 =	sld [smem:$0x3FAE]  }
0x31: {  	[smem:$0x3FB7] =	sst s10  }
0x32: {  	s10 =	sld [smem:$0x3FB5];
	_ =	sdelay $0x3  }
0x33: {  	p0 =	seq.s32 s10, $0x1;
	s10 =	sld [smem:$0x3FB7];
	_ =	sdelay $0x3  }
0x34: {  	[smem:$0x3FB7] =	sst s10  }
0x35: {  	s10 =	sld [smem:$0x3FB6];
	_ =	sdelay $0x3  }
0x36: {  	p1 =	seq.s32 s10, $0x1;
	s10 =	sld [smem:$0x3FB7];
	_ =	sdelay $0x3  }
0x37: {  	[smem:$0x3FB7] =	sst s10  }
0x38: {  	s10 =	sld [smem:$0x3FB8]  }
0x39: {  	_ = 	snop;
	(pc) =	sbr.ind lr, $3  }
0x3a: {  	_ = 	snop  }
0x3b: {  	_ = 	snop  }
0x3c: {  	p2 =	seq.s32 s10, $0x1;
	s10 =	sld [smem:$0x3FB7]  }
0x3d: {  	_ =	shalt  }
0x3e: {  	_ =	shalt  }
0x3f: {  	_ =	shalt  }
0x40: {  	_ =	shalt  }
0x41: {  	_ =	shalt  }
0x42: {  	_ =	shalt  }
0x43: {  	_ =	shalt  }
0x44: {  	_ =	shalt  }
0x45: {  	_ =	shalt  }
0x46: {  	_ =	shalt  }
0x47: {  	_ =	shalt  }
0x48: {  	_ =	shalt  }
0x49: {  	_ =	shalt  }
0x4a: {  	_ =	shalt  }
0x4b: {  	_ =	shalt  }
0x4c: {  	_ =	shalt  }
0x4d: {  	_ =	shalt  }
0x4e: {  	_ =	shalt  }
0x4f: {  	_ =	shalt  }
0x50: {  	_ =	shalt  }
0x51: {  	_ =	shalt  }
0x52: {  	_ =	shalt  }
0x53: {  	_ =	shalt  }
0x54: {  	_ =	shalt  }
0x55: {  	_ =	shalt  }
0x56: {  	_ =	shalt  }
0x57: {  	_ =	shalt  }
0x58: {  	_ =	shalt  }
0x59: {  	_ =	shalt  }
0x5a: {  	_ =	shalt  }
0x5b: {  	_ =	shalt  }
0x5c: {  	_ =	shalt  }
0x5d: {  	_ =	shalt  }
0x5e: {  	_ =	shalt  }
0x5f: {  	_ =	shalt  }
0x60: {  	_ =	shalt  }
0x61: {  	_ =	shalt  }
0x62: {  	_ =	shalt  }
0x63: {  	_ =	shalt  }
0x64: {  	_ =	shalt  }
0x65: {  	_ =	shalt  }
0x66: {  	_ =	shalt  }
0x67: {  	_ =	shalt  }
0x68: {  	_ =	shalt  }
0x69: {  	_ =	shalt  }
0x6a: {  	_ =	shalt  }
0x6b: {  	_ =	shalt  }
0x6c: {  	_ =	shalt  }
0x6d: {  	_ =	shalt  }
0x6e: {  	_ =	shalt  }
0x6f: {  	_ =	shalt  }
0x70: {  	_ =	shalt  }
0x71: {  	_ =	shalt  }
0x72: {  	_ =	shalt  }
0x73: {  	_ =	shalt  }
0x74: {  	_ =	shalt  }
0x75: {  	_ =	shalt  }
0x76: {  	_ =	shalt  }
0x77: {  	_ =	shalt  }
0x78: {  	_ =	shalt  }
0x79: {  	_ =	shalt  }
0x7a: {  	_ =	shalt  }
0x7b: {  	_ =	shalt  }
0x7c: {  	_ =	shalt  }
0x7d: {  	_ =	shalt  }
0x7e: {  	_ =	shalt  }
0x7f: {  	_ =	shalt  }
0x80: {  	_ =	shalt  }
0x81: {  	_ =	shalt  }
0x82: {  	_ =	shalt  }
0x83: {  	_ =	shalt  }
0x84: {  	_ =	shalt  }
0x85: {  	_ =	shalt  }
0x86: {  	_ =	shalt  }
0x87: {  	_ =	shalt  }
.Lfunc_end0:
.L_simem_size_0:
called_computation.2_lowered:
.L_overlay_start_0:
0x88: {  	s2 =	sld [smem:$0x3FD9]  }
0x89: {  	s3 =	sld [smem:$0x3FFE];
	_ =	sdelay $0x1  }
0x8a: {  	s1 =	srdreg.scid  }
0x8b: {  	s0 =	sand.u32 $0x1, s1  }
0x8c: {  	s16 =	sshll.u32 s0, $0xA;
	s2 =	sadd.s32 s3, s2  }
0x8d: {  	s2 =	sadd.s32 s2, s16  }
0x8e: {  	[smem:$0x3FC3] =	sst s2  }
0x8f: {  	_ = 	snop  }
0x90: {  	(tm) =	ssettm $0x1  }
0x91: {  	s17 =	sld [smem:$0x3FFB];
	_ =	sdelay $0x3  }
0x92: {  	_ =	strace s17  }
0x93: {  	s2 =	sld [smem:$0x3FFC];
	_ =	sdelay $0x3  }
0x94: {  	_ =	strace s2  }
0x95: {  	s2 =	sld [smem:$0x3FFD];
	_ =	sdelay $0x3  }
0x96: {  	_ =	strace s2  }
0x97: {  	_ =	strace $0x8FFFFFFF  }
0x98: {  	s18 =	sld [smem:$0x3FDB];
	_ =	sdelay $0x1  }
0x99: {  	s19 =	simm.s32 $_scs_section_size  }
0x9a: {  	s4 =	simm.s32 $_size__tile_overlayer_lowered;
	s5 =	simm.s32 $_tile_overlayer_lowered  }
0x9b: {  	s22 =	simm.s32 $0x1BFF;
	s21 =	sshll.u32 s5, $0x1;
	s2 =	sadd.s32 s19, s18  }
0x9c: {  	s6 =	simm.s32 $0x0;
	s20 =	sshll.u32 s4, $0x1;
	s4 =	sadd.s32 s21, s2  }
0x9d: {  	[timem:s6], [sflag:s22] =	dma.local [hbm:s4], s20  }
0x9e: {  	_ =	swait.ge [sflag:s22], s20  }
0x9f: {  	s3 =	ssub.s32 $0x0, s20;
	[sflag:s22] =	ssyncset.done $0x0  }
0xa0: {  	[sflag:s22] =	ssyncadd.s32 s3;
	_ =	sdelay $0x1  }
0xa1: {  	s23 =	simm.s32 $0x1B8B  }
0xa2: {  	_ =	swait.ge [sflag:s23], $0x1  }
0xa3: {  	[sflag:s23] =	ssyncset.done $0x0  }
0xa4: {  	s25 =	simm.s32 $0x1B8E;
	s24 =	sld [smem:$0x3FFE];
	[sflag:s23] =	ssyncadd.s32 $0xFFFFFFFF  }
0xa5: {  	s26 =	simm.s32 $execute0_lowered;
	[smem:$0x3FD2] =	sst s25  }
0xa6: {  	s4 =	sshll.u32 s26, $0x1;
	_ =	strace $0x8000004C;
	[dreg:$0x1] =	wrdreg $0xFFFFFFFF  }
0xa7: {  	s28 =	simm.s32 $_size_execute0_lowered;
	s2 =	sadd.s32 s2, s4;
	[dreg:$0x0] =	wrdreg $0x0  }
0xa8: {  	s4 =	sshll.u32 s28, $0x1;
	[dreg:$0x2] =	wrdreg s2  }
0xa9: {  	[dreg:$0x3] =	wrdreg s4  }
0xaa: {  	[dreg:$0x4] =	wrdreg $0xC0  }
0xab: {  	_ =	task [dreg:s6], $0x5FFFF  }
0xac: {  	[dreg:$0x1] =	wrdreg $0xFFFFFFFF  }
0xad: {  	[dreg:$0x0] =	wrdreg $0x60  }
0xae: {  	[dreg:$0x2] =	wrdreg s24  }
0xaf: {  	[dreg:$0x3] =	wrdreg $0x8A000  }
0xb0: {  	[dreg:$0x4] =	wrdreg $0x9  }
0xb1: {  	_ =	task.clear_ibuf [dreg:s6], $0x5FFFF;
	_ =	strace $0x9000004C  }
0xb2: {  	s29 =	simm.s32 $0x9;
	_ =	strace $0x8000004E  }
0xb3: {  	_ =	swait.ge [sflag:s29], $0x1  }
0xb4: {  	[sflag:s29] =	ssyncadd.s32 $0xFFFFFFFF  }
0xb5: {  	_ =	strace $0x9000004E  }
0xb6: {  	_ =	sfence  }
0xb7: {  	s30 =	sld [smem:$0x0];
	_ =	sdelay $0x2  }
0xb8: {  	s31 =	sshll.u32 s1, $0xD;
	s1 =	sshrl.u32 s1, $0x2  }
0xb9: {  	s3 =	sand.u32 $0x4000, s31;
	s1 =	sadd.s32 s1, s30  }
0xba: {  	s0 =	sor.u32 s3, s0;
	s1 =	sshll.u32 s1, $0x11  }
0xbb: {  	s0 =	sor.u32 s1, s0  }
0xbc: {  	s0 =	sadd.s32 $0x8F2B, s0  }
0xbd: {  	[sflag:s0] =	ssyncadd.remote.s32 $0x1  }
0xbe: {  	_ =	sfence.sel $0xFFFF  }
0xbf: {  	[dreg:$0x0] =	wrdreg $0xFFFFFFFF;
	(pc) =	sbr.abs _section_cstart, $3  }
0xc0: {  	[dreg:$0x1] =	wrdreg $0xFFFFFFFF  }
0xc1: {  	_ =	task.clear_ibuf [dreg:s6], $0x2FFFF;
	_ =	strace $0x9FFFFFFF  }
0xc2: {  	(tm) =	ssettm $0x7FFFFFFF  }
0xc3: {  	_ =	shalt  }
tec
execute0_lowered:
.L_overlay_start_1:
0x0: {  	(tag) =	ssettag $0x1  }
0x1: {  	s0 =	srdreg.scid;
	s1 =	rddreg [dreg:$0x0]  }
0x2: {  	s11 =	stileid.u32;
	s2 =	rddreg [dreg:$0x1]  }
0x3: {  	s3 =	simm.s32 $0x0;
	s12 =	simm.s32 $0x5;
	s13 =	simm.s32 $0x500  }
0x4: {  	s14 =	simm.s32 $0x80;
	s15 =	simm.s32 $0xA00;
	s16 =	simm.s32 $0x4A00  }
0x5: {  	s17 =	simm.s32 $0x1;
	s18 =	simm.s32 $0x3;
	s24 =	simm.s32 $0x100  }
0x6: {  	s20 =	simm.s32 $0x2;
	s25 =	simm.s32 $0x580;
	s5 =	smul.u32 $0x3C00, s11  }
0x7: {  	s22 =	simm.s32 $0x4;
	s0 =	sand.u32 $0x1, s0;
	s26 =	smul.u32 $0x13C00, s11  }
0x8: {  	[smem:$0x7FF] =	sst s3;
	s29 =	sshll.u32 s11, $0x6;
	s4 =	smul.u32 $0x3C000, s0  }
0x9: {  	s7 =	smul.u32 $0x13C000, s0;
	_ =	strace $0x8000004D;
	s9 =	ssub.s32 $0x2, s0  }
0xa: {  	s21 =	sor.u32 $0x1C05, s29;
	p0 =	seq.s32 s0, $0x1;
	s8 =	sshrl.u32 s26, $0x3  }
0xb: {  	s10 =	sshrl.u32 s9, $0x1;
	[dreg:$0x4] =	wrdreg s21;
	s4 =	sadd.s32 s5, s4  }
0xc: {  	s7 =	sadd.s32 s26, s7;
	s8 =	sadd.s32 s8, s1;
	s28 =	ssub.s32 s9, s10  }
0xd: {  	s5 =	sadd.s32 s26, s2;
	s6 =	sshrl.u32 s4, $0x3;
	s4 =	sadd.s32 $0x20000, s1  }
.Ltmp0:
0xe: {  	s7 =	sshrl.u32 s7, $0x3;
	s8 =	sadd.s32 $0x47200, s8;
	(pc) =	sbr.rel .LBB2_1-.Ltmp0, $4  }
0xf: {  	s31 =	smax.u32 s28, $0x1;
	s23 =	sshrl.u32 s5, $0x3;
	[dreg:$0x3] =	wrdreg s8  }
0x10: {  	s6 =	sadd.s32 s6, s1;
	s1 =	sadd.s32 s7, s1;
	[dreg:$0x6] =	wrdreg s31  }
0x11: {  	s0 =	simm.s32 $0x0;
	[dreg:$0x7] =	wrdreg s23;
	s30 =	sadd.s32 $0x6EA00, s1  }
0x12: {  	s9 =	sadd.s32 $0x1E00, s6;
	s10 =	sadd.s32 $0x11000, s6;
	[dreg:$0x5] =	wrdreg s30  }
.LBB2_7:
0x13: {  	s21 =	sadd.s32 s19, s10;
	[sflag:s22] =	ssyncadd.s32 $0xFFFFC000  }
0x14: {  	[tilespmem:s3], [sflag:$0x5] =	stream.linear.gather [hbm4b:s21+s3], $0x500, $0x38;
	[tilespmem:$0x1C600] =	vst v63  }
0x15: {  	_ =	swait.ge [sflag:s12], $0x500  }
0x16: {  	[sflag:s12] =	ssyncset.done $0x0  }
0x17: {  	s23 =	sadd.s32 s19, s9;
	[sflag:s12] =	ssyncadd.s32 $0xFFFFFB00  }
0x18: {  	[tilespmem:s13], [sflag:$0x5] =	stream.linear.gather [hbm4b:s23+s3], $0x500, $0x38;
	[tilespmem:$0x1C600] =	vst v63  }
0x19: {  	_ =	swait.ge [sflag:s12], $0x500  }
0x1a: {  	[sflag:s12] =	ssyncset.done $0x0  }
0x1b: {  	[sflag:s12] =	ssyncadd.s32 $0xFFFFFB00  }
0x1c: {  	[tilespmem:s15], [sflag:$0x1] =	stream.indirect.gather [hbm4b:s4+s14], $0x80, s3, s14, $0xb8;
	[tilespmem:$0x1C600] =	vst v63  }
0x1d: {  	_ = 	snop  }
0x1e: {  	[tilespmem:s16], [sflag:$0x2] =	stream.indirect.gather [hbm4b:s4+s14], $0x80, s14, s14, $0xb8;
	[tilespmem:$0x1C600] =	vst v63  }
0x1f: {  	_ =	swait.ge [sflag:s17], $0x4000  }
0x20: {  	[sflag:s17] =	ssyncset.done $0x0  }
0x21: {  	[sflag:s17] =	ssyncadd.s32 $0xFFFFC000  }
0x22: {  	[spmem:s2] =	stream.indirect.scatter.add.f32 [tilespmem:s15], [sflag:$0x3], $0x80, s13, s14, $0xb8;
	[tilespmem:$0x1C600] =	vst v63  }
0x23: {  	_ =	swait.ge [sflag:s18], $0x4000  }
0x24: {  	[sflag:s18] =	ssyncset.done $0x0  }
0x25: {  	[sflag:s18] =	ssyncadd.s32 $0xFFFFC000  }
0x26: {  	[tilespmem:s15], [sflag:$0x1] =	stream.indirect.gather [hbm4b:s4+s14], $0x80, s24, s14, $0xb8;
	[tilespmem:$0x1C600] =	vst v63  }
0x27: {  	_ =	swait.ge [sflag:s20], $0x4000  }
0x28: {  	[sflag:s20] =	ssyncset.done $0x0  }
0x29: {  	[sflag:s20] =	ssyncadd.s32 $0xFFFFC000  }
0x2a: {  	[spmem:s2] =	stream.indirect.scatter.add.f32 [tilespmem:s16], [sflag:$0x4], $0x80, s25, s14, $0xb8;
	[tilespmem:$0x1C600] =	vst v63  }
0x2b: {  	_ =	swait.ge [sflag:s22], $0x4000  }
0x2c: {  	[sflag:s22] =	ssyncset.done $0x0  }
0x2d: {  	[sflag:s22] =	ssyncadd.s32 $0xFFFFC000  }
0x2e: {  	[tilespmem:s16], [sflag:$0x2] =	stream.indirect.gather [hbm4b:s4+s14], $0x80, s26, s14, $0xb8;
	[tilespmem:$0x1C600] =	vst v63  }
0x2f: {  	_ =	swait.ge [sflag:s17], $0x4000  }
0x30: {  	[sflag:s17] =	ssyncset.done $0x0  }
0x31: {  	[sflag:s17] =	ssyncadd.s32 $0xFFFFC000  }
0x32: {  	[spmem:s2] =	stream.indirect.scatter.add.f32 [tilespmem:s15], [sflag:$0x3], $0x80, s28, s14, $0xb8;
	[tilespmem:$0x1C600] =	vst v63  }
0x33: {  	_ =	swait.ge [sflag:s18], $0x4000  }
0x34: {  	[sflag:s18] =	ssyncset.done $0x0  }
0x35: {  	[sflag:s18] =	ssyncadd.s32 $0xFFFFC000  }
0x36: {  	[tilespmem:s15], [sflag:$0x1] =	stream.indirect.gather [hbm4b:s4+s14], $0x80, s29, s14, $0xb8;
	[tilespmem:$0x1C600] =	vst v63  }
0x37: {  	_ =	swait.ge [sflag:s20], $0x4000  }
0x38: {  	[sflag:s20] =	ssyncset.done $0x0  }
0x39: {  	[sflag:s20] =	ssyncadd.s32 $0xFFFFC000  }
0x3a: {  	[spmem:s2] =	stream.indirect.scatter.add.f32 [tilespmem:s16], [sflag:$0x4], $0x80, s30, s14, $0xb8;
	[tilespmem:$0x1C600] =	vst v63  }
0x3b: {  	_ =	swait.ge [sflag:s22], $0x4000  }
0x3c: {  	[sflag:s22] =	ssyncset.done $0x0  }
0x3d: {  	[sflag:s22] =	ssyncadd.s32 $0xFFFFC000  }
0x3e: {  	[tilespmem:s16], [sflag:$0x2] =	stream.indirect.gather [hbm4b:s4+s14], $0x80, s31, s14, $0xb8;
	[tilespmem:$0x1C600] =	vst v63  }
0x3f: {  	_ =	swait.ge [sflag:s17], $0x4000  }
0x40: {  	[sflag:s17] =	ssyncset.done $0x0  }
0x41: {  	[sflag:s17] =	ssyncadd.s32 $0xFFFFC000  }
0x42: {  	[spmem:s2] =	stream.indirect.scatter.add.f32 [tilespmem:s15], [sflag:$0x3], $0x80, s1, s14, $0xb8;
	[tilespmem:$0x1C600] =	vst v63  }
0x43: {  	_ =	swait.ge [sflag:s18], $0x4000  }
0x44: {  	[sflag:s18] =	ssyncset.done $0x0  }
0x45: {  	[sflag:s18] =	ssyncadd.s32 $0xFFFFC000  }
0x46: {  	[tilespmem:s15], [sflag:$0x1] =	stream.indirect.gather [hbm4b:s4+s14], $0x80, s0, s14, $0xb8;
	[tilespmem:$0x1C600] =	vst v63  }
0x47: {  	_ =	swait.ge [sflag:s20], $0x4000  }
0x48: {  	[sflag:s20] =	ssyncset.done $0x0  }
0x49: {  	[sflag:s20] =	ssyncadd.s32 $0xFFFFC000  }
0x4a: {  	[spmem:s2] =	stream.indirect.scatter.add.f32 [tilespmem:s16], [sflag:$0x4], $0x80, s5, s14, $0xb8;
	[tilespmem:$0x1C600] =	vst v63  }
0x4b: {  	_ =	swait.ge [sflag:s22], $0x4000  }
0x4c: {  	[sflag:s22] =	ssyncset.done $0x0  }
0x4d: {  	[sflag:s22] =	ssyncadd.s32 $0xFFFFC000  }
0x4e: {  	[tilespmem:s16], [sflag:$0x2] =	stream.indirect.gather [hbm4b:s4+s14], $0x80, s7, s14, $0xb8;
	[tilespmem:$0x1C600] =	vst v63  }
0x4f: {  	_ =	swait.ge [sflag:s17], $0x4000  }
0x50: {  	[sflag:s17] =	ssyncset.done $0x0  }
0x51: {  	[sflag:s17] =	ssyncadd.s32 $0xFFFFC000  }
0x52: {  	[spmem:s2] =	stream.indirect.scatter.add.f32 [tilespmem:s15], [sflag:$0x3], $0x80, s8, s14, $0xb8;
	[tilespmem:$0x1C600] =	vst v63  }
0x53: {  	_ =	swait.ge [sflag:s18], $0x4000  }
0x54: {  	[sflag:s18] =	ssyncset.done $0x0  }
0x55: {  	[sflag:s18] =	ssyncadd.s32 $0xFFFFC000  }
0x56: {  	[tilespmem:s15], [sflag:$0x1] =	stream.indirect.gather [hbm4b:s4+s14], $0x80, s6, s14, $0xb8;
	[tilespmem:$0x1C600] =	vst v63  }
0x57: {  	_ =	swait.ge [sflag:s20], $0x4000  }
0x58: {  	[sflag:s20] =	ssyncset.done $0x0  }
0x59: {  	[sflag:s20] =	ssyncadd.s32 $0xFFFFC000  }
0x5a: {  	[spmem:s2] =	stream.indirect.scatter.add.f32 [tilespmem:s16], [sflag:$0x4], $0x80, s11, s14, $0xb8;
	[tilespmem:$0x1C600] =	vst v63  }
0x5b: {  	_ =	swait.ge [sflag:s22], $0x4000  }
0x5c: {  	[sflag:s22] =	ssyncset.done $0x0  }
0x5d: {  	s29 =	simm.s32 $0x480;
	[sflag:s22] =	ssyncadd.s32 $0xFFFFC000  }
0x5e: {  	[tilespmem:s16], [sflag:$0x2] =	stream.indirect.gather [hbm4b:s4+s14], $0x80, s29, s14, $0xb8;
	[tilespmem:$0x1C600] =	vst v63  }
0x5f: {  	_ =	swait.ge [sflag:s17], $0x4000  }
0x60: {  	[sflag:s17] =	ssyncset.done $0x0  }
0x61: {  	s30 =	simm.s32 $0x900;
	[sflag:s17] =	ssyncadd.s32 $0xFFFFC000  }
0x62: {  	[spmem:s2] =	stream.indirect.scatter.add.f32 [tilespmem:s15], [sflag:$0x3], $0x80, s30, s14, $0xb8;
	[tilespmem:$0x1C600] =	vst v63  }
0x63: {  	_ =	swait.ge [sflag:s18], $0x4000  }
0x64: {  	[sflag:s18] =	ssyncset.done $0x0  }
0x65: {  	[sflag:s18] =	ssyncadd.s32 $0xFFFFC000  }
0x66: {  	_ =	swait.ge [sflag:s20], $0x4000  }
0x67: {  	[sflag:s20] =	ssyncset.done $0x0  }
0x68: {  	s31 =	simm.s32 $0x980;
	[sflag:s20] =	ssyncadd.s32 $0xFFFFC000  }
0x69: {  	[spmem:s2] =	stream.indirect.scatter.add.f32 [tilespmem:s16], [sflag:$0x4], $0x80, s31, s14, $0xb8;
	[tilespmem:$0x1C600] =	vst v63  }
0x6a: {  	_ =	swait.ge [sflag:s22], $0x4000  }
0x6b: {  	[sflag:s22] =	ssyncset.done $0x0  }
0x6c: {  	s0 =	rddreg [dreg:$0x8];
	[sflag:s22] =	ssyncadd.s32 $0xFFFFC000  }
.LBB2_8:
0x6d: {  	[bflag:$0x0] =	sbarrier.arrive $0xFFFF  }
0x6e: {  	s21 =	rddreg [dreg:$0x4]  }
0x6f: {  	s19 =	rddreg [dreg:$0x5]  }
0x70: {  	s23 =	rddreg [dreg:$0x7]  }
0x71: {  	[hbm:s19], [sflag:s21] =	dma.local [spmem:s23], $0x2780  }
0x72: {  	_ =	swait.ge [sflag:s12], $0x2780  }
0x73: {  	s0 =	sadd.s32 $0x1, s0;
	s31 =	rddreg [dreg:$0x6]  }
0x74: {  	p1 =	sne.s32 s0, s31  }
.Ltmp1:
0x75: {  	_ = 	snop;
	(pc) =	sbr.rel @!p1 .LBB2_9-.Ltmp1, $3  }
0x76: {  	_ =	sdelay $0x1  }
0x77: {  	[sflag:s12] =	ssyncset.done $0x0  }
0x78: {  	[sflag:s12] =	ssyncadd.s32 $0xFFFFD880  }
.LBB2_1:
0x79: {  	[dreg:$0x8] =	wrdreg s0  }
0x7a: {  	s19 =	rddreg [dreg:$0x3]  }
0x7b: {  	[spmem:s23], [sflag:s21] =	dma.local [hbm:s19], $0x2780  }
.Ltmp2:
0x7c: {  	_ =	swait.ge [sflag:s12], $0x2780;
	(pc) =	sbr.rel @!p0 .LBB2_2-.Ltmp2, $4  }
0x7d: {  	[sflag:s12] =	ssyncset.done $0x0  }
0x7e: {  	[sflag:s12] =	ssyncadd.s32 $0xFFFFD880  }
0x7f: {  	[bflag:$0x0] =	sbarrier.arrive $0xFFFF  }
0x80: {  	s19 =	sadd.s32 $0x0, s10  }
0x81: {  	[tilespmem:s3], [sflag:$0x5] =	stream.linear.gather [hbm4b:s19+s3], $0x500, $0x38;
	[tilespmem:$0x1C600] =	vst v63  }
0x82: {  	_ =	swait.ge [sflag:s12], $0x500  }
0x83: {  	[sflag:s12] =	ssyncset.done $0x0  }
0x84: {  	s21 =	sadd.s32 $0x0, s9;
	[sflag:s12] =	ssyncadd.s32 $0xFFFFFB00  }
0x85: {  	[tilespmem:s13], [sflag:$0x5] =	stream.linear.gather [hbm4b:s21+s3], $0x500, $0x38;
	[tilespmem:$0x1C600] =	vst v63  }
0x86: {  	_ =	swait.ge [sflag:s12], $0x500  }
0x87: {  	[sflag:s12] =	ssyncset.done $0x0  }
0x88: {  	[sflag:s12] =	ssyncadd.s32 $0xFFFFFB00  }
0x89: {  	[tilespmem:s15], [sflag:$0x1] =	stream.indirect.gather [hbm4b:s4+s14], $0x80, s3, s14, $0xb8;
	[tilespmem:$0x1C600] =	vst v63  }
0x8a: {  	_ = 	snop  }
0x8b: {  	[tilespmem:s16], [sflag:$0x2] =	stream.indirect.gather [hbm4b:s4+s14], $0x80, s14, s14, $0xb8;
	[tilespmem:$0x1C600] =	vst v63  }
0x8c: {  	_ =	swait.ge [sflag:s17], $0x4000  }
0x8d: {  	[sflag:s17] =	ssyncset.done $0x0  }
0x8e: {  	[sflag:s17] =	ssyncadd.s32 $0xFFFFC000  }
0x8f: {  	[spmem:s2] =	stream.indirect.scatter.add.f32 [tilespmem:s15], [sflag:$0x3], $0x80, s13, s14, $0xb8;
	[tilespmem:$0x1C600] =	vst v63  }
0x90: {  	_ =	swait.ge [sflag:s18], $0x4000  }
0x91: {  	[sflag:s18] =	ssyncset.done $0x0  }
0x92: {  	[sflag:s18] =	ssyncadd.s32 $0xFFFFC000  }
0x93: {  	[tilespmem:s15], [sflag:$0x1] =	stream.indirect.gather [hbm4b:s4+s14], $0x80, s24, s14, $0xb8;
	[tilespmem:$0x1C600] =	vst v63  }
0x94: {  	_ =	swait.ge [sflag:s20], $0x4000  }
0x95: {  	[sflag:s20] =	ssyncset.done $0x0  }
0x96: {  	[sflag:s20] =	ssyncadd.s32 $0xFFFFC000  }
0x97: {  	[spmem:s2] =	stream.indirect.scatter.add.f32 [tilespmem:s16], [sflag:$0x4], $0x80, s25, s14, $0xb8;
	[tilespmem:$0x1C600] =	vst v63  }
0x98: {  	_ =	swait.ge [sflag:s22], $0x4000  }
0x99: {  	[sflag:s22] =	ssyncset.done $0x0  }
0x9a: {  	s26 =	simm.s32 $0x180;
	[sflag:s22] =	ssyncadd.s32 $0xFFFFC000  }
0x9b: {  	[tilespmem:s16], [sflag:$0x2] =	stream.indirect.gather [hbm4b:s4+s14], $0x80, s26, s14, $0xb8;
	[tilespmem:$0x1C600] =	vst v63  }
0x9c: {  	_ =	swait.ge [sflag:s17], $0x4000  }
0x9d: {  	[sflag:s17] =	ssyncset.done $0x0  }
0x9e: {  	s28 =	simm.s32 $0x600;
	[sflag:s17] =	ssyncadd.s32 $0xFFFFC000  }
0x9f: {  	[spmem:s2] =	stream.indirect.scatter.add.f32 [tilespmem:s15], [sflag:$0x3], $0x80, s28, s14, $0xb8;
	[tilespmem:$0x1C600] =	vst v63  }
0xa0: {  	_ =	swait.ge [sflag:s18], $0x4000  }
0xa1: {  	[sflag:s18] =	ssyncset.done $0x0  }
0xa2: {  	s29 =	simm.s32 $0x200;
	[sflag:s18] =	ssyncadd.s32 $0xFFFFC000  }
0xa3: {  	[tilespmem:s15], [sflag:$0x1] =	stream.indirect.gather [hbm4b:s4+s14], $0x80, s29, s14, $0xb8;
	[tilespmem:$0x1C600] =	vst v63  }
0xa4: {  	_ =	swait.ge [sflag:s20], $0x4000  }
0xa5: {  	[sflag:s20] =	ssyncset.done $0x0  }
0xa6: {  	s30 =	simm.s32 $0x680;
	[sflag:s20] =	ssyncadd.s32 $0xFFFFC000  }
0xa7: {  	[spmem:s2] =	stream.indirect.scatter.add.f32 [tilespmem:s16], [sflag:$0x4], $0x80, s30, s14, $0xb8;
	[tilespmem:$0x1C600] =	vst v63  }
0xa8: {  	_ =	swait.ge [sflag:s22], $0x4000  }
0xa9: {  	[sflag:s22] =	ssyncset.done $0x0  }
0xaa: {  	s31 =	simm.s32 $0x280;
	[sflag:s22] =	ssyncadd.s32 $0xFFFFC000  }
0xab: {  	[tilespmem:s16], [sflag:$0x2] =	stream.indirect.gather [hbm4b:s4+s14], $0x80, s31, s14, $0xb8;
	[tilespmem:$0x1C600] =	vst v63  }
0xac: {  	_ =	swait.ge [sflag:s17], $0x4000  }
0xad: {  	[sflag:s17] =	ssyncset.done $0x0  }
0xae: {  	s1 =	simm.s32 $0x700;
	[sflag:s17] =	ssyncadd.s32 $0xFFFFC000  }
0xaf: {  	[spmem:s2] =	stream.indirect.scatter.add.f32 [tilespmem:s15], [sflag:$0x3], $0x80, s1, s14, $0xb8;
	[tilespmem:$0x1C600] =	vst v63  }
0xb0: {  	_ =	swait.ge [sflag:s18], $0x4000  }
0xb1: {  	[sflag:s18] =	ssyncset.done $0x0  }
0xb2: {  	s0 =	simm.s32 $0x300;
	[sflag:s18] =	ssyncadd.s32 $0xFFFFC000  }
0xb3: {  	[tilespmem:s15], [sflag:$0x1] =	stream.indirect.gather [hbm4b:s4+s14], $0x80, s0, s14, $0xb8;
	[tilespmem:$0x1C600] =	vst v63  }
0xb4: {  	_ =	swait.ge [sflag:s20], $0x4000  }
0xb5: {  	[sflag:s20] =	ssyncset.done $0x0  }
0xb6: {  	s5 =	simm.s32 $0x780;
	[sflag:s20] =	ssyncadd.s32 $0xFFFFC000  }
0xb7: {  	[spmem:s2] =	stream.indirect.scatter.add.f32 [tilespmem:s16], [sflag:$0x4], $0x80, s5, s14, $0xb8;
	[tilespmem:$0x1C600] =	vst v63  }
0xb8: {  	_ =	swait.ge [sflag:s22], $0x4000  }
0xb9: {  	[sflag:s22] =	ssyncset.done $0x0  }
0xba: {  	s7 =	simm.s32 $0x380;
	[sflag:s22] =	ssyncadd.s32 $0xFFFFC000  }
0xbb: {  	[tilespmem:s16], [sflag:$0x2] =	stream.indirect.gather [hbm4b:s4+s14], $0x80, s7, s14, $0xb8;
	[tilespmem:$0x1C600] =	vst v63  }
0xbc: {  	_ =	swait.ge [sflag:s17], $0x4000  }
0xbd: {  	[sflag:s17] =	ssyncset.done $0x0  }
0xbe: {  	s8 =	simm.s32 $0x800;
	[sflag:s17] =	ssyncadd.s32 $0xFFFFC000  }
0xbf: {  	[spmem:s2] =	stream.indirect.scatter.add.f32 [tilespmem:s15], [sflag:$0x3], $0x80, s8, s14, $0xb8;
	[tilespmem:$0x1C600] =	vst v63  }
0xc0: {  	_ =	swait.ge [sflag:s18], $0x4000  }
0xc1: {  	[sflag:s18] =	ssyncset.done $0x0  }
0xc2: {  	s6 =	simm.s32 $0x400;
	[sflag:s18] =	ssyncadd.s32 $0xFFFFC000  }
0xc3: {  	[tilespmem:s15], [sflag:$0x1] =	stream.indirect.gather [hbm4b:s4+s14], $0x80, s6, s14, $0xb8;
	[tilespmem:$0x1C600] =	vst v63  }
0xc4: {  	_ =	swait.ge [sflag:s20], $0x4000  }
0xc5: {  	[sflag:s20] =	ssyncset.done $0x0  }
0xc6: {  	s11 =	simm.s32 $0x880;
	[sflag:s20] =	ssyncadd.s32 $0xFFFFC000  }
0xc7: {  	[spmem:s2] =	stream.indirect.scatter.add.f32 [tilespmem:s16], [sflag:$0x4], $0x80, s11, s14, $0xb8;
	[tilespmem:$0x1C600] =	vst v63  }
0xc8: {  	_ =	swait.ge [sflag:s22], $0x4000  }
0xc9: {  	[sflag:s22] =	ssyncset.done $0x0  }
0xca: {  	s23 =	simm.s32 $0x480;
	[sflag:s22] =	ssyncadd.s32 $0xFFFFC000  }
0xcb: {  	[tilespmem:s16], [sflag:$0x2] =	stream.indirect.gather [hbm4b:s4+s14], $0x80, s23, s14, $0xb8;
	[tilespmem:$0x1C600] =	vst v63  }
0xcc: {  	_ =	swait.ge [sflag:s17], $0x4000  }
0xcd: {  	[sflag:s17] =	ssyncset.done $0x0  }
0xce: {  	s24 =	simm.s32 $0x900;
	[sflag:s17] =	ssyncadd.s32 $0xFFFFC000  }
0xcf: {  	[spmem:s2] =	stream.indirect.scatter.add.f32 [tilespmem:s15], [sflag:$0x3], $0x80, s24, s14, $0xb8;
	[tilespmem:$0x1C600] =	vst v63  }
0xd0: {  	_ =	swait.ge [sflag:s18], $0x4000  }
0xd1: {  	[sflag:s18] =	ssyncset.done $0x0  }
0xd2: {  	[sflag:s18] =	ssyncadd.s32 $0xFFFFC000  }
0xd3: {  	_ =	swait.ge [sflag:s20], $0x4000  }
0xd4: {  	[sflag:s20] =	ssyncset.done $0x0  }
0xd5: {  	s25 =	simm.s32 $0x980;
	[sflag:s20] =	ssyncadd.s32 $0xFFFFC000  }
0xd6: {  	[spmem:s2] =	stream.indirect.scatter.add.f32 [tilespmem:s16], [sflag:$0x4], $0x80, s25, s14, $0xb8;
	[tilespmem:$0x1C600] =	vst v63  }
0xd7: {  	_ =	swait.ge [sflag:s22], $0x4000  }
0xd8: {  	s19 =	simm.s32 $0xA0;
	s23 =	simm.s32 $0x140;
	[sflag:s22] =	ssyncset.done $0x0  }
.LBB2_6:
0xd9: {  	s24 =	sadd.s32 s19, s10  }
0xda: {  	[sflag:s22] =	ssyncadd.s32 $0xFFFFC000;
	s25 =	smov.u32 s23;
	s21 =	sadd.s32 $0xA0, s23  }
0xdb: {  	[tilespmem:s3], [sflag:$0x5] =	stream.linear.gather [hbm4b:s24+s3], $0x500, $0x38;
	[tilespmem:$0x1C600] =	vst v63  }
0xdc: {  	s24 =	simm.s32 $0x100  }
0xdd: {  	p1 =	sne.s32 s23, $0x1E0;
	_ =	swait.ge [sflag:s12], $0x500  }
0xde: {  	s23 =	sadd.s32 s19, s9;
	[sflag:s12] =	ssyncset.done $0x0  }
0xdf: {  	s19 =	smov.u32 s25;
	s25 =	simm.s32 $0x580;
	[sflag:s12] =	ssyncadd.s32 $0xFFFFFB00  }
0xe0: {  	[tilespmem:s13], [sflag:$0x5] =	stream.linear.gather [hbm4b:s23+s3], $0x500, $0x38;
	[tilespmem:$0x1C600] =	vst v63  }
0xe1: {  	_ =	swait.ge [sflag:s12], $0x500  }
0xe2: {  	[sflag:s12] =	ssyncset.done $0x0  }
0xe3: {  	[sflag:s12] =	ssyncadd.s32 $0xFFFFFB00  }
0xe4: {  	[tilespmem:s15], [sflag:$0x1] =	stream.indirect.gather [hbm4b:s4+s14], $0x80, s3, s14, $0xb8;
	[tilespmem:$0x1C600] =	vst v63  }
0xe5: {  	_ = 	snop  }
0xe6: {  	[tilespmem:s16], [sflag:$0x2] =	stream.indirect.gather [hbm4b:s4+s14], $0x80, s14, s14, $0xb8;
	[tilespmem:$0x1C600] =	vst v63  }
0xe7: {  	_ =	swait.ge [sflag:s17], $0x4000  }
0xe8: {  	[sflag:s17] =	ssyncset.done $0x0  }
0xe9: {  	[sflag:s17] =	ssyncadd.s32 $0xFFFFC000  }
0xea: {  	[spmem:s2] =	stream.indirect.scatter.add.f32 [tilespmem:s15], [sflag:$0x3], $0x80, s13, s14, $0xb8;
	[tilespmem:$0x1C600] =	vst v63  }
0xeb: {  	_ =	swait.ge [sflag:s18], $0x4000  }
0xec: {  	[sflag:s18] =	ssyncset.done $0x0  }
0xed: {  	[sflag:s18] =	ssyncadd.s32 $0xFFFFC000  }
0xee: {  	[tilespmem:s15], [sflag:$0x1] =	stream.indirect.gather [hbm4b:s4+s14], $0x80, s24, s14, $0xb8;
	[tilespmem:$0x1C600] =	vst v63  }
0xef: {  	_ =	swait.ge [sflag:s20], $0x4000  }
0xf0: {  	[sflag:s20] =	ssyncset.done $0x0  }
0xf1: {  	[sflag:s20] =	ssyncadd.s32 $0xFFFFC000  }
0xf2: {  	[spmem:s2] =	stream.indirect.scatter.add.f32 [tilespmem:s16], [sflag:$0x4], $0x80, s25, s14, $0xb8;
	[tilespmem:$0x1C600] =	vst v63  }
0xf3: {  	_ =	swait.ge [sflag:s22], $0x4000  }
0xf4: {  	[sflag:s22] =	ssyncset.done $0x0  }
0xf5: {  	[sflag:s22] =	ssyncadd.s32 $0xFFFFC000  }
0xf6: {  	[tilespmem:s16], [sflag:$0x2] =	stream.indirect.gather [hbm4b:s4+s14], $0x80, s26, s14, $0xb8;
	[tilespmem:$0x1C600] =	vst v63  }
0xf7: {  	_ =	swait.ge [sflag:s17], $0x4000  }
0xf8: {  	[sflag:s17] =	ssyncset.done $0x0  }
0xf9: {  	[sflag:s17] =	ssyncadd.s32 $0xFFFFC000  }
0xfa: {  	[spmem:s2] =	stream.indirect.scatter.add.f32 [tilespmem:s15], [sflag:$0x3], $0x80, s28, s14, $0xb8;
	[tilespmem:$0x1C600] =	vst v63  }
0xfb: {  	_ =	swait.ge [sflag:s18], $0x4000  }
0xfc: {  	[sflag:s18] =	ssyncset.done $0x0  }
0xfd: {  	[sflag:s18] =	ssyncadd.s32 $0xFFFFC000  }
0xfe: {  	[tilespmem:s15], [sflag:$0x1] =	stream.indirect.gather [hbm4b:s4+s14], $0x80, s29, s14, $0xb8;
	[tilespmem:$0x1C600] =	vst v63  }
0xff: {  	_ =	swait.ge [sflag:s20], $0x4000  }
0x100: {  	[sflag:s20] =	ssyncset.done $0x0  }
0x101: {  	[sflag:s20] =	ssyncadd.s32 $0xFFFFC000  }
0x102: {  	[spmem:s2] =	stream.indirect.scatter.add.f32 [tilespmem:s16], [sflag:$0x4], $0x80, s30, s14, $0xb8;
	[tilespmem:$0x1C600] =	vst v63  }
0x103: {  	_ =	swait.ge [sflag:s22], $0x4000  }
0x104: {  	[sflag:s22] =	ssyncset.done $0x0  }
0x105: {  	[sflag:s22] =	ssyncadd.s32 $0xFFFFC000  }
0x106: {  	[tilespmem:s16], [sflag:$0x2] =	stream.indirect.gather [hbm4b:s4+s14], $0x80, s31, s14, $0xb8;
	[tilespmem:$0x1C600] =	vst v63  }
0x107: {  	_ =	swait.ge [sflag:s17], $0x4000  }
0x108: {  	[sflag:s17] =	ssyncset.done $0x0  }
0x109: {  	[sflag:s17] =	ssyncadd.s32 $0xFFFFC000  }
0x10a: {  	[spmem:s2] =	stream.indirect.scatter.add.f32 [tilespmem:s15], [sflag:$0x3], $0x80, s1, s14, $0xb8;
	[tilespmem:$0x1C600] =	vst v63  }
0x10b: {  	_ =	swait.ge [sflag:s18], $0x4000  }
0x10c: {  	[sflag:s18] =	ssyncset.done $0x0  }
0x10d: {  	[sflag:s18] =	ssyncadd.s32 $0xFFFFC000  }
0x10e: {  	[tilespmem:s15], [sflag:$0x1] =	stream.indirect.gather [hbm4b:s4+s14], $0x80, s0, s14, $0xb8;
	[tilespmem:$0x1C600] =	vst v63  }
0x10f: {  	_ =	swait.ge [sflag:s20], $0x4000  }
0x110: {  	[sflag:s20] =	ssyncset.done $0x0  }
0x111: {  	[sflag:s20] =	ssyncadd.s32 $0xFFFFC000  }
0x112: {  	[spmem:s2] =	stream.indirect.scatter.add.f32 [tilespmem:s16], [sflag:$0x4], $0x80, s5, s14, $0xb8;
	[tilespmem:$0x1C600] =	vst v63  }
0x113: {  	_ =	swait.ge [sflag:s22], $0x4000  }
0x114: {  	[sflag:s22] =	ssyncset.done $0x0  }
0x115: {  	[sflag:s22] =	ssyncadd.s32 $0xFFFFC000  }
0x116: {  	[tilespmem:s16], [sflag:$0x2] =	stream.indirect.gather [hbm4b:s4+s14], $0x80, s7, s14, $0xb8;
	[tilespmem:$0x1C600] =	vst v63  }
0x117: {  	_ =	swait.ge [sflag:s17], $0x4000  }
0x118: {  	[sflag:s17] =	ssyncset.done $0x0  }
0x119: {  	[sflag:s17] =	ssyncadd.s32 $0xFFFFC000  }
0x11a: {  	[spmem:s2] =	stream.indirect.scatter.add.f32 [tilespmem:s15], [sflag:$0x3], $0x80, s8, s14, $0xb8;
	[tilespmem:$0x1C600] =	vst v63  }
0x11b: {  	_ =	swait.ge [sflag:s18], $0x4000  }
0x11c: {  	[sflag:s18] =	ssyncset.done $0x0  }
0x11d: {  	[sflag:s18] =	ssyncadd.s32 $0xFFFFC000  }
0x11e: {  	[tilespmem:s15], [sflag:$0x1] =	stream.indirect.gather [hbm4b:s4+s14], $0x80, s6, s14, $0xb8;
	[tilespmem:$0x1C600] =	vst v63  }
0x11f: {  	_ =	swait.ge [sflag:s20], $0x4000  }
0x120: {  	[sflag:s20] =	ssyncset.done $0x0  }
0x121: {  	[sflag:s20] =	ssyncadd.s32 $0xFFFFC000  }
0x122: {  	[spmem:s2] =	stream.indirect.scatter.add.f32 [tilespmem:s16], [sflag:$0x4], $0x80, s11, s14, $0xb8;
	[tilespmem:$0x1C600] =	vst v63  }
0x123: {  	_ =	swait.ge [sflag:s22], $0x4000  }
0x124: {  	[sflag:s22] =	ssyncset.done $0x0  }
0x125: {  	s23 =	simm.s32 $0x480;
	[sflag:s22] =	ssyncadd.s32 $0xFFFFC000  }
0x126: {  	[tilespmem:s16], [sflag:$0x2] =	stream.indirect.gather [hbm4b:s4+s14], $0x80, s23, s14, $0xb8;
	[tilespmem:$0x1C600] =	vst v63  }
0x127: {  	_ =	swait.ge [sflag:s17], $0x4000  }
0x128: {  	[sflag:s17] =	ssyncset.done $0x0  }
0x129: {  	s23 =	simm.s32 $0x900;
	[sflag:s17] =	ssyncadd.s32 $0xFFFFC000  }
0x12a: {  	[spmem:s2] =	stream.indirect.scatter.add.f32 [tilespmem:s15], [sflag:$0x3], $0x80, s23, s14, $0xb8;
	[tilespmem:$0x1C600] =	vst v63  }
0x12b: {  	_ =	swait.ge [sflag:s18], $0x4000  }
0x12c: {  	[sflag:s18] =	ssyncset.done $0x0  }
0x12d: {  	[sflag:s18] =	ssyncadd.s32 $0xFFFFC000  }
0x12e: {  	_ =	swait.ge [sflag:s20], $0x4000  }
.Ltmp3:
0x12f: {  	[sflag:s20] =	ssyncset.done $0x0;
	(pc) =	sbr.rel @p1 .LBB2_6-.Ltmp3, $4  }
0x130: {  	s23 =	simm.s32 $0x980;
	[sflag:s20] =	ssyncadd.s32 $0xFFFFC000  }
0x131: {  	[spmem:s2] =	stream.indirect.scatter.add.f32 [tilespmem:s16], [sflag:$0x4], $0x80, s23, s14, $0xb8;
	[tilespmem:$0x1C600] =	vst v63  }
0x132: {  	_ =	swait.ge [sflag:s22], $0x4000  }
0x133: {  	s23 =	smov.u32 s21;
	[sflag:s22] =	ssyncset.done $0x0  }
.Ltmp4:
0x134: {  	_ = 	snop;
	(pc) =	sbr.rel .LBB2_7-.Ltmp4, $1  }
0x135: {  	_ =	sdelay $0x3  }
.LBB2_2:
0x136: {  	[tilespmem:s3], [sflag:$0x5] =	stream.linear.gather [hbm4b:s19+s3], $0x500, $0x38;
	[tilespmem:$0x1C600] =	vst v63  }
0x137: {  	_ =	swait.ge [sflag:s12], $0x500  }
0x138: {  	[sflag:s12] =	ssyncset.done $0x0  }
0x139: {  	s21 =	sadd.s32 $0x0, s9;
	[sflag:s12] =	ssyncadd.s32 $0xFFFFFB00  }
0x13a: {  	[tilespmem:s13], [sflag:$0x5] =	stream.linear.gather [hbm4b:s21+s3], $0x500, $0x38;
	[tilespmem:$0x1C600] =	vst v63  }
0x13b: {  	_ =	swait.ge [sflag:s12], $0x500  }
0x13c: {  	[sflag:s12] =	ssyncset.done $0x0  }
0x13d: {  	[sflag:s12] =	ssyncadd.s32 $0xFFFFFB00  }
0x13e: {  	[tilespmem:s15], [sflag:$0x1] =	stream.indirect.gather [hbm4b:s4+s14], $0x80, s3, s14, $0xb8;
	[tilespmem:$0x1C600] =	vst v63  }
0x13f: {  	_ = 	snop  }
0x140: {  	[tilespmem:s16], [sflag:$0x2] =	stream.indirect.gather [hbm4b:s4+s14], $0x80, s14, s14, $0xb8;
	[tilespmem:$0x1C600] =	vst v63  }
0x141: {  	_ =	swait.ge [sflag:s17], $0x4000  }
0x142: {  	[sflag:s17] =	ssyncset.done $0x0  }
0x143: {  	[sflag:s17] =	ssyncadd.s32 $0xFFFFC000  }
0x144: {  	[spmem:s2] =	stream.indirect.scatter.add.f32 [tilespmem:s15], [sflag:$0x3], $0x80, s13, s14, $0xb8;
	[tilespmem:$0x1C600] =	vst v63  }
0x145: {  	_ =	swait.ge [sflag:s18], $0x4000  }
0x146: {  	[sflag:s18] =	ssyncset.done $0x0  }
0x147: {  	[sflag:s18] =	ssyncadd.s32 $0xFFFFC000  }
0x148: {  	[tilespmem:s15], [sflag:$0x1] =	stream.indirect.gather [hbm4b:s4+s14], $0x80, s24, s14, $0xb8;
	[tilespmem:$0x1C600] =	vst v63  }
0x149: {  	_ =	swait.ge [sflag:s20], $0x4000  }
0x14a: {  	[sflag:s20] =	ssyncset.done $0x0  }
0x14b: {  	[sflag:s20] =	ssyncadd.s32 $0xFFFFC000  }
0x14c: {  	[spmem:s2] =	stream.indirect.scatter.add.f32 [tilespmem:s16], [sflag:$0x4], $0x80, s25, s14, $0xb8;
	[tilespmem:$0x1C600] =	vst v63  }
0x14d: {  	_ =	swait.ge [sflag:s22], $0x4000  }
0x14e: {  	[sflag:s22] =	ssyncset.done $0x0  }
0x14f: {  	s26 =	simm.s32 $0x180;
	[sflag:s22] =	ssyncadd.s32 $0xFFFFC000  }
0x150: {  	[tilespmem:s16], [sflag:$0x2] =	stream.indirect.gather [hbm4b:s4+s14], $0x80, s26, s14, $0xb8;
	[tilespmem:$0x1C600] =	vst v63  }
0x151: {  	_ =	swait.ge [sflag:s17], $0x4000  }
0x152: {  	[sflag:s17] =	ssyncset.done $0x0  }
0x153: {  	s28 =	simm.s32 $0x600;
	[sflag:s17] =	ssyncadd.s32 $0xFFFFC000  }
0x154: {  	[spmem:s2] =	stream.indirect.scatter.add.f32 [tilespmem:s15], [sflag:$0x3], $0x80, s28, s14, $0xb8;
	[tilespmem:$0x1C600] =	vst v63  }
0x155: {  	_ =	swait.ge [sflag:s18], $0x4000  }
0x156: {  	[sflag:s18] =	ssyncset.done $0x0  }
0x157: {  	s29 =	simm.s32 $0x200;
	[sflag:s18] =	ssyncadd.s32 $0xFFFFC000  }
0x158: {  	[tilespmem:s15], [sflag:$0x1] =	stream.indirect.gather [hbm4b:s4+s14], $0x80, s29, s14, $0xb8;
	[tilespmem:$0x1C600] =	vst v63  }
0x159: {  	_ =	swait.ge [sflag:s20], $0x4000  }
0x15a: {  	[sflag:s20] =	ssyncset.done $0x0  }
0x15b: {  	s30 =	simm.s32 $0x680;
	[sflag:s20] =	ssyncadd.s32 $0xFFFFC000  }
0x15c: {  	[spmem:s2] =	stream.indirect.scatter.add.f32 [tilespmem:s16], [sflag:$0x4], $0x80, s30, s14, $0xb8;
	[tilespmem:$0x1C600] =	vst v63  }
0x15d: {  	_ =	swait.ge [sflag:s22], $0x4000  }
0x15e: {  	[sflag:s22] =	ssyncset.done $0x0  }
0x15f: {  	s31 =	simm.s32 $0x280;
	[sflag:s22] =	ssyncadd.s32 $0xFFFFC000  }
0x160: {  	[tilespmem:s16], [sflag:$0x2] =	stream.indirect.gather [hbm4b:s4+s14], $0x80, s31, s14, $0xb8;
	[tilespmem:$0x1C600] =	vst v63  }
0x161: {  	_ =	swait.ge [sflag:s17], $0x4000  }
0x162: {  	[sflag:s17] =	ssyncset.done $0x0  }
0x163: {  	s1 =	simm.s32 $0x700;
	[sflag:s17] =	ssyncadd.s32 $0xFFFFC000  }
0x164: {  	[spmem:s2] =	stream.indirect.scatter.add.f32 [tilespmem:s15], [sflag:$0x3], $0x80, s1, s14, $0xb8;
	[tilespmem:$0x1C600] =	vst v63  }
0x165: {  	_ =	swait.ge [sflag:s18], $0x4000  }
0x166: {  	[sflag:s18] =	ssyncset.done $0x0  }
0x167: {  	s0 =	simm.s32 $0x300;
	[sflag:s18] =	ssyncadd.s32 $0xFFFFC000  }
0x168: {  	[tilespmem:s15], [sflag:$0x1] =	stream.indirect.gather [hbm4b:s4+s14], $0x80, s0, s14, $0xb8;
	[tilespmem:$0x1C600] =	vst v63  }
0x169: {  	_ =	swait.ge [sflag:s20], $0x4000  }
0x16a: {  	[sflag:s20] =	ssyncset.done $0x0  }
0x16b: {  	s5 =	simm.s32 $0x780;
	[sflag:s20] =	ssyncadd.s32 $0xFFFFC000  }
0x16c: {  	[spmem:s2] =	stream.indirect.scatter.add.f32 [tilespmem:s16], [sflag:$0x4], $0x80, s5, s14, $0xb8;
	[tilespmem:$0x1C600] =	vst v63  }
0x16d: {  	_ =	swait.ge [sflag:s22], $0x4000  }
0x16e: {  	[sflag:s22] =	ssyncset.done $0x0  }
0x16f: {  	s7 =	simm.s32 $0x380;
	[sflag:s22] =	ssyncadd.s32 $0xFFFFC000  }
0x170: {  	[tilespmem:s16], [sflag:$0x2] =	stream.indirect.gather [hbm4b:s4+s14], $0x80, s7, s14, $0xb8;
	[tilespmem:$0x1C600] =	vst v63  }
0x171: {  	_ =	swait.ge [sflag:s17], $0x4000  }
0x172: {  	[sflag:s17] =	ssyncset.done $0x0  }
0x173: {  	s8 =	simm.s32 $0x800;
	[sflag:s17] =	ssyncadd.s32 $0xFFFFC000  }
0x174: {  	[spmem:s2] =	stream.indirect.scatter.add.f32 [tilespmem:s15], [sflag:$0x3], $0x80, s8, s14, $0xb8;
	[tilespmem:$0x1C600] =	vst v63  }
0x175: {  	_ =	swait.ge [sflag:s18], $0x4000  }
0x176: {  	[sflag:s18] =	ssyncset.done $0x0  }
0x177: {  	s6 =	simm.s32 $0x400;
	[sflag:s18] =	ssyncadd.s32 $0xFFFFC000  }
0x178: {  	[tilespmem:s15], [sflag:$0x1] =	stream.indirect.gather [hbm4b:s4+s14], $0x80, s6, s14, $0xb8;
	[tilespmem:$0x1C600] =	vst v63  }
0x179: {  	_ =	swait.ge [sflag:s20], $0x4000  }
0x17a: {  	[sflag:s20] =	ssyncset.done $0x0  }
0x17b: {  	s11 =	simm.s32 $0x880;
	[sflag:s20] =	ssyncadd.s32 $0xFFFFC000  }
0x17c: {  	[spmem:s2] =	stream.indirect.scatter.add.f32 [tilespmem:s16], [sflag:$0x4], $0x80, s11, s14, $0xb8;
	[tilespmem:$0x1C600] =	vst v63  }
0x17d: {  	_ =	swait.ge [sflag:s22], $0x4000  }
0x17e: {  	[sflag:s22] =	ssyncset.done $0x0  }
0x17f: {  	s23 =	simm.s32 $0x480;
	[sflag:s22] =	ssyncadd.s32 $0xFFFFC000  }
0x180: {  	[tilespmem:s16], [sflag:$0x2] =	stream.indirect.gather [hbm4b:s4+s14], $0x80, s23, s14, $0xb8;
	[tilespmem:$0x1C600] =	vst v63  }
0x181: {  	_ =	swait.ge [sflag:s17], $0x4000  }
0x182: {  	[sflag:s17] =	ssyncset.done $0x0  }
0x183: {  	s24 =	simm.s32 $0x900;
	[sflag:s17] =	ssyncadd.s32 $0xFFFFC000  }
0x184: {  	[spmem:s2] =	stream.indirect.scatter.add.f32 [tilespmem:s15], [sflag:$0x3], $0x80, s24, s14, $0xb8;
	[tilespmem:$0x1C600] =	vst v63  }
0x185: {  	_ =	swait.ge [sflag:s18], $0x4000  }
0x186: {  	[sflag:s18] =	ssyncset.done $0x0  }
0x187: {  	[sflag:s18] =	ssyncadd.s32 $0xFFFFC000  }
0x188: {  	_ =	swait.ge [sflag:s20], $0x4000  }
0x189: {  	[sflag:s20] =	ssyncset.done $0x0  }
0x18a: {  	s25 =	simm.s32 $0x980;
	[sflag:s20] =	ssyncadd.s32 $0xFFFFC000  }
0x18b: {  	[spmem:s2] =	stream.indirect.scatter.add.f32 [tilespmem:s16], [sflag:$0x4], $0x80, s25, s14, $0xb8;
	[tilespmem:$0x1C600] =	vst v63  }
0x18c: {  	_ =	swait.ge [sflag:s22], $0x4000  }
0x18d: {  	s19 =	simm.s32 $0xA0;
	s21 =	simm.s32 $0x140;
	[sflag:s22] =	ssyncset.done $0x0  }
.LBB2_3:
0x18e: {  	s24 =	sadd.s32 s19, s10  }
0x18f: {  	[sflag:s22] =	ssyncadd.s32 $0xFFFFC000;
	s25 =	smov.u32 s21;
	s23 =	sadd.s32 $0xA0, s21  }
0x190: {  	[tilespmem:s3], [sflag:$0x5] =	stream.linear.gather [hbm4b:s24+s3], $0x500, $0x38;
	[tilespmem:$0x1C600] =	vst v63  }
0x191: {  	s24 =	simm.s32 $0x100  }
0x192: {  	p1 =	seq.s32 s21, $0x6E0;
	_ =	swait.ge [sflag:s12], $0x500  }
0x193: {  	s21 =	sadd.s32 s19, s9;
	[sflag:s12] =	ssyncset.done $0x0  }
0x194: {  	s19 =	smov.u32 s25;
	s25 =	simm.s32 $0x580;
	[sflag:s12] =	ssyncadd.s32 $0xFFFFFB00  }
0x195: {  	[tilespmem:s13], [sflag:$0x5] =	stream.linear.gather [hbm4b:s21+s3], $0x500, $0x38;
	[tilespmem:$0x1C600] =	vst v63  }
0x196: {  	_ =	swait.ge [sflag:s12], $0x500  }
0x197: {  	[sflag:s12] =	ssyncset.done $0x0  }
0x198: {  	[sflag:s12] =	ssyncadd.s32 $0xFFFFFB00  }
0x199: {  	[tilespmem:s15], [sflag:$0x1] =	stream.indirect.gather [hbm4b:s4+s14], $0x80, s3, s14, $0xb8;
	[tilespmem:$0x1C600] =	vst v63  }
0x19a: {  	_ = 	snop  }
0x19b: {  	[tilespmem:s16], [sflag:$0x2] =	stream.indirect.gather [hbm4b:s4+s14], $0x80, s14, s14, $0xb8;
	[tilespmem:$0x1C600] =	vst v63  }
0x19c: {  	_ =	swait.ge [sflag:s17], $0x4000  }
0x19d: {  	[sflag:s17] =	ssyncset.done $0x0  }
0x19e: {  	[sflag:s17] =	ssyncadd.s32 $0xFFFFC000  }
0x19f: {  	[spmem:s2] =	stream.indirect.scatter.add.f32 [tilespmem:s15], [sflag:$0x3], $0x80, s13, s14, $0xb8;
	[tilespmem:$0x1C600] =	vst v63  }
0x1a0: {  	_ =	swait.ge [sflag:s18], $0x4000  }
0x1a1: {  	[sflag:s18] =	ssyncset.done $0x0  }
0x1a2: {  	[sflag:s18] =	ssyncadd.s32 $0xFFFFC000  }
0x1a3: {  	[tilespmem:s15], [sflag:$0x1] =	stream.indirect.gather [hbm4b:s4+s14], $0x80, s24, s14, $0xb8;
	[tilespmem:$0x1C600] =	vst v63  }
0x1a4: {  	_ =	swait.ge [sflag:s20], $0x4000  }
0x1a5: {  	[sflag:s20] =	ssyncset.done $0x0  }
0x1a6: {  	[sflag:s20] =	ssyncadd.s32 $0xFFFFC000  }
0x1a7: {  	[spmem:s2] =	stream.indirect.scatter.add.f32 [tilespmem:s16], [sflag:$0x4], $0x80, s25, s14, $0xb8;
	[tilespmem:$0x1C600] =	vst v63  }
0x1a8: {  	_ =	swait.ge [sflag:s22], $0x4000  }
0x1a9: {  	[sflag:s22] =	ssyncset.done $0x0  }
0x1aa: {  	[sflag:s22] =	ssyncadd.s32 $0xFFFFC000  }
0x1ab: {  	[tilespmem:s16], [sflag:$0x2] =	stream.indirect.gather [hbm4b:s4+s14], $0x80, s26, s14, $0xb8;
	[tilespmem:$0x1C600] =	vst v63  }
0x1ac: {  	_ =	swait.ge [sflag:s17], $0x4000  }
0x1ad: {  	[sflag:s17] =	ssyncset.done $0x0  }
0x1ae: {  	[sflag:s17] =	ssyncadd.s32 $0xFFFFC000  }
0x1af: {  	[spmem:s2] =	stream.indirect.scatter.add.f32 [tilespmem:s15], [sflag:$0x3], $0x80, s28, s14, $0xb8;
	[tilespmem:$0x1C600] =	vst v63  }
0x1b0: {  	_ =	swait.ge [sflag:s18], $0x4000  }
0x1b1: {  	[sflag:s18] =	ssyncset.done $0x0  }
0x1b2: {  	[sflag:s18] =	ssyncadd.s32 $0xFFFFC000  }
0x1b3: {  	[tilespmem:s15], [sflag:$0x1] =	stream.indirect.gather [hbm4b:s4+s14], $0x80, s29, s14, $0xb8;
	[tilespmem:$0x1C600] =	vst v63  }
0x1b4: {  	_ =	swait.ge [sflag:s20], $0x4000  }
0x1b5: {  	[sflag:s20] =	ssyncset.done $0x0  }
0x1b6: {  	[sflag:s20] =	ssyncadd.s32 $0xFFFFC000  }
0x1b7: {  	[spmem:s2] =	stream.indirect.scatter.add.f32 [tilespmem:s16], [sflag:$0x4], $0x80, s30, s14, $0xb8;
	[tilespmem:$0x1C600] =	vst v63  }
0x1b8: {  	_ =	swait.ge [sflag:s22], $0x4000  }
0x1b9: {  	[sflag:s22] =	ssyncset.done $0x0  }
0x1ba: {  	[sflag:s22] =	ssyncadd.s32 $0xFFFFC000  }
0x1bb: {  	[tilespmem:s16], [sflag:$0x2] =	stream.indirect.gather [hbm4b:s4+s14], $0x80, s31, s14, $0xb8;
	[tilespmem:$0x1C600] =	vst v63  }
0x1bc: {  	_ =	swait.ge [sflag:s17], $0x4000  }
0x1bd: {  	[sflag:s17] =	ssyncset.done $0x0  }
0x1be: {  	[sflag:s17] =	ssyncadd.s32 $0xFFFFC000  }
0x1bf: {  	[spmem:s2] =	stream.indirect.scatter.add.f32 [tilespmem:s15], [sflag:$0x3], $0x80, s1, s14, $0xb8;
	[tilespmem:$0x1C600] =	vst v63  }
0x1c0: {  	_ =	swait.ge [sflag:s18], $0x4000  }
0x1c1: {  	[sflag:s18] =	ssyncset.done $0x0  }
0x1c2: {  	[sflag:s18] =	ssyncadd.s32 $0xFFFFC000  }
0x1c3: {  	[tilespmem:s15], [sflag:$0x1] =	stream.indirect.gather [hbm4b:s4+s14], $0x80, s0, s14, $0xb8;
	[tilespmem:$0x1C600] =	vst v63  }
0x1c4: {  	_ =	swait.ge [sflag:s20], $0x4000  }
0x1c5: {  	[sflag:s20] =	ssyncset.done $0x0  }
0x1c6: {  	[sflag:s20] =	ssyncadd.s32 $0xFFFFC000  }
0x1c7: {  	[spmem:s2] =	stream.indirect.scatter.add.f32 [tilespmem:s16], [sflag:$0x4], $0x80, s5, s14, $0xb8;
	[tilespmem:$0x1C600] =	vst v63  }
0x1c8: {  	_ =	swait.ge [sflag:s22], $0x4000  }
0x1c9: {  	[sflag:s22] =	ssyncset.done $0x0  }
0x1ca: {  	[sflag:s22] =	ssyncadd.s32 $0xFFFFC000  }
0x1cb: {  	[tilespmem:s16], [sflag:$0x2] =	stream.indirect.gather [hbm4b:s4+s14], $0x80, s7, s14, $0xb8;
	[tilespmem:$0x1C600] =	vst v63  }
0x1cc: {  	_ =	swait.ge [sflag:s17], $0x4000  }
0x1cd: {  	[sflag:s17] =	ssyncset.done $0x0  }
0x1ce: {  	[sflag:s17] =	ssyncadd.s32 $0xFFFFC000  }
0x1cf: {  	[spmem:s2] =	stream.indirect.scatter.add.f32 [tilespmem:s15], [sflag:$0x3], $0x80, s8, s14, $0xb8;
	[tilespmem:$0x1C600] =	vst v63  }
0x1d0: {  	_ =	swait.ge [sflag:s18], $0x4000  }
0x1d1: {  	[sflag:s18] =	ssyncset.done $0x0  }
0x1d2: {  	[sflag:s18] =	ssyncadd.s32 $0xFFFFC000  }
0x1d3: {  	[tilespmem:s15], [sflag:$0x1] =	stream.indirect.gather [hbm4b:s4+s14], $0x80, s6, s14, $0xb8;
	[tilespmem:$0x1C600] =	vst v63  }
0x1d4: {  	_ =	swait.ge [sflag:s20], $0x4000  }
0x1d5: {  	[sflag:s20] =	ssyncset.done $0x0  }
0x1d6: {  	[sflag:s20] =	ssyncadd.s32 $0xFFFFC000  }
0x1d7: {  	[spmem:s2] =	stream.indirect.scatter.add.f32 [tilespmem:s16], [sflag:$0x4], $0x80, s11, s14, $0xb8;
	[tilespmem:$0x1C600] =	vst v63  }
0x1d8: {  	_ =	swait.ge [sflag:s22], $0x4000  }
0x1d9: {  	[sflag:s22] =	ssyncset.done $0x0  }
0x1da: {  	s21 =	simm.s32 $0x480;
	[sflag:s22] =	ssyncadd.s32 $0xFFFFC000  }
0x1db: {  	[tilespmem:s16], [sflag:$0x2] =	stream.indirect.gather [hbm4b:s4+s14], $0x80, s21, s14, $0xb8;
	[tilespmem:$0x1C600] =	vst v63  }
0x1dc: {  	_ =	swait.ge [sflag:s17], $0x4000  }
0x1dd: {  	[sflag:s17] =	ssyncset.done $0x0  }
0x1de: {  	s21 =	simm.s32 $0x900;
	[sflag:s17] =	ssyncadd.s32 $0xFFFFC000  }
0x1df: {  	[spmem:s2] =	stream.indirect.scatter.add.f32 [tilespmem:s15], [sflag:$0x3], $0x80, s21, s14, $0xb8;
	[tilespmem:$0x1C600] =	vst v63  }
0x1e0: {  	_ =	swait.ge [sflag:s18], $0x4000  }
0x1e1: {  	[sflag:s18] =	ssyncset.done $0x0  }
0x1e2: {  	[sflag:s18] =	ssyncadd.s32 $0xFFFFC000  }
0x1e3: {  	_ =	swait.ge [sflag:s20], $0x4000  }
.Ltmp5:
0x1e4: {  	[sflag:s20] =	ssyncset.done $0x0;
	(pc) =	sbr.rel @!p1 .LBB2_3-.Ltmp5, $4  }
0x1e5: {  	s21 =	simm.s32 $0x980;
	[sflag:s20] =	ssyncadd.s32 $0xFFFFC000  }
0x1e6: {  	[spmem:s2] =	stream.indirect.scatter.add.f32 [tilespmem:s16], [sflag:$0x4], $0x80, s21, s14, $0xb8;
	[tilespmem:$0x1C600] =	vst v63  }
0x1e7: {  	_ =	swait.ge [sflag:s22], $0x4000  }
0x1e8: {  	s21 =	smov.u32 s23;
	[sflag:s22] =	ssyncset.done $0x0  }
0x1e9: {  	s21 =	sadd.s32 s19, s10;
	[sflag:s22] =	ssyncadd.s32 $0xFFFFC000  }
0x1ea: {  	[tilespmem:s3], [sflag:$0x5] =	stream.linear.gather [hbm4b:s21+s3], $0x500, $0x38;
	[tilespmem:$0x1C600] =	vst v63  }
0x1eb: {  	_ =	swait.ge [sflag:s12], $0x500  }
0x1ec: {  	[sflag:s12] =	ssyncset.done $0x0  }
0x1ed: {  	s23 =	sadd.s32 s19, s9;
	[sflag:s12] =	ssyncadd.s32 $0xFFFFFB00  }
0x1ee: {  	[tilespmem:s13], [sflag:$0x5] =	stream.linear.gather [hbm4b:s23+s3], $0x500, $0x38;
	[tilespmem:$0x1C600] =	vst v63  }
0x1ef: {  	_ =	swait.ge [sflag:s12], $0x500  }
0x1f0: {  	[sflag:s12] =	ssyncset.done $0x0  }
0x1f1: {  	[sflag:s12] =	ssyncadd.s32 $0xFFFFFB00  }
0x1f2: {  	[tilespmem:s15], [sflag:$0x1] =	stream.indirect.gather [hbm4b:s4+s14], $0x80, s3, s14, $0xb8;
	[tilespmem:$0x1C600] =	vst v63  }
0x1f3: {  	_ = 	snop  }
0x1f4: {  	[tilespmem:s16], [sflag:$0x2] =	stream.indirect.gather [hbm4b:s4+s14], $0x80, s14, s14, $0xb8;
	[tilespmem:$0x1C600] =	vst v63  }
0x1f5: {  	_ =	swait.ge [sflag:s17], $0x4000  }
0x1f6: {  	[sflag:s17] =	ssyncset.done $0x0  }
0x1f7: {  	[sflag:s17] =	ssyncadd.s32 $0xFFFFC000  }
0x1f8: {  	[spmem:s2] =	stream.indirect.scatter.add.f32 [tilespmem:s15], [sflag:$0x3], $0x80, s13, s14, $0xb8;
	[tilespmem:$0x1C600] =	vst v63  }
0x1f9: {  	_ =	swait.ge [sflag:s18], $0x4000  }
0x1fa: {  	[sflag:s18] =	ssyncset.done $0x0  }
0x1fb: {  	[sflag:s18] =	ssyncadd.s32 $0xFFFFC000  }
0x1fc: {  	[tilespmem:s15], [sflag:$0x1] =	stream.indirect.gather [hbm4b:s4+s14], $0x80, s24, s14, $0xb8;
	[tilespmem:$0x1C600] =	vst v63  }
0x1fd: {  	_ =	swait.ge [sflag:s20], $0x4000  }
0x1fe: {  	[sflag:s20] =	ssyncset.done $0x0  }
0x1ff: {  	[sflag:s20] =	ssyncadd.s32 $0xFFFFC000  }
0x200: {  	[spmem:s2] =	stream.indirect.scatter.add.f32 [tilespmem:s16], [sflag:$0x4], $0x80, s25, s14, $0xb8;
	[tilespmem:$0x1C600] =	vst v63  }
0x201: {  	_ =	swait.ge [sflag:s22], $0x4000  }
0x202: {  	[sflag:s22] =	ssyncset.done $0x0  }
0x203: {  	[sflag:s22] =	ssyncadd.s32 $0xFFFFC000  }
0x204: {  	[tilespmem:s16], [sflag:$0x2] =	stream.indirect.gather [hbm4b:s4+s14], $0x80, s26, s14, $0xb8;
	[tilespmem:$0x1C600] =	vst v63  }
0x205: {  	_ =	swait.ge [sflag:s17], $0x4000  }
0x206: {  	[sflag:s17] =	ssyncset.done $0x0  }
0x207: {  	[sflag:s17] =	ssyncadd.s32 $0xFFFFC000  }
0x208: {  	[spmem:s2] =	stream.indirect.scatter.add.f32 [tilespmem:s15], [sflag:$0x3], $0x80, s28, s14, $0xb8;
	[tilespmem:$0x1C600] =	vst v63  }
0x209: {  	_ =	swait.ge [sflag:s18], $0x4000  }
0x20a: {  	[sflag:s18] =	ssyncset.done $0x0  }
0x20b: {  	[sflag:s18] =	ssyncadd.s32 $0xFFFFC000  }
0x20c: {  	[tilespmem:s15], [sflag:$0x1] =	stream.indirect.gather [hbm4b:s4+s14], $0x80, s29, s14, $0xb8;
	[tilespmem:$0x1C600] =	vst v63  }
0x20d: {  	_ =	swait.ge [sflag:s20], $0x4000  }
0x20e: {  	[sflag:s20] =	ssyncset.done $0x0  }
0x20f: {  	[sflag:s20] =	ssyncadd.s32 $0xFFFFC000  }
0x210: {  	[spmem:s2] =	stream.indirect.scatter.add.f32 [tilespmem:s16], [sflag:$0x4], $0x80, s30, s14, $0xb8;
	[tilespmem:$0x1C600] =	vst v63  }
0x211: {  	_ =	swait.ge [sflag:s22], $0x4000  }
0x212: {  	[sflag:s22] =	ssyncset.done $0x0  }
0x213: {  	[sflag:s22] =	ssyncadd.s32 $0xFFFFC000  }
0x214: {  	[tilespmem:s16], [sflag:$0x2] =	stream.indirect.gather [hbm4b:s4+s14], $0x80, s31, s14, $0xb8;
	[tilespmem:$0x1C600] =	vst v63  }
0x215: {  	_ =	swait.ge [sflag:s17], $0x4000  }
0x216: {  	[sflag:s17] =	ssyncset.done $0x0  }
0x217: {  	[sflag:s17] =	ssyncadd.s32 $0xFFFFC000  }
0x218: {  	[spmem:s2] =	stream.indirect.scatter.add.f32 [tilespmem:s15], [sflag:$0x3], $0x80, s1, s14, $0xb8;
	[tilespmem:$0x1C600] =	vst v63  }
0x219: {  	_ =	swait.ge [sflag:s18], $0x4000  }
0x21a: {  	[sflag:s18] =	ssyncset.done $0x0  }
0x21b: {  	[sflag:s18] =	ssyncadd.s32 $0xFFFFC000  }
0x21c: {  	[tilespmem:s15], [sflag:$0x1] =	stream.indirect.gather [hbm4b:s4+s14], $0x80, s0, s14, $0xb8;
	[tilespmem:$0x1C600] =	vst v63  }
0x21d: {  	_ =	swait.ge [sflag:s20], $0x4000  }
0x21e: {  	[sflag:s20] =	ssyncset.done $0x0  }
0x21f: {  	[sflag:s20] =	ssyncadd.s32 $0xFFFFC000  }
0x220: {  	[spmem:s2] =	stream.indirect.scatter.add.f32 [tilespmem:s16], [sflag:$0x4], $0x80, s5, s14, $0xb8;
	[tilespmem:$0x1C600] =	vst v63  }
0x221: {  	_ =	swait.ge [sflag:s22], $0x4000  }
0x222: {  	[sflag:s22] =	ssyncset.done $0x0  }
0x223: {  	[sflag:s22] =	ssyncadd.s32 $0xFFFFC000  }
0x224: {  	[tilespmem:s16], [sflag:$0x2] =	stream.indirect.gather [hbm4b:s4+s14], $0x80, s7, s14, $0xb8;
	[tilespmem:$0x1C600] =	vst v63  }
0x225: {  	_ =	swait.ge [sflag:s17], $0x4000  }
0x226: {  	[sflag:s17] =	ssyncset.done $0x0  }
0x227: {  	[sflag:s17] =	ssyncadd.s32 $0xFFFFC000  }
0x228: {  	[spmem:s2] =	stream.indirect.scatter.add.f32 [tilespmem:s15], [sflag:$0x3], $0x80, s8, s14, $0xb8;
	[tilespmem:$0x1C600] =	vst v63  }
0x229: {  	_ =	swait.ge [sflag:s18], $0x4000  }
0x22a: {  	[sflag:s18] =	ssyncset.done $0x0  }
0x22b: {  	[sflag:s18] =	ssyncadd.s32 $0xFFFFC000  }
0x22c: {  	[tilespmem:s15], [sflag:$0x1] =	stream.indirect.gather [hbm4b:s4+s14], $0x80, s6, s14, $0xb8;
	[tilespmem:$0x1C600] =	vst v63  }
0x22d: {  	_ =	swait.ge [sflag:s20], $0x4000  }
0x22e: {  	[sflag:s20] =	ssyncset.done $0x0  }
0x22f: {  	[sflag:s20] =	ssyncadd.s32 $0xFFFFC000  }
0x230: {  	[spmem:s2] =	stream.indirect.scatter.add.f32 [tilespmem:s16], [sflag:$0x4], $0x80, s11, s14, $0xb8;
	[tilespmem:$0x1C600] =	vst v63  }
0x231: {  	_ =	swait.ge [sflag:s22], $0x4000  }
0x232: {  	[sflag:s22] =	ssyncset.done $0x0  }
0x233: {  	s29 =	simm.s32 $0x480;
	[sflag:s22] =	ssyncadd.s32 $0xFFFFC000  }
0x234: {  	[tilespmem:s16], [sflag:$0x2] =	stream.indirect.gather [hbm4b:s4+s14], $0x80, s29, s14, $0xb8;
	[tilespmem:$0x1C600] =	vst v63  }
0x235: {  	_ =	swait.ge [sflag:s17], $0x4000  }
0x236: {  	[sflag:s17] =	ssyncset.done $0x0  }
0x237: {  	s30 =	simm.s32 $0x900;
	[sflag:s17] =	ssyncadd.s32 $0xFFFFC000  }
0x238: {  	[spmem:s2] =	stream.indirect.scatter.add.f32 [tilespmem:s15], [sflag:$0x3], $0x80, s30, s14, $0xb8;
	[tilespmem:$0x1C600] =	vst v63  }
0x239: {  	_ =	swait.ge [sflag:s18], $0x4000  }
0x23a: {  	[sflag:s18] =	ssyncset.done $0x0  }
0x23b: {  	[sflag:s18] =	ssyncadd.s32 $0xFFFFC000  }
0x23c: {  	_ =	swait.ge [sflag:s20], $0x4000  }
0x23d: {  	[sflag:s20] =	ssyncset.done $0x0  }
.Ltmp6:
0x23e: {  	s31 =	simm.s32 $0x980;
	[sflag:s20] =	ssyncadd.s32 $0xFFFFC000;
	(pc) =	sbr.rel .LBB2_8-.Ltmp6, $4  }
0x23f: {  	[spmem:s2] =	stream.indirect.scatter.add.f32 [tilespmem:s16], [sflag:$0x4], $0x80, s31, s14, $0xb8;
	[tilespmem:$0x1C600] =	vst v63  }
0x240: {  	_ =	swait.ge [sflag:s22], $0x4000  }
0x241: {  	[sflag:s22] =	ssyncset.done $0x0  }
0x242: {  	s0 =	rddreg [dreg:$0x8];
	[sflag:s22] =	ssyncadd.s32 $0xFFFFC000  }
.LBB2_9:
0x243: {  	_ =	sfence.sel $0x180000  }
0x244: {  	[bflag:$0x0] =	sbarrier.arrive $0xFFFF  }
0x245: {  	_ =	strace $0x9000004D  }
0x246: {  	s0 =	stileid.u32;
	[bflag:$0x2] =	sbarrier.arrive $0xFFFF  }
0x247: {  	p0 =	sne.s32 s0, $0x0;
	s0 =	rddreg [dreg:$0x2]  }
0x248: {  	s0 =	sadd.s32 @!p0 $0x100000, s0  }
0x249: {  	[sflag:s0] =	ssyncadd.tile.s32 @!p0 $0x1;
	_ =	shalt  }
.Lfunc_end2:
_tile_overlayer_lowered:
.L_overlay_start_2:
0x24a: {  	(tag) =	ssettag $0x2  }
0x24b: {  	s0 =	rddreg [dreg:$0x0];
	s2 =	stileid.u32  }
0x24c: {  	s1 =	rddreg [dreg:$0x1];
	p0 =	sne.s32 s2, $0x0  }
0x24d: {  	s3 =	rddreg [dreg:$0x2];
	[bflag:$0x3] =	sbarrier.arrive $0xFFFF;
	s2 =	simm.s32 @!p0 $0x1C05  }
0x24e: {  	[timem:s3], [sflag:s2] =	dma.local @!p0 [hbm:s0], s1  }
0x24f: {  	s0 =	simm.s32 @!p0 $0x5  }
0x250: {  	_ =	swait.ge @!p0 [sflag:s0], s1  }
0x251: {  	s1 =	ssub.s32 @!p0 $0x0, s1;
	[sflag:s0] =	ssyncset.done @!p0 $0x0  }
0x252: {  	[sflag:s0] =	ssyncadd.s32 @!p0 s1  }
0x253: {  	[bflag:$0x3] =	sbarrier.arrive $0xFFFF  }
0x254: {  	_ =	shalt  }

// kernel: kernel.20.cloned.1.call-start
scs
__scs_entry_jumppad:
0x0: {  	(pc) =	sbr.rel $0x88, $3  }
0x1: {  	(tag) =	ssettag $0x0;
	lr =	simm.s32 $0x1  }
0x2: {  	[smem:$0x3F9C] =	sst lr;
	_ =	strace $0xD0000000  }
0x3: {  	_ = 	snop  }
0x4: {  	_ = 	snop  }
0x5: {  	_ = 	snop  }
0x6: {  	_ = 	snop  }
0x7: {  	_ = 	snop  }
__scs_overlays_trampoline_lowered:
0x8: {  	[smem:$0x3FAB] =	sst s0  }
0x9: {  	[smem:$0x3FAC] =	sst s1  }
0xa: {  	[smem:$0x3FAD] =	sst s2  }
0xb: {  	[smem:$0x3FAE] =	sst s3  }
0xc: {  	[smem:$0x3FAF] =	sst s4  }
0xd: {  	[smem:$0x3FB0] =	sst s5  }
0xe: {  	[smem:$0x3FB1] =	sst s6  }
0xf: {  	[smem:$0x3FB2] =	sst s7  }
0x10: {  	[smem:$0x3FB3] =	sst s8  }
0x11: {  	[smem:$0x3FB4] =	sst s9;
	s0 =	simm.s32 @!p0 $0x0  }
0x12: {  	s1 =	sld [smem:$0x3F9A];
	s0 =	simm.s32 @p0 $0x1  }
0x13: {  	[smem:$0x3FB5] =	sst s0;
	s0 =	simm.s32 @!p1 $0x0  }
0x14: {  	s2 =	sld [smem:$0x3F99];
	s0 =	simm.s32 @p1 $0x1  }
0x15: {  	[smem:$0x3FB6] =	sst s0;
	s0 =	simm.s32 @!p2 $0x0  }
0x16: {  	s3 =	sld [smem:$0x3FDB];
	s0 =	simm.s32 @p2 $0x1  }
0x17: {  	s4 =	simm.s32 $0x1BF5;
	[smem:$0x3FB8] =	sst s0  }
0x18: {  	s0 =	sld [smem:$0x3F9B];
	_ =	swait.ge [sflag:s4], $0x0  }
0x19: {  	s7 =	sld [smem:$0x3F9C]  }
0x1a: {  	s8 =	sadd.s32 $0xFFFFE003, lr  }
0x1b: {  	s9 =	sadd.s32 $0xFFFFFEF7, lr;
	s5 =	simm.s32 $0xFFFFFFFF;
	p2 =	slt.u32 s8, $0xFFFFF086  }
0x1c: {  	p1 =	slt.u32 s9, $0xF7A;
	s5 =	simm.s32 @!p2 $0x0  }
0x1d: {  	s5 =	simm.s32 @p1 $0x1;
	p0 =	seq.s32 s7, s2  }
0x1e: {  	s7 =	smul.u32 @!p0 $0xF7A, s2;
	p2 =	seq.s32 @!p0 s5, $0x0  }
0x1f: {  	s9 =	smul.u32 $0xF7A, s1;
	s8 =	simm.s32 @!p0 $0x1BF5;
	p2 =	por !p2, p0  }
0x20: {  	[sflag:s8] =	ssyncset.s32 @!p0 $0xFFFFF086;
	s6 =	sadd.s32 @!p0 s3, s7;
	s7 =	simm.s32 @!p0 $0x108  }
0x21: {  	s3 =	sadd.s32 s3, s9;
	s6 =	sadd.s32 @!p0 $0x88, s6;
	s7 =	simm.s32 @p2 $0x1082  }
0x22: {  	[simem:s7], [sflag:s8] =	dma.local @!p0 [hbm:s6], $0xF7A  }
0x23: {  	s9 =	sor.u32 $0xD0000000, s2;
	s6 =	simm.s32 $0x108;
	_ =	swait.ge @!p0 [sflag:s8], $0x0  }
0x24: {  	s3 =	sadd.s32 $0x88, s3;
	s6 =	simm.s32 @!p1 $0x1082;
	[sflag:s4] =	ssyncset.s32 $0xFFFFF086  }
0x25: {  	[simem:s6], [sflag:s4] =	dma.local [hbm:s3], $0xF7A  }
0x26: {  	[smem:$0x3F9C] =	sst s1;
	(tag) =	ssettag s2;
	_ =	strace s9  }
0x27: {  	s1 =	sld [smem:$0x3FAC]  }
0x28: {  	s2 =	sld [smem:$0x3FAD]  }
0x29: {  	s4 =	sld [smem:$0x3FAF]  }
0x2a: {  	p0 =	seq.s32 s5, $0x0;
	s5 =	sld [smem:$0x3FB0]  }
0x2b: {  	s6 =	sld [smem:$0x3FB1]  }
0x2c: {  	s7 =	sld [smem:$0x3FB2]  }
0x2d: {  	s3 =	simm.s32 $0x108;
	s8 =	sld [smem:$0x3FB3]  }
0x2e: {  	s3 =	simm.s32 @!p0 $0x1082;
	s9 =	sld [smem:$0x3FB4]  }
0x2f: {  	lr =	sadd.s32 s0, s3;
	s0 =	sld [smem:$0x3FAB]  }
0x30: {  	s3 =	sld [smem:$0x3FAE]  }
0x31: {  	[smem:$0x3FB7] =	sst s10  }
0x32: {  	s10 =	sld [smem:$0x3FB5];
	_ =	sdelay $0x3  }
0x33: {  	p0 =	seq.s32 s10, $0x1;
	s10 =	sld [smem:$0x3FB7];
	_ =	sdelay $0x3  }
0x34: {  	[smem:$0x3FB7] =	sst s10  }
0x35: {  	s10 =	sld [smem:$0x3FB6];
	_ =	sdelay $0x3  }
0x36: {  	p1 =	seq.s32 s10, $0x1;
	s10 =	sld [smem:$0x3FB7];
	_ =	sdelay $0x3  }
0x37: {  	[smem:$0x3FB7] =	sst s10  }
0x38: {  	s10 =	sld [smem:$0x3FB8]  }
0x39: {  	_ = 	snop;
	(pc) =	sbr.ind lr, $3  }
0x3a: {  	_ = 	snop  }
0x3b: {  	_ = 	snop  }
0x3c: {  	p2 =	seq.s32 s10, $0x1;
	s10 =	sld [smem:$0x3FB7]  }
0x3d: {  	_ =	shalt  }
0x3e: {  	_ =	shalt  }
0x3f: {  	_ =	shalt  }
0x40: {  	_ =	shalt  }
0x41: {  	_ =	shalt  }
0x42: {  	_ =	shalt  }
0x43: {  	_ =	shalt  }
0x44: {  	_ =	shalt  }
0x45: {  	_ =	shalt  }
0x46: {  	_ =	shalt  }
0x47: {  	_ =	shalt  }
0x48: {  	_ =	shalt  }
0x49: {  	_ =	shalt  }
0x4a: {  	_ =	shalt  }
0x4b: {  	_ =	shalt  }
0x4c: {  	_ =	shalt  }
0x4d: {  	_ =	shalt  }
0x4e: {  	_ =	shalt  }
0x4f: {  	_ =	shalt  }
0x50: {  	_ =	shalt  }
0x51: {  	_ =	shalt  }
0x52: {  	_ =	shalt  }
0x53: {  	_ =	shalt  }
0x54: {  	_ =	shalt  }
0x55: {  	_ =	shalt  }
0x56: {  	_ =	shalt  }
0x57: {  	_ =	shalt  }
0x58: {  	_ =	shalt  }
0x59: {  	_ =	shalt  }
0x5a: {  	_ =	shalt  }
0x5b: {  	_ =	shalt  }
0x5c: {  	_ =	shalt  }
0x5d: {  	_ =	shalt  }
0x5e: {  	_ =	shalt  }
0x5f: {  	_ =	shalt  }
0x60: {  	_ =	shalt  }
0x61: {  	_ =	shalt  }
0x62: {  	_ =	shalt  }
0x63: {  	_ =	shalt  }
0x64: {  	_ =	shalt  }
0x65: {  	_ =	shalt  }
0x66: {  	_ =	shalt  }
0x67: {  	_ =	shalt  }
0x68: {  	_ =	shalt  }
0x69: {  	_ =	shalt  }
0x6a: {  	_ =	shalt  }
0x6b: {  	_ =	shalt  }
0x6c: {  	_ =	shalt  }
0x6d: {  	_ =	shalt  }
0x6e: {  	_ =	shalt  }
0x6f: {  	_ =	shalt  }
0x70: {  	_ =	shalt  }
0x71: {  	_ =	shalt  }
0x72: {  	_ =	shalt  }
0x73: {  	_ =	shalt  }
0x74: {  	_ =	shalt  }
0x75: {  	_ =	shalt  }
0x76: {  	_ =	shalt  }
0x77: {  	_ =	shalt  }
0x78: {  	_ =	shalt  }
0x79: {  	_ =	shalt  }
0x7a: {  	_ =	shalt  }
0x7b: {  	_ =	shalt  }
0x7c: {  	_ =	shalt  }
0x7d: {  	_ =	shalt  }
0x7e: {  	_ =	shalt  }
0x7f: {  	_ =	shalt  }
0x80: {  	_ =	shalt  }
0x81: {  	_ =	shalt  }
0x82: {  	_ =	shalt  }
0x83: {  	_ =	shalt  }
0x84: {  	_ =	shalt  }
0x85: {  	_ =	shalt  }
0x86: {  	_ =	shalt  }
0x87: {  	_ =	shalt  }
.Lfunc_end0:
.L_simem_size_0:
called_computation.3_lowered:
.L_overlay_start_0:
0x88: {  	s2 =	sld [smem:$0x3FD9]  }
0x89: {  	s3 =	sld [smem:$0x3FFE];
	_ =	sdelay $0x1  }
0x8a: {  	s1 =	srdreg.scid  }
0x8b: {  	s0 =	sand.u32 $0x1, s1  }
0x8c: {  	s14 =	sshll.u32 s0, $0xA;
	s2 =	sadd.s32 s3, s2  }
0x8d: {  	s2 =	sadd.s32 s2, s14  }
0x8e: {  	[smem:$0x3FC3] =	sst s2  }
0x8f: {  	_ = 	snop  }
0x90: {  	s2 =	sld [smem:$0x3FD0];
	_ =	sdelay $0x2  }
0x91: {  	s15 =	simm.s32 $0xA;
	s4 =	simm.s32 $0x10  }
0x92: {  	[smem:s4], [sflag:s15] =	dma.local [hbm:s2], $0x1  }
0x93: {  	_ =	swait.eq [sflag:s15], $0x1  }
0x94: {  	[sflag:s15] =	ssyncset.done $0x0  }
0x95: {  	s16 =	sld [smem:$0x10];
	[sflag:s15] =	ssyncadd.s32 $0xFFFFFFFF  }
0x96: {  	s17 =	sld [smem:$0x11];
	(tm) =	ssettm $0x1  }
0x97: {  	s18 =	sld [smem:$0x3FFB];
	_ =	sdelay $0x3  }
0x98: {  	_ =	strace s18  }
0x99: {  	s4 =	sld [smem:$0x3FFC];
	_ =	sdelay $0x3  }
0x9a: {  	_ =	strace s4  }
0x9b: {  	s4 =	sld [smem:$0x3FFD];
	_ =	sdelay $0x3  }
0x9c: {  	_ =	strace s4  }
0x9d: {  	_ =	strace $0x8FFFFFFF  }
0x9e: {  	s19 =	sld [smem:$0x3FDB];
	_ =	sdelay $0x1  }
0x9f: {  	s5 =	simm.s32 $_scs_section_size  }
0xa0: {  	s6 =	simm.s32 $_size__tile_overlayer_lowered;
	s7 =	simm.s32 $_tile_overlayer_lowered  }
0xa1: {  	s22 =	simm.s32 $0x1BFF;
	s21 =	sshll.u32 s7, $0x1;
	s4 =	sadd.s32 s5, s19  }
0xa2: {  	s8 =	simm.s32 $0x0;
	s20 =	sshll.u32 s6, $0x1;
	s6 =	sadd.s32 s21, s4  }
0xa3: {  	[timem:s8], [sflag:s22] =	dma.local [hbm:s6], s20  }
0xa4: {  	_ =	swait.ge [sflag:s22], s20  }
0xa5: {  	s5 =	ssub.s32 $0x0, s20;
	[sflag:s22] =	ssyncset.done $0x0  }
0xa6: {  	[sflag:s22] =	ssyncadd.s32 s5;
	_ =	sdelay $0x1  }
0xa7: {  	s23 =	simm.s32 $0x1B8B  }
0xa8: {  	_ =	swait.ge [sflag:s23], $0x1  }
0xa9: {  	[sflag:s23] =	ssyncset.done $0x0  }
0xaa: {  	s25 =	simm.s32 $0x1B8E;
	s24 =	sld [smem:$0x3FFE];
	[sflag:s23] =	ssyncadd.s32 $0xFFFFFFFF  }
0xab: {  	s26 =	simm.s32 $execute0_lowered;
	[smem:$0x3FD2] =	sst s25  }
0xac: {  	s6 =	sshll.u32 s26, $0x1;
	_ =	strace $0x8000004F;
	[dreg:$0x1] =	wrdreg $0xFFFFFFFF  }
0xad: {  	s28 =	simm.s32 $_size_execute0_lowered;
	s4 =	sadd.s32 s4, s6;
	[dreg:$0x0] =	wrdreg $0x0  }
0xae: {  	s6 =	sshll.u32 s28, $0x1;
	[dreg:$0x2] =	wrdreg s4  }
0xaf: {  	[dreg:$0x3] =	wrdreg s6  }
0xb0: {  	[dreg:$0x4] =	wrdreg $0xC0  }
0xb1: {  	_ =	task [dreg:s8], $0x5FFFF  }
0xb2: {  	[dreg:$0x1] =	wrdreg $0xFFFFFFFF  }
0xb3: {  	[dreg:$0x0] =	wrdreg $0x60  }
0xb4: {  	[dreg:$0x2] =	wrdreg s16  }
0xb5: {  	[dreg:$0x3] =	wrdreg s24  }
0xb6: {  	[dreg:$0x4] =	wrdreg s17  }
0xb7: {  	[dreg:$0x5] =	wrdreg $0x4A000  }
0xb8: {  	[dreg:$0x6] =	wrdreg $0x9  }
0xb9: {  	_ =	task.clear_ibuf [dreg:s8], $0x7FFFF;
	_ =	strace $0x9000004F  }
0xba: {  	s29 =	simm.s32 $0x9;
	_ =	strace $0x80000051  }
0xbb: {  	_ =	swait.ge [sflag:s29], $0x1  }
0xbc: {  	[sflag:s29] =	ssyncadd.s32 $0xFFFFFFFF  }
0xbd: {  	_ =	strace $0x90000051  }
0xbe: {  	_ =	sfence  }
0xbf: {  	s30 =	sld [smem:$0x0];
	_ =	sdelay $0x2  }
0xc0: {  	s31 =	sshll.u32 s1, $0xD;
	s1 =	sshrl.u32 s1, $0x2  }
0xc1: {  	s3 =	sand.u32 $0x4000, s31;
	s1 =	sadd.s32 s1, s30  }
0xc2: {  	s0 =	sor.u32 s3, s0;
	s1 =	sshll.u32 s1, $0x11  }
0xc3: {  	s0 =	sor.u32 s1, s0  }
0xc4: {  	s0 =	sadd.s32 $0x8F2B, s0  }
0xc5: {  	[sflag:s0] =	ssyncadd.remote.s32 $0x1  }
0xc6: {  	_ =	sfence.sel $0xFFFF  }
0xc7: {  	[dreg:$0x0] =	wrdreg $0xFFFFFFFF;
	(pc) =	sbr.abs _section_cstart, $3  }
0xc8: {  	[dreg:$0x1] =	wrdreg $0xFFFFFFFF  }
0xc9: {  	_ =	task.clear_ibuf [dreg:s8], $0x2FFFF;
	_ =	strace $0x9FFFFFFF  }
0xca: {  	(tm) =	ssettm $0x7FFFFFFF  }
0xcb: {  	_ =	shalt  }
tec
execute0_lowered:
.L_overlay_start_1:
0x0: {  	(tag) =	ssettag $0x1  }
0x1: {  	s1 =	rddreg [dreg:$0x0]  }
0x2: {  	s2 =	rddreg [dreg:$0x1]  }
0x3: {  	s0 =	srdreg.scid;
	s6 =	rddreg [dreg:$0x2]  }
0x4: {  	s10 =	stileid.u32;
	s3 =	rddreg [dreg:$0x3];
	s4 =	simm.s32 $0x0  }
0x5: {  	s12 =	simm.s32 $0x5;
	s13 =	simm.s32 $0x500;
	s14 =	simm.s32 $0x80  }
0x6: {  	s15 =	simm.s32 $0xA00;
	s16 =	simm.s32 $0x2A00;
	s17 =	simm.s32 $0x1  }
0x7: {  	s18 =	simm.s32 $0x3;
	s24 =	simm.s32 $0x100;
	s7 =	smul.u32 $0x3C00, s10  }
0x8: {  	s20 =	simm.s32 $0x2;
	s0 =	sand.u32 $0x1, s0;
	s8 =	smul.u32 $0x9E00, s10  }
0x9: {  	s22 =	simm.s32 $0x4;
	[smem:$0x7FF] =	sst s4;
	s5 =	smul.u32 $0x3C000, s0  }
0xa: {  	s10 =	sshll.u32 s10, $0x6;
	s9 =	smul.u32 $0x9E000, s0;
	_ =	strace $0x80000050  }
0xb: {  	s26 =	ssub.s32 $0x2, s0;
	s21 =	sor.u32 $0x1C05, s10;
	p0 =	seq.s32 s0, $0x1  }
0xc: {  	s0 =	simm.s32 $0x0;
	s28 =	sshrl.u32 s26, $0x1;
	s29 =	sshrl.u32 s8, $0x3  }
0xd: {  	[dreg:$0x6] =	wrdreg s21;
	s5 =	sadd.s32 s7, s5;
	s25 =	sadd.s32 s8, s9  }
0xe: {  	s8 =	sadd.s32 s8, s3;
	s6 =	sadd.s32 s6, s29;
	s5 =	sshrl.u32 s5, $0x3  }
.Ltmp0:
0xf: {  	s7 =	sshrl.u32 s25, $0x3;
	[dreg:$0x5] =	wrdreg s6;
	(pc) =	sbr.rel .LBB2_1-.Ltmp0, $4  }
0x10: {  	s23 =	sshrl.u32 s8, $0x3;
	s5 =	sadd.s32 s5, s2;
	s2 =	sadd.s32 s7, s2  }
0x11: {  	s7 =	ssub.s32 s26, s28;
	[dreg:$0x9] =	wrdreg s23;
	s30 =	sadd.s32 $0x47200, s2  }
0x12: {  	s25 =	simm.s32 $0x580;
	s31 =	smax.u32 s7, $0x1;
	[dreg:$0x7] =	wrdreg s30  }
0x13: {  	s9 =	sadd.s32 $0x1E00, s5;
	s10 =	sadd.s32 $0x11000, s5;
	[dreg:$0x8] =	wrdreg s31  }
.LBB2_7:
0x14: {  	s21 =	sadd.s32 s19, s10;
	[sflag:s22] =	ssyncadd.s32 $0xFFFFE000  }
0x15: {  	[tilespmem:s4], [sflag:$0x5] =	stream.linear.gather [hbm4b:s21+s4], $0x500, $0x38;
	[tilespmem:$0xE800] =	vst v63  }
0x16: {  	_ =	swait.ge [sflag:s12], $0x500  }
0x17: {  	[sflag:s12] =	ssyncset.done $0x0  }
0x18: {  	s23 =	sadd.s32 s19, s9;
	[sflag:s12] =	ssyncadd.s32 $0xFFFFFB00  }
0x19: {  	[tilespmem:s13], [sflag:$0x5] =	stream.linear.gather [hbm4b:s23+s4], $0x500, $0x38;
	[tilespmem:$0xE800] =	vst v63  }
0x1a: {  	_ =	swait.ge [sflag:s12], $0x500  }
0x1b: {  	[sflag:s12] =	ssyncset.done $0x0  }
0x1c: {  	[sflag:s12] =	ssyncadd.s32 $0xFFFFFB00  }
0x1d: {  	[tilespmem:s15], [sflag:$0x1] =	stream.indirect.gather [hbm4b:s1+s14], $0x40, s4, s14, $0xb8;
	[tilespmem:$0xE800] =	vst v63  }
0x1e: {  	_ = 	snop  }
0x1f: {  	[tilespmem:s16], [sflag:$0x2] =	stream.indirect.gather [hbm4b:s1+s14], $0x40, s14, s14, $0xb8;
	[tilespmem:$0xE800] =	vst v63  }
0x20: {  	_ =	swait.ge [sflag:s17], $0x2000  }
0x21: {  	[sflag:s17] =	ssyncset.done $0x0  }
0x22: {  	[sflag:s17] =	ssyncadd.s32 $0xFFFFE000  }
0x23: {  	[spmem:s3] =	stream.indirect.scatter.add.f32 [tilespmem:s15], [sflag:$0x3], $0x40, s13, s14, $0xb8;
	[tilespmem:$0xE800] =	vst v63  }
0x24: {  	_ =	swait.ge [sflag:s18], $0x2000  }
0x25: {  	[sflag:s18] =	ssyncset.done $0x0  }
0x26: {  	[sflag:s18] =	ssyncadd.s32 $0xFFFFE000  }
0x27: {  	[tilespmem:s15], [sflag:$0x1] =	stream.indirect.gather [hbm4b:s1+s14], $0x40, s24, s14, $0xb8;
	[tilespmem:$0xE800] =	vst v63  }
0x28: {  	_ =	swait.ge [sflag:s20], $0x2000  }
0x29: {  	[sflag:s20] =	ssyncset.done $0x0  }
0x2a: {  	[sflag:s20] =	ssyncadd.s32 $0xFFFFE000  }
0x2b: {  	[spmem:s3] =	stream.indirect.scatter.add.f32 [tilespmem:s16], [sflag:$0x4], $0x40, s25, s14, $0xb8;
	[tilespmem:$0xE800] =	vst v63  }
0x2c: {  	_ =	swait.ge [sflag:s22], $0x2000  }
0x2d: {  	[sflag:s22] =	ssyncset.done $0x0  }
0x2e: {  	[sflag:s22] =	ssyncadd.s32 $0xFFFFE000  }
0x2f: {  	[tilespmem:s16], [sflag:$0x2] =	stream.indirect.gather [hbm4b:s1+s14], $0x40, s26, s14, $0xb8;
	[tilespmem:$0xE800] =	vst v63  }
0x30: {  	_ =	swait.ge [sflag:s17], $0x2000  }
0x31: {  	[sflag:s17] =	ssyncset.done $0x0  }
0x32: {  	[sflag:s17] =	ssyncadd.s32 $0xFFFFE000  }
0x33: {  	[spmem:s3] =	stream.indirect.scatter.add.f32 [tilespmem:s15], [sflag:$0x3], $0x40, s28, s14, $0xb8;
	[tilespmem:$0xE800] =	vst v63  }
0x34: {  	_ =	swait.ge [sflag:s18], $0x2000  }
0x35: {  	[sflag:s18] =	ssyncset.done $0x0  }
0x36: {  	[sflag:s18] =	ssyncadd.s32 $0xFFFFE000  }
0x37: {  	[tilespmem:s15], [sflag:$0x1] =	stream.indirect.gather [hbm4b:s1+s14], $0x40, s29, s14, $0xb8;
	[tilespmem:$0xE800] =	vst v63  }
0x38: {  	_ =	swait.ge [sflag:s20], $0x2000  }
0x39: {  	[sflag:s20] =	ssyncset.done $0x0  }
0x3a: {  	[sflag:s20] =	ssyncadd.s32 $0xFFFFE000  }
0x3b: {  	[spmem:s3] =	stream.indirect.scatter.add.f32 [tilespmem:s16], [sflag:$0x4], $0x40, s30, s14, $0xb8;
	[tilespmem:$0xE800] =	vst v63  }
0x3c: {  	_ =	swait.ge [sflag:s22], $0x2000  }
0x3d: {  	[sflag:s22] =	ssyncset.done $0x0  }
0x3e: {  	[sflag:s22] =	ssyncadd.s32 $0xFFFFE000  }
0x3f: {  	[tilespmem:s16], [sflag:$0x2] =	stream.indirect.gather [hbm4b:s1+s14], $0x40, s31, s14, $0xb8;
	[tilespmem:$0xE800] =	vst v63  }
0x40: {  	_ =	swait.ge [sflag:s17], $0x2000  }
0x41: {  	[sflag:s17] =	ssyncset.done $0x0  }
0x42: {  	[sflag:s17] =	ssyncadd.s32 $0xFFFFE000  }
0x43: {  	[spmem:s3] =	stream.indirect.scatter.add.f32 [tilespmem:s15], [sflag:$0x3], $0x40, s2, s14, $0xb8;
	[tilespmem:$0xE800] =	vst v63  }
0x44: {  	_ =	swait.ge [sflag:s18], $0x2000  }
0x45: {  	[sflag:s18] =	ssyncset.done $0x0  }
0x46: {  	[sflag:s18] =	ssyncadd.s32 $0xFFFFE000  }
0x47: {  	[tilespmem:s15], [sflag:$0x1] =	stream.indirect.gather [hbm4b:s1+s14], $0x40, s0, s14, $0xb8;
	[tilespmem:$0xE800] =	vst v63  }
0x48: {  	_ =	swait.ge [sflag:s20], $0x2000  }
0x49: {  	[sflag:s20] =	ssyncset.done $0x0  }
0x4a: {  	[sflag:s20] =	ssyncadd.s32 $0xFFFFE000  }
0x4b: {  	[spmem:s3] =	stream.indirect.scatter.add.f32 [tilespmem:s16], [sflag:$0x4], $0x40, s5, s14, $0xb8;
	[tilespmem:$0xE800] =	vst v63  }
0x4c: {  	_ =	swait.ge [sflag:s22], $0x2000  }
0x4d: {  	[sflag:s22] =	ssyncset.done $0x0  }
0x4e: {  	[sflag:s22] =	ssyncadd.s32 $0xFFFFE000  }
0x4f: {  	[tilespmem:s16], [sflag:$0x2] =	stream.indirect.gather [hbm4b:s1+s14], $0x40, s7, s14, $0xb8;
	[tilespmem:$0xE800] =	vst v63  }
0x50: {  	_ =	swait.ge [sflag:s17], $0x2000  }
0x51: {  	[sflag:s17] =	ssyncset.done $0x0  }
0x52: {  	[sflag:s17] =	ssyncadd.s32 $0xFFFFE000  }
0x53: {  	[spmem:s3] =	stream.indirect.scatter.add.f32 [tilespmem:s15], [sflag:$0x3], $0x40, s8, s14, $0xb8;
	[tilespmem:$0xE800] =	vst v63  }
0x54: {  	_ =	swait.ge [sflag:s18], $0x2000  }
0x55: {  	[sflag:s18] =	ssyncset.done $0x0  }
0x56: {  	[sflag:s18] =	ssyncadd.s32 $0xFFFFE000  }
0x57: {  	[tilespmem:s15], [sflag:$0x1] =	stream.indirect.gather [hbm4b:s1+s14], $0x40, s6, s14, $0xb8;
	[tilespmem:$0xE800] =	vst v63  }
0x58: {  	_ =	swait.ge [sflag:s20], $0x2000  }
0x59: {  	[sflag:s20] =	ssyncset.done $0x0  }
0x5a: {  	[sflag:s20] =	ssyncadd.s32 $0xFFFFE000  }
0x5b: {  	[spmem:s3] =	stream.indirect.scatter.add.f32 [tilespmem:s16], [sflag:$0x4], $0x40, s11, s14, $0xb8;
	[tilespmem:$0xE800] =	vst v63  }
0x5c: {  	_ =	swait.ge [sflag:s22], $0x2000  }
0x5d: {  	[sflag:s22] =	ssyncset.done $0x0  }
0x5e: {  	s29 =	simm.s32 $0x480;
	[sflag:s22] =	ssyncadd.s32 $0xFFFFE000  }
0x5f: {  	[tilespmem:s16], [sflag:$0x2] =	stream.indirect.gather [hbm4b:s1+s14], $0x40, s29, s14, $0xb8;
	[tilespmem:$0xE800] =	vst v63  }
0x60: {  	_ =	swait.ge [sflag:s17], $0x2000  }
0x61: {  	[sflag:s17] =	ssyncset.done $0x0  }
0x62: {  	s30 =	simm.s32 $0x900;
	[sflag:s17] =	ssyncadd.s32 $0xFFFFE000  }
0x63: {  	[spmem:s3] =	stream.indirect.scatter.add.f32 [tilespmem:s15], [sflag:$0x3], $0x40, s30, s14, $0xb8;
	[tilespmem:$0xE800] =	vst v63  }
0x64: {  	_ =	swait.ge [sflag:s18], $0x2000  }
0x65: {  	[sflag:s18] =	ssyncset.done $0x0  }
0x66: {  	[sflag:s18] =	ssyncadd.s32 $0xFFFFE000  }
0x67: {  	_ =	swait.ge [sflag:s20], $0x2000  }
0x68: {  	[sflag:s20] =	ssyncset.done $0x0  }
0x69: {  	s31 =	simm.s32 $0x980;
	[sflag:s20] =	ssyncadd.s32 $0xFFFFE000  }
0x6a: {  	[spmem:s3] =	stream.indirect.scatter.add.f32 [tilespmem:s16], [sflag:$0x4], $0x40, s31, s14, $0xb8;
	[tilespmem:$0xE800] =	vst v63  }
0x6b: {  	_ =	swait.ge [sflag:s22], $0x2000  }
0x6c: {  	[sflag:s22] =	ssyncset.done $0x0  }
0x6d: {  	s0 =	rddreg [dreg:$0xa];
	[sflag:s22] =	ssyncadd.s32 $0xFFFFE000  }
.LBB2_8:
0x6e: {  	[bflag:$0x0] =	sbarrier.arrive $0xFFFF  }
0x6f: {  	s21 =	rddreg [dreg:$0x6]  }
0x70: {  	s19 =	rddreg [dreg:$0x7]  }
0x71: {  	s23 =	rddreg [dreg:$0x9]  }
0x72: {  	[hbm:s19], [sflag:s21] =	dma.local [spmem:s23], $0x13C0  }
0x73: {  	_ =	swait.ge [sflag:s12], $0x13C0  }
0x74: {  	s0 =	sadd.s32 $0x1, s0;
	s31 =	rddreg [dreg:$0x8]  }
0x75: {  	p1 =	sne.s32 s0, s31  }
.Ltmp1:
0x76: {  	_ = 	snop;
	(pc) =	sbr.rel @!p1 .LBB2_9-.Ltmp1, $3  }
0x77: {  	_ =	sdelay $0x1  }
0x78: {  	[sflag:s12] =	ssyncset.done $0x0  }
0x79: {  	[sflag:s12] =	ssyncadd.s32 $0xFFFFEC40  }
.LBB2_1:
0x7a: {  	[dreg:$0xa] =	wrdreg s0  }
0x7b: {  	s19 =	rddreg [dreg:$0x5]  }
0x7c: {  	[spmem:s23], [sflag:s21] =	dma.local [hbm:s19], $0x13C0  }
.Ltmp2:
0x7d: {  	_ =	swait.ge [sflag:s12], $0x13C0;
	(pc) =	sbr.rel @!p0 .LBB2_2-.Ltmp2, $4  }
0x7e: {  	[sflag:s12] =	ssyncset.done $0x0  }
0x7f: {  	[sflag:s12] =	ssyncadd.s32 $0xFFFFEC40  }
0x80: {  	[bflag:$0x0] =	sbarrier.arrive $0xFFFF  }
0x81: {  	s19 =	sadd.s32 $0x0, s10  }
0x82: {  	[tilespmem:s4], [sflag:$0x5] =	stream.linear.gather [hbm4b:s19+s4], $0x500, $0x38;
	[tilespmem:$0xE800] =	vst v63  }
0x83: {  	_ =	swait.ge [sflag:s12], $0x500  }
0x84: {  	[sflag:s12] =	ssyncset.done $0x0  }
0x85: {  	s21 =	sadd.s32 $0x0, s9;
	[sflag:s12] =	ssyncadd.s32 $0xFFFFFB00  }
0x86: {  	[tilespmem:s13], [sflag:$0x5] =	stream.linear.gather [hbm4b:s21+s4], $0x500, $0x38;
	[tilespmem:$0xE800] =	vst v63  }
0x87: {  	_ =	swait.ge [sflag:s12], $0x500  }
0x88: {  	[sflag:s12] =	ssyncset.done $0x0  }
0x89: {  	[sflag:s12] =	ssyncadd.s32 $0xFFFFFB00  }
0x8a: {  	[tilespmem:s15], [sflag:$0x1] =	stream.indirect.gather [hbm4b:s1+s14], $0x40, s4, s14, $0xb8;
	[tilespmem:$0xE800] =	vst v63  }
0x8b: {  	_ = 	snop  }
0x8c: {  	[tilespmem:s16], [sflag:$0x2] =	stream.indirect.gather [hbm4b:s1+s14], $0x40, s14, s14, $0xb8;
	[tilespmem:$0xE800] =	vst v63  }
0x8d: {  	_ =	swait.ge [sflag:s17], $0x2000  }
0x8e: {  	[sflag:s17] =	ssyncset.done $0x0  }
0x8f: {  	[sflag:s17] =	ssyncadd.s32 $0xFFFFE000  }
0x90: {  	[spmem:s3] =	stream.indirect.scatter.add.f32 [tilespmem:s15], [sflag:$0x3], $0x40, s13, s14, $0xb8;
	[tilespmem:$0xE800] =	vst v63  }
0x91: {  	_ =	swait.ge [sflag:s18], $0x2000  }
0x92: {  	[sflag:s18] =	ssyncset.done $0x0  }
0x93: {  	[sflag:s18] =	ssyncadd.s32 $0xFFFFE000  }
0x94: {  	[tilespmem:s15], [sflag:$0x1] =	stream.indirect.gather [hbm4b:s1+s14], $0x40, s24, s14, $0xb8;
	[tilespmem:$0xE800] =	vst v63  }
0x95: {  	_ =	swait.ge [sflag:s20], $0x2000  }
0x96: {  	[sflag:s20] =	ssyncset.done $0x0  }
0x97: {  	[sflag:s20] =	ssyncadd.s32 $0xFFFFE000  }
0x98: {  	[spmem:s3] =	stream.indirect.scatter.add.f32 [tilespmem:s16], [sflag:$0x4], $0x40, s25, s14, $0xb8;
	[tilespmem:$0xE800] =	vst v63  }
0x99: {  	_ =	swait.ge [sflag:s22], $0x2000  }
0x9a: {  	[sflag:s22] =	ssyncset.done $0x0  }
0x9b: {  	s26 =	simm.s32 $0x180;
	[sflag:s22] =	ssyncadd.s32 $0xFFFFE000  }
0x9c: {  	[tilespmem:s16], [sflag:$0x2] =	stream.indirect.gather [hbm4b:s1+s14], $0x40, s26, s14, $0xb8;
	[tilespmem:$0xE800] =	vst v63  }
0x9d: {  	_ =	swait.ge [sflag:s17], $0x2000  }
0x9e: {  	[sflag:s17] =	ssyncset.done $0x0  }
0x9f: {  	s28 =	simm.s32 $0x600;
	[sflag:s17] =	ssyncadd.s32 $0xFFFFE000  }
0xa0: {  	[spmem:s3] =	stream.indirect.scatter.add.f32 [tilespmem:s15], [sflag:$0x3], $0x40, s28, s14, $0xb8;
	[tilespmem:$0xE800] =	vst v63  }
0xa1: {  	_ =	swait.ge [sflag:s18], $0x2000  }
0xa2: {  	[sflag:s18] =	ssyncset.done $0x0  }
0xa3: {  	s29 =	simm.s32 $0x200;
	[sflag:s18] =	ssyncadd.s32 $0xFFFFE000  }
0xa4: {  	[tilespmem:s15], [sflag:$0x1] =	stream.indirect.gather [hbm4b:s1+s14], $0x40, s29, s14, $0xb8;
	[tilespmem:$0xE800] =	vst v63  }
0xa5: {  	_ =	swait.ge [sflag:s20], $0x2000  }
0xa6: {  	[sflag:s20] =	ssyncset.done $0x0  }
0xa7: {  	s30 =	simm.s32 $0x680;
	[sflag:s20] =	ssyncadd.s32 $0xFFFFE000  }
0xa8: {  	[spmem:s3] =	stream.indirect.scatter.add.f32 [tilespmem:s16], [sflag:$0x4], $0x40, s30, s14, $0xb8;
	[tilespmem:$0xE800] =	vst v63  }
0xa9: {  	_ =	swait.ge [sflag:s22], $0x2000  }
0xaa: {  	[sflag:s22] =	ssyncset.done $0x0  }
0xab: {  	s31 =	simm.s32 $0x280;
	[sflag:s22] =	ssyncadd.s32 $0xFFFFE000  }
0xac: {  	[tilespmem:s16], [sflag:$0x2] =	stream.indirect.gather [hbm4b:s1+s14], $0x40, s31, s14, $0xb8;
	[tilespmem:$0xE800] =	vst v63  }
0xad: {  	_ =	swait.ge [sflag:s17], $0x2000  }
0xae: {  	[sflag:s17] =	ssyncset.done $0x0  }
0xaf: {  	s2 =	simm.s32 $0x700;
	[sflag:s17] =	ssyncadd.s32 $0xFFFFE000  }
0xb0: {  	[spmem:s3] =	stream.indirect.scatter.add.f32 [tilespmem:s15], [sflag:$0x3], $0x40, s2, s14, $0xb8;
	[tilespmem:$0xE800] =	vst v63  }
0xb1: {  	_ =	swait.ge [sflag:s18], $0x2000  }
0xb2: {  	[sflag:s18] =	ssyncset.done $0x0  }
0xb3: {  	s0 =	simm.s32 $0x300;
	[sflag:s18] =	ssyncadd.s32 $0xFFFFE000  }
0xb4: {  	[tilespmem:s15], [sflag:$0x1] =	stream.indirect.gather [hbm4b:s1+s14], $0x40, s0, s14, $0xb8;
	[tilespmem:$0xE800] =	vst v63  }
0xb5: {  	_ =	swait.ge [sflag:s20], $0x2000  }
0xb6: {  	[sflag:s20] =	ssyncset.done $0x0  }
0xb7: {  	s5 =	simm.s32 $0x780;
	[sflag:s20] =	ssyncadd.s32 $0xFFFFE000  }
0xb8: {  	[spmem:s3] =	stream.indirect.scatter.add.f32 [tilespmem:s16], [sflag:$0x4], $0x40, s5, s14, $0xb8;
	[tilespmem:$0xE800] =	vst v63  }
0xb9: {  	_ =	swait.ge [sflag:s22], $0x2000  }
0xba: {  	[sflag:s22] =	ssyncset.done $0x0  }
0xbb: {  	s7 =	simm.s32 $0x380;
	[sflag:s22] =	ssyncadd.s32 $0xFFFFE000  }
0xbc: {  	[tilespmem:s16], [sflag:$0x2] =	stream.indirect.gather [hbm4b:s1+s14], $0x40, s7, s14, $0xb8;
	[tilespmem:$0xE800] =	vst v63  }
0xbd: {  	_ =	swait.ge [sflag:s17], $0x2000  }
0xbe: {  	[sflag:s17] =	ssyncset.done $0x0  }
0xbf: {  	s8 =	simm.s32 $0x800;
	[sflag:s17] =	ssyncadd.s32 $0xFFFFE000  }
0xc0: {  	[spmem:s3] =	stream.indirect.scatter.add.f32 [tilespmem:s15], [sflag:$0x3], $0x40, s8, s14, $0xb8;
	[tilespmem:$0xE800] =	vst v63  }
0xc1: {  	_ =	swait.ge [sflag:s18], $0x2000  }
0xc2: {  	[sflag:s18] =	ssyncset.done $0x0  }
0xc3: {  	s6 =	simm.s32 $0x400;
	[sflag:s18] =	ssyncadd.s32 $0xFFFFE000  }
0xc4: {  	[tilespmem:s15], [sflag:$0x1] =	stream.indirect.gather [hbm4b:s1+s14], $0x40, s6, s14, $0xb8;
	[tilespmem:$0xE800] =	vst v63  }
0xc5: {  	_ =	swait.ge [sflag:s20], $0x2000  }
0xc6: {  	[sflag:s20] =	ssyncset.done $0x0  }
0xc7: {  	s11 =	simm.s32 $0x880;
	[sflag:s20] =	ssyncadd.s32 $0xFFFFE000  }
0xc8: {  	[spmem:s3] =	stream.indirect.scatter.add.f32 [tilespmem:s16], [sflag:$0x4], $0x40, s11, s14, $0xb8;
	[tilespmem:$0xE800] =	vst v63  }
0xc9: {  	_ =	swait.ge [sflag:s22], $0x2000  }
0xca: {  	[sflag:s22] =	ssyncset.done $0x0  }
0xcb: {  	s23 =	simm.s32 $0x480;
	[sflag:s22] =	ssyncadd.s32 $0xFFFFE000  }
0xcc: {  	[tilespmem:s16], [sflag:$0x2] =	stream.indirect.gather [hbm4b:s1+s14], $0x40, s23, s14, $0xb8;
	[tilespmem:$0xE800] =	vst v63  }
0xcd: {  	_ =	swait.ge [sflag:s17], $0x2000  }
0xce: {  	[sflag:s17] =	ssyncset.done $0x0  }
0xcf: {  	s24 =	simm.s32 $0x900;
	[sflag:s17] =	ssyncadd.s32 $0xFFFFE000  }
0xd0: {  	[spmem:s3] =	stream.indirect.scatter.add.f32 [tilespmem:s15], [sflag:$0x3], $0x40, s24, s14, $0xb8;
	[tilespmem:$0xE800] =	vst v63  }
0xd1: {  	_ =	swait.ge [sflag:s18], $0x2000  }
0xd2: {  	[sflag:s18] =	ssyncset.done $0x0  }
0xd3: {  	[sflag:s18] =	ssyncadd.s32 $0xFFFFE000  }
0xd4: {  	_ =	swait.ge [sflag:s20], $0x2000  }
0xd5: {  	[sflag:s20] =	ssyncset.done $0x0  }
0xd6: {  	s25 =	simm.s32 $0x980;
	[sflag:s20] =	ssyncadd.s32 $0xFFFFE000  }
0xd7: {  	[spmem:s3] =	stream.indirect.scatter.add.f32 [tilespmem:s16], [sflag:$0x4], $0x40, s25, s14, $0xb8;
	[tilespmem:$0xE800] =	vst v63  }
0xd8: {  	_ =	swait.ge [sflag:s22], $0x2000  }
0xd9: {  	s19 =	simm.s32 $0xA0;
	s23 =	simm.s32 $0x140;
	[sflag:s22] =	ssyncset.done $0x0  }
.LBB2_6:
0xda: {  	s24 =	sadd.s32 s19, s10  }
0xdb: {  	[sflag:s22] =	ssyncadd.s32 $0xFFFFE000;
	s25 =	smov.u32 s23;
	s21 =	sadd.s32 $0xA0, s23  }
0xdc: {  	[tilespmem:s4], [sflag:$0x5] =	stream.linear.gather [hbm4b:s24+s4], $0x500, $0x38;
	[tilespmem:$0xE800] =	vst v63  }
0xdd: {  	s24 =	simm.s32 $0x100  }
0xde: {  	p1 =	sne.s32 s23, $0x1E0;
	_ =	swait.ge [sflag:s12], $0x500  }
0xdf: {  	s23 =	sadd.s32 s19, s9;
	[sflag:s12] =	ssyncset.done $0x0  }
0xe0: {  	s19 =	smov.u32 s25;
	s25 =	simm.s32 $0x580;
	[sflag:s12] =	ssyncadd.s32 $0xFFFFFB00  }
0xe1: {  	[tilespmem:s13], [sflag:$0x5] =	stream.linear.gather [hbm4b:s23+s4], $0x500, $0x38;
	[tilespmem:$0xE800] =	vst v63  }
0xe2: {  	_ =	swait.ge [sflag:s12], $0x500  }
0xe3: {  	[sflag:s12] =	ssyncset.done $0x0  }
0xe4: {  	[sflag:s12] =	ssyncadd.s32 $0xFFFFFB00  }
0xe5: {  	[tilespmem:s15], [sflag:$0x1] =	stream.indirect.gather [hbm4b:s1+s14], $0x40, s4, s14, $0xb8;
	[tilespmem:$0xE800] =	vst v63  }
0xe6: {  	_ = 	snop  }
0xe7: {  	[tilespmem:s16], [sflag:$0x2] =	stream.indirect.gather [hbm4b:s1+s14], $0x40, s14, s14, $0xb8;
	[tilespmem:$0xE800] =	vst v63  }
0xe8: {  	_ =	swait.ge [sflag:s17], $0x2000  }
0xe9: {  	[sflag:s17] =	ssyncset.done $0x0  }
0xea: {  	[sflag:s17] =	ssyncadd.s32 $0xFFFFE000  }
0xeb: {  	[spmem:s3] =	stream.indirect.scatter.add.f32 [tilespmem:s15], [sflag:$0x3], $0x40, s13, s14, $0xb8;
	[tilespmem:$0xE800] =	vst v63  }
0xec: {  	_ =	swait.ge [sflag:s18], $0x2000  }
0xed: {  	[sflag:s18] =	ssyncset.done $0x0  }
0xee: {  	[sflag:s18] =	ssyncadd.s32 $0xFFFFE000  }
0xef: {  	[tilespmem:s15], [sflag:$0x1] =	stream.indirect.gather [hbm4b:s1+s14], $0x40, s24, s14, $0xb8;
	[tilespmem:$0xE800] =	vst v63  }
0xf0: {  	_ =	swait.ge [sflag:s20], $0x2000  }
0xf1: {  	[sflag:s20] =	ssyncset.done $0x0  }
0xf2: {  	[sflag:s20] =	ssyncadd.s32 $0xFFFFE000  }
0xf3: {  	[spmem:s3] =	stream.indirect.scatter.add.f32 [tilespmem:s16], [sflag:$0x4], $0x40, s25, s14, $0xb8;
	[tilespmem:$0xE800] =	vst v63  }
0xf4: {  	_ =	swait.ge [sflag:s22], $0x2000  }
0xf5: {  	[sflag:s22] =	ssyncset.done $0x0  }
0xf6: {  	[sflag:s22] =	ssyncadd.s32 $0xFFFFE000  }
0xf7: {  	[tilespmem:s16], [sflag:$0x2] =	stream.indirect.gather [hbm4b:s1+s14], $0x40, s26, s14, $0xb8;
	[tilespmem:$0xE800] =	vst v63  }
0xf8: {  	_ =	swait.ge [sflag:s17], $0x2000  }
0xf9: {  	[sflag:s17] =	ssyncset.done $0x0  }
0xfa: {  	[sflag:s17] =	ssyncadd.s32 $0xFFFFE000  }
0xfb: {  	[spmem:s3] =	stream.indirect.scatter.add.f32 [tilespmem:s15], [sflag:$0x3], $0x40, s28, s14, $0xb8;
	[tilespmem:$0xE800] =	vst v63  }
0xfc: {  	_ =	swait.ge [sflag:s18], $0x2000  }
0xfd: {  	[sflag:s18] =	ssyncset.done $0x0  }
0xfe: {  	[sflag:s18] =	ssyncadd.s32 $0xFFFFE000  }
0xff: {  	[tilespmem:s15], [sflag:$0x1] =	stream.indirect.gather [hbm4b:s1+s14], $0x40, s29, s14, $0xb8;
	[tilespmem:$0xE800] =	vst v63  }
0x100: {  	_ =	swait.ge [sflag:s20], $0x2000  }
0x101: {  	[sflag:s20] =	ssyncset.done $0x0  }
0x102: {  	[sflag:s20] =	ssyncadd.s32 $0xFFFFE000  }
0x103: {  	[spmem:s3] =	stream.indirect.scatter.add.f32 [tilespmem:s16], [sflag:$0x4], $0x40, s30, s14, $0xb8;
	[tilespmem:$0xE800] =	vst v63  }
0x104: {  	_ =	swait.ge [sflag:s22], $0x2000  }
0x105: {  	[sflag:s22] =	ssyncset.done $0x0  }
0x106: {  	[sflag:s22] =	ssyncadd.s32 $0xFFFFE000  }
0x107: {  	[tilespmem:s16], [sflag:$0x2] =	stream.indirect.gather [hbm4b:s1+s14], $0x40, s31, s14, $0xb8;
	[tilespmem:$0xE800] =	vst v63  }
0x108: {  	_ =	swait.ge [sflag:s17], $0x2000  }
0x109: {  	[sflag:s17] =	ssyncset.done $0x0  }
0x10a: {  	[sflag:s17] =	ssyncadd.s32 $0xFFFFE000  }
0x10b: {  	[spmem:s3] =	stream.indirect.scatter.add.f32 [tilespmem:s15], [sflag:$0x3], $0x40, s2, s14, $0xb8;
	[tilespmem:$0xE800] =	vst v63  }
0x10c: {  	_ =	swait.ge [sflag:s18], $0x2000  }
0x10d: {  	[sflag:s18] =	ssyncset.done $0x0  }
0x10e: {  	[sflag:s18] =	ssyncadd.s32 $0xFFFFE000  }
0x10f: {  	[tilespmem:s15], [sflag:$0x1] =	stream.indirect.gather [hbm4b:s1+s14], $0x40, s0, s14, $0xb8;
	[tilespmem:$0xE800] =	vst v63  }
0x110: {  	_ =	swait.ge [sflag:s20], $0x2000  }
0x111: {  	[sflag:s20] =	ssyncset.done $0x0  }
0x112: {  	[sflag:s20] =	ssyncadd.s32 $0xFFFFE000  }
0x113: {  	[spmem:s3] =	stream.indirect.scatter.add.f32 [tilespmem:s16], [sflag:$0x4], $0x40, s5, s14, $0xb8;
	[tilespmem:$0xE800] =	vst v63  }
0x114: {  	_ =	swait.ge [sflag:s22], $0x2000  }
0x115: {  	[sflag:s22] =	ssyncset.done $0x0  }
0x116: {  	[sflag:s22] =	ssyncadd.s32 $0xFFFFE000  }
0x117: {  	[tilespmem:s16], [sflag:$0x2] =	stream.indirect.gather [hbm4b:s1+s14], $0x40, s7, s14, $0xb8;
	[tilespmem:$0xE800] =	vst v63  }
0x118: {  	_ =	swait.ge [sflag:s17], $0x2000  }
0x119: {  	[sflag:s17] =	ssyncset.done $0x0  }
0x11a: {  	[sflag:s17] =	ssyncadd.s32 $0xFFFFE000  }
0x11b: {  	[spmem:s3] =	stream.indirect.scatter.add.f32 [tilespmem:s15], [sflag:$0x3], $0x40, s8, s14, $0xb8;
	[tilespmem:$0xE800] =	vst v63  }
0x11c: {  	_ =	swait.ge [sflag:s18], $0x2000  }
0x11d: {  	[sflag:s18] =	ssyncset.done $0x0  }
0x11e: {  	[sflag:s18] =	ssyncadd.s32 $0xFFFFE000  }
0x11f: {  	[tilespmem:s15], [sflag:$0x1] =	stream.indirect.gather [hbm4b:s1+s14], $0x40, s6, s14, $0xb8;
	[tilespmem:$0xE800] =	vst v63  }
0x120: {  	_ =	swait.ge [sflag:s20], $0x2000  }
0x121: {  	[sflag:s20] =	ssyncset.done $0x0  }
0x122: {  	[sflag:s20] =	ssyncadd.s32 $0xFFFFE000  }
0x123: {  	[spmem:s3] =	stream.indirect.scatter.add.f32 [tilespmem:s16], [sflag:$0x4], $0x40, s11, s14, $0xb8;
	[tilespmem:$0xE800] =	vst v63  }
0x124: {  	_ =	swait.ge [sflag:s22], $0x2000  }
0x125: {  	[sflag:s22] =	ssyncset.done $0x0  }
0x126: {  	s23 =	simm.s32 $0x480;
	[sflag:s22] =	ssyncadd.s32 $0xFFFFE000  }
0x127: {  	[tilespmem:s16], [sflag:$0x2] =	stream.indirect.gather [hbm4b:s1+s14], $0x40, s23, s14, $0xb8;
	[tilespmem:$0xE800] =	vst v63  }
0x128: {  	_ =	swait.ge [sflag:s17], $0x2000  }
0x129: {  	[sflag:s17] =	ssyncset.done $0x0  }
0x12a: {  	s23 =	simm.s32 $0x900;
	[sflag:s17] =	ssyncadd.s32 $0xFFFFE000  }
0x12b: {  	[spmem:s3] =	stream.indirect.scatter.add.f32 [tilespmem:s15], [sflag:$0x3], $0x40, s23, s14, $0xb8;
	[tilespmem:$0xE800] =	vst v63  }
0x12c: {  	_ =	swait.ge [sflag:s18], $0x2000  }
0x12d: {  	[sflag:s18] =	ssyncset.done $0x0  }
0x12e: {  	[sflag:s18] =	ssyncadd.s32 $0xFFFFE000  }
0x12f: {  	_ =	swait.ge [sflag:s20], $0x2000  }
.Ltmp3:
0x130: {  	[sflag:s20] =	ssyncset.done $0x0;
	(pc) =	sbr.rel @p1 .LBB2_6-.Ltmp3, $4  }
0x131: {  	s23 =	simm.s32 $0x980;
	[sflag:s20] =	ssyncadd.s32 $0xFFFFE000  }
0x132: {  	[spmem:s3] =	stream.indirect.scatter.add.f32 [tilespmem:s16], [sflag:$0x4], $0x40, s23, s14, $0xb8;
	[tilespmem:$0xE800] =	vst v63  }
0x133: {  	_ =	swait.ge [sflag:s22], $0x2000  }
0x134: {  	s23 =	smov.u32 s21;
	[sflag:s22] =	ssyncset.done $0x0  }
.Ltmp4:
0x135: {  	_ = 	snop;
	(pc) =	sbr.rel .LBB2_7-.Ltmp4, $1  }
0x136: {  	_ =	sdelay $0x3  }
.LBB2_2:
0x137: {  	[tilespmem:s4], [sflag:$0x5] =	stream.linear.gather [hbm4b:s19+s4], $0x500, $0x38;
	[tilespmem:$0xE800] =	vst v63  }
0x138: {  	_ =	swait.ge [sflag:s12], $0x500  }
0x139: {  	[sflag:s12] =	ssyncset.done $0x0  }
0x13a: {  	s21 =	sadd.s32 $0x0, s9;
	[sflag:s12] =	ssyncadd.s32 $0xFFFFFB00  }
0x13b: {  	[tilespmem:s13], [sflag:$0x5] =	stream.linear.gather [hbm4b:s21+s4], $0x500, $0x38;
	[tilespmem:$0xE800] =	vst v63  }
0x13c: {  	_ =	swait.ge [sflag:s12], $0x500  }
0x13d: {  	[sflag:s12] =	ssyncset.done $0x0  }
0x13e: {  	[sflag:s12] =	ssyncadd.s32 $0xFFFFFB00  }
0x13f: {  	[tilespmem:s15], [sflag:$0x1] =	stream.indirect.gather [hbm4b:s1+s14], $0x40, s4, s14, $0xb8;
	[tilespmem:$0xE800] =	vst v63  }
0x140: {  	_ = 	snop  }
0x141: {  	[tilespmem:s16], [sflag:$0x2] =	stream.indirect.gather [hbm4b:s1+s14], $0x40, s14, s14, $0xb8;
	[tilespmem:$0xE800] =	vst v63  }
0x142: {  	_ =	swait.ge [sflag:s17], $0x2000  }
0x143: {  	[sflag:s17] =	ssyncset.done $0x0  }
0x144: {  	[sflag:s17] =	ssyncadd.s32 $0xFFFFE000  }
0x145: {  	[spmem:s3] =	stream.indirect.scatter.add.f32 [tilespmem:s15], [sflag:$0x3], $0x40, s13, s14, $0xb8;
	[tilespmem:$0xE800] =	vst v63  }
0x146: {  	_ =	swait.ge [sflag:s18], $0x2000  }
0x147: {  	[sflag:s18] =	ssyncset.done $0x0  }
0x148: {  	[sflag:s18] =	ssyncadd.s32 $0xFFFFE000  }
0x149: {  	[tilespmem:s15], [sflag:$0x1] =	stream.indirect.gather [hbm4b:s1+s14], $0x40, s24, s14, $0xb8;
	[tilespmem:$0xE800] =	vst v63  }
0x14a: {  	_ =	swait.ge [sflag:s20], $0x2000  }
0x14b: {  	[sflag:s20] =	ssyncset.done $0x0  }
0x14c: {  	[sflag:s20] =	ssyncadd.s32 $0xFFFFE000  }
0x14d: {  	[spmem:s3] =	stream.indirect.scatter.add.f32 [tilespmem:s16], [sflag:$0x4], $0x40, s25, s14, $0xb8;
	[tilespmem:$0xE800] =	vst v63  }
0x14e: {  	_ =	swait.ge [sflag:s22], $0x2000  }
0x14f: {  	[sflag:s22] =	ssyncset.done $0x0  }
0x150: {  	s26 =	simm.s32 $0x180;
	[sflag:s22] =	ssyncadd.s32 $0xFFFFE000  }
0x151: {  	[tilespmem:s16], [sflag:$0x2] =	stream.indirect.gather [hbm4b:s1+s14], $0x40, s26, s14, $0xb8;
	[tilespmem:$0xE800] =	vst v63  }
0x152: {  	_ =	swait.ge [sflag:s17], $0x2000  }
0x153: {  	[sflag:s17] =	ssyncset.done $0x0  }
0x154: {  	s28 =	simm.s32 $0x600;
	[sflag:s17] =	ssyncadd.s32 $0xFFFFE000  }
0x155: {  	[spmem:s3] =	stream.indirect.scatter.add.f32 [tilespmem:s15], [sflag:$0x3], $0x40, s28, s14, $0xb8;
	[tilespmem:$0xE800] =	vst v63  }
0x156: {  	_ =	swait.ge [sflag:s18], $0x2000  }
0x157: {  	[sflag:s18] =	ssyncset.done $0x0  }
0x158: {  	s29 =	simm.s32 $0x200;
	[sflag:s18] =	ssyncadd.s32 $0xFFFFE000  }
0x159: {  	[tilespmem:s15], [sflag:$0x1] =	stream.indirect.gather [hbm4b:s1+s14], $0x40, s29, s14, $0xb8;
	[tilespmem:$0xE800] =	vst v63  }
0x15a: {  	_ =	swait.ge [sflag:s20], $0x2000  }
0x15b: {  	[sflag:s20] =	ssyncset.done $0x0  }
0x15c: {  	s30 =	simm.s32 $0x680;
	[sflag:s20] =	ssyncadd.s32 $0xFFFFE000  }
0x15d: {  	[spmem:s3] =	stream.indirect.scatter.add.f32 [tilespmem:s16], [sflag:$0x4], $0x40, s30, s14, $0xb8;
	[tilespmem:$0xE800] =	vst v63  }
0x15e: {  	_ =	swait.ge [sflag:s22], $0x2000  }
0x15f: {  	[sflag:s22] =	ssyncset.done $0x0  }
0x160: {  	s31 =	simm.s32 $0x280;
	[sflag:s22] =	ssyncadd.s32 $0xFFFFE000  }
0x161: {  	[tilespmem:s16], [sflag:$0x2] =	stream.indirect.gather [hbm4b:s1+s14], $0x40, s31, s14, $0xb8;
	[tilespmem:$0xE800] =	vst v63  }
0x162: {  	_ =	swait.ge [sflag:s17], $0x2000  }
0x163: {  	[sflag:s17] =	ssyncset.done $0x0  }
0x164: {  	s2 =	simm.s32 $0x700;
	[sflag:s17] =	ssyncadd.s32 $0xFFFFE000  }
0x165: {  	[spmem:s3] =	stream.indirect.scatter.add.f32 [tilespmem:s15], [sflag:$0x3], $0x40, s2, s14, $0xb8;
	[tilespmem:$0xE800] =	vst v63  }
0x166: {  	_ =	swait.ge [sflag:s18], $0x2000  }
0x167: {  	[sflag:s18] =	ssyncset.done $0x0  }
0x168: {  	s0 =	simm.s32 $0x300;
	[sflag:s18] =	ssyncadd.s32 $0xFFFFE000  }
0x169: {  	[tilespmem:s15], [sflag:$0x1] =	stream.indirect.gather [hbm4b:s1+s14], $0x40, s0, s14, $0xb8;
	[tilespmem:$0xE800] =	vst v63  }
0x16a: {  	_ =	swait.ge [sflag:s20], $0x2000  }
0x16b: {  	[sflag:s20] =	ssyncset.done $0x0  }
0x16c: {  	s5 =	simm.s32 $0x780;
	[sflag:s20] =	ssyncadd.s32 $0xFFFFE000  }
0x16d: {  	[spmem:s3] =	stream.indirect.scatter.add.f32 [tilespmem:s16], [sflag:$0x4], $0x40, s5, s14, $0xb8;
	[tilespmem:$0xE800] =	vst v63  }
0x16e: {  	_ =	swait.ge [sflag:s22], $0x2000  }
0x16f: {  	[sflag:s22] =	ssyncset.done $0x0  }
0x170: {  	s7 =	simm.s32 $0x380;
	[sflag:s22] =	ssyncadd.s32 $0xFFFFE000  }
0x171: {  	[tilespmem:s16], [sflag:$0x2] =	stream.indirect.gather [hbm4b:s1+s14], $0x40, s7, s14, $0xb8;
	[tilespmem:$0xE800] =	vst v63  }
0x172: {  	_ =	swait.ge [sflag:s17], $0x2000  }
0x173: {  	[sflag:s17] =	ssyncset.done $0x0  }
0x174: {  	s8 =	simm.s32 $0x800;
	[sflag:s17] =	ssyncadd.s32 $0xFFFFE000  }
0x175: {  	[spmem:s3] =	stream.indirect.scatter.add.f32 [tilespmem:s15], [sflag:$0x3], $0x40, s8, s14, $0xb8;
	[tilespmem:$0xE800] =	vst v63  }
0x176: {  	_ =	swait.ge [sflag:s18], $0x2000  }
0x177: {  	[sflag:s18] =	ssyncset.done $0x0  }
0x178: {  	s6 =	simm.s32 $0x400;
	[sflag:s18] =	ssyncadd.s32 $0xFFFFE000  }
0x179: {  	[tilespmem:s15], [sflag:$0x1] =	stream.indirect.gather [hbm4b:s1+s14], $0x40, s6, s14, $0xb8;
	[tilespmem:$0xE800] =	vst v63  }
0x17a: {  	_ =	swait.ge [sflag:s20], $0x2000  }
0x17b: {  	[sflag:s20] =	ssyncset.done $0x0  }
0x17c: {  	s11 =	simm.s32 $0x880;
	[sflag:s20] =	ssyncadd.s32 $0xFFFFE000  }
0x17d: {  	[spmem:s3] =	stream.indirect.scatter.add.f32 [tilespmem:s16], [sflag:$0x4], $0x40, s11, s14, $0xb8;
	[tilespmem:$0xE800] =	vst v63  }
0x17e: {  	_ =	swait.ge [sflag:s22], $0x2000  }
0x17f: {  	[sflag:s22] =	ssyncset.done $0x0  }
0x180: {  	s23 =	simm.s32 $0x480;
	[sflag:s22] =	ssyncadd.s32 $0xFFFFE000  }
0x181: {  	[tilespmem:s16], [sflag:$0x2] =	stream.indirect.gather [hbm4b:s1+s14], $0x40, s23, s14, $0xb8;
	[tilespmem:$0xE800] =	vst v63  }
0x182: {  	_ =	swait.ge [sflag:s17], $0x2000  }
0x183: {  	[sflag:s17] =	ssyncset.done $0x0  }
0x184: {  	s24 =	simm.s32 $0x900;
	[sflag:s17] =	ssyncadd.s32 $0xFFFFE000  }
0x185: {  	[spmem:s3] =	stream.indirect.scatter.add.f32 [tilespmem:s15], [sflag:$0x3], $0x40, s24, s14, $0xb8;
	[tilespmem:$0xE800] =	vst v63  }
0x186: {  	_ =	swait.ge [sflag:s18], $0x2000  }
0x187: {  	[sflag:s18] =	ssyncset.done $0x0  }
0x188: {  	[sflag:s18] =	ssyncadd.s32 $0xFFFFE000  }
0x189: {  	_ =	swait.ge [sflag:s20], $0x2000  }
0x18a: {  	[sflag:s20] =	ssyncset.done $0x0  }
0x18b: {  	s25 =	simm.s32 $0x980;
	[sflag:s20] =	ssyncadd.s32 $0xFFFFE000  }
0x18c: {  	[spmem:s3] =	stream.indirect.scatter.add.f32 [tilespmem:s16], [sflag:$0x4], $0x40, s25, s14, $0xb8;
	[tilespmem:$0xE800] =	vst v63  }
0x18d: {  	_ =	swait.ge [sflag:s22], $0x2000  }
0x18e: {  	s19 =	simm.s32 $0xA0;
	s21 =	simm.s32 $0x140;
	[sflag:s22] =	ssyncset.done $0x0  }
.LBB2_3:
0x18f: {  	s24 =	sadd.s32 s19, s10  }
0x190: {  	[sflag:s22] =	ssyncadd.s32 $0xFFFFE000;
	s25 =	smov.u32 s21;
	s23 =	sadd.s32 $0xA0, s21  }
0x191: {  	[tilespmem:s4], [sflag:$0x5] =	stream.linear.gather [hbm4b:s24+s4], $0x500, $0x38;
	[tilespmem:$0xE800] =	vst v63  }
0x192: {  	s24 =	simm.s32 $0x100  }
0x193: {  	p1 =	seq.s32 s21, $0x6E0;
	_ =	swait.ge [sflag:s12], $0x500  }
0x194: {  	s21 =	sadd.s32 s19, s9;
	[sflag:s12] =	ssyncset.done $0x0  }
0x195: {  	s19 =	smov.u32 s25;
	s25 =	simm.s32 $0x580;
	[sflag:s12] =	ssyncadd.s32 $0xFFFFFB00  }
0x196: {  	[tilespmem:s13], [sflag:$0x5] =	stream.linear.gather [hbm4b:s21+s4], $0x500, $0x38;
	[tilespmem:$0xE800] =	vst v63  }
0x197: {  	_ =	swait.ge [sflag:s12], $0x500  }
0x198: {  	[sflag:s12] =	ssyncset.done $0x0  }
0x199: {  	[sflag:s12] =	ssyncadd.s32 $0xFFFFFB00  }
0x19a: {  	[tilespmem:s15], [sflag:$0x1] =	stream.indirect.gather [hbm4b:s1+s14], $0x40, s4, s14, $0xb8;
	[tilespmem:$0xE800] =	vst v63  }
0x19b: {  	_ = 	snop  }
0x19c: {  	[tilespmem:s16], [sflag:$0x2] =	stream.indirect.gather [hbm4b:s1+s14], $0x40, s14, s14, $0xb8;
	[tilespmem:$0xE800] =	vst v63  }
0x19d: {  	_ =	swait.ge [sflag:s17], $0x2000  }
0x19e: {  	[sflag:s17] =	ssyncset.done $0x0  }
0x19f: {  	[sflag:s17] =	ssyncadd.s32 $0xFFFFE000  }
0x1a0: {  	[spmem:s3] =	stream.indirect.scatter.add.f32 [tilespmem:s15], [sflag:$0x3], $0x40, s13, s14, $0xb8;
	[tilespmem:$0xE800] =	vst v63  }
0x1a1: {  	_ =	swait.ge [sflag:s18], $0x2000  }
0x1a2: {  	[sflag:s18] =	ssyncset.done $0x0  }
0x1a3: {  	[sflag:s18] =	ssyncadd.s32 $0xFFFFE000  }
0x1a4: {  	[tilespmem:s15], [sflag:$0x1] =	stream.indirect.gather [hbm4b:s1+s14], $0x40, s24, s14, $0xb8;
	[tilespmem:$0xE800] =	vst v63  }
0x1a5: {  	_ =	swait.ge [sflag:s20], $0x2000  }
0x1a6: {  	[sflag:s20] =	ssyncset.done $0x0  }
0x1a7: {  	[sflag:s20] =	ssyncadd.s32 $0xFFFFE000  }
0x1a8: {  	[spmem:s3] =	stream.indirect.scatter.add.f32 [tilespmem:s16], [sflag:$0x4], $0x40, s25, s14, $0xb8;
	[tilespmem:$0xE800] =	vst v63  }
0x1a9: {  	_ =	swait.ge [sflag:s22], $0x2000  }
0x1aa: {  	[sflag:s22] =	ssyncset.done $0x0  }
0x1ab: {  	[sflag:s22] =	ssyncadd.s32 $0xFFFFE000  }
0x1ac: {  	[tilespmem:s16], [sflag:$0x2] =	stream.indirect.gather [hbm4b:s1+s14], $0x40, s26, s14, $0xb8;
	[tilespmem:$0xE800] =	vst v63  }
0x1ad: {  	_ =	swait.ge [sflag:s17], $0x2000  }
0x1ae: {  	[sflag:s17] =	ssyncset.done $0x0  }
0x1af: {  	[sflag:s17] =	ssyncadd.s32 $0xFFFFE000  }
0x1b0: {  	[spmem:s3] =	stream.indirect.scatter.add.f32 [tilespmem:s15], [sflag:$0x3], $0x40, s28, s14, $0xb8;
	[tilespmem:$0xE800] =	vst v63  }
0x1b1: {  	_ =	swait.ge [sflag:s18], $0x2000  }
0x1b2: {  	[sflag:s18] =	ssyncset.done $0x0  }
0x1b3: {  	[sflag:s18] =	ssyncadd.s32 $0xFFFFE000  }
0x1b4: {  	[tilespmem:s15], [sflag:$0x1] =	stream.indirect.gather [hbm4b:s1+s14], $0x40, s29, s14, $0xb8;
	[tilespmem:$0xE800] =	vst v63  }
0x1b5: {  	_ =	swait.ge [sflag:s20], $0x2000  }
0x1b6: {  	[sflag:s20] =	ssyncset.done $0x0  }
0x1b7: {  	[sflag:s20] =	ssyncadd.s32 $0xFFFFE000  }
0x1b8: {  	[spmem:s3] =	stream.indirect.scatter.add.f32 [tilespmem:s16], [sflag:$0x4], $0x40, s30, s14, $0xb8;
	[tilespmem:$0xE800] =	vst v63  }
0x1b9: {  	_ =	swait.ge [sflag:s22], $0x2000  }
0x1ba: {  	[sflag:s22] =	ssyncset.done $0x0  }
0x1bb: {  	[sflag:s22] =	ssyncadd.s32 $0xFFFFE000  }
0x1bc: {  	[tilespmem:s16], [sflag:$0x2] =	stream.indirect.gather [hbm4b:s1+s14], $0x40, s31, s14, $0xb8;
	[tilespmem:$0xE800] =	vst v63  }
0x1bd: {  	_ =	swait.ge [sflag:s17], $0x2000  }
0x1be: {  	[sflag:s17] =	ssyncset.done $0x0  }
0x1bf: {  	[sflag:s17] =	ssyncadd.s32 $0xFFFFE000  }
0x1c0: {  	[spmem:s3] =	stream.indirect.scatter.add.f32 [tilespmem:s15], [sflag:$0x3], $0x40, s2, s14, $0xb8;
	[tilespmem:$0xE800] =	vst v63  }
0x1c1: {  	_ =	swait.ge [sflag:s18], $0x2000  }
0x1c2: {  	[sflag:s18] =	ssyncset.done $0x0  }
0x1c3: {  	[sflag:s18] =	ssyncadd.s32 $0xFFFFE000  }
0x1c4: {  	[tilespmem:s15], [sflag:$0x1] =	stream.indirect.gather [hbm4b:s1+s14], $0x40, s0, s14, $0xb8;
	[tilespmem:$0xE800] =	vst v63  }
0x1c5: {  	_ =	swait.ge [sflag:s20], $0x2000  }
0x1c6: {  	[sflag:s20] =	ssyncset.done $0x0  }
0x1c7: {  	[sflag:s20] =	ssyncadd.s32 $0xFFFFE000  }
0x1c8: {  	[spmem:s3] =	stream.indirect.scatter.add.f32 [tilespmem:s16], [sflag:$0x4], $0x40, s5, s14, $0xb8;
	[tilespmem:$0xE800] =	vst v63  }
0x1c9: {  	_ =	swait.ge [sflag:s22], $0x2000  }
0x1ca: {  	[sflag:s22] =	ssyncset.done $0x0  }
0x1cb: {  	[sflag:s22] =	ssyncadd.s32 $0xFFFFE000  }
0x1cc: {  	[tilespmem:s16], [sflag:$0x2] =	stream.indirect.gather [hbm4b:s1+s14], $0x40, s7, s14, $0xb8;
	[tilespmem:$0xE800] =	vst v63  }
0x1cd: {  	_ =	swait.ge [sflag:s17], $0x2000  }
0x1ce: {  	[sflag:s17] =	ssyncset.done $0x0  }
0x1cf: {  	[sflag:s17] =	ssyncadd.s32 $0xFFFFE000  }
0x1d0: {  	[spmem:s3] =	stream.indirect.scatter.add.f32 [tilespmem:s15], [sflag:$0x3], $0x40, s8, s14, $0xb8;
	[tilespmem:$0xE800] =	vst v63  }
0x1d1: {  	_ =	swait.ge [sflag:s18], $0x2000  }
0x1d2: {  	[sflag:s18] =	ssyncset.done $0x0  }
0x1d3: {  	[sflag:s18] =	ssyncadd.s32 $0xFFFFE000  }
0x1d4: {  	[tilespmem:s15], [sflag:$0x1] =	stream.indirect.gather [hbm4b:s1+s14], $0x40, s6, s14, $0xb8;
	[tilespmem:$0xE800] =	vst v63  }
0x1d5: {  	_ =	swait.ge [sflag:s20], $0x2000  }
0x1d6: {  	[sflag:s20] =	ssyncset.done $0x0  }
0x1d7: {  	[sflag:s20] =	ssyncadd.s32 $0xFFFFE000  }
0x1d8: {  	[spmem:s3] =	stream.indirect.scatter.add.f32 [tilespmem:s16], [sflag:$0x4], $0x40, s11, s14, $0xb8;
	[tilespmem:$0xE800] =	vst v63  }
0x1d9: {  	_ =	swait.ge [sflag:s22], $0x2000  }
0x1da: {  	[sflag:s22] =	ssyncset.done $0x0  }
0x1db: {  	s21 =	simm.s32 $0x480;
	[sflag:s22] =	ssyncadd.s32 $0xFFFFE000  }
0x1dc: {  	[tilespmem:s16], [sflag:$0x2] =	stream.indirect.gather [hbm4b:s1+s14], $0x40, s21, s14, $0xb8;
	[tilespmem:$0xE800] =	vst v63  }
0x1dd: {  	_ =	swait.ge [sflag:s17], $0x2000  }
0x1de: {  	[sflag:s17] =	ssyncset.done $0x0  }
0x1df: {  	s21 =	simm.s32 $0x900;
	[sflag:s17] =	ssyncadd.s32 $0xFFFFE000  }
0x1e0: {  	[spmem:s3] =	stream.indirect.scatter.add.f32 [tilespmem:s15], [sflag:$0x3], $0x40, s21, s14, $0xb8;
	[tilespmem:$0xE800] =	vst v63  }
0x1e1: {  	_ =	swait.ge [sflag:s18], $0x2000  }
0x1e2: {  	[sflag:s18] =	ssyncset.done $0x0  }
0x1e3: {  	[sflag:s18] =	ssyncadd.s32 $0xFFFFE000  }
0x1e4: {  	_ =	swait.ge [sflag:s20], $0x2000  }
.Ltmp5:
0x1e5: {  	[sflag:s20] =	ssyncset.done $0x0;
	(pc) =	sbr.rel @!p1 .LBB2_3-.Ltmp5, $4  }
0x1e6: {  	s21 =	simm.s32 $0x980;
	[sflag:s20] =	ssyncadd.s32 $0xFFFFE000  }
0x1e7: {  	[spmem:s3] =	stream.indirect.scatter.add.f32 [tilespmem:s16], [sflag:$0x4], $0x40, s21, s14, $0xb8;
	[tilespmem:$0xE800] =	vst v63  }
0x1e8: {  	_ =	swait.ge [sflag:s22], $0x2000  }
0x1e9: {  	s21 =	smov.u32 s23;
	[sflag:s22] =	ssyncset.done $0x0  }
0x1ea: {  	s21 =	sadd.s32 s19, s10;
	[sflag:s22] =	ssyncadd.s32 $0xFFFFE000  }
0x1eb: {  	[tilespmem:s4], [sflag:$0x5] =	stream.linear.gather [hbm4b:s21+s4], $0x500, $0x38;
	[tilespmem:$0xE800] =	vst v63  }
0x1ec: {  	_ =	swait.ge [sflag:s12], $0x500  }
0x1ed: {  	[sflag:s12] =	ssyncset.done $0x0  }
0x1ee: {  	s23 =	sadd.s32 s19, s9;
	[sflag:s12] =	ssyncadd.s32 $0xFFFFFB00  }
0x1ef: {  	[tilespmem:s13], [sflag:$0x5] =	stream.linear.gather [hbm4b:s23+s4], $0x500, $0x38;
	[tilespmem:$0xE800] =	vst v63  }
0x1f0: {  	_ =	swait.ge [sflag:s12], $0x500  }
0x1f1: {  	[sflag:s12] =	ssyncset.done $0x0  }
0x1f2: {  	[sflag:s12] =	ssyncadd.s32 $0xFFFFFB00  }
0x1f3: {  	[tilespmem:s15], [sflag:$0x1] =	stream.indirect.gather [hbm4b:s1+s14], $0x40, s4, s14, $0xb8;
	[tilespmem:$0xE800] =	vst v63  }
0x1f4: {  	_ = 	snop  }
0x1f5: {  	[tilespmem:s16], [sflag:$0x2] =	stream.indirect.gather [hbm4b:s1+s14], $0x40, s14, s14, $0xb8;
	[tilespmem:$0xE800] =	vst v63  }
0x1f6: {  	_ =	swait.ge [sflag:s17], $0x2000  }
0x1f7: {  	[sflag:s17] =	ssyncset.done $0x0  }
0x1f8: {  	[sflag:s17] =	ssyncadd.s32 $0xFFFFE000  }
0x1f9: {  	[spmem:s3] =	stream.indirect.scatter.add.f32 [tilespmem:s15], [sflag:$0x3], $0x40, s13, s14, $0xb8;
	[tilespmem:$0xE800] =	vst v63  }
0x1fa: {  	_ =	swait.ge [sflag:s18], $0x2000  }
0x1fb: {  	[sflag:s18] =	ssyncset.done $0x0  }
0x1fc: {  	[sflag:s18] =	ssyncadd.s32 $0xFFFFE000  }
0x1fd: {  	[tilespmem:s15], [sflag:$0x1] =	stream.indirect.gather [hbm4b:s1+s14], $0x40, s24, s14, $0xb8;
	[tilespmem:$0xE800] =	vst v63  }
0x1fe: {  	_ =	swait.ge [sflag:s20], $0x2000  }
0x1ff: {  	[sflag:s20] =	ssyncset.done $0x0  }
0x200: {  	[sflag:s20] =	ssyncadd.s32 $0xFFFFE000  }
0x201: {  	[spmem:s3] =	stream.indirect.scatter.add.f32 [tilespmem:s16], [sflag:$0x4], $0x40, s25, s14, $0xb8;
	[tilespmem:$0xE800] =	vst v63  }
0x202: {  	_ =	swait.ge [sflag:s22], $0x2000  }
0x203: {  	[sflag:s22] =	ssyncset.done $0x0  }
0x204: {  	[sflag:s22] =	ssyncadd.s32 $0xFFFFE000  }
0x205: {  	[tilespmem:s16], [sflag:$0x2] =	stream.indirect.gather [hbm4b:s1+s14], $0x40, s26, s14, $0xb8;
	[tilespmem:$0xE800] =	vst v63  }
0x206: {  	_ =	swait.ge [sflag:s17], $0x2000  }
0x207: {  	[sflag:s17] =	ssyncset.done $0x0  }
0x208: {  	[sflag:s17] =	ssyncadd.s32 $0xFFFFE000  }
0x209: {  	[spmem:s3] =	stream.indirect.scatter.add.f32 [tilespmem:s15], [sflag:$0x3], $0x40, s28, s14, $0xb8;
	[tilespmem:$0xE800] =	vst v63  }
0x20a: {  	_ =	swait.ge [sflag:s18], $0x2000  }
0x20b: {  	[sflag:s18] =	ssyncset.done $0x0  }
0x20c: {  	[sflag:s18] =	ssyncadd.s32 $0xFFFFE000  }
0x20d: {  	[tilespmem:s15], [sflag:$0x1] =	stream.indirect.gather [hbm4b:s1+s14], $0x40, s29, s14, $0xb8;
	[tilespmem:$0xE800] =	vst v63  }
0x20e: {  	_ =	swait.ge [sflag:s20], $0x2000  }
0x20f: {  	[sflag:s20] =	ssyncset.done $0x0  }
0x210: {  	[sflag:s20] =	ssyncadd.s32 $0xFFFFE000  }
0x211: {  	[spmem:s3] =	stream.indirect.scatter.add.f32 [tilespmem:s16], [sflag:$0x4], $0x40, s30, s14, $0xb8;
	[tilespmem:$0xE800] =	vst v63  }
0x212: {  	_ =	swait.ge [sflag:s22], $0x2000  }
0x213: {  	[sflag:s22] =	ssyncset.done $0x0  }
0x214: {  	[sflag:s22] =	ssyncadd.s32 $0xFFFFE000  }
0x215: {  	[tilespmem:s16], [sflag:$0x2] =	stream.indirect.gather [hbm4b:s1+s14], $0x40, s31, s14, $0xb8;
	[tilespmem:$0xE800] =	vst v63  }
0x216: {  	_ =	swait.ge [sflag:s17], $0x2000  }
0x217: {  	[sflag:s17] =	ssyncset.done $0x0  }
0x218: {  	[sflag:s17] =	ssyncadd.s32 $0xFFFFE000  }
0x219: {  	[spmem:s3] =	stream.indirect.scatter.add.f32 [tilespmem:s15], [sflag:$0x3], $0x40, s2, s14, $0xb8;
	[tilespmem:$0xE800] =	vst v63  }
0x21a: {  	_ =	swait.ge [sflag:s18], $0x2000  }
0x21b: {  	[sflag:s18] =	ssyncset.done $0x0  }
0x21c: {  	[sflag:s18] =	ssyncadd.s32 $0xFFFFE000  }
0x21d: {  	[tilespmem:s15], [sflag:$0x1] =	stream.indirect.gather [hbm4b:s1+s14], $0x40, s0, s14, $0xb8;
	[tilespmem:$0xE800] =	vst v63  }
0x21e: {  	_ =	swait.ge [sflag:s20], $0x2000  }
0x21f: {  	[sflag:s20] =	ssyncset.done $0x0  }
0x220: {  	[sflag:s20] =	ssyncadd.s32 $0xFFFFE000  }
0x221: {  	[spmem:s3] =	stream.indirect.scatter.add.f32 [tilespmem:s16], [sflag:$0x4], $0x40, s5, s14, $0xb8;
	[tilespmem:$0xE800] =	vst v63  }
0x222: {  	_ =	swait.ge [sflag:s22], $0x2000  }
0x223: {  	[sflag:s22] =	ssyncset.done $0x0  }
0x224: {  	[sflag:s22] =	ssyncadd.s32 $0xFFFFE000  }
0x225: {  	[tilespmem:s16], [sflag:$0x2] =	stream.indirect.gather [hbm4b:s1+s14], $0x40, s7, s14, $0xb8;
	[tilespmem:$0xE800] =	vst v63  }
0x226: {  	_ =	swait.ge [sflag:s17], $0x2000  }
0x227: {  	[sflag:s17] =	ssyncset.done $0x0  }
0x228: {  	[sflag:s17] =	ssyncadd.s32 $0xFFFFE000  }
0x229: {  	[spmem:s3] =	stream.indirect.scatter.add.f32 [tilespmem:s15], [sflag:$0x3], $0x40, s8, s14, $0xb8;
	[tilespmem:$0xE800] =	vst v63  }
0x22a: {  	_ =	swait.ge [sflag:s18], $0x2000  }
0x22b: {  	[sflag:s18] =	ssyncset.done $0x0  }
0x22c: {  	[sflag:s18] =	ssyncadd.s32 $0xFFFFE000  }
0x22d: {  	[tilespmem:s15], [sflag:$0x1] =	stream.indirect.gather [hbm4b:s1+s14], $0x40, s6, s14, $0xb8;
	[tilespmem:$0xE800] =	vst v63  }
0x22e: {  	_ =	swait.ge [sflag:s20], $0x2000  }
0x22f: {  	[sflag:s20] =	ssyncset.done $0x0  }
0x230: {  	[sflag:s20] =	ssyncadd.s32 $0xFFFFE000  }
0x231: {  	[spmem:s3] =	stream.indirect.scatter.add.f32 [tilespmem:s16], [sflag:$0x4], $0x40, s11, s14, $0xb8;
	[tilespmem:$0xE800] =	vst v63  }
0x232: {  	_ =	swait.ge [sflag:s22], $0x2000  }
0x233: {  	[sflag:s22] =	ssyncset.done $0x0  }
0x234: {  	s29 =	simm.s32 $0x480;
	[sflag:s22] =	ssyncadd.s32 $0xFFFFE000  }
0x235: {  	[tilespmem:s16], [sflag:$0x2] =	stream.indirect.gather [hbm4b:s1+s14], $0x40, s29, s14, $0xb8;
	[tilespmem:$0xE800] =	vst v63  }
0x236: {  	_ =	swait.ge [sflag:s17], $0x2000  }
0x237: {  	[sflag:s17] =	ssyncset.done $0x0  }
0x238: {  	s30 =	simm.s32 $0x900;
	[sflag:s17] =	ssyncadd.s32 $0xFFFFE000  }
0x239: {  	[spmem:s3] =	stream.indirect.scatter.add.f32 [tilespmem:s15], [sflag:$0x3], $0x40, s30, s14, $0xb8;
	[tilespmem:$0xE800] =	vst v63  }
0x23a: {  	_ =	swait.ge [sflag:s18], $0x2000  }
0x23b: {  	[sflag:s18] =	ssyncset.done $0x0  }
0x23c: {  	[sflag:s18] =	ssyncadd.s32 $0xFFFFE000  }
0x23d: {  	_ =	swait.ge [sflag:s20], $0x2000  }
0x23e: {  	[sflag:s20] =	ssyncset.done $0x0  }
.Ltmp6:
0x23f: {  	s31 =	simm.s32 $0x980;
	[sflag:s20] =	ssyncadd.s32 $0xFFFFE000;
	(pc) =	sbr.rel .LBB2_8-.Ltmp6, $4  }
0x240: {  	[spmem:s3] =	stream.indirect.scatter.add.f32 [tilespmem:s16], [sflag:$0x4], $0x40, s31, s14, $0xb8;
	[tilespmem:$0xE800] =	vst v63  }
0x241: {  	_ =	swait.ge [sflag:s22], $0x2000  }
0x242: {  	[sflag:s22] =	ssyncset.done $0x0  }
0x243: {  	s0 =	rddreg [dreg:$0xa];
	[sflag:s22] =	ssyncadd.s32 $0xFFFFE000  }
.LBB2_9:
0x244: {  	_ =	sfence.sel $0x180000  }
0x245: {  	[bflag:$0x0] =	sbarrier.arrive $0xFFFF  }
0x246: {  	_ =	strace $0x90000050  }
0x247: {  	s0 =	stileid.u32;
	[bflag:$0x2] =	sbarrier.arrive $0xFFFF  }
0x248: {  	p0 =	sne.s32 s0, $0x0;
	s0 =	rddreg [dreg:$0x4]  }
0x249: {  	s0 =	sadd.s32 @!p0 $0x100000, s0  }
0x24a: {  	[sflag:s0] =	ssyncadd.tile.s32 @!p0 $0x1;
	_ =	shalt  }
.Lfunc_end2:
_tile_overlayer_lowered:
.L_overlay_start_2:
0x24b: {  	(tag) =	ssettag $0x2  }
0x24c: {  	s0 =	rddreg [dreg:$0x0];
	s2 =	stileid.u32  }
0x24d: {  	s1 =	rddreg [dreg:$0x1];
	p0 =	sne.s32 s2, $0x0  }
0x24e: {  	s3 =	rddreg [dreg:$0x2];
	[bflag:$0x3] =	sbarrier.arrive $0xFFFF;
	s2 =	simm.s32 @!p0 $0x1C05  }
0x24f: {  	[timem:s3], [sflag:s2] =	dma.local @!p0 [hbm:s0], s1  }
0x250: {  	s0 =	simm.s32 @!p0 $0x5  }
0x251: {  	_ =	swait.ge @!p0 [sflag:s0], s1  }
0x252: {  	s1 =	ssub.s32 @!p0 $0x0, s1;
	[sflag:s0] =	ssyncset.done @!p0 $0x0  }
0x253: {  	[sflag:s0] =	ssyncadd.s32 @!p0 s1  }
0x254: {  	[bflag:$0x3] =	sbarrier.arrive $0xFFFF  }
0x255: {  	_ =	shalt  }

</sc_bundles>
